<compile_context>
chip_gen: v7x
topology: tpu7x:2x2x1
jax: 0.10.2.dev20260603
libtpu: 0.0.44.dev20260713+nightly
codegen_flags: <defaults>
</compile_context>

<pallas_src>
import functools

import jax
import jax.numpy as jnp
from jax import lax
from jax.experimental import pallas as pl
from jax.experimental.pallas import tpu as pltpu
from jax.experimental.pallas import tpu_sc as plsc

N_NODES = 10000
N_PAD = 10112
D_IN = 128
DIM = 32
HALF = D_IN // 2
BN_EPS = 1e-5
N_EDGES = 320000

NC = 2
NS = 16
NW = NC * NS
E_PER_W = N_EDGES // NW
CHUNK = 128
NCHUNK = 80
E_PAD_W = NCHUNK * CHUNK
NBUF = 8
GAHEAD = 4
ROWS_PER_TILE = N_PAD // NS

_mesh = plsc.VectorSubcoreMesh(core_axis_name="c", subcore_axis_name="s")


def _make_segsum(d, nch, feature_split):

    @functools.partial(
        pl.kernel,
        mesh=_mesh,
        compiler_params=pltpu.CompilerParams(use_tc_tiling_on_sc=False),
        out_type=jax.ShapeDtypeStruct((NC, N_PAD, d), jnp.float32),
        scratch_types=[
            pltpu.VMEM((NBUF, CHUNK), jnp.int32),
            pltpu.VMEM((NBUF, CHUNK), jnp.int32),
            pltpu.VMEM((NBUF * CHUNK, d), jnp.float32),
            pltpu.VMEM_SHARED((N_PAD, d), jnp.float32),
            pltpu.SemaphoreType.DMA((NBUF,)),
            pltpu.SemaphoreType.DMA((NBUF,)),
            pltpu.SemaphoreType.DMA((NBUF,)),
        ],
    )
    def _segsum(t0, t1, src, dst, out, sidx, didx, rows, acc,
                sem_si, sem_di, sem_r):
        cid = lax.axis_index("c")
        sid = lax.axis_index("s")
        if feature_split:
            crow = sid * nch
        else:
            crow = (sid * NC + cid) * nch

        def _gather_issue(slot, j):
            rv = rows.at[pl.ds(slot * CHUNK, CHUNK)]
            if feature_split:
                @pl.when(cid == 0)
                def _():
                    pltpu.async_copy(t0.at[sidx.at[slot]], rv, sem_r.at[slot])

                @pl.when(cid == 1)
                def _():
                    pltpu.async_copy(t1.at[sidx.at[slot]], rv, sem_r.at[slot])
            else:
                pltpu.async_copy(t0.at[sidx.at[slot]], rv, sem_r.at[slot])

        def _gather_wait(slot):
            pltpu.make_async_copy(t0.at[sidx.at[slot]],
                                  rows.at[pl.ds(slot * CHUNK, CHUNK)],
                                  sem_r.at[slot]).wait()

        zv = jnp.zeros((16,), jnp.float32)

        def _zrow(i, carry):
            for c in range(d // 16):
                rows[i, pl.ds(c * 16, 16)] = zv
            return carry

        lax.fori_loop(0, ROWS_PER_TILE, _zrow, 0)
        base = sid * ROWS_PER_TILE
        pltpu.sync_copy(rows.at[pl.ds(0, ROWS_PER_TILE)],
                        acc.at[pl.ds(base, ROWS_PER_TILE)])
        plsc.subcore_barrier()

        for k in range(NBUF):
            pltpu.async_copy(src.at[crow + k], sidx.at[k], sem_si.at[k])
        for k in range(GAHEAD):
            pltpu.async_copy(dst.at[crow + k], didx.at[k], sem_di.at[k])
        for k in range(GAHEAD):
            pltpu.make_async_copy(src.at[crow + k], sidx.at[k],
                                  sem_si.at[k]).wait()
            _gather_issue(k, k)

        def _group(g, carry):
            for b in range(NBUF):
                j = g * NBUF + b
                jg = j + GAHEAD
                bg = jg % NBUF

                @pl.when(jg < nch)
                def _():
                    pltpu.async_copy(dst.at[crow + jg], didx.at[bg],
                                     sem_di.at[bg])
                    pltpu.make_async_copy(src.at[crow + jg], sidx.at[bg],
                                          sem_si.at[bg]).wait()
                    _gather_issue(bg, jg)

                _gather_wait(b)
                jf = j + NBUF

                @pl.when(jf < nch)
                def _():
                    pltpu.async_copy(src.at[crow + jf], sidx.at[b],
                                     sem_si.at[b])

                pltpu.make_async_copy(dst.at[crow + j], didx.at[b],
                                      sem_di.at[b]).wait()
                pltpu.sync_copy(rows.at[pl.ds(b * CHUNK, CHUNK)],
                                acc.at[didx.at[b]], add=True)

            return carry

        lax.fori_loop(0, nch // NBUF, _group, 0)
        plsc.subcore_barrier()

        pltpu.sync_copy(acc.at[pl.ds(base, ROWS_PER_TILE)],
                        out.at[cid, pl.ds(base, ROWS_PER_TILE)])

    return _segsum


_segsum_l1 = _make_segsum(HALF, NCHUNK * 2, True)
_segsum_l2 = _make_segsum(DIM, NCHUNK, False)


def _presplit_body(x_ref, a_ref, b_ref):
    x = x_ref[...]
    a_ref[...] = x[:, :HALF]
    b_ref[...] = x[:, HALF:]


_presplit = pl.pallas_call(
    _presplit_body,
    out_shape=[jax.ShapeDtypeStruct((N_NODES, HALF), jnp.float32),
               jax.ShapeDtypeStruct((N_NODES, HALF), jnp.float32)],
)


def _bn(h, g, be):
    mu = jnp.mean(h, axis=0, keepdims=True)
    var = jnp.mean((h - mu) ** 2, axis=0, keepdims=True)
    return (h - mu) / jnp.sqrt(var + BN_EPS) * g + be


def _dense1_body(x_ref, p_ref, w1a_ref, b1a_ref, w1b_ref, b1b_ref, g1_ref,
                 be1_ref, o_ref):
    p = p_ref[...]
    agg = jnp.concatenate([p[0, :N_NODES], p[1, :N_NODES]], axis=1)
    h = x_ref[...] + agg
    h = jnp.maximum(
        jnp.dot(h, w1a_ref[...], preferred_element_type=jnp.float32)
        + b1a_ref[...], 0.0)
    h = jnp.dot(h, w1b_ref[...], preferred_element_type=jnp.float32) + b1b_ref[...]
    h = jnp.maximum(h, 0.0)
    o_ref[...] = _bn(h, g1_ref[...], be1_ref[...])


_dense1 = pl.pallas_call(
    _dense1_body,
    out_shape=jax.ShapeDtypeStruct((N_NODES, DIM), jnp.float32),
)


def _dense2_body(h_ref, p_ref, w2a_ref, b2a_ref, w2b_ref, b2b_ref, g2_ref,
                 be2_ref, o_ref):
    p = p_ref[...]
    z = h_ref[...] + p[0, :N_NODES] + p[1, :N_NODES]
    t = jnp.maximum(
        jnp.dot(z, w2a_ref[...], preferred_element_type=jnp.float32)
        + b2a_ref[...], 0.0)
    t = jnp.dot(t, w2b_ref[...], preferred_element_type=jnp.float32) + b2b_ref[...]
    t = jnp.maximum(t, 0.0)
    o_ref[...] = _bn(t, g2_ref[...], be2_ref[...])


_dense2 = pl.pallas_call(
    _dense2_body,
    out_shape=jax.ShapeDtypeStruct((N_NODES, D_IN), jnp.float32),
)


def kernel(x, edge_index, W1a, b1a, W1b, b1b, g1, be1, W2a, b2a, W2b, b2b, g2, be2):
    src = edge_index[0].astype(jnp.int32).reshape(NW, E_PER_W)
    dst = edge_index[1].astype(jnp.int32).reshape(NW, E_PER_W)
    pad_src = jnp.zeros((NW, E_PAD_W - E_PER_W), jnp.int32)
    pad_dst = jnp.full((NW, E_PAD_W - E_PER_W), N_NODES, jnp.int32)
    src = jnp.concatenate([src, pad_src], axis=1).reshape(NW * NCHUNK, CHUNK)
    dst = jnp.concatenate([dst, pad_dst], axis=1).reshape(NW * NCHUNK, CHUNK)

    xa, xb = _presplit(x)
    p1 = _segsum_l1(xa, xb, src, dst)
    h1 = _dense1(x, p1, W1a, b1a.reshape(1, DIM), W1b, b1b.reshape(1, DIM),
                 g1.reshape(1, DIM), be1.reshape(1, DIM))
    p2 = _segsum_l2(h1, h1, src, dst)
    out = _dense2(h1, p2, W2a, b2a.reshape(1, DIM), W2b,
                  b2b.reshape(1, D_IN), g2.reshape(1, D_IN),
                  be2.reshape(1, D_IN))
    return out

# --- scband reference (transcript-rebuilt; emitter-appended) ---
"""Pipeline reference for scband-graph-net-25168508354593 (READ-ONLY COPY).

The authoritative reference and input builder live on the scoring server;
editing this copy changes nothing except your own understanding.
"""

import jax, jax.numpy as jnp
import numpy as np

N_NODES = 10000
N_EDGES = 320000
D_IN = 128
DIM = 32
BN_EPS = 1e-5


def setup_inputs(seed: int = 0) -> dict:
    key = jax.random.key(seed)
    ks = jax.random.split(key, 12)
    x = jax.random.normal(ks[0], (N_NODES, D_IN), dtype=jnp.float32)
    edge_index = jax.random.randint(ks[1], (2, N_EDGES), 0, N_NODES, dtype=jnp.int64)
    # GINConv nn1: Linear(128,32) -> ReLU -> Linear(32,32)
    W1a = jax.random.normal(ks[2], (D_IN, DIM), dtype=jnp.float32) * (1.0 / np.sqrt(D_IN))
    b1a = jnp.zeros((DIM,), dtype=jnp.float32)
    W1b = jax.random.normal(ks[3], (DIM, DIM), dtype=jnp.float32) * (1.0 / np.sqrt(DIM))
    b1b = jnp.zeros((DIM,), dtype=jnp.float32)
    g1 = jnp.ones((DIM,), dtype=jnp.float32)
    be1 = jnp.zeros((DIM,), dtype=jnp.float32)
    # GINConv nn2: Linear(32,32) -> ReLU -> Linear(32,128)
    W2a = jax.random.normal(ks[4], (DIM, DIM), dtype=jnp.float32) * (1.0 / np.sqrt(DIM))
    b2a = jnp.zeros((DIM,), dtype=jnp.float32)
    W2b = jax.random.normal(ks[5], (DIM, D_IN), dtype=jnp.float32) * (1.0 / np.sqrt(DIM))
    b2b = jnp.zeros((D_IN,), dtype=jnp.float32)
    g2 = jnp.ones((D_IN,), dtype=jnp.float32)
    be2 = jnp.zeros((D_IN,), dtype=jnp.float32)
    return {"x": x, "edge_index": edge_index,
            "W1a": W1a, "b1a": b1a, "W1b": W1b, "b1b": b1b, "g1": g1, "be1": be1,
            "W2a": W2a, "b2a": b2a, "W2b": W2b, "b2b": b2b, "g2": g2, "be2": be2}


def _gin_aggregate(x, edge_index):
    # GIN with eps=0: h_i = (1+eps)*x_i + sum_{j in N(i)} x_j
    src = edge_index[0]
    dst = edge_index[1]
    msgs = jnp.take(x, src, axis=0)
    agg = jax.ops.segment_sum(msgs, dst, num_segments=x.shape[0])
    return x + agg


def _batchnorm_train(h, gamma, beta):
    mu = jnp.mean(h, axis=0)
    var = jnp.var(h, axis=0)  # biased, matches torch BN normalization
    return (h - mu) / jnp.sqrt(var + BN_EPS) * gamma + beta


def reference(x, edge_index, W1a, b1a, W1b, b1b, g1, be1, W2a, b2a, W2b, b2b, g2, be2):
    # conv1
    h = _gin_aggregate(x, edge_index)
    h = jnp.maximum(h @ W1a + b1a, 0.0) @ W1b + b1b
    h = jnp.maximum(h, 0.0)
    h = _batchnorm_train(h, g1, be1)
    # conv2
    h = _gin_aggregate(h, edge_index)
    h = jnp.maximum(h @ W2a + b2a, 0.0) @ W2b + b2b
    h = jnp.maximum(h, 0.0)
    h = _batchnorm_train(h, g2, be2)
    return h

if __name__ == "__main__":
    import jax
    _d = setup_inputs()
    print(jax.jit(kernel)(*tuple(_d.values())))

</pallas_src>

<mosaic_0001>
#map = affine_map<(d0, d1) -> (0, 0)>
#map1 = affine_map<(d0, d1) -> (0, 0, 0)>
module attributes {stable_mosaic.version = 14 : i64} {
  func.func @_segsum(%arg0: i32, %arg1: i32, %arg2: memref<10000x32xf32, #tpu.memory_space<hbm>>, %arg3: memref<10000x32xf32, #tpu.memory_space<hbm>>, %arg4: memref<2560x128xi32, #tpu.memory_space<hbm>>, %arg5: memref<2560x128xi32, #tpu.memory_space<hbm>>, %arg6: memref<2x10112x32xf32, #tpu.memory_space<hbm>>, %arg7: memref<8x128xi32, #tpu.memory_space<vmem>>, %arg8: memref<8x128xi32, #tpu.memory_space<vmem>>, %arg9: memref<1024x32xf32, #tpu.memory_space<vmem>>, %arg10: memref<10112x32xf32, #tpu.memory_space<vmem_shared>>, %arg11: memref<8x!tpu.dma_semaphore, #tpu.memory_space<semaphore_mem>>, %arg12: memref<8x!tpu.dma_semaphore, #tpu.memory_space<semaphore_mem>>, %arg13: memref<8x!tpu.dma_semaphore, #tpu.memory_space<semaphore_mem>>) attributes {dimension_semantics = [#tpu.dimension_semantics<core_parallel>, #tpu.dimension_semantics<subcore_parallel>], iteration_bounds = array<i64: 2, 16>, scalar_prefetch = 0 : i64, scratch_operands = 7 : i64, tpu.core_type = #tpu.core_type<sc_vector_subcore>, window_params = [{transform_indices = #map}, {transform_indices = #map}, {transform_indices = #map}, {transform_indices = #map}, {transform_indices = #map1}]} {
    %mul3A = arith.constant 2 : i32
    %mul3A_0 = arith.muli %arg1, %mul3A : i32
    %add3A = arith.addi %mul3A_0, %arg0 : i32
    %mul3A_1 = arith.constant 80 : i32
    %mul3A_2 = arith.muli %add3A, %mul3A_1 : i32
    %broadcast_in_dim3A = arith.constant 0.000000e+00 : f32
    %broadcast_in_dim3A_3 = vector.broadcast %broadcast_in_dim3A : f32 to vector<16xf32>
    %scan3A = arith.constant 0 : i32
    %scan3A_4 = arith.constant 0 : i32
    %scan3A_5 = arith.constant 632 : i32
    %scan3A_6 = arith.addi %scan3A_4, %scan3A_5 : i32
    %scan3A_7 = arith.constant 1 : i32
    scf.for %scan3A_356 = %scan3A_4 to %scan3A_6 step %scan3A_7  : i32 {
      %swap3A = arith.index_cast %scan3A_356 : i32 to index
      %swap3A_357 = arith.constant 0 : index
      %swap3A_358 = tpu.vector_load %arg9[%swap3A, %swap3A_357] {strides = array<i32>} : memref<1024x32xf32, #tpu.memory_space<vmem>>, vector<1x16xf32>,
      %swap3A_359 = vector.shape_cast %swap3A_358 : vector<1x16xf32> to vector<16xf32>
      %swap3A_360 = vector.shape_cast %broadcast_in_dim3A_3 : vector<16xf32> to vector<1x16xf32>
      tpu.vector_store %arg9[%swap3A, %swap3A_357], %swap3A_360 {strides = array<i32>} : memref<1024x32xf32, #tpu.memory_space<vmem>>, vector<1x16xf32>,
      %swap3A_361 = arith.index_cast %scan3A_356 : i32 to index
      %swap3A_362 = arith.constant 16 : index
      %swap3A_363 = tpu.vector_load %arg9[%swap3A_361, %swap3A_362] {strides = array<i32>} : memref<1024x32xf32, #tpu.memory_space<vmem>>, vector<1x16xf32>,
      %swap3A_364 = vector.shape_cast %swap3A_363 : vector<1x16xf32> to vector<16xf32>
      %swap3A_365 = vector.shape_cast %broadcast_in_dim3A_3 : vector<16xf32> to vector<1x16xf32>
      tpu.vector_store %arg9[%swap3A_361, %swap3A_362], %swap3A_365 {strides = array<i32>} : memref<1024x32xf32, #tpu.memory_space<vmem>>, vector<1x16xf32>,
    }
    %scan3A_8 = arith.constant 632 : i32
    %mul3A_9 = arith.constant 632 : i32
    %mul3A_10 = arith.muli %arg1, %mul3A_9 : i32
    "tpu.region"() ({
      %run_scoped3A = tpu.sem_alloc : memref<!tpu.dma_semaphore, #tpu.memory_space<semaphore_mem>>
      %dma_start3A_356 = arith.constant 0 : i32
      %dma_start3A_357 = arith.constant 0 : i32
      %dma_start3A_358 = tpu.memref_slice %arg9[%dma_start3A_356, %dma_start3A_357] : memref<1024x32xf32, #tpu.memory_space<vmem>> -> memref<632x32xf32, #tpu.memory_space<vmem>>
      %dma_start3A_359 = arith.constant 0 : i32
      %dma_start3A_360 = tpu.memref_slice %arg10[%mul3A_10, %dma_start3A_359] : memref<10112x32xf32, #tpu.memory_space<vmem_shared>> -> memref<632x32xf32, #tpu.memory_space<vmem_shared>>
      %dma_start3A_361 = arith.constant 0 : i32
      %dma_start3A_362 = tpu.memref_slice %arg10[%mul3A_10, %dma_start3A_361] : memref<10112x32xf32, #tpu.memory_space<vmem_shared>> -> memref<632x32xf32, #tpu.memory_space<vmem_shared>>
      %dma_start3A_363 = arith.constant 0 : i32
      %dma_start3A_364 = arith.constant 0 : i32
      %dma_start3A_365 = tpu.memref_slice %arg9[%dma_start3A_363, %dma_start3A_364] : memref<1024x32xf32, #tpu.memory_space<vmem>> -> memref<632x32xf32, #tpu.memory_space<vmem>>
      tpu.enqueue_dma source(%dma_start3A_365 : memref<632x32xf32, #tpu.memory_space<vmem>>) target(%dma_start3A_362 : memref<632x32xf32, #tpu.memory_space<vmem_shared>>) target_semaphore(%run_scoped3A : memref<!tpu.dma_semaphore, #tpu.memory_space<semaphore_mem>>)
      %dma_wait3A_366 = arith.constant 0 : i32
      %dma_wait3A_367 = arith.constant 0 : i32
      %dma_wait3A_368 = tpu.memref_slice %arg9[%dma_wait3A_366, %dma_wait3A_367] : memref<1024x32xf32, #tpu.memory_space<vmem>> -> memref<632x32xf32, #tpu.memory_space<vmem>>
      %dma_wait3A_369 = arith.constant 0 : i32
      %dma_wait3A_370 = tpu.memref_slice %arg10[%mul3A_10, %dma_wait3A_369] : memref<10112x32xf32, #tpu.memory_space<vmem_shared>> -> memref<632x32xf32, #tpu.memory_space<vmem_shared>>
      %dma_wait3A_371 = arith.constant 0 : i32
      %dma_wait3A_372 = tpu.memref_slice %arg10[%mul3A_10, %dma_wait3A_371] : memref<10112x32xf32, #tpu.memory_space<vmem_shared>> -> memref<632x32xf32, #tpu.memory_space<vmem_shared>>
      %dma_wait3A_373 = arith.constant 0 : i32
      %dma_wait3A_374 = arith.constant 0 : i32
      %dma_wait3A_375 = tpu.memref_slice %arg9[%dma_wait3A_373, %dma_wait3A_374] : memref<1024x32xf32, #tpu.memory_space<vmem>> -> memref<632x32xf32, #tpu.memory_space<vmem>>
      tpu.wait_dma2 semaphore(%run_scoped3A : memref<!tpu.dma_semaphore, #tpu.memory_space<semaphore_mem>>) src(%dma_wait3A_375 : memref<632x32xf32, #tpu.memory_space<vmem>>) dst(%dma_wait3A_372 : memref<632x32xf32, #tpu.memory_space<vmem_shared>>)
      tpu.yield
    }) : () -> ()
    %barrier3A = arith.constant 0 : index
    tpu.barrier barrier_id(%barrier3A)
    %add3A_11 = arith.constant 0 : i32
    %add3A_12 = arith.addi %mul3A_2, %add3A_11 : i32
    %dma_start3A = arith.constant 0 : i32
    %dma_start3A_13 = arith.constant 0 : i32
    %dma_start3A_14 = arith.constant 0 : i32
    %dma_start3A_15 = tpu.memref_slice %arg7[%dma_start3A, %dma_start3A_14] : memref<8x128xi32, #tpu.memory_space<vmem>> -> memref<1x128xi32, #tpu.memory_space<vmem>>
    %dma_start3A_16 = tpu.memref_squeeze %dma_start3A_15 : memref<1x128xi32, #tpu.memory_space<vmem>> -> memref<128xi32, #tpu.memory_space<vmem>>
    %dma_start3A_17 = arith.constant 0 : i32
    %dma_start3A_18 = tpu.memref_slice %arg4[%add3A_12, %dma_start3A_17] : memref<2560x128xi32, #tpu.memory_space<hbm>> -> memref<1x128xi32, #tpu.memory_space<hbm>>
    %dma_start3A_19 = tpu.memref_squeeze %dma_start3A_18 : memref<1x128xi32, #tpu.memory_space<hbm>> -> memref<128xi32, #tpu.memory_space<hbm>>
    %dma_start3A_20 = tpu.memref_slice %arg11[%dma_start3A_13] : memref<8x!tpu.dma_semaphore, #tpu.memory_space<semaphore_mem>> -> memref<1x!tpu.dma_semaphore, #tpu.memory_space<semaphore_mem>>
    %dma_start3A_21 = tpu.memref_squeeze %dma_start3A_20 : memref<1x!tpu.dma_semaphore, #tpu.memory_space<semaphore_mem>> -> memref<!tpu.dma_semaphore, #tpu.memory_space<semaphore_mem>>
    %dma_start3A_22 = arith.constant 0 : i32
    %dma_start3A_23 = tpu.memref_slice %arg7[%dma_start3A, %dma_start3A_22] : memref<8x128xi32, #tpu.memory_space<vmem>> -> memref<1x128xi32, #tpu.memory_space<vmem>>
    %dma_start3A_24 = tpu.memref_squeeze %dma_start3A_23 : memref<1x128xi32, #tpu.memory_space<vmem>> -> memref<128xi32, #tpu.memory_space<vmem>>
    %dma_start3A_25 = arith.constant 0 : i32
    %dma_start3A_26 = tpu.memref_slice %arg4[%add3A_12, %dma_start3A_25] : memref<2560x128xi32, #tpu.memory_space<hbm>> -> memref<1x128xi32, #tpu.memory_space<hbm>>
    %dma_start3A_27 = tpu.memref_squeeze %dma_start3A_26 : memref<1x128xi32, #tpu.memory_space<hbm>> -> memref<128xi32, #tpu.memory_space<hbm>>
    tpu.enqueue_dma source(%dma_start3A_27 : memref<128xi32, #tpu.memory_space<hbm>>) target(%dma_start3A_24 : memref<128xi32, #tpu.memory_space<vmem>>) target_semaphore(%dma_start3A_21 : memref<!tpu.dma_semaphore, #tpu.memory_space<semaphore_mem>>)
    %add3A_28 = arith.constant 1 : i32
    %add3A_29 = arith.addi %mul3A_2, %add3A_28 : i32
    %dma_start3A_30 = arith.constant 1 : i32
    %dma_start3A_31 = arith.constant 1 : i32
    %dma_start3A_32 = arith.constant 0 : i32
    %dma_start3A_33 = tpu.memref_slice %arg7[%dma_start3A_30, %dma_start3A_32] : memref<8x128xi32, #tpu.memory_space<vmem>> -> memref<1x128xi32, #tpu.memory_space<vmem>>
    %dma_start3A_34 = tpu.memref_squeeze %dma_start3A_33 : memref<1x128xi32, #tpu.memory_space<vmem>> -> memref<128xi32, #tpu.memory_space<vmem>>
    %dma_start3A_35 = arith.constant 0 : i32
    %dma_start3A_36 = tpu.memref_slice %arg4[%add3A_29, %dma_start3A_35] : memref<2560x128xi32, #tpu.memory_space<hbm>> -> memref<1x128xi32, #tpu.memory_space<hbm>>
    %dma_start3A_37 = tpu.memref_squeeze %dma_start3A_36 : memref<1x128xi32, #tpu.memory_space<hbm>> -> memref<128xi32, #tpu.memory_space<hbm>>
    %dma_start3A_38 = tpu.memref_slice %arg11[%dma_start3A_31] : memref<8x!tpu.dma_semaphore, #tpu.memory_space<semaphore_mem>> -> memref<1x!tpu.dma_semaphore, #tpu.memory_space<semaphore_mem>>
    %dma_start3A_39 = tpu.memref_squeeze %dma_start3A_38 : memref<1x!tpu.dma_semaphore, #tpu.memory_space<semaphore_mem>> -> memref<!tpu.dma_semaphore, #tpu.memory_space<semaphore_mem>>
    %dma_start3A_40 = arith.constant 0 : i32
    %dma_start3A_41 = tpu.memref_slice %arg7[%dma_start3A_30, %dma_start3A_40] : memref<8x128xi32, #tpu.memory_space<vmem>> -> memref<1x128xi32, #tpu.memory_space<vmem>>
    %dma_start3A_42 = tpu.memref_squeeze %dma_start3A_41 : memref<1x128xi32, #tpu.memory_space<vmem>> -> memref<128xi32, #tpu.memory_space<vmem>>
    %dma_start3A_43 = arith.constant 0 : i32
    %dma_start3A_44 = tpu.memref_slice %arg4[%add3A_29, %dma_start3A_43] : memref<2560x128xi32, #tpu.memory_space<hbm>> -> memref<1x128xi32, #tpu.memory_space<hbm>>
    %dma_start3A_45 = tpu.memref_squeeze %dma_start3A_44 : memref<1x128xi32, #tpu.memory_space<hbm>> -> memref<128xi32, #tpu.memory_space<hbm>>
    tpu.enqueue_dma source(%dma_start3A_45 : memref<128xi32, #tpu.memory_space<hbm>>) target(%dma_start3A_42 : memref<128xi32, #tpu.memory_space<vmem>>) target_semaphore(%dma_start3A_39 : memref<!tpu.dma_semaphore, #tpu.memory_space<semaphore_mem>>)
    %add3A_46 = arith.constant 2 : i32
    %add3A_47 = arith.addi %mul3A_2, %add3A_46 : i32
    %dma_start3A_48 = arith.constant 2 : i32
    %dma_start3A_49 = arith.constant 2 : i32
    %dma_start3A_50 = arith.constant 0 : i32
    %dma_start3A_51 = tpu.memref_slice %arg7[%dma_start3A_48, %dma_start3A_50] : memref<8x128xi32, #tpu.memory_space<vmem>> -> memref<1x128xi32, #tpu.memory_space<vmem>>
    %dma_start3A_52 = tpu.memref_squeeze %dma_start3A_51 : memref<1x128xi32, #tpu.memory_space<vmem>> -> memref<128xi32, #tpu.memory_space<vmem>>
    %dma_start3A_53 = arith.constant 0 : i32
    %dma_start3A_54 = tpu.memref_slice %arg4[%add3A_47, %dma_start3A_53] : memref<2560x128xi32, #tpu.memory_space<hbm>> -> memref<1x128xi32, #tpu.memory_space<hbm>>
    %dma_start3A_55 = tpu.memref_squeeze %dma_start3A_54 : memref<1x128xi32, #tpu.memory_space<hbm>> -> memref<128xi32, #tpu.memory_space<hbm>>
    %dma_start3A_56 = tpu.memref_slice %arg11[%dma_start3A_49] : memref<8x!tpu.dma_semaphore, #tpu.memory_space<semaphore_mem>> -> memref<1x!tpu.dma_semaphore, #tpu.memory_space<semaphore_mem>>
    %dma_start3A_57 = tpu.memref_squeeze %dma_start3A_56 : memref<1x!tpu.dma_semaphore, #tpu.memory_space<semaphore_mem>> -> memref<!tpu.dma_semaphore, #tpu.memory_space<semaphore_mem>>
    %dma_start3A_58 = arith.constant 0 : i32
    %dma_start3A_59 = tpu.memref_slice %arg7[%dma_start3A_48, %dma_start3A_58] : memref<8x128xi32, #tpu.memory_space<vmem>> -> memref<1x128xi32, #tpu.memory_space<vmem>>
    %dma_start3A_60 = tpu.memref_squeeze %dma_start3A_59 : memref<1x128xi32, #tpu.memory_space<vmem>> -> memref<128xi32, #tpu.memory_space<vmem>>
    %dma_start3A_61 = arith.constant 0 : i32
    %dma_start3A_62 = tpu.memref_slice %arg4[%add3A_47, %dma_start3A_61] : memref<2560x128xi32, #tpu.memory_space<hbm>> -> memref<1x128xi32, #tpu.memory_space<hbm>>
    %dma_start3A_63 = tpu.memref_squeeze %dma_start3A_62 : memref<1x128xi32, #tpu.memory_space<hbm>> -> memref<128xi32, #tpu.memory_space<hbm>>
    tpu.enqueue_dma source(%dma_start3A_63 : memref<128xi32, #tpu.memory_space<hbm>>) target(%dma_start3A_60 : memref<128xi32, #tpu.memory_space<vmem>>) target_semaphore(%dma_start3A_57 : memref<!tpu.dma_semaphore, #tpu.memory_space<semaphore_mem>>)
    %add3A_64 = arith.constant 3 : i32
    %add3A_65 = arith.addi %mul3A_2, %add3A_64 : i32
    %dma_start3A_66 = arith.constant 3 : i32
    %dma_start3A_67 = arith.constant 3 : i32
    %dma_start3A_68 = arith.constant 0 : i32
    %dma_start3A_69 = tpu.memref_slice %arg7[%dma_start3A_66, %dma_start3A_68] : memref<8x128xi32, #tpu.memory_space<vmem>> -> memref<1x128xi32, #tpu.memory_space<vmem>>
    %dma_start3A_70 = tpu.memref_squeeze %dma_start3A_69 : memref<1x128xi32, #tpu.memory_space<vmem>> -> memref<128xi32, #tpu.memory_space<vmem>>
    %dma_start3A_71 = arith.constant 0 : i32
    %dma_start3A_72 = tpu.memref_slice %arg4[%add3A_65, %dma_start3A_71] : memref<2560x128xi32, #tpu.memory_space<hbm>> -> memref<1x128xi32, #tpu.memory_space<hbm>>
    %dma_start3A_73 = tpu.memref_squeeze %dma_start3A_72 : memref<1x128xi32, #tpu.memory_space<hbm>> -> memref<128xi32, #tpu.memory_space<hbm>>
    %dma_start3A_74 = tpu.memref_slice %arg11[%dma_start3A_67] : memref<8x!tpu.dma_semaphore, #tpu.memory_space<semaphore_mem>> -> memref<1x!tpu.dma_semaphore, #tpu.memory_space<semaphore_mem>>
    %dma_start3A_75 = tpu.memref_squeeze %dma_start3A_74 : memref<1x!tpu.dma_semaphore, #tpu.memory_space<semaphore_mem>> -> memref<!tpu.dma_semaphore, #tpu.memory_space<semaphore_mem>>
    %dma_start3A_76 = arith.constant 0 : i32
    %dma_start3A_77 = tpu.memref_slice %arg7[%dma_start3A_66, %dma_start3A_76] : memref<8x128xi32, #tpu.memory_space<vmem>> -> memref<1x128xi32, #tpu.memory_space<vmem>>
    %dma_start3A_78 = tpu.memref_squeeze %dma_start3A_77 : memref<1x128xi32, #tpu.memory_space<vmem>> -> memref<128xi32, #tpu.memory_space<vmem>>
    %dma_start3A_79 = arith.constant 0 : i32
    %dma_start3A_80 = tpu.memref_slice %arg4[%add3A_65, %dma_start3A_79] : memref<2560x128xi32, #tpu.memory_space<hbm>> -> memref<1x128xi32, #tpu.memory_space<hbm>>
    %dma_start3A_81 = tpu.memref_squeeze %dma_start3A_80 : memref<1x128xi32, #tpu.memory_space<hbm>> -> memref<128xi32, #tpu.memory_space<hbm>>
    tpu.enqueue_dma source(%dma_start3A_81 : memref<128xi32, #tpu.memory_space<hbm>>) target(%dma_start3A_78 : memref<128xi32, #tpu.memory_space<vmem>>) target_semaphore(%dma_start3A_75 : memref<!tpu.dma_semaphore, #tpu.memory_space<semaphore_mem>>)
    %add3A_82 = arith.constant 4 : i32
    %add3A_83 = arith.addi %mul3A_2, %add3A_82 : i32
    %dma_start3A_84 = arith.constant 4 : i32
    %dma_start3A_85 = arith.constant 4 : i32
    %dma_start3A_86 = arith.constant 0 : i32
    %dma_start3A_87 = tpu.memref_slice %arg7[%dma_start3A_84, %dma_start3A_86] : memref<8x128xi32, #tpu.memory_space<vmem>> -> memref<1x128xi32, #tpu.memory_space<vmem>>
    %dma_start3A_88 = tpu.memref_squeeze %dma_start3A_87 : memref<1x128xi32, #tpu.memory_space<vmem>> -> memref<128xi32, #tpu.memory_space<vmem>>
    %dma_start3A_89 = arith.constant 0 : i32
    %dma_start3A_90 = tpu.memref_slice %arg4[%add3A_83, %dma_start3A_89] : memref<2560x128xi32, #tpu.memory_space<hbm>> -> memref<1x128xi32, #tpu.memory_space<hbm>>
    %dma_start3A_91 = tpu.memref_squeeze %dma_start3A_90 : memref<1x128xi32, #tpu.memory_space<hbm>> -> memref<128xi32, #tpu.memory_space<hbm>>
    %dma_start3A_92 = tpu.memref_slice %arg11[%dma_start3A_85] : memref<8x!tpu.dma_semaphore, #tpu.memory_space<semaphore_mem>> -> memref<1x!tpu.dma_semaphore, #tpu.memory_space<semaphore_mem>>
    %dma_start3A_93 = tpu.memref_squeeze %dma_start3A_92 : memref<1x!tpu.dma_semaphore, #tpu.memory_space<semaphore_mem>> -> memref<!tpu.dma_semaphore, #tpu.memory_space<semaphore_mem>>
    %dma_start3A_94 = arith.constant 0 : i32
    %dma_start3A_95 = tpu.memref_slice %arg7[%dma_start3A_84, %dma_start3A_94] : memref<8x128xi32, #tpu.memory_space<vmem>> -> memref<1x128xi32, #tpu.memory_space<vmem>>
    %dma_start3A_96 = tpu.memref_squeeze %dma_start3A_95 : memref<1x128xi32, #tpu.memory_space<vmem>> -> memref<128xi32, #tpu.memory_space<vmem>>
    %dma_start3A_97 = arith.constant 0 : i32
    %dma_start3A_98 = tpu.memref_slice %arg4[%add3A_83, %dma_start3A_97] : memref<2560x128xi32, #tpu.memory_space<hbm>> -> memref<1x128xi32, #tpu.memory_space<hbm>>
    %dma_start3A_99 = tpu.memref_squeeze %dma_start3A_98 : memref<1x128xi32, #tpu.memory_space<hbm>> -> memref<128xi32, #tpu.memory_space<hbm>>
    tpu.enqueue_dma source(%dma_start3A_99 : memref<128xi32, #tpu.memory_space<hbm>>) target(%dma_start3A_96 : memref<128xi32, #tpu.memory_space<vmem>>) target_semaphore(%dma_start3A_93 : memref<!tpu.dma_semaphore, #tpu.memory_space<semaphore_mem>>)
    %add3A_100 = arith.constant 5 : i32
    %add3A_101 = arith.addi %mul3A_2, %add3A_100 : i32
    %dma_start3A_102 = arith.constant 5 : i32
    %dma_start3A_103 = arith.constant 5 : i32
    %dma_start3A_104 = arith.constant 0 : i32
    %dma_start3A_105 = tpu.memref_slice %arg7[%dma_start3A_102, %dma_start3A_104] : memref<8x128xi32, #tpu.memory_space<vmem>> -> memref<1x128xi32, #tpu.memory_space<vmem>>
    %dma_start3A_106 = tpu.memref_squeeze %dma_start3A_105 : memref<1x128xi32, #tpu.memory_space<vmem>> -> memref<128xi32, #tpu.memory_space<vmem>>
    %dma_start3A_107 = arith.constant 0 : i32
    %dma_start3A_108 = tpu.memref_slice %arg4[%add3A_101, %dma_start3A_107] : memref<2560x128xi32, #tpu.memory_space<hbm>> -> memref<1x128xi32, #tpu.memory_space<hbm>>
    %dma_start3A_109 = tpu.memref_squeeze %dma_start3A_108 : memref<1x128xi32, #tpu.memory_space<hbm>> -> memref<128xi32, #tpu.memory_space<hbm>>
    %dma_start3A_110 = tpu.memref_slice %arg11[%dma_start3A_103] : memref<8x!tpu.dma_semaphore, #tpu.memory_space<semaphore_mem>> -> memref<1x!tpu.dma_semaphore, #tpu.memory_space<semaphore_mem>>
    %dma_start3A_111 = tpu.memref_squeeze %dma_start3A_110 : memref<1x!tpu.dma_semaphore, #tpu.memory_space<semaphore_mem>> -> memref<!tpu.dma_semaphore, #tpu.memory_space<semaphore_mem>>
    %dma_start3A_112 = arith.constant 0 : i32
    %dma_start3A_113 = tpu.memref_slice %arg7[%dma_start3A_102, %dma_start3A_112] : memref<8x128xi32, #tpu.memory_space<vmem>> -> memref<1x128xi32, #tpu.memory_space<vmem>>
    %dma_start3A_114 = tpu.memref_squeeze %dma_start3A_113 : memref<1x128xi32, #tpu.memory_space<vmem>> -> memref<128xi32, #tpu.memory_space<vmem>>
    %dma_start3A_115 = arith.constant 0 : i32
    %dma_start3A_116 = tpu.memref_slice %arg4[%add3A_101, %dma_start3A_115] : memref<2560x128xi32, #tpu.memory_space<hbm>> -> memref<1x128xi32, #tpu.memory_space<hbm>>
    %dma_start3A_117 = tpu.memref_squeeze %dma_start3A_116 : memref<1x128xi32, #tpu.memory_space<hbm>> -> memref<128xi32, #tpu.memory_space<hbm>>
    tpu.enqueue_dma source(%dma_start3A_117 : memref<128xi32, #tpu.memory_space<hbm>>) target(%dma_start3A_114 : memref<128xi32, #tpu.memory_space<vmem>>) target_semaphore(%dma_start3A_111 : memref<!tpu.dma_semaphore, #tpu.memory_space<semaphore_mem>>)
    %add3A_118 = arith.constant 6 : i32
    %add3A_119 = arith.addi %mul3A_2, %add3A_118 : i32
    %dma_start3A_120 = arith.constant 6 : i32
    %dma_start3A_121 = arith.constant 6 : i32
    %dma_start3A_122 = arith.constant 0 : i32
    %dma_start3A_123 = tpu.memref_slice %arg7[%dma_start3A_120, %dma_start3A_122] : memref<8x128xi32, #tpu.memory_space<vmem>> -> memref<1x128xi32, #tpu.memory_space<vmem>>
    %dma_start3A_124 = tpu.memref_squeeze %dma_start3A_123 : memref<1x128xi32, #tpu.memory_space<vmem>> -> memref<128xi32, #tpu.memory_space<vmem>>
    %dma_start3A_125 = arith.constant 0 : i32
    %dma_start3A_126 = tpu.memref_slice %arg4[%add3A_119, %dma_start3A_125] : memref<2560x128xi32, #tpu.memory_space<hbm>> -> memref<1x128xi32, #tpu.memory_space<hbm>>
    %dma_start3A_127 = tpu.memref_squeeze %dma_start3A_126 : memref<1x128xi32, #tpu.memory_space<hbm>> -> memref<128xi32, #tpu.memory_space<hbm>>
    %dma_start3A_128 = tpu.memref_slice %arg11[%dma_start3A_121] : memref<8x!tpu.dma_semaphore, #tpu.memory_space<semaphore_mem>> -> memref<1x!tpu.dma_semaphore, #tpu.memory_space<semaphore_mem>>
    %dma_start3A_129 = tpu.memref_squeeze %dma_start3A_128 : memref<1x!tpu.dma_semaphore, #tpu.memory_space<semaphore_mem>> -> memref<!tpu.dma_semaphore, #tpu.memory_space<semaphore_mem>>
    %dma_start3A_130 = arith.constant 0 : i32
    %dma_start3A_131 = tpu.memref_slice %arg7[%dma_start3A_120, %dma_start3A_130] : memref<8x128xi32, #tpu.memory_space<vmem>> -> memref<1x128xi32, #tpu.memory_space<vmem>>
    %dma_start3A_132 = tpu.memref_squeeze %dma_start3A_131 : memref<1x128xi32, #tpu.memory_space<vmem>> -> memref<128xi32, #tpu.memory_space<vmem>>
    %dma_start3A_133 = arith.constant 0 : i32
    %dma_start3A_134 = tpu.memref_slice %arg4[%add3A_119, %dma_start3A_133] : memref<2560x128xi32, #tpu.memory_space<hbm>> -> memref<1x128xi32, #tpu.memory_space<hbm>>
    %dma_start3A_135 = tpu.memref_squeeze %dma_start3A_134 : memref<1x128xi32, #tpu.memory_space<hbm>> -> memref<128xi32, #tpu.memory_space<hbm>>
    tpu.enqueue_dma source(%dma_start3A_135 : memref<128xi32, #tpu.memory_space<hbm>>) target(%dma_start3A_132 : memref<128xi32, #tpu.memory_space<vmem>>) target_semaphore(%dma_start3A_129 : memref<!tpu.dma_semaphore, #tpu.memory_space<semaphore_mem>>)
    %add3A_136 = arith.constant 7 : i32
    %add3A_137 = arith.addi %mul3A_2, %add3A_136 : i32
    %dma_start3A_138 = arith.constant 7 : i32
    %dma_start3A_139 = arith.constant 7 : i32
    %dma_start3A_140 = arith.constant 0 : i32
    %dma_start3A_141 = tpu.memref_slice %arg7[%dma_start3A_138, %dma_start3A_140] : memref<8x128xi32, #tpu.memory_space<vmem>> -> memref<1x128xi32, #tpu.memory_space<vmem>>
    %dma_start3A_142 = tpu.memref_squeeze %dma_start3A_141 : memref<1x128xi32, #tpu.memory_space<vmem>> -> memref<128xi32, #tpu.memory_space<vmem>>
    %dma_start3A_143 = arith.constant 0 : i32
    %dma_start3A_144 = tpu.memref_slice %arg4[%add3A_137, %dma_start3A_143] : memref<2560x128xi32, #tpu.memory_space<hbm>> -> memref<1x128xi32, #tpu.memory_space<hbm>>
    %dma_start3A_145 = tpu.memref_squeeze %dma_start3A_144 : memref<1x128xi32, #tpu.memory_space<hbm>> -> memref<128xi32, #tpu.memory_space<hbm>>
    %dma_start3A_146 = tpu.memref_slice %arg11[%dma_start3A_139] : memref<8x!tpu.dma_semaphore, #tpu.memory_space<semaphore_mem>> -> memref<1x!tpu.dma_semaphore, #tpu.memory_space<semaphore_mem>>
    %dma_start3A_147 = tpu.memref_squeeze %dma_start3A_146 : memref<1x!tpu.dma_semaphore, #tpu.memory_space<semaphore_mem>> -> memref<!tpu.dma_semaphore, #tpu.memory_space<semaphore_mem>>
    %dma_start3A_148 = arith.constant 0 : i32
    %dma_start3A_149 = tpu.memref_slice %arg7[%dma_start3A_138, %dma_start3A_148] : memref<8x128xi32, #tpu.memory_space<vmem>> -> memref<1x128xi32, #tpu.memory_space<vmem>>
    %dma_start3A_150 = tpu.memref_squeeze %dma_start3A_149 : memref<1x128xi32, #tpu.memory_space<vmem>> -> memref<128xi32, #tpu.memory_space<vmem>>
    %dma_start3A_151 = arith.constant 0 : i32
    %dma_start3A_152 = tpu.memref_slice %arg4[%add3A_137, %dma_start3A_151] : memref<2560x128xi32, #tpu.memory_space<hbm>> -> memref<1x128xi32, #tpu.memory_space<hbm>>
    %dma_start3A_153 = tpu.memref_squeeze %dma_start3A_152 : memref<1x128xi32, #tpu.memory_space<hbm>> -> memref<128xi32, #tpu.memory_space<hbm>>
    tpu.enqueue_dma source(%dma_start3A_153 : memref<128xi32, #tpu.memory_space<hbm>>) target(%dma_start3A_150 : memref<128xi32, #tpu.memory_space<vmem>>) target_semaphore(%dma_start3A_147 : memref<!tpu.dma_semaphore, #tpu.memory_space<semaphore_mem>>)
    %add3A_154 = arith.constant 0 : i32
    %add3A_155 = arith.addi %mul3A_2, %add3A_154 : i32
    %dma_start3A_156 = arith.constant 0 : i32
    %dma_start3A_157 = arith.constant 0 : i32
    %dma_start3A_158 = arith.constant 0 : i32
    %dma_start3A_159 = tpu.memref_slice %arg8[%dma_start3A_156, %dma_start3A_158] : memref<8x128xi32, #tpu.memory_space<vmem>> -> memref<1x128xi32, #tpu.memory_space<vmem>>
    %dma_start3A_160 = tpu.memref_squeeze %dma_start3A_159 : memref<1x128xi32, #tpu.memory_space<vmem>> -> memref<128xi32, #tpu.memory_space<vmem>>
    %dma_start3A_161 = arith.constant 0 : i32
    %dma_start3A_162 = tpu.memref_slice %arg5[%add3A_155, %dma_start3A_161] : memref<2560x128xi32, #tpu.memory_space<hbm>> -> memref<1x128xi32, #tpu.memory_space<hbm>>
    %dma_start3A_163 = tpu.memref_squeeze %dma_start3A_162 : memref<1x128xi32, #tpu.memory_space<hbm>> -> memref<128xi32, #tpu.memory_space<hbm>>
    %dma_start3A_164 = tpu.memref_slice %arg12[%dma_start3A_157] : memref<8x!tpu.dma_semaphore, #tpu.memory_space<semaphore_mem>> -> memref<1x!tpu.dma_semaphore, #tpu.memory_space<semaphore_mem>>
    %dma_start3A_165 = tpu.memref_squeeze %dma_start3A_164 : memref<1x!tpu.dma_semaphore, #tpu.memory_space<semaphore_mem>> -> memref<!tpu.dma_semaphore, #tpu.memory_space<semaphore_mem>>
    %dma_start3A_166 = arith.constant 0 : i32
    %dma_start3A_167 = tpu.memref_slice %arg8[%dma_start3A_156, %dma_start3A_166] : memref<8x128xi32, #tpu.memory_space<vmem>> -> memref<1x128xi32, #tpu.memory_space<vmem>>
    %dma_start3A_168 = tpu.memref_squeeze %dma_start3A_167 : memref<1x128xi32, #tpu.memory_space<vmem>> -> memref<128xi32, #tpu.memory_space<vmem>>
    %dma_start3A_169 = arith.constant 0 : i32
    %dma_start3A_170 = tpu.memref_slice %arg5[%add3A_155, %dma_start3A_169] : memref<2560x128xi32, #tpu.memory_space<hbm>> -> memref<1x128xi32, #tpu.memory_space<hbm>>
    %dma_start3A_171 = tpu.memref_squeeze %dma_start3A_170 : memref<1x128xi32, #tpu.memory_space<hbm>> -> memref<128xi32, #tpu.memory_space<hbm>>
    tpu.enqueue_dma source(%dma_start3A_171 : memref<128xi32, #tpu.memory_space<hbm>>) target(%dma_start3A_168 : memref<128xi32, #tpu.memory_space<vmem>>) target_semaphore(%dma_start3A_165 : memref<!tpu.dma_semaphore, #tpu.memory_space<semaphore_mem>>)
    %add3A_172 = arith.constant 1 : i32
    %add3A_173 = arith.addi %mul3A_2, %add3A_172 : i32
    %dma_start3A_174 = arith.constant 1 : i32
    %dma_start3A_175 = arith.constant 1 : i32
    %dma_start3A_176 = arith.constant 0 : i32
    %dma_start3A_177 = tpu.memref_slice %arg8[%dma_start3A_174, %dma_start3A_176] : memref<8x128xi32, #tpu.memory_space<vmem>> -> memref<1x128xi32, #tpu.memory_space<vmem>>
    %dma_start3A_178 = tpu.memref_squeeze %dma_start3A_177 : memref<1x128xi32, #tpu.memory_space<vmem>> -> memref<128xi32, #tpu.memory_space<vmem>>
    %dma_start3A_179 = arith.constant 0 : i32
    %dma_start3A_180 = tpu.memref_slice %arg5[%add3A_173, %dma_start3A_179] : memref<2560x128xi32, #tpu.memory_space<hbm>> -> memref<1x128xi32, #tpu.memory_space<hbm>>
    %dma_start3A_181 = tpu.memref_squeeze %dma_start3A_180 : memref<1x128xi32, #tpu.memory_space<hbm>> -> memref<128xi32, #tpu.memory_space<hbm>>
    %dma_start3A_182 = tpu.memref_slice %arg12[%dma_start3A_175] : memref<8x!tpu.dma_semaphore, #tpu.memory_space<semaphore_mem>> -> memref<1x!tpu.dma_semaphore, #tpu.memory_space<semaphore_mem>>
    %dma_start3A_183 = tpu.memref_squeeze %dma_start3A_182 : memref<1x!tpu.dma_semaphore, #tpu.memory_space<semaphore_mem>> -> memref<!tpu.dma_semaphore, #tpu.memory_space<semaphore_mem>>
    %dma_start3A_184 = arith.constant 0 : i32
    %dma_start3A_185 = tpu.memref_slice %arg8[%dma_start3A_174, %dma_start3A_184] : memref<8x128xi32, #tpu.memory_space<vmem>> -> memref<1x128xi32, #tpu.memory_space<vmem>>
    %dma_start3A_186 = tpu.memref_squeeze %dma_start3A_185 : memref<1x128xi32, #tpu.memory_space<vmem>> -> memref<128xi32, #tpu.memory_space<vmem>>
    %dma_start3A_187 = arith.constant 0 : i32
    %dma_start3A_188 = tpu.memref_slice %arg5[%add3A_173, %dma_start3A_187] : memref<2560x128xi32, #tpu.memory_space<hbm>> -> memref<1x128xi32, #tpu.memory_space<hbm>>
    %dma_start3A_189 = tpu.memref_squeeze %dma_start3A_188 : memref<1x128xi32, #tpu.memory_space<hbm>> -> memref<128xi32, #tpu.memory_space<hbm>>
    tpu.enqueue_dma source(%dma_start3A_189 : memref<128xi32, #tpu.memory_space<hbm>>) target(%dma_start3A_186 : memref<128xi32, #tpu.memory_space<vmem>>) target_semaphore(%dma_start3A_183 : memref<!tpu.dma_semaphore, #tpu.memory_space<semaphore_mem>>)
    %add3A_190 = arith.constant 2 : i32
    %add3A_191 = arith.addi %mul3A_2, %add3A_190 : i32
    %dma_start3A_192 = arith.constant 2 : i32
    %dma_start3A_193 = arith.constant 2 : i32
    %dma_start3A_194 = arith.constant 0 : i32
    %dma_start3A_195 = tpu.memref_slice %arg8[%dma_start3A_192, %dma_start3A_194] : memref<8x128xi32, #tpu.memory_space<vmem>> -> memref<1x128xi32, #tpu.memory_space<vmem>>
    %dma_start3A_196 = tpu.memref_squeeze %dma_start3A_195 : memref<1x128xi32, #tpu.memory_space<vmem>> -> memref<128xi32, #tpu.memory_space<vmem>>
    %dma_start3A_197 = arith.constant 0 : i32
    %dma_start3A_198 = tpu.memref_slice %arg5[%add3A_191, %dma_start3A_197] : memref<2560x128xi32, #tpu.memory_space<hbm>> -> memref<1x128xi32, #tpu.memory_space<hbm>>
    %dma_start3A_199 = tpu.memref_squeeze %dma_start3A_198 : memref<1x128xi32, #tpu.memory_space<hbm>> -> memref<128xi32, #tpu.memory_space<hbm>>
    %dma_start3A_200 = tpu.memref_slice %arg12[%dma_start3A_193] : memref<8x!tpu.dma_semaphore, #tpu.memory_space<semaphore_mem>> -> memref<1x!tpu.dma_semaphore, #tpu.memory_space<semaphore_mem>>
    %dma_start3A_201 = tpu.memref_squeeze %dma_start3A_200 : memref<1x!tpu.dma_semaphore, #tpu.memory_space<semaphore_mem>> -> memref<!tpu.dma_semaphore, #tpu.memory_space<semaphore_mem>>
    %dma_start3A_202 = arith.constant 0 : i32
    %dma_start3A_203 = tpu.memref_slice %arg8[%dma_start3A_192, %dma_start3A_202] : memref<8x128xi32, #tpu.memory_space<vmem>> -> memref<1x128xi32, #tpu.memory_space<vmem>>
    %dma_start3A_204 = tpu.memref_squeeze %dma_start3A_203 : memref<1x128xi32, #tpu.memory_space<vmem>> -> memref<128xi32, #tpu.memory_space<vmem>>
    %dma_start3A_205 = arith.constant 0 : i32
    %dma_start3A_206 = tpu.memref_slice %arg5[%add3A_191, %dma_start3A_205] : memref<2560x128xi32, #tpu.memory_space<hbm>> -> memref<1x128xi32, #tpu.memory_space<hbm>>
    %dma_start3A_207 = tpu.memref_squeeze %dma_start3A_206 : memref<1x128xi32, #tpu.memory_space<hbm>> -> memref<128xi32, #tpu.memory_space<hbm>>
    tpu.enqueue_dma source(%dma_start3A_207 : memref<128xi32, #tpu.memory_space<hbm>>) target(%dma_start3A_204 : memref<128xi32, #tpu.memory_space<vmem>>) target_semaphore(%dma_start3A_201 : memref<!tpu.dma_semaphore, #tpu.memory_space<semaphore_mem>>)
    %add3A_208 = arith.constant 3 : i32
    %add3A_209 = arith.addi %mul3A_2, %add3A_208 : i32
    %dma_start3A_210 = arith.constant 3 : i32
    %dma_start3A_211 = arith.constant 3 : i32
    %dma_start3A_212 = arith.constant 0 : i32
    %dma_start3A_213 = tpu.memref_slice %arg8[%dma_start3A_210, %dma_start3A_212] : memref<8x128xi32, #tpu.memory_space<vmem>> -> memref<1x128xi32, #tpu.memory_space<vmem>>
    %dma_start3A_214 = tpu.memref_squeeze %dma_start3A_213 : memref<1x128xi32, #tpu.memory_space<vmem>> -> memref<128xi32, #tpu.memory_space<vmem>>
    %dma_start3A_215 = arith.constant 0 : i32
    %dma_start3A_216 = tpu.memref_slice %arg5[%add3A_209, %dma_start3A_215] : memref<2560x128xi32, #tpu.memory_space<hbm>> -> memref<1x128xi32, #tpu.memory_space<hbm>>
    %dma_start3A_217 = tpu.memref_squeeze %dma_start3A_216 : memref<1x128xi32, #tpu.memory_space<hbm>> -> memref<128xi32, #tpu.memory_space<hbm>>
    %dma_start3A_218 = tpu.memref_slice %arg12[%dma_start3A_211] : memref<8x!tpu.dma_semaphore, #tpu.memory_space<semaphore_mem>> -> memref<1x!tpu.dma_semaphore, #tpu.memory_space<semaphore_mem>>
    %dma_start3A_219 = tpu.memref_squeeze %dma_start3A_218 : memref<1x!tpu.dma_semaphore, #tpu.memory_space<semaphore_mem>> -> memref<!tpu.dma_semaphore, #tpu.memory_space<semaphore_mem>>
    %dma_start3A_220 = arith.constant 0 : i32
    %dma_start3A_221 = tpu.memref_slice %arg8[%dma_start3A_210, %dma_start3A_220] : memref<8x128xi32, #tpu.memory_space<vmem>> -> memref<1x128xi32, #tpu.memory_space<vmem>>
    %dma_start3A_222 = tpu.memref_squeeze %dma_start3A_221 : memref<1x128xi32, #tpu.memory_space<vmem>> -> memref<128xi32, #tpu.memory_space<vmem>>
    %dma_start3A_223 = arith.constant 0 : i32
    %dma_start3A_224 = tpu.memref_slice %arg5[%add3A_209, %dma_start3A_223] : memref<2560x128xi32, #tpu.memory_space<hbm>> -> memref<1x128xi32, #tpu.memory_space<hbm>>
    %dma_start3A_225 = tpu.memref_squeeze %dma_start3A_224 : memref<1x128xi32, #tpu.memory_space<hbm>> -> memref<128xi32, #tpu.memory_space<hbm>>
    tpu.enqueue_dma source(%dma_start3A_225 : memref<128xi32, #tpu.memory_space<hbm>>) target(%dma_start3A_222 : memref<128xi32, #tpu.memory_space<vmem>>) target_semaphore(%dma_start3A_219 : memref<!tpu.dma_semaphore, #tpu.memory_space<semaphore_mem>>)
    %add3A_226 = arith.constant 0 : i32
    %add3A_227 = arith.addi %mul3A_2, %add3A_226 : i32
    %dma_wait3A = arith.constant 0 : i32
    %dma_wait3A_228 = arith.constant 0 : i32
    %dma_wait3A_229 = arith.constant 0 : i32
    %dma_wait3A_230 = tpu.memref_slice %arg7[%dma_wait3A, %dma_wait3A_229] : memref<8x128xi32, #tpu.memory_space<vmem>> -> memref<1x128xi32, #tpu.memory_space<vmem>>
    %dma_wait3A_231 = tpu.memref_squeeze %dma_wait3A_230 : memref<1x128xi32, #tpu.memory_space<vmem>> -> memref<128xi32, #tpu.memory_space<vmem>>
    %dma_wait3A_232 = arith.constant 0 : i32
    %dma_wait3A_233 = tpu.memref_slice %arg4[%add3A_227, %dma_wait3A_232] : memref<2560x128xi32, #tpu.memory_space<hbm>> -> memref<1x128xi32, #tpu.memory_space<hbm>>
    %dma_wait3A_234 = tpu.memref_squeeze %dma_wait3A_233 : memref<1x128xi32, #tpu.memory_space<hbm>> -> memref<128xi32, #tpu.memory_space<hbm>>
    %dma_wait3A_235 = tpu.memref_slice %arg11[%dma_wait3A_228] : memref<8x!tpu.dma_semaphore, #tpu.memory_space<semaphore_mem>> -> memref<1x!tpu.dma_semaphore, #tpu.memory_space<semaphore_mem>>
    %dma_wait3A_236 = tpu.memref_squeeze %dma_wait3A_235 : memref<1x!tpu.dma_semaphore, #tpu.memory_space<semaphore_mem>> -> memref<!tpu.dma_semaphore, #tpu.memory_space<semaphore_mem>>
    %dma_wait3A_237 = arith.constant 0 : i32
    %dma_wait3A_238 = tpu.memref_slice %arg7[%dma_wait3A, %dma_wait3A_237] : memref<8x128xi32, #tpu.memory_space<vmem>> -> memref<1x128xi32, #tpu.memory_space<vmem>>
    %dma_wait3A_239 = tpu.memref_squeeze %dma_wait3A_238 : memref<1x128xi32, #tpu.memory_space<vmem>> -> memref<128xi32, #tpu.memory_space<vmem>>
    %dma_wait3A_240 = arith.constant 0 : i32
    %dma_wait3A_241 = tpu.memref_slice %arg4[%add3A_227, %dma_wait3A_240] : memref<2560x128xi32, #tpu.memory_space<hbm>> -> memref<1x128xi32, #tpu.memory_space<hbm>>
    %dma_wait3A_242 = tpu.memref_squeeze %dma_wait3A_241 : memref<1x128xi32, #tpu.memory_space<hbm>> -> memref<128xi32, #tpu.memory_space<hbm>>
    tpu.wait_dma2 semaphore(%dma_wait3A_236 : memref<!tpu.dma_semaphore, #tpu.memory_space<semaphore_mem>>) src(%dma_wait3A_242 : memref<128xi32, #tpu.memory_space<hbm>>) dst(%dma_wait3A_239 : memref<128xi32, #tpu.memory_space<vmem>>)
    %dma_start3A_243 = arith.constant 0 : i32
    %dma_start3A_244 = arith.constant 0 : i32
    %dma_start3A_245 = arith.constant 0 : i32
    %dma_start3A_246 = arith.constant 0 : i32
    %dma_start3A_247 = tpu.memref_slice %arg9[%dma_start3A_245, %dma_start3A_246] : memref<1024x32xf32, #tpu.memory_space<vmem>> -> memref<128x32xf32, #tpu.memory_space<vmem>>
    %dma_start3A_248 = arith.constant 0 : i32
    %dma_start3A_249 = tpu.memref_slice %arg7[%dma_start3A_243, %dma_start3A_248] : memref<8x128xi32, #tpu.memory_space<vmem>> -> memref<1x128xi32, #tpu.memory_space<vmem>>
    %dma_start3A_250 = tpu.memref_squeeze %dma_start3A_249 : memref<1x128xi32, #tpu.memory_space<vmem>> -> memref<128xi32, #tpu.memory_space<vmem>>
    %dma_start3A_251 = arith.constant 0 : i32
    %dma_start3A_252 = arith.constant 0 : i32
    %dma_start3A_253 = tpu.memref_slice %arg2[%dma_start3A_251, %dma_start3A_252] : memref<10000x32xf32, #tpu.memory_space<hbm>> -> memref<10000x32xf32, #tpu.memory_space<hbm>>
    %dma_start3A_254 = tpu.memref_slice %arg13[%dma_start3A_244] : memref<8x!tpu.dma_semaphore, #tpu.memory_space<semaphore_mem>> -> memref<1x!tpu.dma_semaphore, #tpu.memory_space<semaphore_mem>>
    %dma_start3A_255 = tpu.memref_squeeze %dma_start3A_254 : memref<1x!tpu.dma_semaphore, #tpu.memory_space<semaphore_mem>> -> memref<!tpu.dma_semaphore, #tpu.memory_space<semaphore_mem>>
    tpu.enqueue_indirect_dma source(%dma_start3A_253 : memref<10000x32xf32, #tpu.memory_space<hbm>>) target(%dma_start3A_247 : memref<128x32xf32, #tpu.memory_space<vmem>>) offsets(%dma_start3A_250 : memref<128xi32, #tpu.memory_space<vmem>>) semaphore(%dma_start3A_255 : memref<!tpu.dma_semaphore, #tpu.memory_space<semaphore_mem>>)
    %add3A_256 = arith.constant 1 : i32
    %add3A_257 = arith.addi %mul3A_2, %add3A_256 : i32
    %dma_wait3A_258 = arith.constant 1 : i32
    %dma_wait3A_259 = arith.constant 1 : i32
    %dma_wait3A_260 = arith.constant 0 : i32
    %dma_wait3A_261 = tpu.memref_slice %arg7[%dma_wait3A_258, %dma_wait3A_260] : memref<8x128xi32, #tpu.memory_space<vmem>> -> memref<1x128xi32, #tpu.memory_space<vmem>>
    %dma_wait3A_262 = tpu.memref_squeeze %dma_wait3A_261 : memref<1x128xi32, #tpu.memory_space<vmem>> -> memref<128xi32, #tpu.memory_space<vmem>>
    %dma_wait3A_263 = arith.constant 0 : i32
    %dma_wait3A_264 = tpu.memref_slice %arg4[%add3A_257, %dma_wait3A_263] : memref<2560x128xi32, #tpu.memory_space<hbm>> -> memref<1x128xi32, #tpu.memory_space<hbm>>
    %dma_wait3A_265 = tpu.memref_squeeze %dma_wait3A_264 : memref<1x128xi32, #tpu.memory_space<hbm>> -> memref<128xi32, #tpu.memory_space<hbm>>
    %dma_wait3A_266 = tpu.memref_slice %arg11[%dma_wait3A_259] : memref<8x!tpu.dma_semaphore, #tpu.memory_space<semaphore_mem>> -> memref<1x!tpu.dma_semaphore, #tpu.memory_space<semaphore_mem>>
    %dma_wait3A_267 = tpu.memref_squeeze %dma_wait3A_266 : memref<1x!tpu.dma_semaphore, #tpu.memory_space<semaphore_mem>> -> memref<!tpu.dma_semaphore, #tpu.memory_space<semaphore_mem>>
    %dma_wait3A_268 = arith.constant 0 : i32
    %dma_wait3A_269 = tpu.memref_slice %arg7[%dma_wait3A_258, %dma_wait3A_268] : memref<8x128xi32, #tpu.memory_space<vmem>> -> memref<1x128xi32, #tpu.memory_space<vmem>>
    %dma_wait3A_270 = tpu.memref_squeeze %dma_wait3A_269 : memref<1x128xi32, #tpu.memory_space<vmem>> -> memref<128xi32, #tpu.memory_space<vmem>>
    %dma_wait3A_271 = arith.constant 0 : i32
    %dma_wait3A_272 = tpu.memref_slice %arg4[%add3A_257, %dma_wait3A_271] : memref<2560x128xi32, #tpu.memory_space<hbm>> -> memref<1x128xi32, #tpu.memory_space<hbm>>
    %dma_wait3A_273 = tpu.memref_squeeze %dma_wait3A_272 : memref<1x128xi32, #tpu.memory_space<hbm>> -> memref<128xi32, #tpu.memory_space<hbm>>
    tpu.wait_dma2 semaphore(%dma_wait3A_267 : memref<!tpu.dma_semaphore, #tpu.memory_space<semaphore_mem>>) src(%dma_wait3A_273 : memref<128xi32, #tpu.memory_space<hbm>>) dst(%dma_wait3A_270 : memref<128xi32, #tpu.memory_space<vmem>>)
    %dma_start3A_274 = arith.constant 1 : i32
    %dma_start3A_275 = arith.constant 1 : i32
    %dma_start3A_276 = arith.constant 128 : i32
    %dma_start3A_277 = arith.constant 0 : i32
    %dma_start3A_278 = tpu.memref_slice %arg9[%dma_start3A_276, %dma_start3A_277] : memref<1024x32xf32, #tpu.memory_space<vmem>> -> memref<128x32xf32, #tpu.memory_space<vmem>>
    %dma_start3A_279 = arith.constant 0 : i32
    %dma_start3A_280 = tpu.memref_slice %arg7[%dma_start3A_274, %dma_start3A_279] : memref<8x128xi32, #tpu.memory_space<vmem>> -> memref<1x128xi32, #tpu.memory_space<vmem>>
    %dma_start3A_281 = tpu.memref_squeeze %dma_start3A_280 : memref<1x128xi32, #tpu.memory_space<vmem>> -> memref<128xi32, #tpu.memory_space<vmem>>
    %dma_start3A_282 = arith.constant 0 : i32
    %dma_start3A_283 = arith.constant 0 : i32
    %dma_start3A_284 = tpu.memref_slice %arg2[%dma_start3A_282, %dma_start3A_283] : memref<10000x32xf32, #tpu.memory_space<hbm>> -> memref<10000x32xf32, #tpu.memory_space<hbm>>
    %dma_start3A_285 = tpu.memref_slice %arg13[%dma_start3A_275] : memref<8x!tpu.dma_semaphore, #tpu.memory_space<semaphore_mem>> -> memref<1x!tpu.dma_semaphore, #tpu.memory_space<semaphore_mem>>
    %dma_start3A_286 = tpu.memref_squeeze %dma_start3A_285 : memref<1x!tpu.dma_semaphore, #tpu.memory_space<semaphore_mem>> -> memref<!tpu.dma_semaphore, #tpu.memory_space<semaphore_mem>>
    tpu.enqueue_indirect_dma source(%dma_start3A_284 : memref<10000x32xf32, #tpu.memory_space<hbm>>) target(%dma_start3A_278 : memref<128x32xf32, #tpu.memory_space<vmem>>) offsets(%dma_start3A_281 : memref<128xi32, #tpu.memory_space<vmem>>) semaphore(%dma_start3A_286 : memref<!tpu.dma_semaphore, #tpu.memory_space<semaphore_mem>>)
    %add3A_287 = arith.constant 2 : i32
    %add3A_288 = arith.addi %mul3A_2, %add3A_287 : i32
    %dma_wait3A_289 = arith.constant 2 : i32
    %dma_wait3A_290 = arith.constant 2 : i32
    %dma_wait3A_291 = arith.constant 0 : i32
    %dma_wait3A_292 = tpu.memref_slice %arg7[%dma_wait3A_289, %dma_wait3A_291] : memref<8x128xi32, #tpu.memory_space<vmem>> -> memref<1x128xi32, #tpu.memory_space<vmem>>
    %dma_wait3A_293 = tpu.memref_squeeze %dma_wait3A_292 : memref<1x128xi32, #tpu.memory_space<vmem>> -> memref<128xi32, #tpu.memory_space<vmem>>
    %dma_wait3A_294 = arith.constant 0 : i32
    %dma_wait3A_295 = tpu.memref_slice %arg4[%add3A_288, %dma_wait3A_294] : memref<2560x128xi32, #tpu.memory_space<hbm>> -> memref<1x128xi32, #tpu.memory_space<hbm>>
    %dma_wait3A_296 = tpu.memref_squeeze %dma_wait3A_295 : memref<1x128xi32, #tpu.memory_space<hbm>> -> memref<128xi32, #tpu.memory_space<hbm>>
    %dma_wait3A_297 = tpu.memref_slice %arg11[%dma_wait3A_290] : memref<8x!tpu.dma_semaphore, #tpu.memory_space<semaphore_mem>> -> memref<1x!tpu.dma_semaphore, #tpu.memory_space<semaphore_mem>>
    %dma_wait3A_298 = tpu.memref_squeeze %dma_wait3A_297 : memref<1x!tpu.dma_semaphore, #tpu.memory_space<semaphore_mem>> -> memref<!tpu.dma_semaphore, #tpu.memory_space<semaphore_mem>>
    %dma_wait3A_299 = arith.constant 0 : i32
    %dma_wait3A_300 = tpu.memref_slice %arg7[%dma_wait3A_289, %dma_wait3A_299] : memref<8x128xi32, #tpu.memory_space<vmem>> -> memref<1x128xi32, #tpu.memory_space<vmem>>
    %dma_wait3A_301 = tpu.memref_squeeze %dma_wait3A_300 : memref<1x128xi32, #tpu.memory_space<vmem>> -> memref<128xi32, #tpu.memory_space<vmem>>
    %dma_wait3A_302 = arith.constant 0 : i32
    %dma_wait3A_303 = tpu.memref_slice %arg4[%add3A_288, %dma_wait3A_302] : memref<2560x128xi32, #tpu.memory_space<hbm>> -> memref<1x128xi32, #tpu.memory_space<hbm>>
    %dma_wait3A_304 = tpu.memref_squeeze %dma_wait3A_303 : memref<1x128xi32, #tpu.memory_space<hbm>> -> memref<128xi32, #tpu.memory_space<hbm>>
    tpu.wait_dma2 semaphore(%dma_wait3A_298 : memref<!tpu.dma_semaphore, #tpu.memory_space<semaphore_mem>>) src(%dma_wait3A_304 : memref<128xi32, #tpu.memory_space<hbm>>) dst(%dma_wait3A_301 : memref<128xi32, #tpu.memory_space<vmem>>)
    %dma_start3A_305 = arith.constant 2 : i32
    %dma_start3A_306 = arith.constant 2 : i32
    %dma_start3A_307 = arith.constant 256 : i32
    %dma_start3A_308 = arith.constant 0 : i32
    %dma_start3A_309 = tpu.memref_slice %arg9[%dma_start3A_307, %dma_start3A_308] : memref<1024x32xf32, #tpu.memory_space<vmem>> -> memref<128x32xf32, #tpu.memory_space<vmem>>
    %dma_start3A_310 = arith.constant 0 : i32
    %dma_start3A_311 = tpu.memref_slice %arg7[%dma_start3A_305, %dma_start3A_310] : memref<8x128xi32, #tpu.memory_space<vmem>> -> memref<1x128xi32, #tpu.memory_space<vmem>>
    %dma_start3A_312 = tpu.memref_squeeze %dma_start3A_311 : memref<1x128xi32, #tpu.memory_space<vmem>> -> memref<128xi32, #tpu.memory_space<vmem>>
    %dma_start3A_313 = arith.constant 0 : i32
    %dma_start3A_314 = arith.constant 0 : i32
    %dma_start3A_315 = tpu.memref_slice %arg2[%dma_start3A_313, %dma_start3A_314] : memref<10000x32xf32, #tpu.memory_space<hbm>> -> memref<10000x32xf32, #tpu.memory_space<hbm>>
    %dma_start3A_316 = tpu.memref_slice %arg13[%dma_start3A_306] : memref<8x!tpu.dma_semaphore, #tpu.memory_space<semaphore_mem>> -> memref<1x!tpu.dma_semaphore, #tpu.memory_space<semaphore_mem>>
    %dma_start3A_317 = tpu.memref_squeeze %dma_start3A_316 : memref<1x!tpu.dma_semaphore, #tpu.memory_space<semaphore_mem>> -> memref<!tpu.dma_semaphore, #tpu.memory_space<semaphore_mem>>
    tpu.enqueue_indirect_dma source(%dma_start3A_315 : memref<10000x32xf32, #tpu.memory_space<hbm>>) target(%dma_start3A_309 : memref<128x32xf32, #tpu.memory_space<vmem>>) offsets(%dma_start3A_312 : memref<128xi32, #tpu.memory_space<vmem>>) semaphore(%dma_start3A_317 : memref<!tpu.dma_semaphore, #tpu.memory_space<semaphore_mem>>)
    %add3A_318 = arith.constant 3 : i32
    %add3A_319 = arith.addi %mul3A_2, %add3A_318 : i32
    %dma_wait3A_320 = arith.constant 3 : i32
    %dma_wait3A_321 = arith.constant 3 : i32
    %dma_wait3A_322 = arith.constant 0 : i32
    %dma_wait3A_323 = tpu.memref_slice %arg7[%dma_wait3A_320, %dma_wait3A_322] : memref<8x128xi32, #tpu.memory_space<vmem>> -> memref<1x128xi32, #tpu.memory_space<vmem>>
    %dma_wait3A_324 = tpu.memref_squeeze %dma_wait3A_323 : memref<1x128xi32, #tpu.memory_space<vmem>> -> memref<128xi32, #tpu.memory_space<vmem>>
    %dma_wait3A_325 = arith.constant 0 : i32
    %dma_wait3A_326 = tpu.memref_slice %arg4[%add3A_319, %dma_wait3A_325] : memref<2560x128xi32, #tpu.memory_space<hbm>> -> memref<1x128xi32, #tpu.memory_space<hbm>>
    %dma_wait3A_327 = tpu.memref_squeeze %dma_wait3A_326 : memref<1x128xi32, #tpu.memory_space<hbm>> -> memref<128xi32, #tpu.memory_space<hbm>>
    %dma_wait3A_328 = tpu.memref_slice %arg11[%dma_wait3A_321] : memref<8x!tpu.dma_semaphore, #tpu.memory_space<semaphore_mem>> -> memref<1x!tpu.dma_semaphore, #tpu.memory_space<semaphore_mem>>
    %dma_wait3A_329 = tpu.memref_squeeze %dma_wait3A_328 : memref<1x!tpu.dma_semaphore, #tpu.memory_space<semaphore_mem>> -> memref<!tpu.dma_semaphore, #tpu.memory_space<semaphore_mem>>
    %dma_wait3A_330 = arith.constant 0 : i32
    %dma_wait3A_331 = tpu.memref_slice %arg7[%dma_wait3A_320, %dma_wait3A_330] : memref<8x128xi32, #tpu.memory_space<vmem>> -> memref<1x128xi32, #tpu.memory_space<vmem>>
    %dma_wait3A_332 = tpu.memref_squeeze %dma_wait3A_331 : memref<1x128xi32, #tpu.memory_space<vmem>> -> memref<128xi32, #tpu.memory_space<vmem>>
    %dma_wait3A_333 = arith.constant 0 : i32
    %dma_wait3A_334 = tpu.memref_slice %arg4[%add3A_319, %dma_wait3A_333] : memref<2560x128xi32, #tpu.memory_space<hbm>> -> memref<1x128xi32, #tpu.memory_space<hbm>>
    %dma_wait3A_335 = tpu.memref_squeeze %dma_wait3A_334 : memref<1x128xi32, #tpu.memory_space<hbm>> -> memref<128xi32, #tpu.memory_space<hbm>>
    tpu.wait_dma2 semaphore(%dma_wait3A_329 : memref<!tpu.dma_semaphore, #tpu.memory_space<semaphore_mem>>) src(%dma_wait3A_335 : memref<128xi32, #tpu.memory_space<hbm>>) dst(%dma_wait3A_332 : memref<128xi32, #tpu.memory_space<vmem>>)
    %dma_start3A_336 = arith.constant 3 : i32
    %dma_start3A_337 = arith.constant 3 : i32
    %dma_start3A_338 = arith.constant 384 : i32
    %dma_start3A_339 = arith.constant 0 : i32
    %dma_start3A_340 = tpu.memref_slice %arg9[%dma_start3A_338, %dma_start3A_339] : memref<1024x32xf32, #tpu.memory_space<vmem>> -> memref<128x32xf32, #tpu.memory_space<vmem>>
    %dma_start3A_341 = arith.constant 0 : i32
    %dma_start3A_342 = tpu.memref_slice %arg7[%dma_start3A_336, %dma_start3A_341] : memref<8x128xi32, #tpu.memory_space<vmem>> -> memref<1x128xi32, #tpu.memory_space<vmem>>
    %dma_start3A_343 = tpu.memref_squeeze %dma_start3A_342 : memref<1x128xi32, #tpu.memory_space<vmem>> -> memref<128xi32, #tpu.memory_space<vmem>>
    %dma_start3A_344 = arith.constant 0 : i32
    %dma_start3A_345 = arith.constant 0 : i32
    %dma_start3A_346 = tpu.memref_slice %arg2[%dma_start3A_344, %dma_start3A_345] : memref<10000x32xf32, #tpu.memory_space<hbm>> -> memref<10000x32xf32, #tpu.memory_space<hbm>>
    %dma_start3A_347 = tpu.memref_slice %arg13[%dma_start3A_337] : memref<8x!tpu.dma_semaphore, #tpu.memory_space<semaphore_mem>> -> memref<1x!tpu.dma_semaphore, #tpu.memory_space<semaphore_mem>>
    %dma_start3A_348 = tpu.memref_squeeze %dma_start3A_347 : memref<1x!tpu.dma_semaphore, #tpu.memory_space<semaphore_mem>> -> memref<!tpu.dma_semaphore, #tpu.memory_space<semaphore_mem>>
    tpu.enqueue_indirect_dma source(%dma_start3A_346 : memref<10000x32xf32, #tpu.memory_space<hbm>>) target(%dma_start3A_340 : memref<128x32xf32, #tpu.memory_space<vmem>>) offsets(%dma_start3A_343 : memref<128xi32, #tpu.memory_space<vmem>>) semaphore(%dma_start3A_348 : memref<!tpu.dma_semaphore, #tpu.memory_space<semaphore_mem>>)
    %scan3A_349 = arith.constant 0 : i32
    %scan3A_350 = arith.constant 0 : i32
    %scan3A_351 = arith.constant 10 : i32
    %scan3A_352 = arith.addi %scan3A_350, %scan3A_351 : i32
    %scan3A_353 = arith.constant 1 : i32
    scf.for %scan3A_356 = %scan3A_350 to %scan3A_352 step %scan3A_353  : i32 {
      %mul3A_357 = arith.constant 8 : i32
      %mul3A_358 = arith.muli %scan3A_356, %mul3A_357 : i32
      %add3A_359 = arith.constant 0 : i32
      %add3A_360 = arith.addi %mul3A_358, %add3A_359 : i32
      %add3A_361 = arith.constant 4 : i32
      %add3A_362 = arith.addi %add3A_360, %add3A_361 : i32
      %jit3A = arith.constant 8 : i32
      %eq3A = arith.constant 0 : i32
      %eq3A_363 = arith.cmpi eq, %jit3A, %eq3A : i32
      %jit3A_364 = arith.constant 1 : i32
      %select_n3A = arith.select %eq3A_363, %jit3A_364, %jit3A : i32
      %rem3A = arith.remsi %add3A_362, %select_n3A : i32
      %ne3A = arith.constant 0 : i32
      %ne3A_365 = arith.cmpi ne, %rem3A, %ne3A : i32
      %lt3A = arith.constant 0 : i32
      %lt3A_366 = arith.cmpi slt, %rem3A, %lt3A : i32
      %lt3A_367 = arith.constant 0 : i32
      %lt3A_368 = arith.cmpi slt, %select_n3A, %lt3A_367 : i32
      %ne3A_369 = arith.xori %lt3A_366, %lt3A_368 : i1
      %and3A = arith.andi %ne3A_369, %ne3A_365 : i1
      %add3A_370 = arith.addi %rem3A, %select_n3A : i32
      %select_n3A_371 = arith.select %and3A, %add3A_370, %rem3A : i32
      %lt3A_372 = arith.constant 80 : i32
      %lt3A_373 = arith.cmpi slt, %add3A_362, %lt3A_372 : i32
      %convert_element_type3A = arith.extui %lt3A_373 : i1 to i32
      %cond3A = arith.constant 0 : i32
      %cond3A_374 = arith.cmpi ne, %convert_element_type3A, %cond3A : i32
      scf.if %cond3A_374 {
        %add3A_867 = arith.addi %mul3A_2, %add3A_362 : i32
        %dma_start3A_868 = arith.constant 0 : i32
        %dma_start3A_869 = tpu.memref_slice %arg8[%select_n3A_371, %dma_start3A_868] : memref<8x128xi32, #tpu.memory_space<vmem>> -> memref<1x128xi32, #tpu.memory_space<vmem>>
        %dma_start3A_870 = tpu.memref_squeeze %dma_start3A_869 : memref<1x128xi32, #tpu.memory_space<vmem>> -> memref<128xi32, #tpu.memory_space<vmem>>
        %dma_start3A_871 = arith.constant 0 : i32
        %dma_start3A_872 = tpu.memref_slice %arg5[%add3A_867, %dma_start3A_871] : memref<2560x128xi32, #tpu.memory_space<hbm>> -> memref<1x128xi32, #tpu.memory_space<hbm>>
        %dma_start3A_873 = tpu.memref_squeeze %dma_start3A_872 : memref<1x128xi32, #tpu.memory_space<hbm>> -> memref<128xi32, #tpu.memory_space<hbm>>
        %dma_start3A_874 = tpu.memref_slice %arg12[%select_n3A_371] : memref<8x!tpu.dma_semaphore, #tpu.memory_space<semaphore_mem>> -> memref<1x!tpu.dma_semaphore, #tpu.memory_space<semaphore_mem>>
        %dma_start3A_875 = tpu.memref_squeeze %dma_start3A_874 : memref<1x!tpu.dma_semaphore, #tpu.memory_space<semaphore_mem>> -> memref<!tpu.dma_semaphore, #tpu.memory_space<semaphore_mem>>
        %dma_start3A_876 = arith.constant 0 : i32
        %dma_start3A_877 = tpu.memref_slice %arg8[%select_n3A_371, %dma_start3A_876] : memref<8x128xi32, #tpu.memory_space<vmem>> -> memref<1x128xi32, #tpu.memory_space<vmem>>
        %dma_start3A_878 = tpu.memref_squeeze %dma_start3A_877 : memref<1x128xi32, #tpu.memory_space<vmem>> -> memref<128xi32, #tpu.memory_space<vmem>>
        %dma_start3A_879 = arith.constant 0 : i32
        %dma_start3A_880 = tpu.memref_slice %arg5[%add3A_867, %dma_start3A_879] : memref<2560x128xi32, #tpu.memory_space<hbm>> -> memref<1x128xi32, #tpu.memory_space<hbm>>
        %dma_start3A_881 = tpu.memref_squeeze %dma_start3A_880 : memref<1x128xi32, #tpu.memory_space<hbm>> -> memref<128xi32, #tpu.memory_space<hbm>>
        tpu.enqueue_dma source(%dma_start3A_881 : memref<128xi32, #tpu.memory_space<hbm>>) target(%dma_start3A_878 : memref<128xi32, #tpu.memory_space<vmem>>) target_semaphore(%dma_start3A_875 : memref<!tpu.dma_semaphore, #tpu.memory_space<semaphore_mem>>)
        %add3A_882 = arith.addi %mul3A_2, %add3A_362 : i32
        %dma_wait3A_883 = arith.constant 0 : i32
        %dma_wait3A_884 = tpu.memref_slice %arg7[%select_n3A_371, %dma_wait3A_883] : memref<8x128xi32, #tpu.memory_space<vmem>> -> memref<1x128xi32, #tpu.memory_space<vmem>>
        %dma_wait3A_885 = tpu.memref_squeeze %dma_wait3A_884 : memref<1x128xi32, #tpu.memory_space<vmem>> -> memref<128xi32, #tpu.memory_space<vmem>>
        %dma_wait3A_886 = arith.constant 0 : i32
        %dma_wait3A_887 = tpu.memref_slice %arg4[%add3A_882, %dma_wait3A_886] : memref<2560x128xi32, #tpu.memory_space<hbm>> -> memref<1x128xi32, #tpu.memory_space<hbm>>
        %dma_wait3A_888 = tpu.memref_squeeze %dma_wait3A_887 : memref<1x128xi32, #tpu.memory_space<hbm>> -> memref<128xi32, #tpu.memory_space<hbm>>
        %dma_wait3A_889 = tpu.memref_slice %arg11[%select_n3A_371] : memref<8x!tpu.dma_semaphore, #tpu.memory_space<semaphore_mem>> -> memref<1x!tpu.dma_semaphore, #tpu.memory_space<semaphore_mem>>
        %dma_wait3A_890 = tpu.memref_squeeze %dma_wait3A_889 : memref<1x!tpu.dma_semaphore, #tpu.memory_space<semaphore_mem>> -> memref<!tpu.dma_semaphore, #tpu.memory_space<semaphore_mem>>
        %dma_wait3A_891 = arith.constant 0 : i32
        %dma_wait3A_892 = tpu.memref_slice %arg7[%select_n3A_371, %dma_wait3A_891] : memref<8x128xi32, #tpu.memory_space<vmem>> -> memref<1x128xi32, #tpu.memory_space<vmem>>
        %dma_wait3A_893 = tpu.memref_squeeze %dma_wait3A_892 : memref<1x128xi32, #tpu.memory_space<vmem>> -> memref<128xi32, #tpu.memory_space<vmem>>
        %dma_wait3A_894 = arith.constant 0 : i32
        %dma_wait3A_895 = tpu.memref_slice %arg4[%add3A_882, %dma_wait3A_894] : memref<2560x128xi32, #tpu.memory_space<hbm>> -> memref<1x128xi32, #tpu.memory_space<hbm>>
        %dma_wait3A_896 = tpu.memref_squeeze %dma_wait3A_895 : memref<1x128xi32, #tpu.memory_space<hbm>> -> memref<128xi32, #tpu.memory_space<hbm>>
        tpu.wait_dma2 semaphore(%dma_wait3A_890 : memref<!tpu.dma_semaphore, #tpu.memory_space<semaphore_mem>>) src(%dma_wait3A_896 : memref<128xi32, #tpu.memory_space<hbm>>) dst(%dma_wait3A_893 : memref<128xi32, #tpu.memory_space<vmem>>)
        %mul3A_897 = arith.constant 128 : i32
        %mul3A_898 = arith.muli %select_n3A_371, %mul3A_897 : i32
        %dma_start3A_899 = arith.constant 0 : i32
        %dma_start3A_900 = tpu.memref_slice %arg9[%mul3A_898, %dma_start3A_899] : memref<1024x32xf32, #tpu.memory_space<vmem>> -> memref<128x32xf32, #tpu.memory_space<vmem>>
        %dma_start3A_901 = arith.constant 0 : i32
        %dma_start3A_902 = tpu.memref_slice %arg7[%select_n3A_371, %dma_start3A_901] : memref<8x128xi32, #tpu.memory_space<vmem>> -> memref<1x128xi32, #tpu.memory_space<vmem>>
        %dma_start3A_903 = tpu.memref_squeeze %dma_start3A_902 : memref<1x128xi32, #tpu.memory_space<vmem>> -> memref<128xi32, #tpu.memory_space<vmem>>
        %dma_start3A_904 = arith.constant 0 : i32
        %dma_start3A_905 = arith.constant 0 : i32
        %dma_start3A_906 = tpu.memref_slice %arg2[%dma_start3A_904, %dma_start3A_905] : memref<10000x32xf32, #tpu.memory_space<hbm>> -> memref<10000x32xf32, #tpu.memory_space<hbm>>
        %dma_start3A_907 = tpu.memref_slice %arg13[%select_n3A_371] : memref<8x!tpu.dma_semaphore, #tpu.memory_space<semaphore_mem>> -> memref<1x!tpu.dma_semaphore, #tpu.memory_space<semaphore_mem>>
        %dma_start3A_908 = tpu.memref_squeeze %dma_start3A_907 : memref<1x!tpu.dma_semaphore, #tpu.memory_space<semaphore_mem>> -> memref<!tpu.dma_semaphore, #tpu.memory_space<semaphore_mem>>
        tpu.enqueue_indirect_dma source(%dma_start3A_906 : memref<10000x32xf32, #tpu.memory_space<hbm>>) target(%dma_start3A_900 : memref<128x32xf32, #tpu.memory_space<vmem>>) offsets(%dma_start3A_903 : memref<128xi32, #tpu.memory_space<vmem>>) semaphore(%dma_start3A_908 : memref<!tpu.dma_semaphore, #tpu.memory_space<semaphore_mem>>)
      } else {
      }
      %dma_wait3A_375 = arith.constant 0 : i32
      %dma_wait3A_376 = arith.constant 0 : i32
      %dma_wait3A_377 = arith.constant 0 : i32
      %dma_wait3A_378 = arith.constant 0 : i32
      %dma_wait3A_379 = tpu.memref_slice %arg9[%dma_wait3A_377, %dma_wait3A_378] : memref<1024x32xf32, #tpu.memory_space<vmem>> -> memref<128x32xf32, #tpu.memory_space<vmem>>
      %dma_wait3A_380 = arith.constant 0 : i32
      %dma_wait3A_381 = tpu.memref_slice %arg7[%dma_wait3A_375, %dma_wait3A_380] : memref<8x128xi32, #tpu.memory_space<vmem>> -> memref<1x128xi32, #tpu.memory_space<vmem>>
      %dma_wait3A_382 = tpu.memref_squeeze %dma_wait3A_381 : memref<1x128xi32, #tpu.memory_space<vmem>> -> memref<128xi32, #tpu.memory_space<vmem>>
      %dma_wait3A_383 = arith.constant 0 : i32
      %dma_wait3A_384 = arith.constant 0 : i32
      %dma_wait3A_385 = tpu.memref_slice %arg2[%dma_wait3A_383, %dma_wait3A_384] : memref<10000x32xf32, #tpu.memory_space<hbm>> -> memref<10000x32xf32, #tpu.memory_space<hbm>>
      %dma_wait3A_386 = tpu.memref_slice %arg13[%dma_wait3A_376] : memref<8x!tpu.dma_semaphore, #tpu.memory_space<semaphore_mem>> -> memref<1x!tpu.dma_semaphore, #tpu.memory_space<semaphore_mem>>
      %dma_wait3A_387 = tpu.memref_squeeze %dma_wait3A_386 : memref<1x!tpu.dma_semaphore, #tpu.memory_space<semaphore_mem>> -> memref<!tpu.dma_semaphore, #tpu.memory_space<semaphore_mem>>
      tpu.wait_indirect_dma semaphore(%dma_wait3A_387 : memref<!tpu.dma_semaphore, #tpu.memory_space<semaphore_mem>>) src(%dma_wait3A_385 : memref<10000x32xf32, #tpu.memory_space<hbm>>) dst(%dma_wait3A_379 : memref<128x32xf32, #tpu.memory_space<vmem>>)
      %add3A_388 = arith.constant 8 : i32
      %add3A_389 = arith.addi %add3A_360, %add3A_388 : i32
      %lt3A_390 = arith.constant 80 : i32
      %lt3A_391 = arith.cmpi slt, %add3A_389, %lt3A_390 : i32
      %convert_element_type3A_392 = arith.extui %lt3A_391 : i1 to i32
      %cond3A_393 = arith.constant 0 : i32
      %cond3A_394 = arith.cmpi ne, %convert_element_type3A_392, %cond3A_393 : i32
      scf.if %cond3A_394 {
        %add3A_867 = arith.addi %mul3A_2, %add3A_389 : i32
        %dma_start3A_868 = arith.constant 0 : i32
        %dma_start3A_869 = arith.constant 0 : i32
        %dma_start3A_870 = arith.constant 0 : i32
        %dma_start3A_871 = tpu.memref_slice %arg7[%dma_start3A_868, %dma_start3A_870] : memref<8x128xi32, #tpu.memory_space<vmem>> -> memref<1x128xi32, #tpu.memory_space<vmem>>
        %dma_start3A_872 = tpu.memref_squeeze %dma_start3A_871 : memref<1x128xi32, #tpu.memory_space<vmem>> -> memref<128xi32, #tpu.memory_space<vmem>>
        %dma_start3A_873 = arith.constant 0 : i32
        %dma_start3A_874 = tpu.memref_slice %arg4[%add3A_867, %dma_start3A_873] : memref<2560x128xi32, #tpu.memory_space<hbm>> -> memref<1x128xi32, #tpu.memory_space<hbm>>
        %dma_start3A_875 = tpu.memref_squeeze %dma_start3A_874 : memref<1x128xi32, #tpu.memory_space<hbm>> -> memref<128xi32, #tpu.memory_space<hbm>>
        %dma_start3A_876 = tpu.memref_slice %arg11[%dma_start3A_869] : memref<8x!tpu.dma_semaphore, #tpu.memory_space<semaphore_mem>> -> memref<1x!tpu.dma_semaphore, #tpu.memory_space<semaphore_mem>>
        %dma_start3A_877 = tpu.memref_squeeze %dma_start3A_876 : memref<1x!tpu.dma_semaphore, #tpu.memory_space<semaphore_mem>> -> memref<!tpu.dma_semaphore, #tpu.memory_space<semaphore_mem>>
        %dma_start3A_878 = arith.constant 0 : i32
        %dma_start3A_879 = tpu.memref_slice %arg7[%dma_start3A_868, %dma_start3A_878] : memref<8x128xi32, #tpu.memory_space<vmem>> -> memref<1x128xi32, #tpu.memory_space<vmem>>
        %dma_start3A_880 = tpu.memref_squeeze %dma_start3A_879 : memref<1x128xi32, #tpu.memory_space<vmem>> -> memref<128xi32, #tpu.memory_space<vmem>>
        %dma_start3A_881 = arith.constant 0 : i32
        %dma_start3A_882 = tpu.memref_slice %arg4[%add3A_867, %dma_start3A_881] : memref<2560x128xi32, #tpu.memory_space<hbm>> -> memref<1x128xi32, #tpu.memory_space<hbm>>
        %dma_start3A_883 = tpu.memref_squeeze %dma_start3A_882 : memref<1x128xi32, #tpu.memory_space<hbm>> -> memref<128xi32, #tpu.memory_space<hbm>>
        tpu.enqueue_dma source(%dma_start3A_883 : memref<128xi32, #tpu.memory_space<hbm>>) target(%dma_start3A_880 : memref<128xi32, #tpu.memory_space<vmem>>) target_semaphore(%dma_start3A_877 : memref<!tpu.dma_semaphore, #tpu.memory_space<semaphore_mem>>)
      } else {
      }
      %add3A_395 = arith.addi %mul3A_2, %add3A_360 : i32
      %dma_wait3A_396 = arith.constant 0 : i32
      %dma_wait3A_397 = arith.constant 0 : i32
      %dma_wait3A_398 = arith.constant 0 : i32
      %dma_wait3A_399 = tpu.memref_slice %arg8[%dma_wait3A_396, %dma_wait3A_398] : memref<8x128xi32, #tpu.memory_space<vmem>> -> memref<1x128xi32, #tpu.memory_space<vmem>>
      %dma_wait3A_400 = tpu.memref_squeeze %dma_wait3A_399 : memref<1x128xi32, #tpu.memory_space<vmem>> -> memref<128xi32, #tpu.memory_space<vmem>>
      %dma_wait3A_401 = arith.constant 0 : i32
      %dma_wait3A_402 = tpu.memref_slice %arg5[%add3A_395, %dma_wait3A_401] : memref<2560x128xi32, #tpu.memory_space<hbm>> -> memref<1x128xi32, #tpu.memory_space<hbm>>
      %dma_wait3A_403 = tpu.memref_squeeze %dma_wait3A_402 : memref<1x128xi32, #tpu.memory_space<hbm>> -> memref<128xi32, #tpu.memory_space<hbm>>
      %dma_wait3A_404 = tpu.memref_slice %arg12[%dma_wait3A_397] : memref<8x!tpu.dma_semaphore, #tpu.memory_space<semaphore_mem>> -> memref<1x!tpu.dma_semaphore, #tpu.memory_space<semaphore_mem>>
      %dma_wait3A_405 = tpu.memref_squeeze %dma_wait3A_404 : memref<1x!tpu.dma_semaphore, #tpu.memory_space<semaphore_mem>> -> memref<!tpu.dma_semaphore, #tpu.memory_space<semaphore_mem>>
      %dma_wait3A_406 = arith.constant 0 : i32
      %dma_wait3A_407 = tpu.memref_slice %arg8[%dma_wait3A_396, %dma_wait3A_406] : memref<8x128xi32, #tpu.memory_space<vmem>> -> memref<1x128xi32, #tpu.memory_space<vmem>>
      %dma_wait3A_408 = tpu.memref_squeeze %dma_wait3A_407 : memref<1x128xi32, #tpu.memory_space<vmem>> -> memref<128xi32, #tpu.memory_space<vmem>>
      %dma_wait3A_409 = arith.constant 0 : i32
      %dma_wait3A_410 = tpu.memref_slice %arg5[%add3A_395, %dma_wait3A_409] : memref<2560x128xi32, #tpu.memory_space<hbm>> -> memref<1x128xi32, #tpu.memory_space<hbm>>
      %dma_wait3A_411 = tpu.memref_squeeze %dma_wait3A_410 : memref<1x128xi32, #tpu.memory_space<hbm>> -> memref<128xi32, #tpu.memory_space<hbm>>
      tpu.wait_dma2 semaphore(%dma_wait3A_405 : memref<!tpu.dma_semaphore, #tpu.memory_space<semaphore_mem>>) src(%dma_wait3A_411 : memref<128xi32, #tpu.memory_space<hbm>>) dst(%dma_wait3A_408 : memref<128xi32, #tpu.memory_space<vmem>>)
      %run_scoped3A = arith.constant 0 : i32
      "tpu.region"() ({
        %run_scoped3A_867 = tpu.sem_alloc : memref<!tpu.dma_semaphore, #tpu.memory_space<semaphore_mem>>
        %dma_start3A_868 = arith.constant 0 : i32
        %dma_start3A_869 = arith.constant 0 : i32
        %dma_start3A_870 = tpu.memref_slice %arg9[%dma_start3A_868, %dma_start3A_869] : memref<1024x32xf32, #tpu.memory_space<vmem>> -> memref<128x32xf32, #tpu.memory_space<vmem>>
        %dma_start3A_871 = arith.constant 0 : i32
        %dma_start3A_872 = tpu.memref_slice %arg8[%run_scoped3A, %dma_start3A_871] : memref<8x128xi32, #tpu.memory_space<vmem>> -> memref<1x128xi32, #tpu.memory_space<vmem>>
        %dma_start3A_873 = tpu.memref_squeeze %dma_start3A_872 : memref<1x128xi32, #tpu.memory_space<vmem>> -> memref<128xi32, #tpu.memory_space<vmem>>
        %dma_start3A_874 = arith.constant 0 : i32
        %dma_start3A_875 = arith.constant 0 : i32
        %dma_start3A_876 = tpu.memref_slice %arg10[%dma_start3A_874, %dma_start3A_875] : memref<10112x32xf32, #tpu.memory_space<vmem_shared>> -> memref<10112x32xf32, #tpu.memory_space<vmem_shared>>
        tpu.enqueue_indirect_dma source(%dma_start3A_870 : memref<128x32xf32, #tpu.memory_space<vmem>>) target(%dma_start3A_876 : memref<10112x32xf32, #tpu.memory_space<vmem_shared>>) offsets(%dma_start3A_873 : memref<128xi32, #tpu.memory_space<vmem>>) semaphore(%run_scoped3A_867 : memref<!tpu.dma_semaphore, #tpu.memory_space<semaphore_mem>>) {add = true}
        %dma_wait3A_877 = arith.constant 0 : i32
        %dma_wait3A_878 = arith.constant 0 : i32
        %dma_wait3A_879 = tpu.memref_slice %arg9[%dma_wait3A_877, %dma_wait3A_878] : memref<1024x32xf32, #tpu.memory_space<vmem>> -> memref<128x32xf32, #tpu.memory_space<vmem>>
        %dma_wait3A_880 = arith.constant 0 : i32
        %dma_wait3A_881 = tpu.memref_slice %arg8[%run_scoped3A, %dma_wait3A_880] : memref<8x128xi32, #tpu.memory_space<vmem>> -> memref<1x128xi32, #tpu.memory_space<vmem>>
        %dma_wait3A_882 = tpu.memref_squeeze %dma_wait3A_881 : memref<1x128xi32, #tpu.memory_space<vmem>> -> memref<128xi32, #tpu.memory_space<vmem>>
        %dma_wait3A_883 = arith.constant 0 : i32
        %dma_wait3A_884 = arith.constant 0 : i32
        %dma_wait3A_885 = tpu.memref_slice %arg10[%dma_wait3A_883, %dma_wait3A_884] : memref<10112x32xf32, #tpu.memory_space<vmem_shared>> -> memref<10112x32xf32, #tpu.memory_space<vmem_shared>>
        tpu.wait_indirect_dma semaphore(%run_scoped3A_867 : memref<!tpu.dma_semaphore, #tpu.memory_space<semaphore_mem>>) src(%dma_wait3A_879 : memref<128x32xf32, #tpu.memory_space<vmem>>) dst(%dma_wait3A_885 : memref<10112x32xf32, #tpu.memory_space<vmem_shared>>)
        tpu.yield
      }) : () -> ()
      %mul3A_412 = arith.constant 8 : i32
      %mul3A_413 = arith.muli %scan3A_356, %mul3A_412 : i32
      %add3A_414 = arith.constant 1 : i32
      %add3A_415 = arith.addi %mul3A_413, %add3A_414 : i32
      %add3A_416 = arith.constant 4 : i32
      %add3A_417 = arith.addi %add3A_415, %add3A_416 : i32
      %jit3A_418 = arith.constant 8 : i32
      %eq3A_419 = arith.constant 0 : i32
      %eq3A_420 = arith.cmpi eq, %jit3A_418, %eq3A_419 : i32
      %jit3A_421 = arith.constant 1 : i32
      %select_n3A_422 = arith.select %eq3A_420, %jit3A_421, %jit3A_418 : i32
      %rem3A_423 = arith.remsi %add3A_417, %select_n3A_422 : i32
      %ne3A_424 = arith.constant 0 : i32
      %ne3A_425 = arith.cmpi ne, %rem3A_423, %ne3A_424 : i32
      %lt3A_426 = arith.constant 0 : i32
      %lt3A_427 = arith.cmpi slt, %rem3A_423, %lt3A_426 : i32
      %lt3A_428 = arith.constant 0 : i32
      %lt3A_429 = arith.cmpi slt, %select_n3A_422, %lt3A_428 : i32
      %ne3A_430 = arith.xori %lt3A_427, %lt3A_429 : i1
      %and3A_431 = arith.andi %ne3A_430, %ne3A_425 : i1
      %add3A_432 = arith.addi %rem3A_423, %select_n3A_422 : i32
      %select_n3A_433 = arith.select %and3A_431, %add3A_432, %rem3A_423 : i32
      %lt3A_434 = arith.constant 80 : i32
      %lt3A_435 = arith.cmpi slt, %add3A_417, %lt3A_434 : i32
      %convert_element_type3A_436 = arith.extui %lt3A_435 : i1 to i32
      %cond3A_437 = arith.constant 0 : i32
      %cond3A_438 = arith.cmpi ne, %convert_element_type3A_436, %cond3A_437 : i32
      scf.if %cond3A_438 {
        %add3A_867 = arith.addi %mul3A_2, %add3A_417 : i32
        %dma_start3A_868 = arith.constant 0 : i32
        %dma_start3A_869 = tpu.memref_slice %arg8[%select_n3A_433, %dma_start3A_868] : memref<8x128xi32, #tpu.memory_space<vmem>> -> memref<1x128xi32, #tpu.memory_space<vmem>>
        %dma_start3A_870 = tpu.memref_squeeze %dma_start3A_869 : memref<1x128xi32, #tpu.memory_space<vmem>> -> memref<128xi32, #tpu.memory_space<vmem>>
        %dma_start3A_871 = arith.constant 0 : i32
        %dma_start3A_872 = tpu.memref_slice %arg5[%add3A_867, %dma_start3A_871] : memref<2560x128xi32, #tpu.memory_space<hbm>> -> memref<1x128xi32, #tpu.memory_space<hbm>>
        %dma_start3A_873 = tpu.memref_squeeze %dma_start3A_872 : memref<1x128xi32, #tpu.memory_space<hbm>> -> memref<128xi32, #tpu.memory_space<hbm>>
        %dma_start3A_874 = tpu.memref_slice %arg12[%select_n3A_433] : memref<8x!tpu.dma_semaphore, #tpu.memory_space<semaphore_mem>> -> memref<1x!tpu.dma_semaphore, #tpu.memory_space<semaphore_mem>>
        %dma_start3A_875 = tpu.memref_squeeze %dma_start3A_874 : memref<1x!tpu.dma_semaphore, #tpu.memory_space<semaphore_mem>> -> memref<!tpu.dma_semaphore, #tpu.memory_space<semaphore_mem>>
        %dma_start3A_876 = arith.constant 0 : i32
        %dma_start3A_877 = tpu.memref_slice %arg8[%select_n3A_433, %dma_start3A_876] : memref<8x128xi32, #tpu.memory_space<vmem>> -> memref<1x128xi32, #tpu.memory_space<vmem>>
        %dma_start3A_878 = tpu.memref_squeeze %dma_start3A_877 : memref<1x128xi32, #tpu.memory_space<vmem>> -> memref<128xi32, #tpu.memory_space<vmem>>
        %dma_start3A_879 = arith.constant 0 : i32
        %dma_start3A_880 = tpu.memref_slice %arg5[%add3A_867, %dma_start3A_879] : memref<2560x128xi32, #tpu.memory_space<hbm>> -> memref<1x128xi32, #tpu.memory_space<hbm>>
        %dma_start3A_881 = tpu.memref_squeeze %dma_start3A_880 : memref<1x128xi32, #tpu.memory_space<hbm>> -> memref<128xi32, #tpu.memory_space<hbm>>
        tpu.enqueue_dma source(%dma_start3A_881 : memref<128xi32, #tpu.memory_space<hbm>>) target(%dma_start3A_878 : memref<128xi32, #tpu.memory_space<vmem>>) target_semaphore(%dma_start3A_875 : memref<!tpu.dma_semaphore, #tpu.memory_space<semaphore_mem>>)
        %add3A_882 = arith.addi %mul3A_2, %add3A_417 : i32
        %dma_wait3A_883 = arith.constant 0 : i32
        %dma_wait3A_884 = tpu.memref_slice %arg7[%select_n3A_433, %dma_wait3A_883] : memref<8x128xi32, #tpu.memory_space<vmem>> -> memref<1x128xi32, #tpu.memory_space<vmem>>
        %dma_wait3A_885 = tpu.memref_squeeze %dma_wait3A_884 : memref<1x128xi32, #tpu.memory_space<vmem>> -> memref<128xi32, #tpu.memory_space<vmem>>
        %dma_wait3A_886 = arith.constant 0 : i32
        %dma_wait3A_887 = tpu.memref_slice %arg4[%add3A_882, %dma_wait3A_886] : memref<2560x128xi32, #tpu.memory_space<hbm>> -> memref<1x128xi32, #tpu.memory_space<hbm>>
        %dma_wait3A_888 = tpu.memref_squeeze %dma_wait3A_887 : memref<1x128xi32, #tpu.memory_space<hbm>> -> memref<128xi32, #tpu.memory_space<hbm>>
        %dma_wait3A_889 = tpu.memref_slice %arg11[%select_n3A_433] : memref<8x!tpu.dma_semaphore, #tpu.memory_space<semaphore_mem>> -> memref<1x!tpu.dma_semaphore, #tpu.memory_space<semaphore_mem>>
        %dma_wait3A_890 = tpu.memref_squeeze %dma_wait3A_889 : memref<1x!tpu.dma_semaphore, #tpu.memory_space<semaphore_mem>> -> memref<!tpu.dma_semaphore, #tpu.memory_space<semaphore_mem>>
        %dma_wait3A_891 = arith.constant 0 : i32
        %dma_wait3A_892 = tpu.memref_slice %arg7[%select_n3A_433, %dma_wait3A_891] : memref<8x128xi32, #tpu.memory_space<vmem>> -> memref<1x128xi32, #tpu.memory_space<vmem>>
        %dma_wait3A_893 = tpu.memref_squeeze %dma_wait3A_892 : memref<1x128xi32, #tpu.memory_space<vmem>> -> memref<128xi32, #tpu.memory_space<vmem>>
        %dma_wait3A_894 = arith.constant 0 : i32
        %dma_wait3A_895 = tpu.memref_slice %arg4[%add3A_882, %dma_wait3A_894] : memref<2560x128xi32, #tpu.memory_space<hbm>> -> memref<1x128xi32, #tpu.memory_space<hbm>>
        %dma_wait3A_896 = tpu.memref_squeeze %dma_wait3A_895 : memref<1x128xi32, #tpu.memory_space<hbm>> -> memref<128xi32, #tpu.memory_space<hbm>>
        tpu.wait_dma2 semaphore(%dma_wait3A_890 : memref<!tpu.dma_semaphore, #tpu.memory_space<semaphore_mem>>) src(%dma_wait3A_896 : memref<128xi32, #tpu.memory_space<hbm>>) dst(%dma_wait3A_893 : memref<128xi32, #tpu.memory_space<vmem>>)
        %mul3A_897 = arith.constant 128 : i32
        %mul3A_898 = arith.muli %select_n3A_433, %mul3A_897 : i32
        %dma_start3A_899 = arith.constant 0 : i32
        %dma_start3A_900 = tpu.memref_slice %arg9[%mul3A_898, %dma_start3A_899] : memref<1024x32xf32, #tpu.memory_space<vmem>> -> memref<128x32xf32, #tpu.memory_space<vmem>>
        %dma_start3A_901 = arith.constant 0 : i32
        %dma_start3A_902 = tpu.memref_slice %arg7[%select_n3A_433, %dma_start3A_901] : memref<8x128xi32, #tpu.memory_space<vmem>> -> memref<1x128xi32, #tpu.memory_space<vmem>>
        %dma_start3A_903 = tpu.memref_squeeze %dma_start3A_902 : memref<1x128xi32, #tpu.memory_space<vmem>> -> memref<128xi32, #tpu.memory_space<vmem>>
        %dma_start3A_904 = arith.constant 0 : i32
        %dma_start3A_905 = arith.constant 0 : i32
        %dma_start3A_906 = tpu.memref_slice %arg2[%dma_start3A_904, %dma_start3A_905] : memref<10000x32xf32, #tpu.memory_space<hbm>> -> memref<10000x32xf32, #tpu.memory_space<hbm>>
        %dma_start3A_907 = tpu.memref_slice %arg13[%select_n3A_433] : memref<8x!tpu.dma_semaphore, #tpu.memory_space<semaphore_mem>> -> memref<1x!tpu.dma_semaphore, #tpu.memory_space<semaphore_mem>>
        %dma_start3A_908 = tpu.memref_squeeze %dma_start3A_907 : memref<1x!tpu.dma_semaphore, #tpu.memory_space<semaphore_mem>> -> memref<!tpu.dma_semaphore, #tpu.memory_space<semaphore_mem>>
        tpu.enqueue_indirect_dma source(%dma_start3A_906 : memref<10000x32xf32, #tpu.memory_space<hbm>>) target(%dma_start3A_900 : memref<128x32xf32, #tpu.memory_space<vmem>>) offsets(%dma_start3A_903 : memref<128xi32, #tpu.memory_space<vmem>>) semaphore(%dma_start3A_908 : memref<!tpu.dma_semaphore, #tpu.memory_space<semaphore_mem>>)
      } else {
      }
      %dma_wait3A_439 = arith.constant 1 : i32
      %dma_wait3A_440 = arith.constant 1 : i32
      %dma_wait3A_441 = arith.constant 128 : i32
      %dma_wait3A_442 = arith.constant 0 : i32
      %dma_wait3A_443 = tpu.memref_slice %arg9[%dma_wait3A_441, %dma_wait3A_442] : memref<1024x32xf32, #tpu.memory_space<vmem>> -> memref<128x32xf32, #tpu.memory_space<vmem>>
      %dma_wait3A_444 = arith.constant 0 : i32
      %dma_wait3A_445 = tpu.memref_slice %arg7[%dma_wait3A_439, %dma_wait3A_444] : memref<8x128xi32, #tpu.memory_space<vmem>> -> memref<1x128xi32, #tpu.memory_space<vmem>>
      %dma_wait3A_446 = tpu.memref_squeeze %dma_wait3A_445 : memref<1x128xi32, #tpu.memory_space<vmem>> -> memref<128xi32, #tpu.memory_space<vmem>>
      %dma_wait3A_447 = arith.constant 0 : i32
      %dma_wait3A_448 = arith.constant 0 : i32
      %dma_wait3A_449 = tpu.memref_slice %arg2[%dma_wait3A_447, %dma_wait3A_448] : memref<10000x32xf32, #tpu.memory_space<hbm>> -> memref<10000x32xf32, #tpu.memory_space<hbm>>
      %dma_wait3A_450 = tpu.memref_slice %arg13[%dma_wait3A_440] : memref<8x!tpu.dma_semaphore, #tpu.memory_space<semaphore_mem>> -> memref<1x!tpu.dma_semaphore, #tpu.memory_space<semaphore_mem>>
      %dma_wait3A_451 = tpu.memref_squeeze %dma_wait3A_450 : memref<1x!tpu.dma_semaphore, #tpu.memory_space<semaphore_mem>> -> memref<!tpu.dma_semaphore, #tpu.memory_space<semaphore_mem>>
      tpu.wait_indirect_dma semaphore(%dma_wait3A_451 : memref<!tpu.dma_semaphore, #tpu.memory_space<semaphore_mem>>) src(%dma_wait3A_449 : memref<10000x32xf32, #tpu.memory_space<hbm>>) dst(%dma_wait3A_443 : memref<128x32xf32, #tpu.memory_space<vmem>>)
      %add3A_452 = arith.constant 8 : i32
      %add3A_453 = arith.addi %add3A_415, %add3A_452 : i32
      %lt3A_454 = arith.constant 80 : i32
      %lt3A_455 = arith.cmpi slt, %add3A_453, %lt3A_454 : i32
      %convert_element_type3A_456 = arith.extui %lt3A_455 : i1 to i32
      %cond3A_457 = arith.constant 0 : i32
      %cond3A_458 = arith.cmpi ne, %convert_element_type3A_456, %cond3A_457 : i32
      scf.if %cond3A_458 {
        %add3A_867 = arith.addi %mul3A_2, %add3A_453 : i32
        %dma_start3A_868 = arith.constant 1 : i32
        %dma_start3A_869 = arith.constant 1 : i32
        %dma_start3A_870 = arith.constant 0 : i32
        %dma_start3A_871 = tpu.memref_slice %arg7[%dma_start3A_868, %dma_start3A_870] : memref<8x128xi32, #tpu.memory_space<vmem>> -> memref<1x128xi32, #tpu.memory_space<vmem>>
        %dma_start3A_872 = tpu.memref_squeeze %dma_start3A_871 : memref<1x128xi32, #tpu.memory_space<vmem>> -> memref<128xi32, #tpu.memory_space<vmem>>
        %dma_start3A_873 = arith.constant 0 : i32
        %dma_start3A_874 = tpu.memref_slice %arg4[%add3A_867, %dma_start3A_873] : memref<2560x128xi32, #tpu.memory_space<hbm>> -> memref<1x128xi32, #tpu.memory_space<hbm>>
        %dma_start3A_875 = tpu.memref_squeeze %dma_start3A_874 : memref<1x128xi32, #tpu.memory_space<hbm>> -> memref<128xi32, #tpu.memory_space<hbm>>
        %dma_start3A_876 = tpu.memref_slice %arg11[%dma_start3A_869] : memref<8x!tpu.dma_semaphore, #tpu.memory_space<semaphore_mem>> -> memref<1x!tpu.dma_semaphore, #tpu.memory_space<semaphore_mem>>
        %dma_start3A_877 = tpu.memref_squeeze %dma_start3A_876 : memref<1x!tpu.dma_semaphore, #tpu.memory_space<semaphore_mem>> -> memref<!tpu.dma_semaphore, #tpu.memory_space<semaphore_mem>>
        %dma_start3A_878 = arith.constant 0 : i32
        %dma_start3A_879 = tpu.memref_slice %arg7[%dma_start3A_868, %dma_start3A_878] : memref<8x128xi32, #tpu.memory_space<vmem>> -> memref<1x128xi32, #tpu.memory_space<vmem>>
        %dma_start3A_880 = tpu.memref_squeeze %dma_start3A_879 : memref<1x128xi32, #tpu.memory_space<vmem>> -> memref<128xi32, #tpu.memory_space<vmem>>
        %dma_start3A_881 = arith.constant 0 : i32
        %dma_start3A_882 = tpu.memref_slice %arg4[%add3A_867, %dma_start3A_881] : memref<2560x128xi32, #tpu.memory_space<hbm>> -> memref<1x128xi32, #tpu.memory_space<hbm>>
        %dma_start3A_883 = tpu.memref_squeeze %dma_start3A_882 : memref<1x128xi32, #tpu.memory_space<hbm>> -> memref<128xi32, #tpu.memory_space<hbm>>
        tpu.enqueue_dma source(%dma_start3A_883 : memref<128xi32, #tpu.memory_space<hbm>>) target(%dma_start3A_880 : memref<128xi32, #tpu.memory_space<vmem>>) target_semaphore(%dma_start3A_877 : memref<!tpu.dma_semaphore, #tpu.memory_space<semaphore_mem>>)
      } else {
      }
      %add3A_459 = arith.addi %mul3A_2, %add3A_415 : i32
      %dma_wait3A_460 = arith.constant 1 : i32
      %dma_wait3A_461 = arith.constant 1 : i32
      %dma_wait3A_462 = arith.constant 0 : i32
      %dma_wait3A_463 = tpu.memref_slice %arg8[%dma_wait3A_460, %dma_wait3A_462] : memref<8x128xi32, #tpu.memory_space<vmem>> -> memref<1x128xi32, #tpu.memory_space<vmem>>
      %dma_wait3A_464 = tpu.memref_squeeze %dma_wait3A_463 : memref<1x128xi32, #tpu.memory_space<vmem>> -> memref<128xi32, #tpu.memory_space<vmem>>
      %dma_wait3A_465 = arith.constant 0 : i32
      %dma_wait3A_466 = tpu.memref_slice %arg5[%add3A_459, %dma_wait3A_465] : memref<2560x128xi32, #tpu.memory_space<hbm>> -> memref<1x128xi32, #tpu.memory_space<hbm>>
      %dma_wait3A_467 = tpu.memref_squeeze %dma_wait3A_466 : memref<1x128xi32, #tpu.memory_space<hbm>> -> memref<128xi32, #tpu.memory_space<hbm>>
      %dma_wait3A_468 = tpu.memref_slice %arg12[%dma_wait3A_461] : memref<8x!tpu.dma_semaphore, #tpu.memory_space<semaphore_mem>> -> memref<1x!tpu.dma_semaphore, #tpu.memory_space<semaphore_mem>>
      %dma_wait3A_469 = tpu.memref_squeeze %dma_wait3A_468 : memref<1x!tpu.dma_semaphore, #tpu.memory_space<semaphore_mem>> -> memref<!tpu.dma_semaphore, #tpu.memory_space<semaphore_mem>>
      %dma_wait3A_470 = arith.constant 0 : i32
      %dma_wait3A_471 = tpu.memref_slice %arg8[%dma_wait3A_460, %dma_wait3A_470] : memref<8x128xi32, #tpu.memory_space<vmem>> -> memref<1x128xi32, #tpu.memory_space<vmem>>
      %dma_wait3A_472 = tpu.memref_squeeze %dma_wait3A_471 : memref<1x128xi32, #tpu.memory_space<vmem>> -> memref<128xi32, #tpu.memory_space<vmem>>
      %dma_wait3A_473 = arith.constant 0 : i32
      %dma_wait3A_474 = tpu.memref_slice %arg5[%add3A_459, %dma_wait3A_473] : memref<2560x128xi32, #tpu.memory_space<hbm>> -> memref<1x128xi32, #tpu.memory_space<hbm>>
      %dma_wait3A_475 = tpu.memref_squeeze %dma_wait3A_474 : memref<1x128xi32, #tpu.memory_space<hbm>> -> memref<128xi32, #tpu.memory_space<hbm>>
      tpu.wait_dma2 semaphore(%dma_wait3A_469 : memref<!tpu.dma_semaphore, #tpu.memory_space<semaphore_mem>>) src(%dma_wait3A_475 : memref<128xi32, #tpu.memory_space<hbm>>) dst(%dma_wait3A_472 : memref<128xi32, #tpu.memory_space<vmem>>)
      %run_scoped3A_476 = arith.constant 1 : i32
      "tpu.region"() ({
        %run_scoped3A_867 = tpu.sem_alloc : memref<!tpu.dma_semaphore, #tpu.memory_space<semaphore_mem>>
        %dma_start3A_868 = arith.constant 128 : i32
        %dma_start3A_869 = arith.constant 0 : i32
        %dma_start3A_870 = tpu.memref_slice %arg9[%dma_start3A_868, %dma_start3A_869] : memref<1024x32xf32, #tpu.memory_space<vmem>> -> memref<128x32xf32, #tpu.memory_space<vmem>>
        %dma_start3A_871 = arith.constant 0 : i32
        %dma_start3A_872 = tpu.memref_slice %arg8[%run_scoped3A_476, %dma_start3A_871] : memref<8x128xi32, #tpu.memory_space<vmem>> -> memref<1x128xi32, #tpu.memory_space<vmem>>
        %dma_start3A_873 = tpu.memref_squeeze %dma_start3A_872 : memref<1x128xi32, #tpu.memory_space<vmem>> -> memref<128xi32, #tpu.memory_space<vmem>>
        %dma_start3A_874 = arith.constant 0 : i32
        %dma_start3A_875 = arith.constant 0 : i32
        %dma_start3A_876 = tpu.memref_slice %arg10[%dma_start3A_874, %dma_start3A_875] : memref<10112x32xf32, #tpu.memory_space<vmem_shared>> -> memref<10112x32xf32, #tpu.memory_space<vmem_shared>>
        tpu.enqueue_indirect_dma source(%dma_start3A_870 : memref<128x32xf32, #tpu.memory_space<vmem>>) target(%dma_start3A_876 : memref<10112x32xf32, #tpu.memory_space<vmem_shared>>) offsets(%dma_start3A_873 : memref<128xi32, #tpu.memory_space<vmem>>) semaphore(%run_scoped3A_867 : memref<!tpu.dma_semaphore, #tpu.memory_space<semaphore_mem>>) {add = true}
        %dma_wait3A_877 = arith.constant 128 : i32
        %dma_wait3A_878 = arith.constant 0 : i32
        %dma_wait3A_879 = tpu.memref_slice %arg9[%dma_wait3A_877, %dma_wait3A_878] : memref<1024x32xf32, #tpu.memory_space<vmem>> -> memref<128x32xf32, #tpu.memory_space<vmem>>
        %dma_wait3A_880 = arith.constant 0 : i32
        %dma_wait3A_881 = tpu.memref_slice %arg8[%run_scoped3A_476, %dma_wait3A_880] : memref<8x128xi32, #tpu.memory_space<vmem>> -> memref<1x128xi32, #tpu.memory_space<vmem>>
        %dma_wait3A_882 = tpu.memref_squeeze %dma_wait3A_881 : memref<1x128xi32, #tpu.memory_space<vmem>> -> memref<128xi32, #tpu.memory_space<vmem>>
        %dma_wait3A_883 = arith.constant 0 : i32
        %dma_wait3A_884 = arith.constant 0 : i32
        %dma_wait3A_885 = tpu.memref_slice %arg10[%dma_wait3A_883, %dma_wait3A_884] : memref<10112x32xf32, #tpu.memory_space<vmem_shared>> -> memref<10112x32xf32, #tpu.memory_space<vmem_shared>>
        tpu.wait_indirect_dma semaphore(%run_scoped3A_867 : memref<!tpu.dma_semaphore, #tpu.memory_space<semaphore_mem>>) src(%dma_wait3A_879 : memref<128x32xf32, #tpu.memory_space<vmem>>) dst(%dma_wait3A_885 : memref<10112x32xf32, #tpu.memory_space<vmem_shared>>)
        tpu.yield
      }) : () -> ()
      %mul3A_477 = arith.constant 8 : i32
      %mul3A_478 = arith.muli %scan3A_356, %mul3A_477 : i32
      %add3A_479 = arith.constant 2 : i32
      %add3A_480 = arith.addi %mul3A_478, %add3A_479 : i32
      %add3A_481 = arith.constant 4 : i32
      %add3A_482 = arith.addi %add3A_480, %add3A_481 : i32
      %jit3A_483 = arith.constant 8 : i32
      %eq3A_484 = arith.constant 0 : i32
      %eq3A_485 = arith.cmpi eq, %jit3A_483, %eq3A_484 : i32
      %jit3A_486 = arith.constant 1 : i32
      %select_n3A_487 = arith.select %eq3A_485, %jit3A_486, %jit3A_483 : i32
      %rem3A_488 = arith.remsi %add3A_482, %select_n3A_487 : i32
      %ne3A_489 = arith.constant 0 : i32
      %ne3A_490 = arith.cmpi ne, %rem3A_488, %ne3A_489 : i32
      %lt3A_491 = arith.constant 0 : i32
      %lt3A_492 = arith.cmpi slt, %rem3A_488, %lt3A_491 : i32
      %lt3A_493 = arith.constant 0 : i32
      %lt3A_494 = arith.cmpi slt, %select_n3A_487, %lt3A_493 : i32
      %ne3A_495 = arith.xori %lt3A_492, %lt3A_494 : i1
      %and3A_496 = arith.andi %ne3A_495, %ne3A_490 : i1
      %add3A_497 = arith.addi %rem3A_488, %select_n3A_487 : i32
      %select_n3A_498 = arith.select %and3A_496, %add3A_497, %rem3A_488 : i32
      %lt3A_499 = arith.constant 80 : i32
      %lt3A_500 = arith.cmpi slt, %add3A_482, %lt3A_499 : i32
      %convert_element_type3A_501 = arith.extui %lt3A_500 : i1 to i32
      %cond3A_502 = arith.constant 0 : i32
      %cond3A_503 = arith.cmpi ne, %convert_element_type3A_501, %cond3A_502 : i32
      scf.if %cond3A_503 {
        %add3A_867 = arith.addi %mul3A_2, %add3A_482 : i32
        %dma_start3A_868 = arith.constant 0 : i32
        %dma_start3A_869 = tpu.memref_slice %arg8[%select_n3A_498, %dma_start3A_868] : memref<8x128xi32, #tpu.memory_space<vmem>> -> memref<1x128xi32, #tpu.memory_space<vmem>>
        %dma_start3A_870 = tpu.memref_squeeze %dma_start3A_869 : memref<1x128xi32, #tpu.memory_space<vmem>> -> memref<128xi32, #tpu.memory_space<vmem>>
        %dma_start3A_871 = arith.constant 0 : i32
        %dma_start3A_872 = tpu.memref_slice %arg5[%add3A_867, %dma_start3A_871] : memref<2560x128xi32, #tpu.memory_space<hbm>> -> memref<1x128xi32, #tpu.memory_space<hbm>>
        %dma_start3A_873 = tpu.memref_squeeze %dma_start3A_872 : memref<1x128xi32, #tpu.memory_space<hbm>> -> memref<128xi32, #tpu.memory_space<hbm>>
        %dma_start3A_874 = tpu.memref_slice %arg12[%select_n3A_498] : memref<8x!tpu.dma_semaphore, #tpu.memory_space<semaphore_mem>> -> memref<1x!tpu.dma_semaphore, #tpu.memory_space<semaphore_mem>>
        %dma_start3A_875 = tpu.memref_squeeze %dma_start3A_874 : memref<1x!tpu.dma_semaphore, #tpu.memory_space<semaphore_mem>> -> memref<!tpu.dma_semaphore, #tpu.memory_space<semaphore_mem>>
        %dma_start3A_876 = arith.constant 0 : i32
        %dma_start3A_877 = tpu.memref_slice %arg8[%select_n3A_498, %dma_start3A_876] : memref<8x128xi32, #tpu.memory_space<vmem>> -> memref<1x128xi32, #tpu.memory_space<vmem>>
        %dma_start3A_878 = tpu.memref_squeeze %dma_start3A_877 : memref<1x128xi32, #tpu.memory_space<vmem>> -> memref<128xi32, #tpu.memory_space<vmem>>
        %dma_start3A_879 = arith.constant 0 : i32
        %dma_start3A_880 = tpu.memref_slice %arg5[%add3A_867, %dma_start3A_879] : memref<2560x128xi32, #tpu.memory_space<hbm>> -> memref<1x128xi32, #tpu.memory_space<hbm>>
        %dma_start3A_881 = tpu.memref_squeeze %dma_start3A_880 : memref<1x128xi32, #tpu.memory_space<hbm>> -> memref<128xi32, #tpu.memory_space<hbm>>
        tpu.enqueue_dma source(%dma_start3A_881 : memref<128xi32, #tpu.memory_space<hbm>>) target(%dma_start3A_878 : memref<128xi32, #tpu.memory_space<vmem>>) target_semaphore(%dma_start3A_875 : memref<!tpu.dma_semaphore, #tpu.memory_space<semaphore_mem>>)
        %add3A_882 = arith.addi %mul3A_2, %add3A_482 : i32
        %dma_wait3A_883 = arith.constant 0 : i32
        %dma_wait3A_884 = tpu.memref_slice %arg7[%select_n3A_498, %dma_wait3A_883] : memref<8x128xi32, #tpu.memory_space<vmem>> -> memref<1x128xi32, #tpu.memory_space<vmem>>
        %dma_wait3A_885 = tpu.memref_squeeze %dma_wait3A_884 : memref<1x128xi32, #tpu.memory_space<vmem>> -> memref<128xi32, #tpu.memory_space<vmem>>
        %dma_wait3A_886 = arith.constant 0 : i32
        %dma_wait3A_887 = tpu.memref_slice %arg4[%add3A_882, %dma_wait3A_886] : memref<2560x128xi32, #tpu.memory_space<hbm>> -> memref<1x128xi32, #tpu.memory_space<hbm>>
        %dma_wait3A_888 = tpu.memref_squeeze %dma_wait3A_887 : memref<1x128xi32, #tpu.memory_space<hbm>> -> memref<128xi32, #tpu.memory_space<hbm>>
        %dma_wait3A_889 = tpu.memref_slice %arg11[%select_n3A_498] : memref<8x!tpu.dma_semaphore, #tpu.memory_space<semaphore_mem>> -> memref<1x!tpu.dma_semaphore, #tpu.memory_space<semaphore_mem>>
        %dma_wait3A_890 = tpu.memref_squeeze %dma_wait3A_889 : memref<1x!tpu.dma_semaphore, #tpu.memory_space<semaphore_mem>> -> memref<!tpu.dma_semaphore, #tpu.memory_space<semaphore_mem>>
        %dma_wait3A_891 = arith.constant 0 : i32
        %dma_wait3A_892 = tpu.memref_slice %arg7[%select_n3A_498, %dma_wait3A_891] : memref<8x128xi32, #tpu.memory_space<vmem>> -> memref<1x128xi32, #tpu.memory_space<vmem>>
        %dma_wait3A_893 = tpu.memref_squeeze %dma_wait3A_892 : memref<1x128xi32, #tpu.memory_space<vmem>> -> memref<128xi32, #tpu.memory_space<vmem>>
        %dma_wait3A_894 = arith.constant 0 : i32
        %dma_wait3A_895 = tpu.memref_slice %arg4[%add3A_882, %dma_wait3A_894] : memref<2560x128xi32, #tpu.memory_space<hbm>> -> memref<1x128xi32, #tpu.memory_space<hbm>>
        %dma_wait3A_896 = tpu.memref_squeeze %dma_wait3A_895 : memref<1x128xi32, #tpu.memory_space<hbm>> -> memref<128xi32, #tpu.memory_space<hbm>>
        tpu.wait_dma2 semaphore(%dma_wait3A_890 : memref<!tpu.dma_semaphore, #tpu.memory_space<semaphore_mem>>) src(%dma_wait3A_896 : memref<128xi32, #tpu.memory_space<hbm>>) dst(%dma_wait3A_893 : memref<128xi32, #tpu.memory_space<vmem>>)
        %mul3A_897 = arith.constant 128 : i32
        %mul3A_898 = arith.muli %select_n3A_498, %mul3A_897 : i32
        %dma_start3A_899 = arith.constant 0 : i32
        %dma_start3A_900 = tpu.memref_slice %arg9[%mul3A_898, %dma_start3A_899] : memref<1024x32xf32, #tpu.memory_space<vmem>> -> memref<128x32xf32, #tpu.memory_space<vmem>>
        %dma_start3A_901 = arith.constant 0 : i32
        %dma_start3A_902 = tpu.memref_slice %arg7[%select_n3A_498, %dma_start3A_901] : memref<8x128xi32, #tpu.memory_space<vmem>> -> memref<1x128xi32, #tpu.memory_space<vmem>>
        %dma_start3A_903 = tpu.memref_squeeze %dma_start3A_902 : memref<1x128xi32, #tpu.memory_space<vmem>> -> memref<128xi32, #tpu.memory_space<vmem>>
        %dma_start3A_904 = arith.constant 0 : i32
        %dma_start3A_905 = arith.constant 0 : i32
        %dma_start3A_906 = tpu.memref_slice %arg2[%dma_start3A_904, %dma_start3A_905] : memref<10000x32xf32, #tpu.memory_space<hbm>> -> memref<10000x32xf32, #tpu.memory_space<hbm>>
        %dma_start3A_907 = tpu.memref_slice %arg13[%select_n3A_498] : memref<8x!tpu.dma_semaphore, #tpu.memory_space<semaphore_mem>> -> memref<1x!tpu.dma_semaphore, #tpu.memory_space<semaphore_mem>>
        %dma_start3A_908 = tpu.memref_squeeze %dma_start3A_907 : memref<1x!tpu.dma_semaphore, #tpu.memory_space<semaphore_mem>> -> memref<!tpu.dma_semaphore, #tpu.memory_space<semaphore_mem>>
        tpu.enqueue_indirect_dma source(%dma_start3A_906 : memref<10000x32xf32, #tpu.memory_space<hbm>>) target(%dma_start3A_900 : memref<128x32xf32, #tpu.memory_space<vmem>>) offsets(%dma_start3A_903 : memref<128xi32, #tpu.memory_space<vmem>>) semaphore(%dma_start3A_908 : memref<!tpu.dma_semaphore, #tpu.memory_space<semaphore_mem>>)
      } else {
      }
      %dma_wait3A_504 = arith.constant 2 : i32
      %dma_wait3A_505 = arith.constant 2 : i32
      %dma_wait3A_506 = arith.constant 256 : i32
      %dma_wait3A_507 = arith.constant 0 : i32
      %dma_wait3A_508 = tpu.memref_slice %arg9[%dma_wait3A_506, %dma_wait3A_507] : memref<1024x32xf32, #tpu.memory_space<vmem>> -> memref<128x32xf32, #tpu.memory_space<vmem>>
      %dma_wait3A_509 = arith.constant 0 : i32
      %dma_wait3A_510 = tpu.memref_slice %arg7[%dma_wait3A_504, %dma_wait3A_509] : memref<8x128xi32, #tpu.memory_space<vmem>> -> memref<1x128xi32, #tpu.memory_space<vmem>>
      %dma_wait3A_511 = tpu.memref_squeeze %dma_wait3A_510 : memref<1x128xi32, #tpu.memory_space<vmem>> -> memref<128xi32, #tpu.memory_space<vmem>>
      %dma_wait3A_512 = arith.constant 0 : i32
      %dma_wait3A_513 = arith.constant 0 : i32
      %dma_wait3A_514 = tpu.memref_slice %arg2[%dma_wait3A_512, %dma_wait3A_513] : memref<10000x32xf32, #tpu.memory_space<hbm>> -> memref<10000x32xf32, #tpu.memory_space<hbm>>
      %dma_wait3A_515 = tpu.memref_slice %arg13[%dma_wait3A_505] : memref<8x!tpu.dma_semaphore, #tpu.memory_space<semaphore_mem>> -> memref<1x!tpu.dma_semaphore, #tpu.memory_space<semaphore_mem>>
      %dma_wait3A_516 = tpu.memref_squeeze %dma_wait3A_515 : memref<1x!tpu.dma_semaphore, #tpu.memory_space<semaphore_mem>> -> memref<!tpu.dma_semaphore, #tpu.memory_space<semaphore_mem>>
      tpu.wait_indirect_dma semaphore(%dma_wait3A_516 : memref<!tpu.dma_semaphore, #tpu.memory_space<semaphore_mem>>) src(%dma_wait3A_514 : memref<10000x32xf32, #tpu.memory_space<hbm>>) dst(%dma_wait3A_508 : memref<128x32xf32, #tpu.memory_space<vmem>>)
      %add3A_517 = arith.constant 8 : i32
      %add3A_518 = arith.addi %add3A_480, %add3A_517 : i32
      %lt3A_519 = arith.constant 80 : i32
      %lt3A_520 = arith.cmpi slt, %add3A_518, %lt3A_519 : i32
      %convert_element_type3A_521 = arith.extui %lt3A_520 : i1 to i32
      %cond3A_522 = arith.constant 0 : i32
      %cond3A_523 = arith.cmpi ne, %convert_element_type3A_521, %cond3A_522 : i32
      scf.if %cond3A_523 {
        %add3A_867 = arith.addi %mul3A_2, %add3A_518 : i32
        %dma_start3A_868 = arith.constant 2 : i32
        %dma_start3A_869 = arith.constant 2 : i32
        %dma_start3A_870 = arith.constant 0 : i32
        %dma_start3A_871 = tpu.memref_slice %arg7[%dma_start3A_868, %dma_start3A_870] : memref<8x128xi32, #tpu.memory_space<vmem>> -> memref<1x128xi32, #tpu.memory_space<vmem>>
        %dma_start3A_872 = tpu.memref_squeeze %dma_start3A_871 : memref<1x128xi32, #tpu.memory_space<vmem>> -> memref<128xi32, #tpu.memory_space<vmem>>
        %dma_start3A_873 = arith.constant 0 : i32
        %dma_start3A_874 = tpu.memref_slice %arg4[%add3A_867, %dma_start3A_873] : memref<2560x128xi32, #tpu.memory_space<hbm>> -> memref<1x128xi32, #tpu.memory_space<hbm>>
        %dma_start3A_875 = tpu.memref_squeeze %dma_start3A_874 : memref<1x128xi32, #tpu.memory_space<hbm>> -> memref<128xi32, #tpu.memory_space<hbm>>
        %dma_start3A_876 = tpu.memref_slice %arg11[%dma_start3A_869] : memref<8x!tpu.dma_semaphore, #tpu.memory_space<semaphore_mem>> -> memref<1x!tpu.dma_semaphore, #tpu.memory_space<semaphore_mem>>
        %dma_start3A_877 = tpu.memref_squeeze %dma_start3A_876 : memref<1x!tpu.dma_semaphore, #tpu.memory_space<semaphore_mem>> -> memref<!tpu.dma_semaphore, #tpu.memory_space<semaphore_mem>>
        %dma_start3A_878 = arith.constant 0 : i32
        %dma_start3A_879 = tpu.memref_slice %arg7[%dma_start3A_868, %dma_start3A_878] : memref<8x128xi32, #tpu.memory_space<vmem>> -> memref<1x128xi32, #tpu.memory_space<vmem>>
        %dma_start3A_880 = tpu.memref_squeeze %dma_start3A_879 : memref<1x128xi32, #tpu.memory_space<vmem>> -> memref<128xi32, #tpu.memory_space<vmem>>
        %dma_start3A_881 = arith.constant 0 : i32
        %dma_start3A_882 = tpu.memref_slice %arg4[%add3A_867, %dma_start3A_881] : memref<2560x128xi32, #tpu.memory_space<hbm>> -> memref<1x128xi32, #tpu.memory_space<hbm>>
        %dma_start3A_883 = tpu.memref_squeeze %dma_start3A_882 : memref<1x128xi32, #tpu.memory_space<hbm>> -> memref<128xi32, #tpu.memory_space<hbm>>
        tpu.enqueue_dma source(%dma_start3A_883 : memref<128xi32, #tpu.memory_space<hbm>>) target(%dma_start3A_880 : memref<128xi32, #tpu.memory_space<vmem>>) target_semaphore(%dma_start3A_877 : memref<!tpu.dma_semaphore, #tpu.memory_space<semaphore_mem>>)
      } else {
      }
      %add3A_524 = arith.addi %mul3A_2, %add3A_480 : i32
      %dma_wait3A_525 = arith.constant 2 : i32
      %dma_wait3A_526 = arith.constant 2 : i32
      %dma_wait3A_527 = arith.constant 0 : i32
      %dma_wait3A_528 = tpu.memref_slice %arg8[%dma_wait3A_525, %dma_wait3A_527] : memref<8x128xi32, #tpu.memory_space<vmem>> -> memref<1x128xi32, #tpu.memory_space<vmem>>
      %dma_wait3A_529 = tpu.memref_squeeze %dma_wait3A_528 : memref<1x128xi32, #tpu.memory_space<vmem>> -> memref<128xi32, #tpu.memory_space<vmem>>
      %dma_wait3A_530 = arith.constant 0 : i32
      %dma_wait3A_531 = tpu.memref_slice %arg5[%add3A_524, %dma_wait3A_530] : memref<2560x128xi32, #tpu.memory_space<hbm>> -> memref<1x128xi32, #tpu.memory_space<hbm>>
      %dma_wait3A_532 = tpu.memref_squeeze %dma_wait3A_531 : memref<1x128xi32, #tpu.memory_space<hbm>> -> memref<128xi32, #tpu.memory_space<hbm>>
      %dma_wait3A_533 = tpu.memref_slice %arg12[%dma_wait3A_526] : memref<8x!tpu.dma_semaphore, #tpu.memory_space<semaphore_mem>> -> memref<1x!tpu.dma_semaphore, #tpu.memory_space<semaphore_mem>>
      %dma_wait3A_534 = tpu.memref_squeeze %dma_wait3A_533 : memref<1x!tpu.dma_semaphore, #tpu.memory_space<semaphore_mem>> -> memref<!tpu.dma_semaphore, #tpu.memory_space<semaphore_mem>>
      %dma_wait3A_535 = arith.constant 0 : i32
      %dma_wait3A_536 = tpu.memref_slice %arg8[%dma_wait3A_525, %dma_wait3A_535] : memref<8x128xi32, #tpu.memory_space<vmem>> -> memref<1x128xi32, #tpu.memory_space<vmem>>
      %dma_wait3A_537 = tpu.memref_squeeze %dma_wait3A_536 : memref<1x128xi32, #tpu.memory_space<vmem>> -> memref<128xi32, #tpu.memory_space<vmem>>
      %dma_wait3A_538 = arith.constant 0 : i32
      %dma_wait3A_539 = tpu.memref_slice %arg5[%add3A_524, %dma_wait3A_538] : memref<2560x128xi32, #tpu.memory_space<hbm>> -> memref<1x128xi32, #tpu.memory_space<hbm>>
      %dma_wait3A_540 = tpu.memref_squeeze %dma_wait3A_539 : memref<1x128xi32, #tpu.memory_space<hbm>> -> memref<128xi32, #tpu.memory_space<hbm>>
      tpu.wait_dma2 semaphore(%dma_wait3A_534 : memref<!tpu.dma_semaphore, #tpu.memory_space<semaphore_mem>>) src(%dma_wait3A_540 : memref<128xi32, #tpu.memory_space<hbm>>) dst(%dma_wait3A_537 : memref<128xi32, #tpu.memory_space<vmem>>)
      %run_scoped3A_541 = arith.constant 2 : i32
      "tpu.region"() ({
        %run_scoped3A_867 = tpu.sem_alloc : memref<!tpu.dma_semaphore, #tpu.memory_space<semaphore_mem>>
        %dma_start3A_868 = arith.constant 256 : i32
        %dma_start3A_869 = arith.constant 0 : i32
        %dma_start3A_870 = tpu.memref_slice %arg9[%dma_start3A_868, %dma_start3A_869] : memref<1024x32xf32, #tpu.memory_space<vmem>> -> memref<128x32xf32, #tpu.memory_space<vmem>>
        %dma_start3A_871 = arith.constant 0 : i32
        %dma_start3A_872 = tpu.memref_slice %arg8[%run_scoped3A_541, %dma_start3A_871] : memref<8x128xi32, #tpu.memory_space<vmem>> -> memref<1x128xi32, #tpu.memory_space<vmem>>
        %dma_start3A_873 = tpu.memref_squeeze %dma_start3A_872 : memref<1x128xi32, #tpu.memory_space<vmem>> -> memref<128xi32, #tpu.memory_space<vmem>>
        %dma_start3A_874 = arith.constant 0 : i32
        %dma_start3A_875 = arith.constant 0 : i32
        %dma_start3A_876 = tpu.memref_slice %arg10[%dma_start3A_874, %dma_start3A_875] : memref<10112x32xf32, #tpu.memory_space<vmem_shared>> -> memref<10112x32xf32, #tpu.memory_space<vmem_shared>>
        tpu.enqueue_indirect_dma source(%dma_start3A_870 : memref<128x32xf32, #tpu.memory_space<vmem>>) target(%dma_start3A_876 : memref<10112x32xf32, #tpu.memory_space<vmem_shared>>) offsets(%dma_start3A_873 : memref<128xi32, #tpu.memory_space<vmem>>) semaphore(%run_scoped3A_867 : memref<!tpu.dma_semaphore, #tpu.memory_space<semaphore_mem>>) {add = true}
        %dma_wait3A_877 = arith.constant 256 : i32
        %dma_wait3A_878 = arith.constant 0 : i32
        %dma_wait3A_879 = tpu.memref_slice %arg9[%dma_wait3A_877, %dma_wait3A_878] : memref<1024x32xf32, #tpu.memory_space<vmem>> -> memref<128x32xf32, #tpu.memory_space<vmem>>
        %dma_wait3A_880 = arith.constant 0 : i32
        %dma_wait3A_881 = tpu.memref_slice %arg8[%run_scoped3A_541, %dma_wait3A_880] : memref<8x128xi32, #tpu.memory_space<vmem>> -> memref<1x128xi32, #tpu.memory_space<vmem>>
        %dma_wait3A_882 = tpu.memref_squeeze %dma_wait3A_881 : memref<1x128xi32, #tpu.memory_space<vmem>> -> memref<128xi32, #tpu.memory_space<vmem>>
        %dma_wait3A_883 = arith.constant 0 : i32
        %dma_wait3A_884 = arith.constant 0 : i32
        %dma_wait3A_885 = tpu.memref_slice %arg10[%dma_wait3A_883, %dma_wait3A_884] : memref<10112x32xf32, #tpu.memory_space<vmem_shared>> -> memref<10112x32xf32, #tpu.memory_space<vmem_shared>>
        tpu.wait_indirect_dma semaphore(%run_scoped3A_867 : memref<!tpu.dma_semaphore, #tpu.memory_space<semaphore_mem>>) src(%dma_wait3A_879 : memref<128x32xf32, #tpu.memory_space<vmem>>) dst(%dma_wait3A_885 : memref<10112x32xf32, #tpu.memory_space<vmem_shared>>)
        tpu.yield
      }) : () -> ()
      %mul3A_542 = arith.constant 8 : i32
      %mul3A_543 = arith.muli %scan3A_356, %mul3A_542 : i32
      %add3A_544 = arith.constant 3 : i32
      %add3A_545 = arith.addi %mul3A_543, %add3A_544 : i32
      %add3A_546 = arith.constant 4 : i32
      %add3A_547 = arith.addi %add3A_545, %add3A_546 : i32
      %jit3A_548 = arith.constant 8 : i32
      %eq3A_549 = arith.constant 0 : i32
      %eq3A_550 = arith.cmpi eq, %jit3A_548, %eq3A_549 : i32
      %jit3A_551 = arith.constant 1 : i32
      %select_n3A_552 = arith.select %eq3A_550, %jit3A_551, %jit3A_548 : i32
      %rem3A_553 = arith.remsi %add3A_547, %select_n3A_552 : i32
      %ne3A_554 = arith.constant 0 : i32
      %ne3A_555 = arith.cmpi ne, %rem3A_553, %ne3A_554 : i32
      %lt3A_556 = arith.constant 0 : i32
      %lt3A_557 = arith.cmpi slt, %rem3A_553, %lt3A_556 : i32
      %lt3A_558 = arith.constant 0 : i32
      %lt3A_559 = arith.cmpi slt, %select_n3A_552, %lt3A_558 : i32
      %ne3A_560 = arith.xori %lt3A_557, %lt3A_559 : i1
      %and3A_561 = arith.andi %ne3A_560, %ne3A_555 : i1
      %add3A_562 = arith.addi %rem3A_553, %select_n3A_552 : i32
      %select_n3A_563 = arith.select %and3A_561, %add3A_562, %rem3A_553 : i32
      %lt3A_564 = arith.constant 80 : i32
      %lt3A_565 = arith.cmpi slt, %add3A_547, %lt3A_564 : i32
      %convert_element_type3A_566 = arith.extui %lt3A_565 : i1 to i32
      %cond3A_567 = arith.constant 0 : i32
      %cond3A_568 = arith.cmpi ne, %convert_element_type3A_566, %cond3A_567 : i32
      scf.if %cond3A_568 {
        %add3A_867 = arith.addi %mul3A_2, %add3A_547 : i32
        %dma_start3A_868 = arith.constant 0 : i32
        %dma_start3A_869 = tpu.memref_slice %arg8[%select_n3A_563, %dma_start3A_868] : memref<8x128xi32, #tpu.memory_space<vmem>> -> memref<1x128xi32, #tpu.memory_space<vmem>>
        %dma_start3A_870 = tpu.memref_squeeze %dma_start3A_869 : memref<1x128xi32, #tpu.memory_space<vmem>> -> memref<128xi32, #tpu.memory_space<vmem>>
        %dma_start3A_871 = arith.constant 0 : i32
        %dma_start3A_872 = tpu.memref_slice %arg5[%add3A_867, %dma_start3A_871] : memref<2560x128xi32, #tpu.memory_space<hbm>> -> memref<1x128xi32, #tpu.memory_space<hbm>>
        %dma_start3A_873 = tpu.memref_squeeze %dma_start3A_872 : memref<1x128xi32, #tpu.memory_space<hbm>> -> memref<128xi32, #tpu.memory_space<hbm>>
        %dma_start3A_874 = tpu.memref_slice %arg12[%select_n3A_563] : memref<8x!tpu.dma_semaphore, #tpu.memory_space<semaphore_mem>> -> memref<1x!tpu.dma_semaphore, #tpu.memory_space<semaphore_mem>>
        %dma_start3A_875 = tpu.memref_squeeze %dma_start3A_874 : memref<1x!tpu.dma_semaphore, #tpu.memory_space<semaphore_mem>> -> memref<!tpu.dma_semaphore, #tpu.memory_space<semaphore_mem>>
        %dma_start3A_876 = arith.constant 0 : i32
        %dma_start3A_877 = tpu.memref_slice %arg8[%select_n3A_563, %dma_start3A_876] : memref<8x128xi32, #tpu.memory_space<vmem>> -> memref<1x128xi32, #tpu.memory_space<vmem>>
        %dma_start3A_878 = tpu.memref_squeeze %dma_start3A_877 : memref<1x128xi32, #tpu.memory_space<vmem>> -> memref<128xi32, #tpu.memory_space<vmem>>
        %dma_start3A_879 = arith.constant 0 : i32
        %dma_start3A_880 = tpu.memref_slice %arg5[%add3A_867, %dma_start3A_879] : memref<2560x128xi32, #tpu.memory_space<hbm>> -> memref<1x128xi32, #tpu.memory_space<hbm>>
        %dma_start3A_881 = tpu.memref_squeeze %dma_start3A_880 : memref<1x128xi32, #tpu.memory_space<hbm>> -> memref<128xi32, #tpu.memory_space<hbm>>
        tpu.enqueue_dma source(%dma_start3A_881 : memref<128xi32, #tpu.memory_space<hbm>>) target(%dma_start3A_878 : memref<128xi32, #tpu.memory_space<vmem>>) target_semaphore(%dma_start3A_875 : memref<!tpu.dma_semaphore, #tpu.memory_space<semaphore_mem>>)
        %add3A_882 = arith.addi %mul3A_2, %add3A_547 : i32
        %dma_wait3A_883 = arith.constant 0 : i32
        %dma_wait3A_884 = tpu.memref_slice %arg7[%select_n3A_563, %dma_wait3A_883] : memref<8x128xi32, #tpu.memory_space<vmem>> -> memref<1x128xi32, #tpu.memory_space<vmem>>
        %dma_wait3A_885 = tpu.memref_squeeze %dma_wait3A_884 : memref<1x128xi32, #tpu.memory_space<vmem>> -> memref<128xi32, #tpu.memory_space<vmem>>
        %dma_wait3A_886 = arith.constant 0 : i32
        %dma_wait3A_887 = tpu.memref_slice %arg4[%add3A_882, %dma_wait3A_886] : memref<2560x128xi32, #tpu.memory_space<hbm>> -> memref<1x128xi32, #tpu.memory_space<hbm>>
        %dma_wait3A_888 = tpu.memref_squeeze %dma_wait3A_887 : memref<1x128xi32, #tpu.memory_space<hbm>> -> memref<128xi32, #tpu.memory_space<hbm>>
        %dma_wait3A_889 = tpu.memref_slice %arg11[%select_n3A_563] : memref<8x!tpu.dma_semaphore, #tpu.memory_space<semaphore_mem>> -> memref<1x!tpu.dma_semaphore, #tpu.memory_space<semaphore_mem>>
        %dma_wait3A_890 = tpu.memref_squeeze %dma_wait3A_889 : memref<1x!tpu.dma_semaphore, #tpu.memory_space<semaphore_mem>> -> memref<!tpu.dma_semaphore, #tpu.memory_space<semaphore_mem>>
        %dma_wait3A_891 = arith.constant 0 : i32
        %dma_wait3A_892 = tpu.memref_slice %arg7[%select_n3A_563, %dma_wait3A_891] : memref<8x128xi32, #tpu.memory_space<vmem>> -> memref<1x128xi32, #tpu.memory_space<vmem>>
        %dma_wait3A_893 = tpu.memref_squeeze %dma_wait3A_892 : memref<1x128xi32, #tpu.memory_space<vmem>> -> memref<128xi32, #tpu.memory_space<vmem>>
        %dma_wait3A_894 = arith.constant 0 : i32
        %dma_wait3A_895 = tpu.memref_slice %arg4[%add3A_882, %dma_wait3A_894] : memref<2560x128xi32, #tpu.memory_space<hbm>> -> memref<1x128xi32, #tpu.memory_space<hbm>>
        %dma_wait3A_896 = tpu.memref_squeeze %dma_wait3A_895 : memref<1x128xi32, #tpu.memory_space<hbm>> -> memref<128xi32, #tpu.memory_space<hbm>>
        tpu.wait_dma2 semaphore(%dma_wait3A_890 : memref<!tpu.dma_semaphore, #tpu.memory_space<semaphore_mem>>) src(%dma_wait3A_896 : memref<128xi32, #tpu.memory_space<hbm>>) dst(%dma_wait3A_893 : memref<128xi32, #tpu.memory_space<vmem>>)
        %mul3A_897 = arith.constant 128 : i32
        %mul3A_898 = arith.muli %select_n3A_563, %mul3A_897 : i32
        %dma_start3A_899 = arith.constant 0 : i32
        %dma_start3A_900 = tpu.memref_slice %arg9[%mul3A_898, %dma_start3A_899] : memref<1024x32xf32, #tpu.memory_space<vmem>> -> memref<128x32xf32, #tpu.memory_space<vmem>>
        %dma_start3A_901 = arith.constant 0 : i32
        %dma_start3A_902 = tpu.memref_slice %arg7[%select_n3A_563, %dma_start3A_901] : memref<8x128xi32, #tpu.memory_space<vmem>> -> memref<1x128xi32, #tpu.memory_space<vmem>>
        %dma_start3A_903 = tpu.memref_squeeze %dma_start3A_902 : memref<1x128xi32, #tpu.memory_space<vmem>> -> memref<128xi32, #tpu.memory_space<vmem>>
        %dma_start3A_904 = arith.constant 0 : i32
        %dma_start3A_905 = arith.constant 0 : i32
        %dma_start3A_906 = tpu.memref_slice %arg2[%dma_start3A_904, %dma_start3A_905] : memref<10000x32xf32, #tpu.memory_space<hbm>> -> memref<10000x32xf32, #tpu.memory_space<hbm>>
        %dma_start3A_907 = tpu.memref_slice %arg13[%select_n3A_563] : memref<8x!tpu.dma_semaphore, #tpu.memory_space<semaphore_mem>> -> memref<1x!tpu.dma_semaphore, #tpu.memory_space<semaphore_mem>>
        %dma_start3A_908 = tpu.memref_squeeze %dma_start3A_907 : memref<1x!tpu.dma_semaphore, #tpu.memory_space<semaphore_mem>> -> memref<!tpu.dma_semaphore, #tpu.memory_space<semaphore_mem>>
        tpu.enqueue_indirect_dma source(%dma_start3A_906 : memref<10000x32xf32, #tpu.memory_space<hbm>>) target(%dma_start3A_900 : memref<128x32xf32, #tpu.memory_space<vmem>>) offsets(%dma_start3A_903 : memref<128xi32, #tpu.memory_space<vmem>>) semaphore(%dma_start3A_908 : memref<!tpu.dma_semaphore, #tpu.memory_space<semaphore_mem>>)
      } else {
      }
      %dma_wait3A_569 = arith.constant 3 : i32
      %dma_wait3A_570 = arith.constant 3 : i32
      %dma_wait3A_571 = arith.constant 384 : i32
      %dma_wait3A_572 = arith.constant 0 : i32
      %dma_wait3A_573 = tpu.memref_slice %arg9[%dma_wait3A_571, %dma_wait3A_572] : memref<1024x32xf32, #tpu.memory_space<vmem>> -> memref<128x32xf32, #tpu.memory_space<vmem>>
      %dma_wait3A_574 = arith.constant 0 : i32
      %dma_wait3A_575 = tpu.memref_slice %arg7[%dma_wait3A_569, %dma_wait3A_574] : memref<8x128xi32, #tpu.memory_space<vmem>> -> memref<1x128xi32, #tpu.memory_space<vmem>>
      %dma_wait3A_576 = tpu.memref_squeeze %dma_wait3A_575 : memref<1x128xi32, #tpu.memory_space<vmem>> -> memref<128xi32, #tpu.memory_space<vmem>>
      %dma_wait3A_577 = arith.constant 0 : i32
      %dma_wait3A_578 = arith.constant 0 : i32
      %dma_wait3A_579 = tpu.memref_slice %arg2[%dma_wait3A_577, %dma_wait3A_578] : memref<10000x32xf32, #tpu.memory_space<hbm>> -> memref<10000x32xf32, #tpu.memory_space<hbm>>
      %dma_wait3A_580 = tpu.memref_slice %arg13[%dma_wait3A_570] : memref<8x!tpu.dma_semaphore, #tpu.memory_space<semaphore_mem>> -> memref<1x!tpu.dma_semaphore, #tpu.memory_space<semaphore_mem>>
      %dma_wait3A_581 = tpu.memref_squeeze %dma_wait3A_580 : memref<1x!tpu.dma_semaphore, #tpu.memory_space<semaphore_mem>> -> memref<!tpu.dma_semaphore, #tpu.memory_space<semaphore_mem>>
      tpu.wait_indirect_dma semaphore(%dma_wait3A_581 : memref<!tpu.dma_semaphore, #tpu.memory_space<semaphore_mem>>) src(%dma_wait3A_579 : memref<10000x32xf32, #tpu.memory_space<hbm>>) dst(%dma_wait3A_573 : memref<128x32xf32, #tpu.memory_space<vmem>>)
      %add3A_582 = arith.constant 8 : i32
      %add3A_583 = arith.addi %add3A_545, %add3A_582 : i32
      %lt3A_584 = arith.constant 80 : i32
      %lt3A_585 = arith.cmpi slt, %add3A_583, %lt3A_584 : i32
      %convert_element_type3A_586 = arith.extui %lt3A_585 : i1 to i32
      %cond3A_587 = arith.constant 0 : i32
      %cond3A_588 = arith.cmpi ne, %convert_element_type3A_586, %cond3A_587 : i32
      scf.if %cond3A_588 {
        %add3A_867 = arith.addi %mul3A_2, %add3A_583 : i32
        %dma_start3A_868 = arith.constant 3 : i32
        %dma_start3A_869 = arith.constant 3 : i32
        %dma_start3A_870 = arith.constant 0 : i32
        %dma_start3A_871 = tpu.memref_slice %arg7[%dma_start3A_868, %dma_start3A_870] : memref<8x128xi32, #tpu.memory_space<vmem>> -> memref<1x128xi32, #tpu.memory_space<vmem>>
        %dma_start3A_872 = tpu.memref_squeeze %dma_start3A_871 : memref<1x128xi32, #tpu.memory_space<vmem>> -> memref<128xi32, #tpu.memory_space<vmem>>
        %dma_start3A_873 = arith.constant 0 : i32
        %dma_start3A_874 = tpu.memref_slice %arg4[%add3A_867, %dma_start3A_873] : memref<2560x128xi32, #tpu.memory_space<hbm>> -> memref<1x128xi32, #tpu.memory_space<hbm>>
        %dma_start3A_875 = tpu.memref_squeeze %dma_start3A_874 : memref<1x128xi32, #tpu.memory_space<hbm>> -> memref<128xi32, #tpu.memory_space<hbm>>
        %dma_start3A_876 = tpu.memref_slice %arg11[%dma_start3A_869] : memref<8x!tpu.dma_semaphore, #tpu.memory_space<semaphore_mem>> -> memref<1x!tpu.dma_semaphore, #tpu.memory_space<semaphore_mem>>
        %dma_start3A_877 = tpu.memref_squeeze %dma_start3A_876 : memref<1x!tpu.dma_semaphore, #tpu.memory_space<semaphore_mem>> -> memref<!tpu.dma_semaphore, #tpu.memory_space<semaphore_mem>>
        %dma_start3A_878 = arith.constant 0 : i32
        %dma_start3A_879 = tpu.memref_slice %arg7[%dma_start3A_868, %dma_start3A_878] : memref<8x128xi32, #tpu.memory_space<vmem>> -> memref<1x128xi32, #tpu.memory_space<vmem>>
        %dma_start3A_880 = tpu.memref_squeeze %dma_start3A_879 : memref<1x128xi32, #tpu.memory_space<vmem>> -> memref<128xi32, #tpu.memory_space<vmem>>
        %dma_start3A_881 = arith.constant 0 : i32
        %dma_start3A_882 = tpu.memref_slice %arg4[%add3A_867, %dma_start3A_881] : memref<2560x128xi32, #tpu.memory_space<hbm>> -> memref<1x128xi32, #tpu.memory_space<hbm>>
        %dma_start3A_883 = tpu.memref_squeeze %dma_start3A_882 : memref<1x128xi32, #tpu.memory_space<hbm>> -> memref<128xi32, #tpu.memory_space<hbm>>
        tpu.enqueue_dma source(%dma_start3A_883 : memref<128xi32, #tpu.memory_space<hbm>>) target(%dma_start3A_880 : memref<128xi32, #tpu.memory_space<vmem>>) target_semaphore(%dma_start3A_877 : memref<!tpu.dma_semaphore, #tpu.memory_space<semaphore_mem>>)
      } else {
      }
      %add3A_589 = arith.addi %mul3A_2, %add3A_545 : i32
      %dma_wait3A_590 = arith.constant 3 : i32
      %dma_wait3A_591 = arith.constant 3 : i32
      %dma_wait3A_592 = arith.constant 0 : i32
      %dma_wait3A_593 = tpu.memref_slice %arg8[%dma_wait3A_590, %dma_wait3A_592] : memref<8x128xi32, #tpu.memory_space<vmem>> -> memref<1x128xi32, #tpu.memory_space<vmem>>
      %dma_wait3A_594 = tpu.memref_squeeze %dma_wait3A_593 : memref<1x128xi32, #tpu.memory_space<vmem>> -> memref<128xi32, #tpu.memory_space<vmem>>
      %dma_wait3A_595 = arith.constant 0 : i32
      %dma_wait3A_596 = tpu.memref_slice %arg5[%add3A_589, %dma_wait3A_595] : memref<2560x128xi32, #tpu.memory_space<hbm>> -> memref<1x128xi32, #tpu.memory_space<hbm>>
      %dma_wait3A_597 = tpu.memref_squeeze %dma_wait3A_596 : memref<1x128xi32, #tpu.memory_space<hbm>> -> memref<128xi32, #tpu.memory_space<hbm>>
      %dma_wait3A_598 = tpu.memref_slice %arg12[%dma_wait3A_591] : memref<8x!tpu.dma_semaphore, #tpu.memory_space<semaphore_mem>> -> memref<1x!tpu.dma_semaphore, #tpu.memory_space<semaphore_mem>>
      %dma_wait3A_599 = tpu.memref_squeeze %dma_wait3A_598 : memref<1x!tpu.dma_semaphore, #tpu.memory_space<semaphore_mem>> -> memref<!tpu.dma_semaphore, #tpu.memory_space<semaphore_mem>>
      %dma_wait3A_600 = arith.constant 0 : i32
      %dma_wait3A_601 = tpu.memref_slice %arg8[%dma_wait3A_590, %dma_wait3A_600] : memref<8x128xi32, #tpu.memory_space<vmem>> -> memref<1x128xi32, #tpu.memory_space<vmem>>
      %dma_wait3A_602 = tpu.memref_squeeze %dma_wait3A_601 : memref<1x128xi32, #tpu.memory_space<vmem>> -> memref<128xi32, #tpu.memory_space<vmem>>
      %dma_wait3A_603 = arith.constant 0 : i32
      %dma_wait3A_604 = tpu.memref_slice %arg5[%add3A_589, %dma_wait3A_603] : memref<2560x128xi32, #tpu.memory_space<hbm>> -> memref<1x128xi32, #tpu.memory_space<hbm>>
      %dma_wait3A_605 = tpu.memref_squeeze %dma_wait3A_604 : memref<1x128xi32, #tpu.memory_space<hbm>> -> memref<128xi32, #tpu.memory_space<hbm>>
      tpu.wait_dma2 semaphore(%dma_wait3A_599 : memref<!tpu.dma_semaphore, #tpu.memory_space<semaphore_mem>>) src(%dma_wait3A_605 : memref<128xi32, #tpu.memory_space<hbm>>) dst(%dma_wait3A_602 : memref<128xi32, #tpu.memory_space<vmem>>)
      %run_scoped3A_606 = arith.constant 3 : i32
      "tpu.region"() ({
        %run_scoped3A_867 = tpu.sem_alloc : memref<!tpu.dma_semaphore, #tpu.memory_space<semaphore_mem>>
        %dma_start3A_868 = arith.constant 384 : i32
        %dma_start3A_869 = arith.constant 0 : i32
        %dma_start3A_870 = tpu.memref_slice %arg9[%dma_start3A_868, %dma_start3A_869] : memref<1024x32xf32, #tpu.memory_space<vmem>> -> memref<128x32xf32, #tpu.memory_space<vmem>>
        %dma_start3A_871 = arith.constant 0 : i32
        %dma_start3A_872 = tpu.memref_slice %arg8[%run_scoped3A_606, %dma_start3A_871] : memref<8x128xi32, #tpu.memory_space<vmem>> -> memref<1x128xi32, #tpu.memory_space<vmem>>
        %dma_start3A_873 = tpu.memref_squeeze %dma_start3A_872 : memref<1x128xi32, #tpu.memory_space<vmem>> -> memref<128xi32, #tpu.memory_space<vmem>>
        %dma_start3A_874 = arith.constant 0 : i32
        %dma_start3A_875 = arith.constant 0 : i32
        %dma_start3A_876 = tpu.memref_slice %arg10[%dma_start3A_874, %dma_start3A_875] : memref<10112x32xf32, #tpu.memory_space<vmem_shared>> -> memref<10112x32xf32, #tpu.memory_space<vmem_shared>>
        tpu.enqueue_indirect_dma source(%dma_start3A_870 : memref<128x32xf32, #tpu.memory_space<vmem>>) target(%dma_start3A_876 : memref<10112x32xf32, #tpu.memory_space<vmem_shared>>) offsets(%dma_start3A_873 : memref<128xi32, #tpu.memory_space<vmem>>) semaphore(%run_scoped3A_867 : memref<!tpu.dma_semaphore, #tpu.memory_space<semaphore_mem>>) {add = true}
        %dma_wait3A_877 = arith.constant 384 : i32
        %dma_wait3A_878 = arith.constant 0 : i32
        %dma_wait3A_879 = tpu.memref_slice %arg9[%dma_wait3A_877, %dma_wait3A_878] : memref<1024x32xf32, #tpu.memory_space<vmem>> -> memref<128x32xf32, #tpu.memory_space<vmem>>
        %dma_wait3A_880 = arith.constant 0 : i32
        %dma_wait3A_881 = tpu.memref_slice %arg8[%run_scoped3A_606, %dma_wait3A_880] : memref<8x128xi32, #tpu.memory_space<vmem>> -> memref<1x128xi32, #tpu.memory_space<vmem>>
        %dma_wait3A_882 = tpu.memref_squeeze %dma_wait3A_881 : memref<1x128xi32, #tpu.memory_space<vmem>> -> memref<128xi32, #tpu.memory_space<vmem>>
        %dma_wait3A_883 = arith.constant 0 : i32
        %dma_wait3A_884 = arith.constant 0 : i32
        %dma_wait3A_885 = tpu.memref_slice %arg10[%dma_wait3A_883, %dma_wait3A_884] : memref<10112x32xf32, #tpu.memory_space<vmem_shared>> -> memref<10112x32xf32, #tpu.memory_space<vmem_shared>>
        tpu.wait_indirect_dma semaphore(%run_scoped3A_867 : memref<!tpu.dma_semaphore, #tpu.memory_space<semaphore_mem>>) src(%dma_wait3A_879 : memref<128x32xf32, #tpu.memory_space<vmem>>) dst(%dma_wait3A_885 : memref<10112x32xf32, #tpu.memory_space<vmem_shared>>)
        tpu.yield
      }) : () -> ()
      %mul3A_607 = arith.constant 8 : i32
      %mul3A_608 = arith.muli %scan3A_356, %mul3A_607 : i32
      %add3A_609 = arith.constant 4 : i32
      %add3A_610 = arith.addi %mul3A_608, %add3A_609 : i32
      %add3A_611 = arith.constant 4 : i32
      %add3A_612 = arith.addi %add3A_610, %add3A_611 : i32
      %jit3A_613 = arith.constant 8 : i32
      %eq3A_614 = arith.constant 0 : i32
      %eq3A_615 = arith.cmpi eq, %jit3A_613, %eq3A_614 : i32
      %jit3A_616 = arith.constant 1 : i32
      %select_n3A_617 = arith.select %eq3A_615, %jit3A_616, %jit3A_613 : i32
      %rem3A_618 = arith.remsi %add3A_612, %select_n3A_617 : i32
      %ne3A_619 = arith.constant 0 : i32
      %ne3A_620 = arith.cmpi ne, %rem3A_618, %ne3A_619 : i32
      %lt3A_621 = arith.constant 0 : i32
      %lt3A_622 = arith.cmpi slt, %rem3A_618, %lt3A_621 : i32
      %lt3A_623 = arith.constant 0 : i32
      %lt3A_624 = arith.cmpi slt, %select_n3A_617, %lt3A_623 : i32
      %ne3A_625 = arith.xori %lt3A_622, %lt3A_624 : i1
      %and3A_626 = arith.andi %ne3A_625, %ne3A_620 : i1
      %add3A_627 = arith.addi %rem3A_618, %select_n3A_617 : i32
      %select_n3A_628 = arith.select %and3A_626, %add3A_627, %rem3A_618 : i32
      %lt3A_629 = arith.constant 80 : i32
      %lt3A_630 = arith.cmpi slt, %add3A_612, %lt3A_629 : i32
      %convert_element_type3A_631 = arith.extui %lt3A_630 : i1 to i32
      %cond3A_632 = arith.constant 0 : i32
      %cond3A_633 = arith.cmpi ne, %convert_element_type3A_631, %cond3A_632 : i32
      scf.if %cond3A_633 {
        %add3A_867 = arith.addi %mul3A_2, %add3A_612 : i32
        %dma_start3A_868 = arith.constant 0 : i32
        %dma_start3A_869 = tpu.memref_slice %arg8[%select_n3A_628, %dma_start3A_868] : memref<8x128xi32, #tpu.memory_space<vmem>> -> memref<1x128xi32, #tpu.memory_space<vmem>>
        %dma_start3A_870 = tpu.memref_squeeze %dma_start3A_869 : memref<1x128xi32, #tpu.memory_space<vmem>> -> memref<128xi32, #tpu.memory_space<vmem>>
        %dma_start3A_871 = arith.constant 0 : i32
        %dma_start3A_872 = tpu.memref_slice %arg5[%add3A_867, %dma_start3A_871] : memref<2560x128xi32, #tpu.memory_space<hbm>> -> memref<1x128xi32, #tpu.memory_space<hbm>>
        %dma_start3A_873 = tpu.memref_squeeze %dma_start3A_872 : memref<1x128xi32, #tpu.memory_space<hbm>> -> memref<128xi32, #tpu.memory_space<hbm>>
        %dma_start3A_874 = tpu.memref_slice %arg12[%select_n3A_628] : memref<8x!tpu.dma_semaphore, #tpu.memory_space<semaphore_mem>> -> memref<1x!tpu.dma_semaphore, #tpu.memory_space<semaphore_mem>>
        %dma_start3A_875 = tpu.memref_squeeze %dma_start3A_874 : memref<1x!tpu.dma_semaphore, #tpu.memory_space<semaphore_mem>> -> memref<!tpu.dma_semaphore, #tpu.memory_space<semaphore_mem>>
        %dma_start3A_876 = arith.constant 0 : i32
        %dma_start3A_877 = tpu.memref_slice %arg8[%select_n3A_628, %dma_start3A_876] : memref<8x128xi32, #tpu.memory_space<vmem>> -> memref<1x128xi32, #tpu.memory_space<vmem>>
        %dma_start3A_878 = tpu.memref_squeeze %dma_start3A_877 : memref<1x128xi32, #tpu.memory_space<vmem>> -> memref<128xi32, #tpu.memory_space<vmem>>
        %dma_start3A_879 = arith.constant 0 : i32
        %dma_start3A_880 = tpu.memref_slice %arg5[%add3A_867, %dma_start3A_879] : memref<2560x128xi32, #tpu.memory_space<hbm>> -> memref<1x128xi32, #tpu.memory_space<hbm>>
        %dma_start3A_881 = tpu.memref_squeeze %dma_start3A_880 : memref<1x128xi32, #tpu.memory_space<hbm>> -> memref<128xi32, #tpu.memory_space<hbm>>
        tpu.enqueue_dma source(%dma_start3A_881 : memref<128xi32, #tpu.memory_space<hbm>>) target(%dma_start3A_878 : memref<128xi32, #tpu.memory_space<vmem>>) target_semaphore(%dma_start3A_875 : memref<!tpu.dma_semaphore, #tpu.memory_space<semaphore_mem>>)
        %add3A_882 = arith.addi %mul3A_2, %add3A_612 : i32
        %dma_wait3A_883 = arith.constant 0 : i32
        %dma_wait3A_884 = tpu.memref_slice %arg7[%select_n3A_628, %dma_wait3A_883] : memref<8x128xi32, #tpu.memory_space<vmem>> -> memref<1x128xi32, #tpu.memory_space<vmem>>
        %dma_wait3A_885 = tpu.memref_squeeze %dma_wait3A_884 : memref<1x128xi32, #tpu.memory_space<vmem>> -> memref<128xi32, #tpu.memory_space<vmem>>
        %dma_wait3A_886 = arith.constant 0 : i32
        %dma_wait3A_887 = tpu.memref_slice %arg4[%add3A_882, %dma_wait3A_886] : memref<2560x128xi32, #tpu.memory_space<hbm>> -> memref<1x128xi32, #tpu.memory_space<hbm>>
        %dma_wait3A_888 = tpu.memref_squeeze %dma_wait3A_887 : memref<1x128xi32, #tpu.memory_space<hbm>> -> memref<128xi32, #tpu.memory_space<hbm>>
        %dma_wait3A_889 = tpu.memref_slice %arg11[%select_n3A_628] : memref<8x!tpu.dma_semaphore, #tpu.memory_space<semaphore_mem>> -> memref<1x!tpu.dma_semaphore, #tpu.memory_space<semaphore_mem>>
        %dma_wait3A_890 = tpu.memref_squeeze %dma_wait3A_889 : memref<1x!tpu.dma_semaphore, #tpu.memory_space<semaphore_mem>> -> memref<!tpu.dma_semaphore, #tpu.memory_space<semaphore_mem>>
        %dma_wait3A_891 = arith.constant 0 : i32
        %dma_wait3A_892 = tpu.memref_slice %arg7[%select_n3A_628, %dma_wait3A_891] : memref<8x128xi32, #tpu.memory_space<vmem>> -> memref<1x128xi32, #tpu.memory_space<vmem>>
        %dma_wait3A_893 = tpu.memref_squeeze %dma_wait3A_892 : memref<1x128xi32, #tpu.memory_space<vmem>> -> memref<128xi32, #tpu.memory_space<vmem>>
        %dma_wait3A_894 = arith.constant 0 : i32
        %dma_wait3A_895 = tpu.memref_slice %arg4[%add3A_882, %dma_wait3A_894] : memref<2560x128xi32, #tpu.memory_space<hbm>> -> memref<1x128xi32, #tpu.memory_space<hbm>>
        %dma_wait3A_896 = tpu.memref_squeeze %dma_wait3A_895 : memref<1x128xi32, #tpu.memory_space<hbm>> -> memref<128xi32, #tpu.memory_space<hbm>>
        tpu.wait_dma2 semaphore(%dma_wait3A_890 : memref<!tpu.dma_semaphore, #tpu.memory_space<semaphore_mem>>) src(%dma_wait3A_896 : memref<128xi32, #tpu.memory_space<hbm>>) dst(%dma_wait3A_893 : memref<128xi32, #tpu.memory_space<vmem>>)
        %mul3A_897 = arith.constant 128 : i32
        %mul3A_898 = arith.muli %select_n3A_628, %mul3A_897 : i32
        %dma_start3A_899 = arith.constant 0 : i32
        %dma_start3A_900 = tpu.memref_slice %arg9[%mul3A_898, %dma_start3A_899] : memref<1024x32xf32, #tpu.memory_space<vmem>> -> memref<128x32xf32, #tpu.memory_space<vmem>>
        %dma_start3A_901 = arith.constant 0 : i32
        %dma_start3A_902 = tpu.memref_slice %arg7[%select_n3A_628, %dma_start3A_901] : memref<8x128xi32, #tpu.memory_space<vmem>> -> memref<1x128xi32, #tpu.memory_space<vmem>>
        %dma_start3A_903 = tpu.memref_squeeze %dma_start3A_902 : memref<1x128xi32, #tpu.memory_space<vmem>> -> memref<128xi32, #tpu.memory_space<vmem>>
        %dma_start3A_904 = arith.constant 0 : i32
        %dma_start3A_905 = arith.constant 0 : i32
        %dma_start3A_906 = tpu.memref_slice %arg2[%dma_start3A_904, %dma_start3A_905] : memref<10000x32xf32, #tpu.memory_space<hbm>> -> memref<10000x32xf32, #tpu.memory_space<hbm>>
        %dma_start3A_907 = tpu.memref_slice %arg13[%select_n3A_628] : memref<8x!tpu.dma_semaphore, #tpu.memory_space<semaphore_mem>> -> memref<1x!tpu.dma_semaphore, #tpu.memory_space<semaphore_mem>>
        %dma_start3A_908 = tpu.memref_squeeze %dma_start3A_907 : memref<1x!tpu.dma_semaphore, #tpu.memory_space<semaphore_mem>> -> memref<!tpu.dma_semaphore, #tpu.memory_space<semaphore_mem>>
        tpu.enqueue_indirect_dma source(%dma_start3A_906 : memref<10000x32xf32, #tpu.memory_space<hbm>>) target(%dma_start3A_900 : memref<128x32xf32, #tpu.memory_space<vmem>>) offsets(%dma_start3A_903 : memref<128xi32, #tpu.memory_space<vmem>>) semaphore(%dma_start3A_908 : memref<!tpu.dma_semaphore, #tpu.memory_space<semaphore_mem>>)
      } else {
      }
      %dma_wait3A_634 = arith.constant 4 : i32
      %dma_wait3A_635 = arith.constant 4 : i32
      %dma_wait3A_636 = arith.constant 512 : i32
      %dma_wait3A_637 = arith.constant 0 : i32
      %dma_wait3A_638 = tpu.memref_slice %arg9[%dma_wait3A_636, %dma_wait3A_637] : memref<1024x32xf32, #tpu.memory_space<vmem>> -> memref<128x32xf32, #tpu.memory_space<vmem>>
      %dma_wait3A_639 = arith.constant 0 : i32
      %dma_wait3A_640 = tpu.memref_slice %arg7[%dma_wait3A_634, %dma_wait3A_639] : memref<8x128xi32, #tpu.memory_space<vmem>> -> memref<1x128xi32, #tpu.memory_space<vmem>>
      %dma_wait3A_641 = tpu.memref_squeeze %dma_wait3A_640 : memref<1x128xi32, #tpu.memory_space<vmem>> -> memref<128xi32, #tpu.memory_space<vmem>>
      %dma_wait3A_642 = arith.constant 0 : i32
      %dma_wait3A_643 = arith.constant 0 : i32
      %dma_wait3A_644 = tpu.memref_slice %arg2[%dma_wait3A_642, %dma_wait3A_643] : memref<10000x32xf32, #tpu.memory_space<hbm>> -> memref<10000x32xf32, #tpu.memory_space<hbm>>
      %dma_wait3A_645 = tpu.memref_slice %arg13[%dma_wait3A_635] : memref<8x!tpu.dma_semaphore, #tpu.memory_space<semaphore_mem>> -> memref<1x!tpu.dma_semaphore, #tpu.memory_space<semaphore_mem>>
      %dma_wait3A_646 = tpu.memref_squeeze %dma_wait3A_645 : memref<1x!tpu.dma_semaphore, #tpu.memory_space<semaphore_mem>> -> memref<!tpu.dma_semaphore, #tpu.memory_space<semaphore_mem>>
      tpu.wait_indirect_dma semaphore(%dma_wait3A_646 : memref<!tpu.dma_semaphore, #tpu.memory_space<semaphore_mem>>) src(%dma_wait3A_644 : memref<10000x32xf32, #tpu.memory_space<hbm>>) dst(%dma_wait3A_638 : memref<128x32xf32, #tpu.memory_space<vmem>>)
      %add3A_647 = arith.constant 8 : i32
      %add3A_648 = arith.addi %add3A_610, %add3A_647 : i32
      %lt3A_649 = arith.constant 80 : i32
      %lt3A_650 = arith.cmpi slt, %add3A_648, %lt3A_649 : i32
      %convert_element_type3A_651 = arith.extui %lt3A_650 : i1 to i32
      %cond3A_652 = arith.constant 0 : i32
      %cond3A_653 = arith.cmpi ne, %convert_element_type3A_651, %cond3A_652 : i32
      scf.if %cond3A_653 {
        %add3A_867 = arith.addi %mul3A_2, %add3A_648 : i32
        %dma_start3A_868 = arith.constant 4 : i32
        %dma_start3A_869 = arith.constant 4 : i32
        %dma_start3A_870 = arith.constant 0 : i32
        %dma_start3A_871 = tpu.memref_slice %arg7[%dma_start3A_868, %dma_start3A_870] : memref<8x128xi32, #tpu.memory_space<vmem>> -> memref<1x128xi32, #tpu.memory_space<vmem>>
        %dma_start3A_872 = tpu.memref_squeeze %dma_start3A_871 : memref<1x128xi32, #tpu.memory_space<vmem>> -> memref<128xi32, #tpu.memory_space<vmem>>
        %dma_start3A_873 = arith.constant 0 : i32
        %dma_start3A_874 = tpu.memref_slice %arg4[%add3A_867, %dma_start3A_873] : memref<2560x128xi32, #tpu.memory_space<hbm>> -> memref<1x128xi32, #tpu.memory_space<hbm>>
        %dma_start3A_875 = tpu.memref_squeeze %dma_start3A_874 : memref<1x128xi32, #tpu.memory_space<hbm>> -> memref<128xi32, #tpu.memory_space<hbm>>
        %dma_start3A_876 = tpu.memref_slice %arg11[%dma_start3A_869] : memref<8x!tpu.dma_semaphore, #tpu.memory_space<semaphore_mem>> -> memref<1x!tpu.dma_semaphore, #tpu.memory_space<semaphore_mem>>
        %dma_start3A_877 = tpu.memref_squeeze %dma_start3A_876 : memref<1x!tpu.dma_semaphore, #tpu.memory_space<semaphore_mem>> -> memref<!tpu.dma_semaphore, #tpu.memory_space<semaphore_mem>>
        %dma_start3A_878 = arith.constant 0 : i32
        %dma_start3A_879 = tpu.memref_slice %arg7[%dma_start3A_868, %dma_start3A_878] : memref<8x128xi32, #tpu.memory_space<vmem>> -> memref<1x128xi32, #tpu.memory_space<vmem>>
        %dma_start3A_880 = tpu.memref_squeeze %dma_start3A_879 : memref<1x128xi32, #tpu.memory_space<vmem>> -> memref<128xi32, #tpu.memory_space<vmem>>
        %dma_start3A_881 = arith.constant 0 : i32
        %dma_start3A_882 = tpu.memref_slice %arg4[%add3A_867, %dma_start3A_881] : memref<2560x128xi32, #tpu.memory_space<hbm>> -> memref<1x128xi32, #tpu.memory_space<hbm>>
        %dma_start3A_883 = tpu.memref_squeeze %dma_start3A_882 : memref<1x128xi32, #tpu.memory_space<hbm>> -> memref<128xi32, #tpu.memory_space<hbm>>
        tpu.enqueue_dma source(%dma_start3A_883 : memref<128xi32, #tpu.memory_space<hbm>>) target(%dma_start3A_880 : memref<128xi32, #tpu.memory_space<vmem>>) target_semaphore(%dma_start3A_877 : memref<!tpu.dma_semaphore, #tpu.memory_space<semaphore_mem>>)
      } else {
      }
      %add3A_654 = arith.addi %mul3A_2, %add3A_610 : i32
      %dma_wait3A_655 = arith.constant 4 : i32
      %dma_wait3A_656 = arith.constant 4 : i32
      %dma_wait3A_657 = arith.constant 0 : i32
      %dma_wait3A_658 = tpu.memref_slice %arg8[%dma_wait3A_655, %dma_wait3A_657] : memref<8x128xi32, #tpu.memory_space<vmem>> -> memref<1x128xi32, #tpu.memory_space<vmem>>
      %dma_wait3A_659 = tpu.memref_squeeze %dma_wait3A_658 : memref<1x128xi32, #tpu.memory_space<vmem>> -> memref<128xi32, #tpu.memory_space<vmem>>
      %dma_wait3A_660 = arith.constant 0 : i32
      %dma_wait3A_661 = tpu.memref_slice %arg5[%add3A_654, %dma_wait3A_660] : memref<2560x128xi32, #tpu.memory_space<hbm>> -> memref<1x128xi32, #tpu.memory_space<hbm>>
      %dma_wait3A_662 = tpu.memref_squeeze %dma_wait3A_661 : memref<1x128xi32, #tpu.memory_space<hbm>> -> memref<128xi32, #tpu.memory_space<hbm>>
      %dma_wait3A_663 = tpu.memref_slice %arg12[%dma_wait3A_656] : memref<8x!tpu.dma_semaphore, #tpu.memory_space<semaphore_mem>> -> memref<1x!tpu.dma_semaphore, #tpu.memory_space<semaphore_mem>>
      %dma_wait3A_664 = tpu.memref_squeeze %dma_wait3A_663 : memref<1x!tpu.dma_semaphore, #tpu.memory_space<semaphore_mem>> -> memref<!tpu.dma_semaphore, #tpu.memory_space<semaphore_mem>>
      %dma_wait3A_665 = arith.constant 0 : i32
      %dma_wait3A_666 = tpu.memref_slice %arg8[%dma_wait3A_655, %dma_wait3A_665] : memref<8x128xi32, #tpu.memory_space<vmem>> -> memref<1x128xi32, #tpu.memory_space<vmem>>
      %dma_wait3A_667 = tpu.memref_squeeze %dma_wait3A_666 : memref<1x128xi32, #tpu.memory_space<vmem>> -> memref<128xi32, #tpu.memory_space<vmem>>
      %dma_wait3A_668 = arith.constant 0 : i32
      %dma_wait3A_669 = tpu.memref_slice %arg5[%add3A_654, %dma_wait3A_668] : memref<2560x128xi32, #tpu.memory_space<hbm>> -> memref<1x128xi32, #tpu.memory_space<hbm>>
      %dma_wait3A_670 = tpu.memref_squeeze %dma_wait3A_669 : memref<1x128xi32, #tpu.memory_space<hbm>> -> memref<128xi32, #tpu.memory_space<hbm>>
      tpu.wait_dma2 semaphore(%dma_wait3A_664 : memref<!tpu.dma_semaphore, #tpu.memory_space<semaphore_mem>>) src(%dma_wait3A_670 : memref<128xi32, #tpu.memory_space<hbm>>) dst(%dma_wait3A_667 : memref<128xi32, #tpu.memory_space<vmem>>)
      %run_scoped3A_671 = arith.constant 4 : i32
      "tpu.region"() ({
        %run_scoped3A_867 = tpu.sem_alloc : memref<!tpu.dma_semaphore, #tpu.memory_space<semaphore_mem>>
        %dma_start3A_868 = arith.constant 512 : i32
        %dma_start3A_869 = arith.constant 0 : i32
        %dma_start3A_870 = tpu.memref_slice %arg9[%dma_start3A_868, %dma_start3A_869] : memref<1024x32xf32, #tpu.memory_space<vmem>> -> memref<128x32xf32, #tpu.memory_space<vmem>>
        %dma_start3A_871 = arith.constant 0 : i32
        %dma_start3A_872 = tpu.memref_slice %arg8[%run_scoped3A_671, %dma_start3A_871] : memref<8x128xi32, #tpu.memory_space<vmem>> -> memref<1x128xi32, #tpu.memory_space<vmem>>
        %dma_start3A_873 = tpu.memref_squeeze %dma_start3A_872 : memref<1x128xi32, #tpu.memory_space<vmem>> -> memref<128xi32, #tpu.memory_space<vmem>>
        %dma_start3A_874 = arith.constant 0 : i32
        %dma_start3A_875 = arith.constant 0 : i32
        %dma_start3A_876 = tpu.memref_slice %arg10[%dma_start3A_874, %dma_start3A_875] : memref<10112x32xf32, #tpu.memory_space<vmem_shared>> -> memref<10112x32xf32, #tpu.memory_space<vmem_shared>>
        tpu.enqueue_indirect_dma source(%dma_start3A_870 : memref<128x32xf32, #tpu.memory_space<vmem>>) target(%dma_start3A_876 : memref<10112x32xf32, #tpu.memory_space<vmem_shared>>) offsets(%dma_start3A_873 : memref<128xi32, #tpu.memory_space<vmem>>) semaphore(%run_scoped3A_867 : memref<!tpu.dma_semaphore, #tpu.memory_space<semaphore_mem>>) {add = true}
        %dma_wait3A_877 = arith.constant 512 : i32
        %dma_wait3A_878 = arith.constant 0 : i32
        %dma_wait3A_879 = tpu.memref_slice %arg9[%dma_wait3A_877, %dma_wait3A_878] : memref<1024x32xf32, #tpu.memory_space<vmem>> -> memref<128x32xf32, #tpu.memory_space<vmem>>
        %dma_wait3A_880 = arith.constant 0 : i32
        %dma_wait3A_881 = tpu.memref_slice %arg8[%run_scoped3A_671, %dma_wait3A_880] : memref<8x128xi32, #tpu.memory_space<vmem>> -> memref<1x128xi32, #tpu.memory_space<vmem>>
        %dma_wait3A_882 = tpu.memref_squeeze %dma_wait3A_881 : memref<1x128xi32, #tpu.memory_space<vmem>> -> memref<128xi32, #tpu.memory_space<vmem>>
        %dma_wait3A_883 = arith.constant 0 : i32
        %dma_wait3A_884 = arith.constant 0 : i32
        %dma_wait3A_885 = tpu.memref_slice %arg10[%dma_wait3A_883, %dma_wait3A_884] : memref<10112x32xf32, #tpu.memory_space<vmem_shared>> -> memref<10112x32xf32, #tpu.memory_space<vmem_shared>>
        tpu.wait_indirect_dma semaphore(%run_scoped3A_867 : memref<!tpu.dma_semaphore, #tpu.memory_space<semaphore_mem>>) src(%dma_wait3A_879 : memref<128x32xf32, #tpu.memory_space<vmem>>) dst(%dma_wait3A_885 : memref<10112x32xf32, #tpu.memory_space<vmem_shared>>)
        tpu.yield
      }) : () -> ()
      %mul3A_672 = arith.constant 8 : i32
      %mul3A_673 = arith.muli %scan3A_356, %mul3A_672 : i32
      %add3A_674 = arith.constant 5 : i32
      %add3A_675 = arith.addi %mul3A_673, %add3A_674 : i32
      %add3A_676 = arith.constant 4 : i32
      %add3A_677 = arith.addi %add3A_675, %add3A_676 : i32
      %jit3A_678 = arith.constant 8 : i32
      %eq3A_679 = arith.constant 0 : i32
      %eq3A_680 = arith.cmpi eq, %jit3A_678, %eq3A_679 : i32
      %jit3A_681 = arith.constant 1 : i32
      %select_n3A_682 = arith.select %eq3A_680, %jit3A_681, %jit3A_678 : i32
      %rem3A_683 = arith.remsi %add3A_677, %select_n3A_682 : i32
      %ne3A_684 = arith.constant 0 : i32
      %ne3A_685 = arith.cmpi ne, %rem3A_683, %ne3A_684 : i32
      %lt3A_686 = arith.constant 0 : i32
      %lt3A_687 = arith.cmpi slt, %rem3A_683, %lt3A_686 : i32
      %lt3A_688 = arith.constant 0 : i32
      %lt3A_689 = arith.cmpi slt, %select_n3A_682, %lt3A_688 : i32
      %ne3A_690 = arith.xori %lt3A_687, %lt3A_689 : i1
      %and3A_691 = arith.andi %ne3A_690, %ne3A_685 : i1
      %add3A_692 = arith.addi %rem3A_683, %select_n3A_682 : i32
      %select_n3A_693 = arith.select %and3A_691, %add3A_692, %rem3A_683 : i32
      %lt3A_694 = arith.constant 80 : i32
      %lt3A_695 = arith.cmpi slt, %add3A_677, %lt3A_694 : i32
      %convert_element_type3A_696 = arith.extui %lt3A_695 : i1 to i32
      %cond3A_697 = arith.constant 0 : i32
      %cond3A_698 = arith.cmpi ne, %convert_element_type3A_696, %cond3A_697 : i32
      scf.if %cond3A_698 {
        %add3A_867 = arith.addi %mul3A_2, %add3A_677 : i32
        %dma_start3A_868 = arith.constant 0 : i32
        %dma_start3A_869 = tpu.memref_slice %arg8[%select_n3A_693, %dma_start3A_868] : memref<8x128xi32, #tpu.memory_space<vmem>> -> memref<1x128xi32, #tpu.memory_space<vmem>>
        %dma_start3A_870 = tpu.memref_squeeze %dma_start3A_869 : memref<1x128xi32, #tpu.memory_space<vmem>> -> memref<128xi32, #tpu.memory_space<vmem>>
        %dma_start3A_871 = arith.constant 0 : i32
        %dma_start3A_872 = tpu.memref_slice %arg5[%add3A_867, %dma_start3A_871] : memref<2560x128xi32, #tpu.memory_space<hbm>> -> memref<1x128xi32, #tpu.memory_space<hbm>>
        %dma_start3A_873 = tpu.memref_squeeze %dma_start3A_872 : memref<1x128xi32, #tpu.memory_space<hbm>> -> memref<128xi32, #tpu.memory_space<hbm>>
        %dma_start3A_874 = tpu.memref_slice %arg12[%select_n3A_693] : memref<8x!tpu.dma_semaphore, #tpu.memory_space<semaphore_mem>> -> memref<1x!tpu.dma_semaphore, #tpu.memory_space<semaphore_mem>>
        %dma_start3A_875 = tpu.memref_squeeze %dma_start3A_874 : memref<1x!tpu.dma_semaphore, #tpu.memory_space<semaphore_mem>> -> memref<!tpu.dma_semaphore, #tpu.memory_space<semaphore_mem>>
        %dma_start3A_876 = arith.constant 0 : i32
        %dma_start3A_877 = tpu.memref_slice %arg8[%select_n3A_693, %dma_start3A_876] : memref<8x128xi32, #tpu.memory_space<vmem>> -> memref<1x128xi32, #tpu.memory_space<vmem>>
        %dma_start3A_878 = tpu.memref_squeeze %dma_start3A_877 : memref<1x128xi32, #tpu.memory_space<vmem>> -> memref<128xi32, #tpu.memory_space<vmem>>
        %dma_start3A_879 = arith.constant 0 : i32
        %dma_start3A_880 = tpu.memref_slice %arg5[%add3A_867, %dma_start3A_879] : memref<2560x128xi32, #tpu.memory_space<hbm>> -> memref<1x128xi32, #tpu.memory_space<hbm>>
        %dma_start3A_881 = tpu.memref_squeeze %dma_start3A_880 : memref<1x128xi32, #tpu.memory_space<hbm>> -> memref<128xi32, #tpu.memory_space<hbm>>
        tpu.enqueue_dma source(%dma_start3A_881 : memref<128xi32, #tpu.memory_space<hbm>>) target(%dma_start3A_878 : memref<128xi32, #tpu.memory_space<vmem>>) target_semaphore(%dma_start3A_875 : memref<!tpu.dma_semaphore, #tpu.memory_space<semaphore_mem>>)
        %add3A_882 = arith.addi %mul3A_2, %add3A_677 : i32
        %dma_wait3A_883 = arith.constant 0 : i32
        %dma_wait3A_884 = tpu.memref_slice %arg7[%select_n3A_693, %dma_wait3A_883] : memref<8x128xi32, #tpu.memory_space<vmem>> -> memref<1x128xi32, #tpu.memory_space<vmem>>
        %dma_wait3A_885 = tpu.memref_squeeze %dma_wait3A_884 : memref<1x128xi32, #tpu.memory_space<vmem>> -> memref<128xi32, #tpu.memory_space<vmem>>
        %dma_wait3A_886 = arith.constant 0 : i32
        %dma_wait3A_887 = tpu.memref_slice %arg4[%add3A_882, %dma_wait3A_886] : memref<2560x128xi32, #tpu.memory_space<hbm>> -> memref<1x128xi32, #tpu.memory_space<hbm>>
        %dma_wait3A_888 = tpu.memref_squeeze %dma_wait3A_887 : memref<1x128xi32, #tpu.memory_space<hbm>> -> memref<128xi32, #tpu.memory_space<hbm>>
        %dma_wait3A_889 = tpu.memref_slice %arg11[%select_n3A_693] : memref<8x!tpu.dma_semaphore, #tpu.memory_space<semaphore_mem>> -> memref<1x!tpu.dma_semaphore, #tpu.memory_space<semaphore_mem>>
        %dma_wait3A_890 = tpu.memref_squeeze %dma_wait3A_889 : memref<1x!tpu.dma_semaphore, #tpu.memory_space<semaphore_mem>> -> memref<!tpu.dma_semaphore, #tpu.memory_space<semaphore_mem>>
        %dma_wait3A_891 = arith.constant 0 : i32
        %dma_wait3A_892 = tpu.memref_slice %arg7[%select_n3A_693, %dma_wait3A_891] : memref<8x128xi32, #tpu.memory_space<vmem>> -> memref<1x128xi32, #tpu.memory_space<vmem>>
        %dma_wait3A_893 = tpu.memref_squeeze %dma_wait3A_892 : memref<1x128xi32, #tpu.memory_space<vmem>> -> memref<128xi32, #tpu.memory_space<vmem>>
        %dma_wait3A_894 = arith.constant 0 : i32
        %dma_wait3A_895 = tpu.memref_slice %arg4[%add3A_882, %dma_wait3A_894] : memref<2560x128xi32, #tpu.memory_space<hbm>> -> memref<1x128xi32, #tpu.memory_space<hbm>>
        %dma_wait3A_896 = tpu.memref_squeeze %dma_wait3A_895 : memref<1x128xi32, #tpu.memory_space<hbm>> -> memref<128xi32, #tpu.memory_space<hbm>>
        tpu.wait_dma2 semaphore(%dma_wait3A_890 : memref<!tpu.dma_semaphore, #tpu.memory_space<semaphore_mem>>) src(%dma_wait3A_896 : memref<128xi32, #tpu.memory_space<hbm>>) dst(%dma_wait3A_893 : memref<128xi32, #tpu.memory_space<vmem>>)
        %mul3A_897 = arith.constant 128 : i32
        %mul3A_898 = arith.muli %select_n3A_693, %mul3A_897 : i32
        %dma_start3A_899 = arith.constant 0 : i32
        %dma_start3A_900 = tpu.memref_slice %arg9[%mul3A_898, %dma_start3A_899] : memref<1024x32xf32, #tpu.memory_space<vmem>> -> memref<128x32xf32, #tpu.memory_space<vmem>>
        %dma_start3A_901 = arith.constant 0 : i32
        %dma_start3A_902 = tpu.memref_slice %arg7[%select_n3A_693, %dma_start3A_901] : memref<8x128xi32, #tpu.memory_space<vmem>> -> memref<1x128xi32, #tpu.memory_space<vmem>>
        %dma_start3A_903 = tpu.memref_squeeze %dma_start3A_902 : memref<1x128xi32, #tpu.memory_space<vmem>> -> memref<128xi32, #tpu.memory_space<vmem>>
        %dma_start3A_904 = arith.constant 0 : i32
        %dma_start3A_905 = arith.constant 0 : i32
        %dma_start3A_906 = tpu.memref_slice %arg2[%dma_start3A_904, %dma_start3A_905] : memref<10000x32xf32, #tpu.memory_space<hbm>> -> memref<10000x32xf32, #tpu.memory_space<hbm>>
        %dma_start3A_907 = tpu.memref_slice %arg13[%select_n3A_693] : memref<8x!tpu.dma_semaphore, #tpu.memory_space<semaphore_mem>> -> memref<1x!tpu.dma_semaphore, #tpu.memory_space<semaphore_mem>>
        %dma_start3A_908 = tpu.memref_squeeze %dma_start3A_907 : memref<1x!tpu.dma_semaphore, #tpu.memory_space<semaphore_mem>> -> memref<!tpu.dma_semaphore, #tpu.memory_space<semaphore_mem>>
        tpu.enqueue_indirect_dma source(%dma_start3A_906 : memref<10000x32xf32, #tpu.memory_space<hbm>>) target(%dma_start3A_900 : memref<128x32xf32, #tpu.memory_space<vmem>>) offsets(%dma_start3A_903 : memref<128xi32, #tpu.memory_space<vmem>>) semaphore(%dma_start3A_908 : memref<!tpu.dma_semaphore, #tpu.memory_space<semaphore_mem>>)
      } else {
      }
      %dma_wait3A_699 = arith.constant 5 : i32
      %dma_wait3A_700 = arith.constant 5 : i32
      %dma_wait3A_701 = arith.constant 640 : i32
      %dma_wait3A_702 = arith.constant 0 : i32
      %dma_wait3A_703 = tpu.memref_slice %arg9[%dma_wait3A_701, %dma_wait3A_702] : memref<1024x32xf32, #tpu.memory_space<vmem>> -> memref<128x32xf32, #tpu.memory_space<vmem>>
      %dma_wait3A_704 = arith.constant 0 : i32
      %dma_wait3A_705 = tpu.memref_slice %arg7[%dma_wait3A_699, %dma_wait3A_704] : memref<8x128xi32, #tpu.memory_space<vmem>> -> memref<1x128xi32, #tpu.memory_space<vmem>>
      %dma_wait3A_706 = tpu.memref_squeeze %dma_wait3A_705 : memref<1x128xi32, #tpu.memory_space<vmem>> -> memref<128xi32, #tpu.memory_space<vmem>>
      %dma_wait3A_707 = arith.constant 0 : i32
      %dma_wait3A_708 = arith.constant 0 : i32
      %dma_wait3A_709 = tpu.memref_slice %arg2[%dma_wait3A_707, %dma_wait3A_708] : memref<10000x32xf32, #tpu.memory_space<hbm>> -> memref<10000x32xf32, #tpu.memory_space<hbm>>
      %dma_wait3A_710 = tpu.memref_slice %arg13[%dma_wait3A_700] : memref<8x!tpu.dma_semaphore, #tpu.memory_space<semaphore_mem>> -> memref<1x!tpu.dma_semaphore, #tpu.memory_space<semaphore_mem>>
      %dma_wait3A_711 = tpu.memref_squeeze %dma_wait3A_710 : memref<1x!tpu.dma_semaphore, #tpu.memory_space<semaphore_mem>> -> memref<!tpu.dma_semaphore, #tpu.memory_space<semaphore_mem>>
      tpu.wait_indirect_dma semaphore(%dma_wait3A_711 : memref<!tpu.dma_semaphore, #tpu.memory_space<semaphore_mem>>) src(%dma_wait3A_709 : memref<10000x32xf32, #tpu.memory_space<hbm>>) dst(%dma_wait3A_703 : memref<128x32xf32, #tpu.memory_space<vmem>>)
      %add3A_712 = arith.constant 8 : i32
      %add3A_713 = arith.addi %add3A_675, %add3A_712 : i32
      %lt3A_714 = arith.constant 80 : i32
      %lt3A_715 = arith.cmpi slt, %add3A_713, %lt3A_714 : i32
      %convert_element_type3A_716 = arith.extui %lt3A_715 : i1 to i32
      %cond3A_717 = arith.constant 0 : i32
      %cond3A_718 = arith.cmpi ne, %convert_element_type3A_716, %cond3A_717 : i32
      scf.if %cond3A_718 {
        %add3A_867 = arith.addi %mul3A_2, %add3A_713 : i32
        %dma_start3A_868 = arith.constant 5 : i32
        %dma_start3A_869 = arith.constant 5 : i32
        %dma_start3A_870 = arith.constant 0 : i32
        %dma_start3A_871 = tpu.memref_slice %arg7[%dma_start3A_868, %dma_start3A_870] : memref<8x128xi32, #tpu.memory_space<vmem>> -> memref<1x128xi32, #tpu.memory_space<vmem>>
        %dma_start3A_872 = tpu.memref_squeeze %dma_start3A_871 : memref<1x128xi32, #tpu.memory_space<vmem>> -> memref<128xi32, #tpu.memory_space<vmem>>
        %dma_start3A_873 = arith.constant 0 : i32
        %dma_start3A_874 = tpu.memref_slice %arg4[%add3A_867, %dma_start3A_873] : memref<2560x128xi32, #tpu.memory_space<hbm>> -> memref<1x128xi32, #tpu.memory_space<hbm>>
        %dma_start3A_875 = tpu.memref_squeeze %dma_start3A_874 : memref<1x128xi32, #tpu.memory_space<hbm>> -> memref<128xi32, #tpu.memory_space<hbm>>
        %dma_start3A_876 = tpu.memref_slice %arg11[%dma_start3A_869] : memref<8x!tpu.dma_semaphore, #tpu.memory_space<semaphore_mem>> -> memref<1x!tpu.dma_semaphore, #tpu.memory_space<semaphore_mem>>
        %dma_start3A_877 = tpu.memref_squeeze %dma_start3A_876 : memref<1x!tpu.dma_semaphore, #tpu.memory_space<semaphore_mem>> -> memref<!tpu.dma_semaphore, #tpu.memory_space<semaphore_mem>>
        %dma_start3A_878 = arith.constant 0 : i32
        %dma_start3A_879 = tpu.memref_slice %arg7[%dma_start3A_868, %dma_start3A_878] : memref<8x128xi32, #tpu.memory_space<vmem>> -> memref<1x128xi32, #tpu.memory_space<vmem>>
        %dma_start3A_880 = tpu.memref_squeeze %dma_start3A_879 : memref<1x128xi32, #tpu.memory_space<vmem>> -> memref<128xi32, #tpu.memory_space<vmem>>
        %dma_start3A_881 = arith.constant 0 : i32
        %dma_start3A_882 = tpu.memref_slice %arg4[%add3A_867, %dma_start3A_881] : memref<2560x128xi32, #tpu.memory_space<hbm>> -> memref<1x128xi32, #tpu.memory_space<hbm>>
        %dma_start3A_883 = tpu.memref_squeeze %dma_start3A_882 : memref<1x128xi32, #tpu.memory_space<hbm>> -> memref<128xi32, #tpu.memory_space<hbm>>
        tpu.enqueue_dma source(%dma_start3A_883 : memref<128xi32, #tpu.memory_space<hbm>>) target(%dma_start3A_880 : memref<128xi32, #tpu.memory_space<vmem>>) target_semaphore(%dma_start3A_877 : memref<!tpu.dma_semaphore, #tpu.memory_space<semaphore_mem>>)
      } else {
      }
      %add3A_719 = arith.addi %mul3A_2, %add3A_675 : i32
      %dma_wait3A_720 = arith.constant 5 : i32
      %dma_wait3A_721 = arith.constant 5 : i32
      %dma_wait3A_722 = arith.constant 0 : i32
      %dma_wait3A_723 = tpu.memref_slice %arg8[%dma_wait3A_720, %dma_wait3A_722] : memref<8x128xi32, #tpu.memory_space<vmem>> -> memref<1x128xi32, #tpu.memory_space<vmem>>
      %dma_wait3A_724 = tpu.memref_squeeze %dma_wait3A_723 : memref<1x128xi32, #tpu.memory_space<vmem>> -> memref<128xi32, #tpu.memory_space<vmem>>
      %dma_wait3A_725 = arith.constant 0 : i32
      %dma_wait3A_726 = tpu.memref_slice %arg5[%add3A_719, %dma_wait3A_725] : memref<2560x128xi32, #tpu.memory_space<hbm>> -> memref<1x128xi32, #tpu.memory_space<hbm>>
      %dma_wait3A_727 = tpu.memref_squeeze %dma_wait3A_726 : memref<1x128xi32, #tpu.memory_space<hbm>> -> memref<128xi32, #tpu.memory_space<hbm>>
      %dma_wait3A_728 = tpu.memref_slice %arg12[%dma_wait3A_721] : memref<8x!tpu.dma_semaphore, #tpu.memory_space<semaphore_mem>> -> memref<1x!tpu.dma_semaphore, #tpu.memory_space<semaphore_mem>>
      %dma_wait3A_729 = tpu.memref_squeeze %dma_wait3A_728 : memref<1x!tpu.dma_semaphore, #tpu.memory_space<semaphore_mem>> -> memref<!tpu.dma_semaphore, #tpu.memory_space<semaphore_mem>>
      %dma_wait3A_730 = arith.constant 0 : i32
      %dma_wait3A_731 = tpu.memref_slice %arg8[%dma_wait3A_720, %dma_wait3A_730] : memref<8x128xi32, #tpu.memory_space<vmem>> -> memref<1x128xi32, #tpu.memory_space<vmem>>
      %dma_wait3A_732 = tpu.memref_squeeze %dma_wait3A_731 : memref<1x128xi32, #tpu.memory_space<vmem>> -> memref<128xi32, #tpu.memory_space<vmem>>
      %dma_wait3A_733 = arith.constant 0 : i32
      %dma_wait3A_734 = tpu.memref_slice %arg5[%add3A_719, %dma_wait3A_733] : memref<2560x128xi32, #tpu.memory_space<hbm>> -> memref<1x128xi32, #tpu.memory_space<hbm>>
      %dma_wait3A_735 = tpu.memref_squeeze %dma_wait3A_734 : memref<1x128xi32, #tpu.memory_space<hbm>> -> memref<128xi32, #tpu.memory_space<hbm>>
      tpu.wait_dma2 semaphore(%dma_wait3A_729 : memref<!tpu.dma_semaphore, #tpu.memory_space<semaphore_mem>>) src(%dma_wait3A_735 : memref<128xi32, #tpu.memory_space<hbm>>) dst(%dma_wait3A_732 : memref<128xi32, #tpu.memory_space<vmem>>)
      %run_scoped3A_736 = arith.constant 5 : i32
      "tpu.region"() ({
        %run_scoped3A_867 = tpu.sem_alloc : memref<!tpu.dma_semaphore, #tpu.memory_space<semaphore_mem>>
        %dma_start3A_868 = arith.constant 640 : i32
        %dma_start3A_869 = arith.constant 0 : i32
        %dma_start3A_870 = tpu.memref_slice %arg9[%dma_start3A_868, %dma_start3A_869] : memref<1024x32xf32, #tpu.memory_space<vmem>> -> memref<128x32xf32, #tpu.memory_space<vmem>>
        %dma_start3A_871 = arith.constant 0 : i32
        %dma_start3A_872 = tpu.memref_slice %arg8[%run_scoped3A_736, %dma_start3A_871] : memref<8x128xi32, #tpu.memory_space<vmem>> -> memref<1x128xi32, #tpu.memory_space<vmem>>
        %dma_start3A_873 = tpu.memref_squeeze %dma_start3A_872 : memref<1x128xi32, #tpu.memory_space<vmem>> -> memref<128xi32, #tpu.memory_space<vmem>>
        %dma_start3A_874 = arith.constant 0 : i32
        %dma_start3A_875 = arith.constant 0 : i32
        %dma_start3A_876 = tpu.memref_slice %arg10[%dma_start3A_874, %dma_start3A_875] : memref<10112x32xf32, #tpu.memory_space<vmem_shared>> -> memref<10112x32xf32, #tpu.memory_space<vmem_shared>>
        tpu.enqueue_indirect_dma source(%dma_start3A_870 : memref<128x32xf32, #tpu.memory_space<vmem>>) target(%dma_start3A_876 : memref<10112x32xf32, #tpu.memory_space<vmem_shared>>) offsets(%dma_start3A_873 : memref<128xi32, #tpu.memory_space<vmem>>) semaphore(%run_scoped3A_867 : memref<!tpu.dma_semaphore, #tpu.memory_space<semaphore_mem>>) {add = true}
        %dma_wait3A_877 = arith.constant 640 : i32
        %dma_wait3A_878 = arith.constant 0 : i32
        %dma_wait3A_879 = tpu.memref_slice %arg9[%dma_wait3A_877, %dma_wait3A_878] : memref<1024x32xf32, #tpu.memory_space<vmem>> -> memref<128x32xf32, #tpu.memory_space<vmem>>
        %dma_wait3A_880 = arith.constant 0 : i32
        %dma_wait3A_881 = tpu.memref_slice %arg8[%run_scoped3A_736, %dma_wait3A_880] : memref<8x128xi32, #tpu.memory_space<vmem>> -> memref<1x128xi32, #tpu.memory_space<vmem>>
        %dma_wait3A_882 = tpu.memref_squeeze %dma_wait3A_881 : memref<1x128xi32, #tpu.memory_space<vmem>> -> memref<128xi32, #tpu.memory_space<vmem>>
        %dma_wait3A_883 = arith.constant 0 : i32
        %dma_wait3A_884 = arith.constant 0 : i32
        %dma_wait3A_885 = tpu.memref_slice %arg10[%dma_wait3A_883, %dma_wait3A_884] : memref<10112x32xf32, #tpu.memory_space<vmem_shared>> -> memref<10112x32xf32, #tpu.memory_space<vmem_shared>>
        tpu.wait_indirect_dma semaphore(%run_scoped3A_867 : memref<!tpu.dma_semaphore, #tpu.memory_space<semaphore_mem>>) src(%dma_wait3A_879 : memref<128x32xf32, #tpu.memory_space<vmem>>) dst(%dma_wait3A_885 : memref<10112x32xf32, #tpu.memory_space<vmem_shared>>)
        tpu.yield
      }) : () -> ()
      %mul3A_737 = arith.constant 8 : i32
      %mul3A_738 = arith.muli %scan3A_356, %mul3A_737 : i32
      %add3A_739 = arith.constant 6 : i32
      %add3A_740 = arith.addi %mul3A_738, %add3A_739 : i32
      %add3A_741 = arith.constant 4 : i32
      %add3A_742 = arith.addi %add3A_740, %add3A_741 : i32
      %jit3A_743 = arith.constant 8 : i32
      %eq3A_744 = arith.constant 0 : i32
      %eq3A_745 = arith.cmpi eq, %jit3A_743, %eq3A_744 : i32
      %jit3A_746 = arith.constant 1 : i32
      %select_n3A_747 = arith.select %eq3A_745, %jit3A_746, %jit3A_743 : i32
      %rem3A_748 = arith.remsi %add3A_742, %select_n3A_747 : i32
      %ne3A_749 = arith.constant 0 : i32
      %ne3A_750 = arith.cmpi ne, %rem3A_748, %ne3A_749 : i32
      %lt3A_751 = arith.constant 0 : i32
      %lt3A_752 = arith.cmpi slt, %rem3A_748, %lt3A_751 : i32
      %lt3A_753 = arith.constant 0 : i32
      %lt3A_754 = arith.cmpi slt, %select_n3A_747, %lt3A_753 : i32
      %ne3A_755 = arith.xori %lt3A_752, %lt3A_754 : i1
      %and3A_756 = arith.andi %ne3A_755, %ne3A_750 : i1
      %add3A_757 = arith.addi %rem3A_748, %select_n3A_747 : i32
      %select_n3A_758 = arith.select %and3A_756, %add3A_757, %rem3A_748 : i32
      %lt3A_759 = arith.constant 80 : i32
      %lt3A_760 = arith.cmpi slt, %add3A_742, %lt3A_759 : i32
      %convert_element_type3A_761 = arith.extui %lt3A_760 : i1 to i32
      %cond3A_762 = arith.constant 0 : i32
      %cond3A_763 = arith.cmpi ne, %convert_element_type3A_761, %cond3A_762 : i32
      scf.if %cond3A_763 {
        %add3A_867 = arith.addi %mul3A_2, %add3A_742 : i32
        %dma_start3A_868 = arith.constant 0 : i32
        %dma_start3A_869 = tpu.memref_slice %arg8[%select_n3A_758, %dma_start3A_868] : memref<8x128xi32, #tpu.memory_space<vmem>> -> memref<1x128xi32, #tpu.memory_space<vmem>>
        %dma_start3A_870 = tpu.memref_squeeze %dma_start3A_869 : memref<1x128xi32, #tpu.memory_space<vmem>> -> memref<128xi32, #tpu.memory_space<vmem>>
        %dma_start3A_871 = arith.constant 0 : i32
        %dma_start3A_872 = tpu.memref_slice %arg5[%add3A_867, %dma_start3A_871] : memref<2560x128xi32, #tpu.memory_space<hbm>> -> memref<1x128xi32, #tpu.memory_space<hbm>>
        %dma_start3A_873 = tpu.memref_squeeze %dma_start3A_872 : memref<1x128xi32, #tpu.memory_space<hbm>> -> memref<128xi32, #tpu.memory_space<hbm>>
        %dma_start3A_874 = tpu.memref_slice %arg12[%select_n3A_758] : memref<8x!tpu.dma_semaphore, #tpu.memory_space<semaphore_mem>> -> memref<1x!tpu.dma_semaphore, #tpu.memory_space<semaphore_mem>>
        %dma_start3A_875 = tpu.memref_squeeze %dma_start3A_874 : memref<1x!tpu.dma_semaphore, #tpu.memory_space<semaphore_mem>> -> memref<!tpu.dma_semaphore, #tpu.memory_space<semaphore_mem>>
        %dma_start3A_876 = arith.constant 0 : i32
        %dma_start3A_877 = tpu.memref_slice %arg8[%select_n3A_758, %dma_start3A_876] : memref<8x128xi32, #tpu.memory_space<vmem>> -> memref<1x128xi32, #tpu.memory_space<vmem>>
        %dma_start3A_878 = tpu.memref_squeeze %dma_start3A_877 : memref<1x128xi32, #tpu.memory_space<vmem>> -> memref<128xi32, #tpu.memory_space<vmem>>
        %dma_start3A_879 = arith.constant 0 : i32
        %dma_start3A_880 = tpu.memref_slice %arg5[%add3A_867, %dma_start3A_879] : memref<2560x128xi32, #tpu.memory_space<hbm>> -> memref<1x128xi32, #tpu.memory_space<hbm>>
        %dma_start3A_881 = tpu.memref_squeeze %dma_start3A_880 : memref<1x128xi32, #tpu.memory_space<hbm>> -> memref<128xi32, #tpu.memory_space<hbm>>
        tpu.enqueue_dma source(%dma_start3A_881 : memref<128xi32, #tpu.memory_space<hbm>>) target(%dma_start3A_878 : memref<128xi32, #tpu.memory_space<vmem>>) target_semaphore(%dma_start3A_875 : memref<!tpu.dma_semaphore, #tpu.memory_space<semaphore_mem>>)
        %add3A_882 = arith.addi %mul3A_2, %add3A_742 : i32
        %dma_wait3A_883 = arith.constant 0 : i32
        %dma_wait3A_884 = tpu.memref_slice %arg7[%select_n3A_758, %dma_wait3A_883] : memref<8x128xi32, #tpu.memory_space<vmem>> -> memref<1x128xi32, #tpu.memory_space<vmem>>
        %dma_wait3A_885 = tpu.memref_squeeze %dma_wait3A_884 : memref<1x128xi32, #tpu.memory_space<vmem>> -> memref<128xi32, #tpu.memory_space<vmem>>
        %dma_wait3A_886 = arith.constant 0 : i32
        %dma_wait3A_887 = tpu.memref_slice %arg4[%add3A_882, %dma_wait3A_886] : memref<2560x128xi32, #tpu.memory_space<hbm>> -> memref<1x128xi32, #tpu.memory_space<hbm>>
        %dma_wait3A_888 = tpu.memref_squeeze %dma_wait3A_887 : memref<1x128xi32, #tpu.memory_space<hbm>> -> memref<128xi32, #tpu.memory_space<hbm>>
        %dma_wait3A_889 = tpu.memref_slice %arg11[%select_n3A_758] : memref<8x!tpu.dma_semaphore, #tpu.memory_space<semaphore_mem>> -> memref<1x!tpu.dma_semaphore, #tpu.memory_space<semaphore_mem>>
        %dma_wait3A_890 = tpu.memref_squeeze %dma_wait3A_889 : memref<1x!tpu.dma_semaphore, #tpu.memory_space<semaphore_mem>> -> memref<!tpu.dma_semaphore, #tpu.memory_space<semaphore_mem>>
        %dma_wait3A_891 = arith.constant 0 : i32
        %dma_wait3A_892 = tpu.memref_slice %arg7[%select_n3A_758, %dma_wait3A_891] : memref<8x128xi32, #tpu.memory_space<vmem>> -> memref<1x128xi32, #tpu.memory_space<vmem>>
        %dma_wait3A_893 = tpu.memref_squeeze %dma_wait3A_892 : memref<1x128xi32, #tpu.memory_space<vmem>> -> memref<128xi32, #tpu.memory_space<vmem>>
        %dma_wait3A_894 = arith.constant 0 : i32
        %dma_wait3A_895 = tpu.memref_slice %arg4[%add3A_882, %dma_wait3A_894] : memref<2560x128xi32, #tpu.memory_space<hbm>> -> memref<1x128xi32, #tpu.memory_space<hbm>>
        %dma_wait3A_896 = tpu.memref_squeeze %dma_wait3A_895 : memref<1x128xi32, #tpu.memory_space<hbm>> -> memref<128xi32, #tpu.memory_space<hbm>>
        tpu.wait_dma2 semaphore(%dma_wait3A_890 : memref<!tpu.dma_semaphore, #tpu.memory_space<semaphore_mem>>) src(%dma_wait3A_896 : memref<128xi32, #tpu.memory_space<hbm>>) dst(%dma_wait3A_893 : memref<128xi32, #tpu.memory_space<vmem>>)
        %mul3A_897 = arith.constant 128 : i32
        %mul3A_898 = arith.muli %select_n3A_758, %mul3A_897 : i32
        %dma_start3A_899 = arith.constant 0 : i32
        %dma_start3A_900 = tpu.memref_slice %arg9[%mul3A_898, %dma_start3A_899] : memref<1024x32xf32, #tpu.memory_space<vmem>> -> memref<128x32xf32, #tpu.memory_space<vmem>>
        %dma_start3A_901 = arith.constant 0 : i32
        %dma_start3A_902 = tpu.memref_slice %arg7[%select_n3A_758, %dma_start3A_901] : memref<8x128xi32, #tpu.memory_space<vmem>> -> memref<1x128xi32, #tpu.memory_space<vmem>>
        %dma_start3A_903 = tpu.memref_squeeze %dma_start3A_902 : memref<1x128xi32, #tpu.memory_space<vmem>> -> memref<128xi32, #tpu.memory_space<vmem>>
        %dma_start3A_904 = arith.constant 0 : i32
        %dma_start3A_905 = arith.constant 0 : i32
        %dma_start3A_906 = tpu.memref_slice %arg2[%dma_start3A_904, %dma_start3A_905] : memref<10000x32xf32, #tpu.memory_space<hbm>> -> memref<10000x32xf32, #tpu.memory_space<hbm>>
        %dma_start3A_907 = tpu.memref_slice %arg13[%select_n3A_758] : memref<8x!tpu.dma_semaphore, #tpu.memory_space<semaphore_mem>> -> memref<1x!tpu.dma_semaphore, #tpu.memory_space<semaphore_mem>>
        %dma_start3A_908 = tpu.memref_squeeze %dma_start3A_907 : memref<1x!tpu.dma_semaphore, #tpu.memory_space<semaphore_mem>> -> memref<!tpu.dma_semaphore, #tpu.memory_space<semaphore_mem>>
        tpu.enqueue_indirect_dma source(%dma_start3A_906 : memref<10000x32xf32, #tpu.memory_space<hbm>>) target(%dma_start3A_900 : memref<128x32xf32, #tpu.memory_space<vmem>>) offsets(%dma_start3A_903 : memref<128xi32, #tpu.memory_space<vmem>>) semaphore(%dma_start3A_908 : memref<!tpu.dma_semaphore, #tpu.memory_space<semaphore_mem>>)
      } else {
      }
      %dma_wait3A_764 = arith.constant 6 : i32
      %dma_wait3A_765 = arith.constant 6 : i32
      %dma_wait3A_766 = arith.constant 768 : i32
      %dma_wait3A_767 = arith.constant 0 : i32
      %dma_wait3A_768 = tpu.memref_slice %arg9[%dma_wait3A_766, %dma_wait3A_767] : memref<1024x32xf32, #tpu.memory_space<vmem>> -> memref<128x32xf32, #tpu.memory_space<vmem>>
      %dma_wait3A_769 = arith.constant 0 : i32
      %dma_wait3A_770 = tpu.memref_slice %arg7[%dma_wait3A_764, %dma_wait3A_769] : memref<8x128xi32, #tpu.memory_space<vmem>> -> memref<1x128xi32, #tpu.memory_space<vmem>>
      %dma_wait3A_771 = tpu.memref_squeeze %dma_wait3A_770 : memref<1x128xi32, #tpu.memory_space<vmem>> -> memref<128xi32, #tpu.memory_space<vmem>>
      %dma_wait3A_772 = arith.constant 0 : i32
      %dma_wait3A_773 = arith.constant 0 : i32
      %dma_wait3A_774 = tpu.memref_slice %arg2[%dma_wait3A_772, %dma_wait3A_773] : memref<10000x32xf32, #tpu.memory_space<hbm>> -> memref<10000x32xf32, #tpu.memory_space<hbm>>
      %dma_wait3A_775 = tpu.memref_slice %arg13[%dma_wait3A_765] : memref<8x!tpu.dma_semaphore, #tpu.memory_space<semaphore_mem>> -> memref<1x!tpu.dma_semaphore, #tpu.memory_space<semaphore_mem>>
      %dma_wait3A_776 = tpu.memref_squeeze %dma_wait3A_775 : memref<1x!tpu.dma_semaphore, #tpu.memory_space<semaphore_mem>> -> memref<!tpu.dma_semaphore, #tpu.memory_space<semaphore_mem>>
      tpu.wait_indirect_dma semaphore(%dma_wait3A_776 : memref<!tpu.dma_semaphore, #tpu.memory_space<semaphore_mem>>) src(%dma_wait3A_774 : memref<10000x32xf32, #tpu.memory_space<hbm>>) dst(%dma_wait3A_768 : memref<128x32xf32, #tpu.memory_space<vmem>>)
      %add3A_777 = arith.constant 8 : i32
      %add3A_778 = arith.addi %add3A_740, %add3A_777 : i32
      %lt3A_779 = arith.constant 80 : i32
      %lt3A_780 = arith.cmpi slt, %add3A_778, %lt3A_779 : i32
      %convert_element_type3A_781 = arith.extui %lt3A_780 : i1 to i32
      %cond3A_782 = arith.constant 0 : i32
      %cond3A_783 = arith.cmpi ne, %convert_element_type3A_781, %cond3A_782 : i32
      scf.if %cond3A_783 {
        %add3A_867 = arith.addi %mul3A_2, %add3A_778 : i32
        %dma_start3A_868 = arith.constant 6 : i32
        %dma_start3A_869 = arith.constant 6 : i32
        %dma_start3A_870 = arith.constant 0 : i32
        %dma_start3A_871 = tpu.memref_slice %arg7[%dma_start3A_868, %dma_start3A_870] : memref<8x128xi32, #tpu.memory_space<vmem>> -> memref<1x128xi32, #tpu.memory_space<vmem>>
        %dma_start3A_872 = tpu.memref_squeeze %dma_start3A_871 : memref<1x128xi32, #tpu.memory_space<vmem>> -> memref<128xi32, #tpu.memory_space<vmem>>
        %dma_start3A_873 = arith.constant 0 : i32
        %dma_start3A_874 = tpu.memref_slice %arg4[%add3A_867, %dma_start3A_873] : memref<2560x128xi32, #tpu.memory_space<hbm>> -> memref<1x128xi32, #tpu.memory_space<hbm>>
        %dma_start3A_875 = tpu.memref_squeeze %dma_start3A_874 : memref<1x128xi32, #tpu.memory_space<hbm>> -> memref<128xi32, #tpu.memory_space<hbm>>
        %dma_start3A_876 = tpu.memref_slice %arg11[%dma_start3A_869] : memref<8x!tpu.dma_semaphore, #tpu.memory_space<semaphore_mem>> -> memref<1x!tpu.dma_semaphore, #tpu.memory_space<semaphore_mem>>
        %dma_start3A_877 = tpu.memref_squeeze %dma_start3A_876 : memref<1x!tpu.dma_semaphore, #tpu.memory_space<semaphore_mem>> -> memref<!tpu.dma_semaphore, #tpu.memory_space<semaphore_mem>>
        %dma_start3A_878 = arith.constant 0 : i32
        %dma_start3A_879 = tpu.memref_slice %arg7[%dma_start3A_868, %dma_start3A_878] : memref<8x128xi32, #tpu.memory_space<vmem>> -> memref<1x128xi32, #tpu.memory_space<vmem>>
        %dma_start3A_880 = tpu.memref_squeeze %dma_start3A_879 : memref<1x128xi32, #tpu.memory_space<vmem>> -> memref<128xi32, #tpu.memory_space<vmem>>
        %dma_start3A_881 = arith.constant 0 : i32
        %dma_start3A_882 = tpu.memref_slice %arg4[%add3A_867, %dma_start3A_881] : memref<2560x128xi32, #tpu.memory_space<hbm>> -> memref<1x128xi32, #tpu.memory_space<hbm>>
        %dma_start3A_883 = tpu.memref_squeeze %dma_start3A_882 : memref<1x128xi32, #tpu.memory_space<hbm>> -> memref<128xi32, #tpu.memory_space<hbm>>
        tpu.enqueue_dma source(%dma_start3A_883 : memref<128xi32, #tpu.memory_space<hbm>>) target(%dma_start3A_880 : memref<128xi32, #tpu.memory_space<vmem>>) target_semaphore(%dma_start3A_877 : memref<!tpu.dma_semaphore, #tpu.memory_space<semaphore_mem>>)
      } else {
      }
      %add3A_784 = arith.addi %mul3A_2, %add3A_740 : i32
      %dma_wait3A_785 = arith.constant 6 : i32
      %dma_wait3A_786 = arith.constant 6 : i32
      %dma_wait3A_787 = arith.constant 0 : i32
      %dma_wait3A_788 = tpu.memref_slice %arg8[%dma_wait3A_785, %dma_wait3A_787] : memref<8x128xi32, #tpu.memory_space<vmem>> -> memref<1x128xi32, #tpu.memory_space<vmem>>
      %dma_wait3A_789 = tpu.memref_squeeze %dma_wait3A_788 : memref<1x128xi32, #tpu.memory_space<vmem>> -> memref<128xi32, #tpu.memory_space<vmem>>
      %dma_wait3A_790 = arith.constant 0 : i32
      %dma_wait3A_791 = tpu.memref_slice %arg5[%add3A_784, %dma_wait3A_790] : memref<2560x128xi32, #tpu.memory_space<hbm>> -> memref<1x128xi32, #tpu.memory_space<hbm>>
      %dma_wait3A_792 = tpu.memref_squeeze %dma_wait3A_791 : memref<1x128xi32, #tpu.memory_space<hbm>> -> memref<128xi32, #tpu.memory_space<hbm>>
      %dma_wait3A_793 = tpu.memref_slice %arg12[%dma_wait3A_786] : memref<8x!tpu.dma_semaphore, #tpu.memory_space<semaphore_mem>> -> memref<1x!tpu.dma_semaphore, #tpu.memory_space<semaphore_mem>>
      %dma_wait3A_794 = tpu.memref_squeeze %dma_wait3A_793 : memref<1x!tpu.dma_semaphore, #tpu.memory_space<semaphore_mem>> -> memref<!tpu.dma_semaphore, #tpu.memory_space<semaphore_mem>>
      %dma_wait3A_795 = arith.constant 0 : i32
      %dma_wait3A_796 = tpu.memref_slice %arg8[%dma_wait3A_785, %dma_wait3A_795] : memref<8x128xi32, #tpu.memory_space<vmem>> -> memref<1x128xi32, #tpu.memory_space<vmem>>
      %dma_wait3A_797 = tpu.memref_squeeze %dma_wait3A_796 : memref<1x128xi32, #tpu.memory_space<vmem>> -> memref<128xi32, #tpu.memory_space<vmem>>
      %dma_wait3A_798 = arith.constant 0 : i32
      %dma_wait3A_799 = tpu.memref_slice %arg5[%add3A_784, %dma_wait3A_798] : memref<2560x128xi32, #tpu.memory_space<hbm>> -> memref<1x128xi32, #tpu.memory_space<hbm>>
      %dma_wait3A_800 = tpu.memref_squeeze %dma_wait3A_799 : memref<1x128xi32, #tpu.memory_space<hbm>> -> memref<128xi32, #tpu.memory_space<hbm>>
      tpu.wait_dma2 semaphore(%dma_wait3A_794 : memref<!tpu.dma_semaphore, #tpu.memory_space<semaphore_mem>>) src(%dma_wait3A_800 : memref<128xi32, #tpu.memory_space<hbm>>) dst(%dma_wait3A_797 : memref<128xi32, #tpu.memory_space<vmem>>)
      %run_scoped3A_801 = arith.constant 6 : i32
      "tpu.region"() ({
        %run_scoped3A_867 = tpu.sem_alloc : memref<!tpu.dma_semaphore, #tpu.memory_space<semaphore_mem>>
        %dma_start3A_868 = arith.constant 768 : i32
        %dma_start3A_869 = arith.constant 0 : i32
        %dma_start3A_870 = tpu.memref_slice %arg9[%dma_start3A_868, %dma_start3A_869] : memref<1024x32xf32, #tpu.memory_space<vmem>> -> memref<128x32xf32, #tpu.memory_space<vmem>>
        %dma_start3A_871 = arith.constant 0 : i32
        %dma_start3A_872 = tpu.memref_slice %arg8[%run_scoped3A_801, %dma_start3A_871] : memref<8x128xi32, #tpu.memory_space<vmem>> -> memref<1x128xi32, #tpu.memory_space<vmem>>
        %dma_start3A_873 = tpu.memref_squeeze %dma_start3A_872 : memref<1x128xi32, #tpu.memory_space<vmem>> -> memref<128xi32, #tpu.memory_space<vmem>>
        %dma_start3A_874 = arith.constant 0 : i32
        %dma_start3A_875 = arith.constant 0 : i32
        %dma_start3A_876 = tpu.memref_slice %arg10[%dma_start3A_874, %dma_start3A_875] : memref<10112x32xf32, #tpu.memory_space<vmem_shared>> -> memref<10112x32xf32, #tpu.memory_space<vmem_shared>>
        tpu.enqueue_indirect_dma source(%dma_start3A_870 : memref<128x32xf32, #tpu.memory_space<vmem>>) target(%dma_start3A_876 : memref<10112x32xf32, #tpu.memory_space<vmem_shared>>) offsets(%dma_start3A_873 : memref<128xi32, #tpu.memory_space<vmem>>) semaphore(%run_scoped3A_867 : memref<!tpu.dma_semaphore, #tpu.memory_space<semaphore_mem>>) {add = true}
        %dma_wait3A_877 = arith.constant 768 : i32
        %dma_wait3A_878 = arith.constant 0 : i32
        %dma_wait3A_879 = tpu.memref_slice %arg9[%dma_wait3A_877, %dma_wait3A_878] : memref<1024x32xf32, #tpu.memory_space<vmem>> -> memref<128x32xf32, #tpu.memory_space<vmem>>
        %dma_wait3A_880 = arith.constant 0 : i32
        %dma_wait3A_881 = tpu.memref_slice %arg8[%run_scoped3A_801, %dma_wait3A_880] : memref<8x128xi32, #tpu.memory_space<vmem>> -> memref<1x128xi32, #tpu.memory_space<vmem>>
        %dma_wait3A_882 = tpu.memref_squeeze %dma_wait3A_881 : memref<1x128xi32, #tpu.memory_space<vmem>> -> memref<128xi32, #tpu.memory_space<vmem>>
        %dma_wait3A_883 = arith.constant 0 : i32
        %dma_wait3A_884 = arith.constant 0 : i32
        %dma_wait3A_885 = tpu.memref_slice %arg10[%dma_wait3A_883, %dma_wait3A_884] : memref<10112x32xf32, #tpu.memory_space<vmem_shared>> -> memref<10112x32xf32, #tpu.memory_space<vmem_shared>>
        tpu.wait_indirect_dma semaphore(%run_scoped3A_867 : memref<!tpu.dma_semaphore, #tpu.memory_space<semaphore_mem>>) src(%dma_wait3A_879 : memref<128x32xf32, #tpu.memory_space<vmem>>) dst(%dma_wait3A_885 : memref<10112x32xf32, #tpu.memory_space<vmem_shared>>)
        tpu.yield
      }) : () -> ()
      %mul3A_802 = arith.constant 8 : i32
      %mul3A_803 = arith.muli %scan3A_356, %mul3A_802 : i32
      %add3A_804 = arith.constant 7 : i32
      %add3A_805 = arith.addi %mul3A_803, %add3A_804 : i32
      %add3A_806 = arith.constant 4 : i32
      %add3A_807 = arith.addi %add3A_805, %add3A_806 : i32
      %jit3A_808 = arith.constant 8 : i32
      %eq3A_809 = arith.constant 0 : i32
      %eq3A_810 = arith.cmpi eq, %jit3A_808, %eq3A_809 : i32
      %jit3A_811 = arith.constant 1 : i32
      %select_n3A_812 = arith.select %eq3A_810, %jit3A_811, %jit3A_808 : i32
      %rem3A_813 = arith.remsi %add3A_807, %select_n3A_812 : i32
      %ne3A_814 = arith.constant 0 : i32
      %ne3A_815 = arith.cmpi ne, %rem3A_813, %ne3A_814 : i32
      %lt3A_816 = arith.constant 0 : i32
      %lt3A_817 = arith.cmpi slt, %rem3A_813, %lt3A_816 : i32
      %lt3A_818 = arith.constant 0 : i32
      %lt3A_819 = arith.cmpi slt, %select_n3A_812, %lt3A_818 : i32
      %ne3A_820 = arith.xori %lt3A_817, %lt3A_819 : i1
      %and3A_821 = arith.andi %ne3A_820, %ne3A_815 : i1
      %add3A_822 = arith.addi %rem3A_813, %select_n3A_812 : i32
      %select_n3A_823 = arith.select %and3A_821, %add3A_822, %rem3A_813 : i32
      %lt3A_824 = arith.constant 80 : i32
      %lt3A_825 = arith.cmpi slt, %add3A_807, %lt3A_824 : i32
      %convert_element_type3A_826 = arith.extui %lt3A_825 : i1 to i32
      %cond3A_827 = arith.constant 0 : i32
      %cond3A_828 = arith.cmpi ne, %convert_element_type3A_826, %cond3A_827 : i32
      scf.if %cond3A_828 {
        %add3A_867 = arith.addi %mul3A_2, %add3A_807 : i32
        %dma_start3A_868 = arith.constant 0 : i32
        %dma_start3A_869 = tpu.memref_slice %arg8[%select_n3A_823, %dma_start3A_868] : memref<8x128xi32, #tpu.memory_space<vmem>> -> memref<1x128xi32, #tpu.memory_space<vmem>>
        %dma_start3A_870 = tpu.memref_squeeze %dma_start3A_869 : memref<1x128xi32, #tpu.memory_space<vmem>> -> memref<128xi32, #tpu.memory_space<vmem>>
        %dma_start3A_871 = arith.constant 0 : i32
        %dma_start3A_872 = tpu.memref_slice %arg5[%add3A_867, %dma_start3A_871] : memref<2560x128xi32, #tpu.memory_space<hbm>> -> memref<1x128xi32, #tpu.memory_space<hbm>>
        %dma_start3A_873 = tpu.memref_squeeze %dma_start3A_872 : memref<1x128xi32, #tpu.memory_space<hbm>> -> memref<128xi32, #tpu.memory_space<hbm>>
        %dma_start3A_874 = tpu.memref_slice %arg12[%select_n3A_823] : memref<8x!tpu.dma_semaphore, #tpu.memory_space<semaphore_mem>> -> memref<1x!tpu.dma_semaphore, #tpu.memory_space<semaphore_mem>>
        %dma_start3A_875 = tpu.memref_squeeze %dma_start3A_874 : memref<1x!tpu.dma_semaphore, #tpu.memory_space<semaphore_mem>> -> memref<!tpu.dma_semaphore, #tpu.memory_space<semaphore_mem>>
        %dma_start3A_876 = arith.constant 0 : i32
        %dma_start3A_877 = tpu.memref_slice %arg8[%select_n3A_823, %dma_start3A_876] : memref<8x128xi32, #tpu.memory_space<vmem>> -> memref<1x128xi32, #tpu.memory_space<vmem>>
        %dma_start3A_878 = tpu.memref_squeeze %dma_start3A_877 : memref<1x128xi32, #tpu.memory_space<vmem>> -> memref<128xi32, #tpu.memory_space<vmem>>
        %dma_start3A_879 = arith.constant 0 : i32
        %dma_start3A_880 = tpu.memref_slice %arg5[%add3A_867, %dma_start3A_879] : memref<2560x128xi32, #tpu.memory_space<hbm>> -> memref<1x128xi32, #tpu.memory_space<hbm>>
        %dma_start3A_881 = tpu.memref_squeeze %dma_start3A_880 : memref<1x128xi32, #tpu.memory_space<hbm>> -> memref<128xi32, #tpu.memory_space<hbm>>
        tpu.enqueue_dma source(%dma_start3A_881 : memref<128xi32, #tpu.memory_space<hbm>>) target(%dma_start3A_878 : memref<128xi32, #tpu.memory_space<vmem>>) target_semaphore(%dma_start3A_875 : memref<!tpu.dma_semaphore, #tpu.memory_space<semaphore_mem>>)
        %add3A_882 = arith.addi %mul3A_2, %add3A_807 : i32
        %dma_wait3A_883 = arith.constant 0 : i32
        %dma_wait3A_884 = tpu.memref_slice %arg7[%select_n3A_823, %dma_wait3A_883] : memref<8x128xi32, #tpu.memory_space<vmem>> -> memref<1x128xi32, #tpu.memory_space<vmem>>
        %dma_wait3A_885 = tpu.memref_squeeze %dma_wait3A_884 : memref<1x128xi32, #tpu.memory_space<vmem>> -> memref<128xi32, #tpu.memory_space<vmem>>
        %dma_wait3A_886 = arith.constant 0 : i32
        %dma_wait3A_887 = tpu.memref_slice %arg4[%add3A_882, %dma_wait3A_886] : memref<2560x128xi32, #tpu.memory_space<hbm>> -> memref<1x128xi32, #tpu.memory_space<hbm>>
        %dma_wait3A_888 = tpu.memref_squeeze %dma_wait3A_887 : memref<1x128xi32, #tpu.memory_space<hbm>> -> memref<128xi32, #tpu.memory_space<hbm>>
        %dma_wait3A_889 = tpu.memref_slice %arg11[%select_n3A_823] : memref<8x!tpu.dma_semaphore, #tpu.memory_space<semaphore_mem>> -> memref<1x!tpu.dma_semaphore, #tpu.memory_space<semaphore_mem>>
        %dma_wait3A_890 = tpu.memref_squeeze %dma_wait3A_889 : memref<1x!tpu.dma_semaphore, #tpu.memory_space<semaphore_mem>> -> memref<!tpu.dma_semaphore, #tpu.memory_space<semaphore_mem>>
        %dma_wait3A_891 = arith.constant 0 : i32
        %dma_wait3A_892 = tpu.memref_slice %arg7[%select_n3A_823, %dma_wait3A_891] : memref<8x128xi32, #tpu.memory_space<vmem>> -> memref<1x128xi32, #tpu.memory_space<vmem>>
        %dma_wait3A_893 = tpu.memref_squeeze %dma_wait3A_892 : memref<1x128xi32, #tpu.memory_space<vmem>> -> memref<128xi32, #tpu.memory_space<vmem>>
        %dma_wait3A_894 = arith.constant 0 : i32
        %dma_wait3A_895 = tpu.memref_slice %arg4[%add3A_882, %dma_wait3A_894] : memref<2560x128xi32, #tpu.memory_space<hbm>> -> memref<1x128xi32, #tpu.memory_space<hbm>>
        %dma_wait3A_896 = tpu.memref_squeeze %dma_wait3A_895 : memref<1x128xi32, #tpu.memory_space<hbm>> -> memref<128xi32, #tpu.memory_space<hbm>>
        tpu.wait_dma2 semaphore(%dma_wait3A_890 : memref<!tpu.dma_semaphore, #tpu.memory_space<semaphore_mem>>) src(%dma_wait3A_896 : memref<128xi32, #tpu.memory_space<hbm>>) dst(%dma_wait3A_893 : memref<128xi32, #tpu.memory_space<vmem>>)
        %mul3A_897 = arith.constant 128 : i32
        %mul3A_898 = arith.muli %select_n3A_823, %mul3A_897 : i32
        %dma_start3A_899 = arith.constant 0 : i32
        %dma_start3A_900 = tpu.memref_slice %arg9[%mul3A_898, %dma_start3A_899] : memref<1024x32xf32, #tpu.memory_space<vmem>> -> memref<128x32xf32, #tpu.memory_space<vmem>>
        %dma_start3A_901 = arith.constant 0 : i32
        %dma_start3A_902 = tpu.memref_slice %arg7[%select_n3A_823, %dma_start3A_901] : memref<8x128xi32, #tpu.memory_space<vmem>> -> memref<1x128xi32, #tpu.memory_space<vmem>>
        %dma_start3A_903 = tpu.memref_squeeze %dma_start3A_902 : memref<1x128xi32, #tpu.memory_space<vmem>> -> memref<128xi32, #tpu.memory_space<vmem>>
        %dma_start3A_904 = arith.constant 0 : i32
        %dma_start3A_905 = arith.constant 0 : i32
        %dma_start3A_906 = tpu.memref_slice %arg2[%dma_start3A_904, %dma_start3A_905] : memref<10000x32xf32, #tpu.memory_space<hbm>> -> memref<10000x32xf32, #tpu.memory_space<hbm>>
        %dma_start3A_907 = tpu.memref_slice %arg13[%select_n3A_823] : memref<8x!tpu.dma_semaphore, #tpu.memory_space<semaphore_mem>> -> memref<1x!tpu.dma_semaphore, #tpu.memory_space<semaphore_mem>>
        %dma_start3A_908 = tpu.memref_squeeze %dma_start3A_907 : memref<1x!tpu.dma_semaphore, #tpu.memory_space<semaphore_mem>> -> memref<!tpu.dma_semaphore, #tpu.memory_space<semaphore_mem>>
        tpu.enqueue_indirect_dma source(%dma_start3A_906 : memref<10000x32xf32, #tpu.memory_space<hbm>>) target(%dma_start3A_900 : memref<128x32xf32, #tpu.memory_space<vmem>>) offsets(%dma_start3A_903 : memref<128xi32, #tpu.memory_space<vmem>>) semaphore(%dma_start3A_908 : memref<!tpu.dma_semaphore, #tpu.memory_space<semaphore_mem>>)
      } else {
      }
      %dma_wait3A_829 = arith.constant 7 : i32
      %dma_wait3A_830 = arith.constant 7 : i32
      %dma_wait3A_831 = arith.constant 896 : i32
      %dma_wait3A_832 = arith.constant 0 : i32
      %dma_wait3A_833 = tpu.memref_slice %arg9[%dma_wait3A_831, %dma_wait3A_832] : memref<1024x32xf32, #tpu.memory_space<vmem>> -> memref<128x32xf32, #tpu.memory_space<vmem>>
      %dma_wait3A_834 = arith.constant 0 : i32
      %dma_wait3A_835 = tpu.memref_slice %arg7[%dma_wait3A_829, %dma_wait3A_834] : memref<8x128xi32, #tpu.memory_space<vmem>> -> memref<1x128xi32, #tpu.memory_space<vmem>>
      %dma_wait3A_836 = tpu.memref_squeeze %dma_wait3A_835 : memref<1x128xi32, #tpu.memory_space<vmem>> -> memref<128xi32, #tpu.memory_space<vmem>>
      %dma_wait3A_837 = arith.constant 0 : i32
      %dma_wait3A_838 = arith.constant 0 : i32
      %dma_wait3A_839 = tpu.memref_slice %arg2[%dma_wait3A_837, %dma_wait3A_838] : memref<10000x32xf32, #tpu.memory_space<hbm>> -> memref<10000x32xf32, #tpu.memory_space<hbm>>
      %dma_wait3A_840 = tpu.memref_slice %arg13[%dma_wait3A_830] : memref<8x!tpu.dma_semaphore, #tpu.memory_space<semaphore_mem>> -> memref<1x!tpu.dma_semaphore, #tpu.memory_space<semaphore_mem>>
      %dma_wait3A_841 = tpu.memref_squeeze %dma_wait3A_840 : memref<1x!tpu.dma_semaphore, #tpu.memory_space<semaphore_mem>> -> memref<!tpu.dma_semaphore, #tpu.memory_space<semaphore_mem>>
      tpu.wait_indirect_dma semaphore(%dma_wait3A_841 : memref<!tpu.dma_semaphore, #tpu.memory_space<semaphore_mem>>) src(%dma_wait3A_839 : memref<10000x32xf32, #tpu.memory_space<hbm>>) dst(%dma_wait3A_833 : memref<128x32xf32, #tpu.memory_space<vmem>>)
      %add3A_842 = arith.constant 8 : i32
      %add3A_843 = arith.addi %add3A_805, %add3A_842 : i32
      %lt3A_844 = arith.constant 80 : i32
      %lt3A_845 = arith.cmpi slt, %add3A_843, %lt3A_844 : i32
      %convert_element_type3A_846 = arith.extui %lt3A_845 : i1 to i32
      %cond3A_847 = arith.constant 0 : i32
      %cond3A_848 = arith.cmpi ne, %convert_element_type3A_846, %cond3A_847 : i32
      scf.if %cond3A_848 {
        %add3A_867 = arith.addi %mul3A_2, %add3A_843 : i32
        %dma_start3A_868 = arith.constant 7 : i32
        %dma_start3A_869 = arith.constant 7 : i32
        %dma_start3A_870 = arith.constant 0 : i32
        %dma_start3A_871 = tpu.memref_slice %arg7[%dma_start3A_868, %dma_start3A_870] : memref<8x128xi32, #tpu.memory_space<vmem>> -> memref<1x128xi32, #tpu.memory_space<vmem>>
        %dma_start3A_872 = tpu.memref_squeeze %dma_start3A_871 : memref<1x128xi32, #tpu.memory_space<vmem>> -> memref<128xi32, #tpu.memory_space<vmem>>
        %dma_start3A_873 = arith.constant 0 : i32
        %dma_start3A_874 = tpu.memref_slice %arg4[%add3A_867, %dma_start3A_873] : memref<2560x128xi32, #tpu.memory_space<hbm>> -> memref<1x128xi32, #tpu.memory_space<hbm>>
        %dma_start3A_875 = tpu.memref_squeeze %dma_start3A_874 : memref<1x128xi32, #tpu.memory_space<hbm>> -> memref<128xi32, #tpu.memory_space<hbm>>
        %dma_start3A_876 = tpu.memref_slice %arg11[%dma_start3A_869] : memref<8x!tpu.dma_semaphore, #tpu.memory_space<semaphore_mem>> -> memref<1x!tpu.dma_semaphore, #tpu.memory_space<semaphore_mem>>
        %dma_start3A_877 = tpu.memref_squeeze %dma_start3A_876 : memref<1x!tpu.dma_semaphore, #tpu.memory_space<semaphore_mem>> -> memref<!tpu.dma_semaphore, #tpu.memory_space<semaphore_mem>>
        %dma_start3A_878 = arith.constant 0 : i32
        %dma_start3A_879 = tpu.memref_slice %arg7[%dma_start3A_868, %dma_start3A_878] : memref<8x128xi32, #tpu.memory_space<vmem>> -> memref<1x128xi32, #tpu.memory_space<vmem>>
        %dma_start3A_880 = tpu.memref_squeeze %dma_start3A_879 : memref<1x128xi32, #tpu.memory_space<vmem>> -> memref<128xi32, #tpu.memory_space<vmem>>
        %dma_start3A_881 = arith.constant 0 : i32
        %dma_start3A_882 = tpu.memref_slice %arg4[%add3A_867, %dma_start3A_881] : memref<2560x128xi32, #tpu.memory_space<hbm>> -> memref<1x128xi32, #tpu.memory_space<hbm>>
        %dma_start3A_883 = tpu.memref_squeeze %dma_start3A_882 : memref<1x128xi32, #tpu.memory_space<hbm>> -> memref<128xi32, #tpu.memory_space<hbm>>
        tpu.enqueue_dma source(%dma_start3A_883 : memref<128xi32, #tpu.memory_space<hbm>>) target(%dma_start3A_880 : memref<128xi32, #tpu.memory_space<vmem>>) target_semaphore(%dma_start3A_877 : memref<!tpu.dma_semaphore, #tpu.memory_space<semaphore_mem>>)
      } else {
      }
      %add3A_849 = arith.addi %mul3A_2, %add3A_805 : i32
      %dma_wait3A_850 = arith.constant 7 : i32
      %dma_wait3A_851 = arith.constant 7 : i32
      %dma_wait3A_852 = arith.constant 0 : i32
      %dma_wait3A_853 = tpu.memref_slice %arg8[%dma_wait3A_850, %dma_wait3A_852] : memref<8x128xi32, #tpu.memory_space<vmem>> -> memref<1x128xi32, #tpu.memory_space<vmem>>
      %dma_wait3A_854 = tpu.memref_squeeze %dma_wait3A_853 : memref<1x128xi32, #tpu.memory_space<vmem>> -> memref<128xi32, #tpu.memory_space<vmem>>
      %dma_wait3A_855 = arith.constant 0 : i32
      %dma_wait3A_856 = tpu.memref_slice %arg5[%add3A_849, %dma_wait3A_855] : memref<2560x128xi32, #tpu.memory_space<hbm>> -> memref<1x128xi32, #tpu.memory_space<hbm>>
      %dma_wait3A_857 = tpu.memref_squeeze %dma_wait3A_856 : memref<1x128xi32, #tpu.memory_space<hbm>> -> memref<128xi32, #tpu.memory_space<hbm>>
      %dma_wait3A_858 = tpu.memref_slice %arg12[%dma_wait3A_851] : memref<8x!tpu.dma_semaphore, #tpu.memory_space<semaphore_mem>> -> memref<1x!tpu.dma_semaphore, #tpu.memory_space<semaphore_mem>>
      %dma_wait3A_859 = tpu.memref_squeeze %dma_wait3A_858 : memref<1x!tpu.dma_semaphore, #tpu.memory_space<semaphore_mem>> -> memref<!tpu.dma_semaphore, #tpu.memory_space<semaphore_mem>>
      %dma_wait3A_860 = arith.constant 0 : i32
      %dma_wait3A_861 = tpu.memref_slice %arg8[%dma_wait3A_850, %dma_wait3A_860] : memref<8x128xi32, #tpu.memory_space<vmem>> -> memref<1x128xi32, #tpu.memory_space<vmem>>
      %dma_wait3A_862 = tpu.memref_squeeze %dma_wait3A_861 : memref<1x128xi32, #tpu.memory_space<vmem>> -> memref<128xi32, #tpu.memory_space<vmem>>
      %dma_wait3A_863 = arith.constant 0 : i32
      %dma_wait3A_864 = tpu.memref_slice %arg5[%add3A_849, %dma_wait3A_863] : memref<2560x128xi32, #tpu.memory_space<hbm>> -> memref<1x128xi32, #tpu.memory_space<hbm>>
      %dma_wait3A_865 = tpu.memref_squeeze %dma_wait3A_864 : memref<1x128xi32, #tpu.memory_space<hbm>> -> memref<128xi32, #tpu.memory_space<hbm>>
      tpu.wait_dma2 semaphore(%dma_wait3A_859 : memref<!tpu.dma_semaphore, #tpu.memory_space<semaphore_mem>>) src(%dma_wait3A_865 : memref<128xi32, #tpu.memory_space<hbm>>) dst(%dma_wait3A_862 : memref<128xi32, #tpu.memory_space<vmem>>)
      %run_scoped3A_866 = arith.constant 7 : i32
      "tpu.region"() ({
        %run_scoped3A_867 = tpu.sem_alloc : memref<!tpu.dma_semaphore, #tpu.memory_space<semaphore_mem>>
        %dma_start3A_868 = arith.constant 896 : i32
        %dma_start3A_869 = arith.constant 0 : i32
        %dma_start3A_870 = tpu.memref_slice %arg9[%dma_start3A_868, %dma_start3A_869] : memref<1024x32xf32, #tpu.memory_space<vmem>> -> memref<128x32xf32, #tpu.memory_space<vmem>>
        %dma_start3A_871 = arith.constant 0 : i32
        %dma_start3A_872 = tpu.memref_slice %arg8[%run_scoped3A_866, %dma_start3A_871] : memref<8x128xi32, #tpu.memory_space<vmem>> -> memref<1x128xi32, #tpu.memory_space<vmem>>
        %dma_start3A_873 = tpu.memref_squeeze %dma_start3A_872 : memref<1x128xi32, #tpu.memory_space<vmem>> -> memref<128xi32, #tpu.memory_space<vmem>>
        %dma_start3A_874 = arith.constant 0 : i32
        %dma_start3A_875 = arith.constant 0 : i32
        %dma_start3A_876 = tpu.memref_slice %arg10[%dma_start3A_874, %dma_start3A_875] : memref<10112x32xf32, #tpu.memory_space<vmem_shared>> -> memref<10112x32xf32, #tpu.memory_space<vmem_shared>>
        tpu.enqueue_indirect_dma source(%dma_start3A_870 : memref<128x32xf32, #tpu.memory_space<vmem>>) target(%dma_start3A_876 : memref<10112x32xf32, #tpu.memory_space<vmem_shared>>) offsets(%dma_start3A_873 : memref<128xi32, #tpu.memory_space<vmem>>) semaphore(%run_scoped3A_867 : memref<!tpu.dma_semaphore, #tpu.memory_space<semaphore_mem>>) {add = true}
        %dma_wait3A_877 = arith.constant 896 : i32
        %dma_wait3A_878 = arith.constant 0 : i32
        %dma_wait3A_879 = tpu.memref_slice %arg9[%dma_wait3A_877, %dma_wait3A_878] : memref<1024x32xf32, #tpu.memory_space<vmem>> -> memref<128x32xf32, #tpu.memory_space<vmem>>
        %dma_wait3A_880 = arith.constant 0 : i32
        %dma_wait3A_881 = tpu.memref_slice %arg8[%run_scoped3A_866, %dma_wait3A_880] : memref<8x128xi32, #tpu.memory_space<vmem>> -> memref<1x128xi32, #tpu.memory_space<vmem>>
        %dma_wait3A_882 = tpu.memref_squeeze %dma_wait3A_881 : memref<1x128xi32, #tpu.memory_space<vmem>> -> memref<128xi32, #tpu.memory_space<vmem>>
        %dma_wait3A_883 = arith.constant 0 : i32
        %dma_wait3A_884 = arith.constant 0 : i32
        %dma_wait3A_885 = tpu.memref_slice %arg10[%dma_wait3A_883, %dma_wait3A_884] : memref<10112x32xf32, #tpu.memory_space<vmem_shared>> -> memref<10112x32xf32, #tpu.memory_space<vmem_shared>>
        tpu.wait_indirect_dma semaphore(%run_scoped3A_867 : memref<!tpu.dma_semaphore, #tpu.memory_space<semaphore_mem>>) src(%dma_wait3A_879 : memref<128x32xf32, #tpu.memory_space<vmem>>) dst(%dma_wait3A_885 : memref<10112x32xf32, #tpu.memory_space<vmem_shared>>)
        tpu.yield
      }) : () -> ()
    }
    %scan3A_354 = arith.constant 10 : i32
    %barrier3A_355 = arith.constant 0 : index
    tpu.barrier barrier_id(%barrier3A_355)
    "tpu.region"() ({
      %run_scoped3A = tpu.sem_alloc : memref<!tpu.dma_semaphore, #tpu.memory_space<semaphore_mem>>
      %dma_start3A_356 = arith.constant 0 : i32
      %dma_start3A_357 = tpu.memref_slice %arg6[%arg0, %mul3A_10, %dma_start3A_356] : memref<2x10112x32xf32, #tpu.memory_space<hbm>> -> memref<1x632x32xf32, #tpu.memory_space<hbm>>
      %dma_start3A_358 = tpu.memref_squeeze %dma_start3A_357 : memref<1x632x32xf32, #tpu.memory_space<hbm>> -> memref<632x32xf32, #tpu.memory_space<hbm>>
      %dma_start3A_359 = arith.constant 0 : i32
      %dma_start3A_360 = tpu.memref_slice %arg10[%mul3A_10, %dma_start3A_359] : memref<10112x32xf32, #tpu.memory_space<vmem_shared>> -> memref<632x32xf32, #tpu.memory_space<vmem_shared>>
      tpu.enqueue_dma source(%dma_start3A_360 : memref<632x32xf32, #tpu.memory_space<vmem_shared>>) target(%dma_start3A_358 : memref<632x32xf32, #tpu.memory_space<hbm>>) target_semaphore(%run_scoped3A : memref<!tpu.dma_semaphore, #tpu.memory_space<semaphore_mem>>)
      %dma_wait3A_361 = arith.constant 0 : i32
      %dma_wait3A_362 = tpu.memref_slice %arg6[%arg0, %mul3A_10, %dma_wait3A_361] : memref<2x10112x32xf32, #tpu.memory_space<hbm>> -> memref<1x632x32xf32, #tpu.memory_space<hbm>>
      %dma_wait3A_363 = tpu.memref_squeeze %dma_wait3A_362 : memref<1x632x32xf32, #tpu.memory_space<hbm>> -> memref<632x32xf32, #tpu.memory_space<hbm>>
      %dma_wait3A_364 = arith.constant 0 : i32
      %dma_wait3A_365 = tpu.memref_slice %arg10[%mul3A_10, %dma_wait3A_364] : memref<10112x32xf32, #tpu.memory_space<vmem_shared>> -> memref<632x32xf32, #tpu.memory_space<vmem_shared>>
      tpu.wait_dma2 semaphore(%run_scoped3A : memref<!tpu.dma_semaphore, #tpu.memory_space<semaphore_mem>>) src(%dma_wait3A_365 : memref<632x32xf32, #tpu.memory_space<vmem_shared>>) dst(%dma_wait3A_363 : memref<632x32xf32, #tpu.memory_space<hbm>>)
      tpu.yield
    }) : () -> ()
    return
  }
}

#map = affine_map<(d0, d1) -> (0, 0)>
#map1 = affine_map<(d0, d1) -> (0, 0, 0)>
module attributes {stable_mosaic.version = 14 : i64} {
  func.func @_segsum(%arg0: i32, %arg1: i32, %arg2: memref<10000x64xf32, #tpu.memory_space<hbm>>, %arg3: memref<10000x64xf32, #tpu.memory_space<hbm>>, %arg4: memref<2560x128xi32, #tpu.memory_space<hbm>>, %arg5: memref<2560x128xi32, #tpu.memory_space<hbm>>, %arg6: memref<2x10112x64xf32, #tpu.memory_space<hbm>>, %arg7: memref<8x128xi32, #tpu.memory_space<vmem>>, %arg8: memref<8x128xi32, #tpu.memory_space<vmem>>, %arg9: memref<1024x64xf32, #tpu.memory_space<vmem>>, %arg10: memref<10112x64xf32, #tpu.memory_space<vmem_shared>>, %arg11: memref<8x!tpu.dma_semaphore, #tpu.memory_space<semaphore_mem>>, %arg12: memref<8x!tpu.dma_semaphore, #tpu.memory_space<semaphore_mem>>, %arg13: memref<8x!tpu.dma_semaphore, #tpu.memory_space<semaphore_mem>>) attributes {dimension_semantics = [#tpu.dimension_semantics<core_parallel>, #tpu.dimension_semantics<subcore_parallel>], iteration_bounds = array<i64: 2, 16>, scalar_prefetch = 0 : i64, scratch_operands = 7 : i64, tpu.core_type = #tpu.core_type<sc_vector_subcore>, window_params = [{transform_indices = #map}, {transform_indices = #map}, {transform_indices = #map}, {transform_indices = #map}, {transform_indices = #map1}]} {
    %mul3A = arith.constant 160 : i32
    %mul3A_0 = arith.muli %arg1, %mul3A : i32
    %broadcast_in_dim3A = arith.constant 0.000000e+00 : f32
    %broadcast_in_dim3A_1 = vector.broadcast %broadcast_in_dim3A : f32 to vector<16xf32>
    %scan3A = arith.constant 0 : i32
    %scan3A_2 = arith.constant 0 : i32
    %scan3A_3 = arith.constant 632 : i32
    %scan3A_4 = arith.addi %scan3A_2, %scan3A_3 : i32
    %scan3A_5 = arith.constant 1 : i32
    scf.for %scan3A_338 = %scan3A_2 to %scan3A_4 step %scan3A_5  : i32 {
      %swap3A = arith.index_cast %scan3A_338 : i32 to index
      %swap3A_339 = arith.constant 0 : index
      %swap3A_340 = tpu.vector_load %arg9[%swap3A, %swap3A_339] {strides = array<i32>} : memref<1024x64xf32, #tpu.memory_space<vmem>>, vector<1x16xf32>,
      %swap3A_341 = vector.shape_cast %swap3A_340 : vector<1x16xf32> to vector<16xf32>
      %swap3A_342 = vector.shape_cast %broadcast_in_dim3A_1 : vector<16xf32> to vector<1x16xf32>
      tpu.vector_store %arg9[%swap3A, %swap3A_339], %swap3A_342 {strides = array<i32>} : memref<1024x64xf32, #tpu.memory_space<vmem>>, vector<1x16xf32>,
      %swap3A_343 = arith.index_cast %scan3A_338 : i32 to index
      %swap3A_344 = arith.constant 16 : index
      %swap3A_345 = tpu.vector_load %arg9[%swap3A_343, %swap3A_344] {strides = array<i32>} : memref<1024x64xf32, #tpu.memory_space<vmem>>, vector<1x16xf32>,
      %swap3A_346 = vector.shape_cast %swap3A_345 : vector<1x16xf32> to vector<16xf32>
      %swap3A_347 = vector.shape_cast %broadcast_in_dim3A_1 : vector<16xf32> to vector<1x16xf32>
      tpu.vector_store %arg9[%swap3A_343, %swap3A_344], %swap3A_347 {strides = array<i32>} : memref<1024x64xf32, #tpu.memory_space<vmem>>, vector<1x16xf32>,
      %swap3A_348 = arith.index_cast %scan3A_338 : i32 to index
      %swap3A_349 = arith.constant 32 : index
      %swap3A_350 = tpu.vector_load %arg9[%swap3A_348, %swap3A_349] {strides = array<i32>} : memref<1024x64xf32, #tpu.memory_space<vmem>>, vector<1x16xf32>,
      %swap3A_351 = vector.shape_cast %swap3A_350 : vector<1x16xf32> to vector<16xf32>
      %swap3A_352 = vector.shape_cast %broadcast_in_dim3A_1 : vector<16xf32> to vector<1x16xf32>
      tpu.vector_store %arg9[%swap3A_348, %swap3A_349], %swap3A_352 {strides = array<i32>} : memref<1024x64xf32, #tpu.memory_space<vmem>>, vector<1x16xf32>,
      %swap3A_353 = arith.index_cast %scan3A_338 : i32 to index
      %swap3A_354 = arith.constant 48 : index
      %swap3A_355 = tpu.vector_load %arg9[%swap3A_353, %swap3A_354] {strides = array<i32>} : memref<1024x64xf32, #tpu.memory_space<vmem>>, vector<1x16xf32>,
      %swap3A_356 = vector.shape_cast %swap3A_355 : vector<1x16xf32> to vector<16xf32>
      %swap3A_357 = vector.shape_cast %broadcast_in_dim3A_1 : vector<16xf32> to vector<1x16xf32>
      tpu.vector_store %arg9[%swap3A_353, %swap3A_354], %swap3A_357 {strides = array<i32>} : memref<1024x64xf32, #tpu.memory_space<vmem>>, vector<1x16xf32>,
    }
    %scan3A_6 = arith.constant 632 : i32
    %mul3A_7 = arith.constant 632 : i32
    %mul3A_8 = arith.muli %arg1, %mul3A_7 : i32
    "tpu.region"() ({
      %run_scoped3A = tpu.sem_alloc : memref<!tpu.dma_semaphore, #tpu.memory_space<semaphore_mem>>
      %dma_start3A_338 = arith.constant 0 : i32
      %dma_start3A_339 = arith.constant 0 : i32
      %dma_start3A_340 = tpu.memref_slice %arg9[%dma_start3A_338, %dma_start3A_339] : memref<1024x64xf32, #tpu.memory_space<vmem>> -> memref<632x64xf32, #tpu.memory_space<vmem>>
      %dma_start3A_341 = arith.constant 0 : i32
      %dma_start3A_342 = tpu.memref_slice %arg10[%mul3A_8, %dma_start3A_341] : memref<10112x64xf32, #tpu.memory_space<vmem_shared>> -> memref<632x64xf32, #tpu.memory_space<vmem_shared>>
      %dma_start3A_343 = arith.constant 0 : i32
      %dma_start3A_344 = tpu.memref_slice %arg10[%mul3A_8, %dma_start3A_343] : memref<10112x64xf32, #tpu.memory_space<vmem_shared>> -> memref<632x64xf32, #tpu.memory_space<vmem_shared>>
      %dma_start3A_345 = arith.constant 0 : i32
      %dma_start3A_346 = arith.constant 0 : i32
      %dma_start3A_347 = tpu.memref_slice %arg9[%dma_start3A_345, %dma_start3A_346] : memref<1024x64xf32, #tpu.memory_space<vmem>> -> memref<632x64xf32, #tpu.memory_space<vmem>>
      tpu.enqueue_dma source(%dma_start3A_347 : memref<632x64xf32, #tpu.memory_space<vmem>>) target(%dma_start3A_344 : memref<632x64xf32, #tpu.memory_space<vmem_shared>>) target_semaphore(%run_scoped3A : memref<!tpu.dma_semaphore, #tpu.memory_space<semaphore_mem>>)
      %dma_wait3A_348 = arith.constant 0 : i32
      %dma_wait3A_349 = arith.constant 0 : i32
      %dma_wait3A_350 = tpu.memref_slice %arg9[%dma_wait3A_348, %dma_wait3A_349] : memref<1024x64xf32, #tpu.memory_space<vmem>> -> memref<632x64xf32, #tpu.memory_space<vmem>>
      %dma_wait3A_351 = arith.constant 0 : i32
      %dma_wait3A_352 = tpu.memref_slice %arg10[%mul3A_8, %dma_wait3A_351] : memref<10112x64xf32, #tpu.memory_space<vmem_shared>> -> memref<632x64xf32, #tpu.memory_space<vmem_shared>>
      %dma_wait3A_353 = arith.constant 0 : i32
      %dma_wait3A_354 = tpu.memref_slice %arg10[%mul3A_8, %dma_wait3A_353] : memref<10112x64xf32, #tpu.memory_space<vmem_shared>> -> memref<632x64xf32, #tpu.memory_space<vmem_shared>>
      %dma_wait3A_355 = arith.constant 0 : i32
      %dma_wait3A_356 = arith.constant 0 : i32
      %dma_wait3A_357 = tpu.memref_slice %arg9[%dma_wait3A_355, %dma_wait3A_356] : memref<1024x64xf32, #tpu.memory_space<vmem>> -> memref<632x64xf32, #tpu.memory_space<vmem>>
      tpu.wait_dma2 semaphore(%run_scoped3A : memref<!tpu.dma_semaphore, #tpu.memory_space<semaphore_mem>>) src(%dma_wait3A_357 : memref<632x64xf32, #tpu.memory_space<vmem>>) dst(%dma_wait3A_354 : memref<632x64xf32, #tpu.memory_space<vmem_shared>>)
      tpu.yield
    }) : () -> ()
    %barrier3A = arith.constant 0 : index
    tpu.barrier barrier_id(%barrier3A)
    %add3A = arith.constant 0 : i32
    %add3A_9 = arith.addi %mul3A_0, %add3A : i32
    %dma_start3A = arith.constant 0 : i32
    %dma_start3A_10 = arith.constant 0 : i32
    %dma_start3A_11 = arith.constant 0 : i32
    %dma_start3A_12 = tpu.memref_slice %arg7[%dma_start3A, %dma_start3A_11] : memref<8x128xi32, #tpu.memory_space<vmem>> -> memref<1x128xi32, #tpu.memory_space<vmem>>
    %dma_start3A_13 = tpu.memref_squeeze %dma_start3A_12 : memref<1x128xi32, #tpu.memory_space<vmem>> -> memref<128xi32, #tpu.memory_space<vmem>>
    %dma_start3A_14 = arith.constant 0 : i32
    %dma_start3A_15 = tpu.memref_slice %arg4[%add3A_9, %dma_start3A_14] : memref<2560x128xi32, #tpu.memory_space<hbm>> -> memref<1x128xi32, #tpu.memory_space<hbm>>
    %dma_start3A_16 = tpu.memref_squeeze %dma_start3A_15 : memref<1x128xi32, #tpu.memory_space<hbm>> -> memref<128xi32, #tpu.memory_space<hbm>>
    %dma_start3A_17 = tpu.memref_slice %arg11[%dma_start3A_10] : memref<8x!tpu.dma_semaphore, #tpu.memory_space<semaphore_mem>> -> memref<1x!tpu.dma_semaphore, #tpu.memory_space<semaphore_mem>>
    %dma_start3A_18 = tpu.memref_squeeze %dma_start3A_17 : memref<1x!tpu.dma_semaphore, #tpu.memory_space<semaphore_mem>> -> memref<!tpu.dma_semaphore, #tpu.memory_space<semaphore_mem>>
    %dma_start3A_19 = arith.constant 0 : i32
    %dma_start3A_20 = tpu.memref_slice %arg7[%dma_start3A, %dma_start3A_19] : memref<8x128xi32, #tpu.memory_space<vmem>> -> memref<1x128xi32, #tpu.memory_space<vmem>>
    %dma_start3A_21 = tpu.memref_squeeze %dma_start3A_20 : memref<1x128xi32, #tpu.memory_space<vmem>> -> memref<128xi32, #tpu.memory_space<vmem>>
    %dma_start3A_22 = arith.constant 0 : i32
    %dma_start3A_23 = tpu.memref_slice %arg4[%add3A_9, %dma_start3A_22] : memref<2560x128xi32, #tpu.memory_space<hbm>> -> memref<1x128xi32, #tpu.memory_space<hbm>>
    %dma_start3A_24 = tpu.memref_squeeze %dma_start3A_23 : memref<1x128xi32, #tpu.memory_space<hbm>> -> memref<128xi32, #tpu.memory_space<hbm>>
    tpu.enqueue_dma source(%dma_start3A_24 : memref<128xi32, #tpu.memory_space<hbm>>) target(%dma_start3A_21 : memref<128xi32, #tpu.memory_space<vmem>>) target_semaphore(%dma_start3A_18 : memref<!tpu.dma_semaphore, #tpu.memory_space<semaphore_mem>>)
    %add3A_25 = arith.constant 1 : i32
    %add3A_26 = arith.addi %mul3A_0, %add3A_25 : i32
    %dma_start3A_27 = arith.constant 1 : i32
    %dma_start3A_28 = arith.constant 1 : i32
    %dma_start3A_29 = arith.constant 0 : i32
    %dma_start3A_30 = tpu.memref_slice %arg7[%dma_start3A_27, %dma_start3A_29] : memref<8x128xi32, #tpu.memory_space<vmem>> -> memref<1x128xi32, #tpu.memory_space<vmem>>
    %dma_start3A_31 = tpu.memref_squeeze %dma_start3A_30 : memref<1x128xi32, #tpu.memory_space<vmem>> -> memref<128xi32, #tpu.memory_space<vmem>>
    %dma_start3A_32 = arith.constant 0 : i32
    %dma_start3A_33 = tpu.memref_slice %arg4[%add3A_26, %dma_start3A_32] : memref<2560x128xi32, #tpu.memory_space<hbm>> -> memref<1x128xi32, #tpu.memory_space<hbm>>
    %dma_start3A_34 = tpu.memref_squeeze %dma_start3A_33 : memref<1x128xi32, #tpu.memory_space<hbm>> -> memref<128xi32, #tpu.memory_space<hbm>>
    %dma_start3A_35 = tpu.memref_slice %arg11[%dma_start3A_28] : memref<8x!tpu.dma_semaphore, #tpu.memory_space<semaphore_mem>> -> memref<1x!tpu.dma_semaphore, #tpu.memory_space<semaphore_mem>>
    %dma_start3A_36 = tpu.memref_squeeze %dma_start3A_35 : memref<1x!tpu.dma_semaphore, #tpu.memory_space<semaphore_mem>> -> memref<!tpu.dma_semaphore, #tpu.memory_space<semaphore_mem>>
    %dma_start3A_37 = arith.constant 0 : i32
    %dma_start3A_38 = tpu.memref_slice %arg7[%dma_start3A_27, %dma_start3A_37] : memref<8x128xi32, #tpu.memory_space<vmem>> -> memref<1x128xi32, #tpu.memory_space<vmem>>
    %dma_start3A_39 = tpu.memref_squeeze %dma_start3A_38 : memref<1x128xi32, #tpu.memory_space<vmem>> -> memref<128xi32, #tpu.memory_space<vmem>>
    %dma_start3A_40 = arith.constant 0 : i32
    %dma_start3A_41 = tpu.memref_slice %arg4[%add3A_26, %dma_start3A_40] : memref<2560x128xi32, #tpu.memory_space<hbm>> -> memref<1x128xi32, #tpu.memory_space<hbm>>
    %dma_start3A_42 = tpu.memref_squeeze %dma_start3A_41 : memref<1x128xi32, #tpu.memory_space<hbm>> -> memref<128xi32, #tpu.memory_space<hbm>>
    tpu.enqueue_dma source(%dma_start3A_42 : memref<128xi32, #tpu.memory_space<hbm>>) target(%dma_start3A_39 : memref<128xi32, #tpu.memory_space<vmem>>) target_semaphore(%dma_start3A_36 : memref<!tpu.dma_semaphore, #tpu.memory_space<semaphore_mem>>)
    %add3A_43 = arith.constant 2 : i32
    %add3A_44 = arith.addi %mul3A_0, %add3A_43 : i32
    %dma_start3A_45 = arith.constant 2 : i32
    %dma_start3A_46 = arith.constant 2 : i32
    %dma_start3A_47 = arith.constant 0 : i32
    %dma_start3A_48 = tpu.memref_slice %arg7[%dma_start3A_45, %dma_start3A_47] : memref<8x128xi32, #tpu.memory_space<vmem>> -> memref<1x128xi32, #tpu.memory_space<vmem>>
    %dma_start3A_49 = tpu.memref_squeeze %dma_start3A_48 : memref<1x128xi32, #tpu.memory_space<vmem>> -> memref<128xi32, #tpu.memory_space<vmem>>
    %dma_start3A_50 = arith.constant 0 : i32
    %dma_start3A_51 = tpu.memref_slice %arg4[%add3A_44, %dma_start3A_50] : memref<2560x128xi32, #tpu.memory_space<hbm>> -> memref<1x128xi32, #tpu.memory_space<hbm>>
    %dma_start3A_52 = tpu.memref_squeeze %dma_start3A_51 : memref<1x128xi32, #tpu.memory_space<hbm>> -> memref<128xi32, #tpu.memory_space<hbm>>
    %dma_start3A_53 = tpu.memref_slice %arg11[%dma_start3A_46] : memref<8x!tpu.dma_semaphore, #tpu.memory_space<semaphore_mem>> -> memref<1x!tpu.dma_semaphore, #tpu.memory_space<semaphore_mem>>
    %dma_start3A_54 = tpu.memref_squeeze %dma_start3A_53 : memref<1x!tpu.dma_semaphore, #tpu.memory_space<semaphore_mem>> -> memref<!tpu.dma_semaphore, #tpu.memory_space<semaphore_mem>>
    %dma_start3A_55 = arith.constant 0 : i32
    %dma_start3A_56 = tpu.memref_slice %arg7[%dma_start3A_45, %dma_start3A_55] : memref<8x128xi32, #tpu.memory_space<vmem>> -> memref<1x128xi32, #tpu.memory_space<vmem>>
    %dma_start3A_57 = tpu.memref_squeeze %dma_start3A_56 : memref<1x128xi32, #tpu.memory_space<vmem>> -> memref<128xi32, #tpu.memory_space<vmem>>
    %dma_start3A_58 = arith.constant 0 : i32
    %dma_start3A_59 = tpu.memref_slice %arg4[%add3A_44, %dma_start3A_58] : memref<2560x128xi32, #tpu.memory_space<hbm>> -> memref<1x128xi32, #tpu.memory_space<hbm>>
    %dma_start3A_60 = tpu.memref_squeeze %dma_start3A_59 : memref<1x128xi32, #tpu.memory_space<hbm>> -> memref<128xi32, #tpu.memory_space<hbm>>
    tpu.enqueue_dma source(%dma_start3A_60 : memref<128xi32, #tpu.memory_space<hbm>>) target(%dma_start3A_57 : memref<128xi32, #tpu.memory_space<vmem>>) target_semaphore(%dma_start3A_54 : memref<!tpu.dma_semaphore, #tpu.memory_space<semaphore_mem>>)
    %add3A_61 = arith.constant 3 : i32
    %add3A_62 = arith.addi %mul3A_0, %add3A_61 : i32
    %dma_start3A_63 = arith.constant 3 : i32
    %dma_start3A_64 = arith.constant 3 : i32
    %dma_start3A_65 = arith.constant 0 : i32
    %dma_start3A_66 = tpu.memref_slice %arg7[%dma_start3A_63, %dma_start3A_65] : memref<8x128xi32, #tpu.memory_space<vmem>> -> memref<1x128xi32, #tpu.memory_space<vmem>>
    %dma_start3A_67 = tpu.memref_squeeze %dma_start3A_66 : memref<1x128xi32, #tpu.memory_space<vmem>> -> memref<128xi32, #tpu.memory_space<vmem>>
    %dma_start3A_68 = arith.constant 0 : i32
    %dma_start3A_69 = tpu.memref_slice %arg4[%add3A_62, %dma_start3A_68] : memref<2560x128xi32, #tpu.memory_space<hbm>> -> memref<1x128xi32, #tpu.memory_space<hbm>>
    %dma_start3A_70 = tpu.memref_squeeze %dma_start3A_69 : memref<1x128xi32, #tpu.memory_space<hbm>> -> memref<128xi32, #tpu.memory_space<hbm>>
    %dma_start3A_71 = tpu.memref_slice %arg11[%dma_start3A_64] : memref<8x!tpu.dma_semaphore, #tpu.memory_space<semaphore_mem>> -> memref<1x!tpu.dma_semaphore, #tpu.memory_space<semaphore_mem>>
    %dma_start3A_72 = tpu.memref_squeeze %dma_start3A_71 : memref<1x!tpu.dma_semaphore, #tpu.memory_space<semaphore_mem>> -> memref<!tpu.dma_semaphore, #tpu.memory_space<semaphore_mem>>
    %dma_start3A_73 = arith.constant 0 : i32
    %dma_start3A_74 = tpu.memref_slice %arg7[%dma_start3A_63, %dma_start3A_73] : memref<8x128xi32, #tpu.memory_space<vmem>> -> memref<1x128xi32, #tpu.memory_space<vmem>>
    %dma_start3A_75 = tpu.memref_squeeze %dma_start3A_74 : memref<1x128xi32, #tpu.memory_space<vmem>> -> memref<128xi32, #tpu.memory_space<vmem>>
    %dma_start3A_76 = arith.constant 0 : i32
    %dma_start3A_77 = tpu.memref_slice %arg4[%add3A_62, %dma_start3A_76] : memref<2560x128xi32, #tpu.memory_space<hbm>> -> memref<1x128xi32, #tpu.memory_space<hbm>>
    %dma_start3A_78 = tpu.memref_squeeze %dma_start3A_77 : memref<1x128xi32, #tpu.memory_space<hbm>> -> memref<128xi32, #tpu.memory_space<hbm>>
    tpu.enqueue_dma source(%dma_start3A_78 : memref<128xi32, #tpu.memory_space<hbm>>) target(%dma_start3A_75 : memref<128xi32, #tpu.memory_space<vmem>>) target_semaphore(%dma_start3A_72 : memref<!tpu.dma_semaphore, #tpu.memory_space<semaphore_mem>>)
    %add3A_79 = arith.constant 4 : i32
    %add3A_80 = arith.addi %mul3A_0, %add3A_79 : i32
    %dma_start3A_81 = arith.constant 4 : i32
    %dma_start3A_82 = arith.constant 4 : i32
    %dma_start3A_83 = arith.constant 0 : i32
    %dma_start3A_84 = tpu.memref_slice %arg7[%dma_start3A_81, %dma_start3A_83] : memref<8x128xi32, #tpu.memory_space<vmem>> -> memref<1x128xi32, #tpu.memory_space<vmem>>
    %dma_start3A_85 = tpu.memref_squeeze %dma_start3A_84 : memref<1x128xi32, #tpu.memory_space<vmem>> -> memref<128xi32, #tpu.memory_space<vmem>>
    %dma_start3A_86 = arith.constant 0 : i32
    %dma_start3A_87 = tpu.memref_slice %arg4[%add3A_80, %dma_start3A_86] : memref<2560x128xi32, #tpu.memory_space<hbm>> -> memref<1x128xi32, #tpu.memory_space<hbm>>
    %dma_start3A_88 = tpu.memref_squeeze %dma_start3A_87 : memref<1x128xi32, #tpu.memory_space<hbm>> -> memref<128xi32, #tpu.memory_space<hbm>>
    %dma_start3A_89 = tpu.memref_slice %arg11[%dma_start3A_82] : memref<8x!tpu.dma_semaphore, #tpu.memory_space<semaphore_mem>> -> memref<1x!tpu.dma_semaphore, #tpu.memory_space<semaphore_mem>>
    %dma_start3A_90 = tpu.memref_squeeze %dma_start3A_89 : memref<1x!tpu.dma_semaphore, #tpu.memory_space<semaphore_mem>> -> memref<!tpu.dma_semaphore, #tpu.memory_space<semaphore_mem>>
    %dma_start3A_91 = arith.constant 0 : i32
    %dma_start3A_92 = tpu.memref_slice %arg7[%dma_start3A_81, %dma_start3A_91] : memref<8x128xi32, #tpu.memory_space<vmem>> -> memref<1x128xi32, #tpu.memory_space<vmem>>
    %dma_start3A_93 = tpu.memref_squeeze %dma_start3A_92 : memref<1x128xi32, #tpu.memory_space<vmem>> -> memref<128xi32, #tpu.memory_space<vmem>>
    %dma_start3A_94 = arith.constant 0 : i32
    %dma_start3A_95 = tpu.memref_slice %arg4[%add3A_80, %dma_start3A_94] : memref<2560x128xi32, #tpu.memory_space<hbm>> -> memref<1x128xi32, #tpu.memory_space<hbm>>
    %dma_start3A_96 = tpu.memref_squeeze %dma_start3A_95 : memref<1x128xi32, #tpu.memory_space<hbm>> -> memref<128xi32, #tpu.memory_space<hbm>>
    tpu.enqueue_dma source(%dma_start3A_96 : memref<128xi32, #tpu.memory_space<hbm>>) target(%dma_start3A_93 : memref<128xi32, #tpu.memory_space<vmem>>) target_semaphore(%dma_start3A_90 : memref<!tpu.dma_semaphore, #tpu.memory_space<semaphore_mem>>)
    %add3A_97 = arith.constant 5 : i32
    %add3A_98 = arith.addi %mul3A_0, %add3A_97 : i32
    %dma_start3A_99 = arith.constant 5 : i32
    %dma_start3A_100 = arith.constant 5 : i32
    %dma_start3A_101 = arith.constant 0 : i32
    %dma_start3A_102 = tpu.memref_slice %arg7[%dma_start3A_99, %dma_start3A_101] : memref<8x128xi32, #tpu.memory_space<vmem>> -> memref<1x128xi32, #tpu.memory_space<vmem>>
    %dma_start3A_103 = tpu.memref_squeeze %dma_start3A_102 : memref<1x128xi32, #tpu.memory_space<vmem>> -> memref<128xi32, #tpu.memory_space<vmem>>
    %dma_start3A_104 = arith.constant 0 : i32
    %dma_start3A_105 = tpu.memref_slice %arg4[%add3A_98, %dma_start3A_104] : memref<2560x128xi32, #tpu.memory_space<hbm>> -> memref<1x128xi32, #tpu.memory_space<hbm>>
    %dma_start3A_106 = tpu.memref_squeeze %dma_start3A_105 : memref<1x128xi32, #tpu.memory_space<hbm>> -> memref<128xi32, #tpu.memory_space<hbm>>
    %dma_start3A_107 = tpu.memref_slice %arg11[%dma_start3A_100] : memref<8x!tpu.dma_semaphore, #tpu.memory_space<semaphore_mem>> -> memref<1x!tpu.dma_semaphore, #tpu.memory_space<semaphore_mem>>
    %dma_start3A_108 = tpu.memref_squeeze %dma_start3A_107 : memref<1x!tpu.dma_semaphore, #tpu.memory_space<semaphore_mem>> -> memref<!tpu.dma_semaphore, #tpu.memory_space<semaphore_mem>>
    %dma_start3A_109 = arith.constant 0 : i32
    %dma_start3A_110 = tpu.memref_slice %arg7[%dma_start3A_99, %dma_start3A_109] : memref<8x128xi32, #tpu.memory_space<vmem>> -> memref<1x128xi32, #tpu.memory_space<vmem>>
    %dma_start3A_111 = tpu.memref_squeeze %dma_start3A_110 : memref<1x128xi32, #tpu.memory_space<vmem>> -> memref<128xi32, #tpu.memory_space<vmem>>
    %dma_start3A_112 = arith.constant 0 : i32
    %dma_start3A_113 = tpu.memref_slice %arg4[%add3A_98, %dma_start3A_112] : memref<2560x128xi32, #tpu.memory_space<hbm>> -> memref<1x128xi32, #tpu.memory_space<hbm>>
    %dma_start3A_114 = tpu.memref_squeeze %dma_start3A_113 : memref<1x128xi32, #tpu.memory_space<hbm>> -> memref<128xi32, #tpu.memory_space<hbm>>
    tpu.enqueue_dma source(%dma_start3A_114 : memref<128xi32, #tpu.memory_space<hbm>>) target(%dma_start3A_111 : memref<128xi32, #tpu.memory_space<vmem>>) target_semaphore(%dma_start3A_108 : memref<!tpu.dma_semaphore, #tpu.memory_space<semaphore_mem>>)
    %add3A_115 = arith.constant 6 : i32
    %add3A_116 = arith.addi %mul3A_0, %add3A_115 : i32
    %dma_start3A_117 = arith.constant 6 : i32
    %dma_start3A_118 = arith.constant 6 : i32
    %dma_start3A_119 = arith.constant 0 : i32
    %dma_start3A_120 = tpu.memref_slice %arg7[%dma_start3A_117, %dma_start3A_119] : memref<8x128xi32, #tpu.memory_space<vmem>> -> memref<1x128xi32, #tpu.memory_space<vmem>>
    %dma_start3A_121 = tpu.memref_squeeze %dma_start3A_120 : memref<1x128xi32, #tpu.memory_space<vmem>> -> memref<128xi32, #tpu.memory_space<vmem>>
    %dma_start3A_122 = arith.constant 0 : i32
    %dma_start3A_123 = tpu.memref_slice %arg4[%add3A_116, %dma_start3A_122] : memref<2560x128xi32, #tpu.memory_space<hbm>> -> memref<1x128xi32, #tpu.memory_space<hbm>>
    %dma_start3A_124 = tpu.memref_squeeze %dma_start3A_123 : memref<1x128xi32, #tpu.memory_space<hbm>> -> memref<128xi32, #tpu.memory_space<hbm>>
    %dma_start3A_125 = tpu.memref_slice %arg11[%dma_start3A_118] : memref<8x!tpu.dma_semaphore, #tpu.memory_space<semaphore_mem>> -> memref<1x!tpu.dma_semaphore, #tpu.memory_space<semaphore_mem>>
    %dma_start3A_126 = tpu.memref_squeeze %dma_start3A_125 : memref<1x!tpu.dma_semaphore, #tpu.memory_space<semaphore_mem>> -> memref<!tpu.dma_semaphore, #tpu.memory_space<semaphore_mem>>
    %dma_start3A_127 = arith.constant 0 : i32
    %dma_start3A_128 = tpu.memref_slice %arg7[%dma_start3A_117, %dma_start3A_127] : memref<8x128xi32, #tpu.memory_space<vmem>> -> memref<1x128xi32, #tpu.memory_space<vmem>>
    %dma_start3A_129 = tpu.memref_squeeze %dma_start3A_128 : memref<1x128xi32, #tpu.memory_space<vmem>> -> memref<128xi32, #tpu.memory_space<vmem>>
    %dma_start3A_130 = arith.constant 0 : i32
    %dma_start3A_131 = tpu.memref_slice %arg4[%add3A_116, %dma_start3A_130] : memref<2560x128xi32, #tpu.memory_space<hbm>> -> memref<1x128xi32, #tpu.memory_space<hbm>>
    %dma_start3A_132 = tpu.memref_squeeze %dma_start3A_131 : memref<1x128xi32, #tpu.memory_space<hbm>> -> memref<128xi32, #tpu.memory_space<hbm>>
    tpu.enqueue_dma source(%dma_start3A_132 : memref<128xi32, #tpu.memory_space<hbm>>) target(%dma_start3A_129 : memref<128xi32, #tpu.memory_space<vmem>>) target_semaphore(%dma_start3A_126 : memref<!tpu.dma_semaphore, #tpu.memory_space<semaphore_mem>>)
    %add3A_133 = arith.constant 7 : i32
    %add3A_134 = arith.addi %mul3A_0, %add3A_133 : i32
    %dma_start3A_135 = arith.constant 7 : i32
    %dma_start3A_136 = arith.constant 7 : i32
    %dma_start3A_137 = arith.constant 0 : i32
    %dma_start3A_138 = tpu.memref_slice %arg7[%dma_start3A_135, %dma_start3A_137] : memref<8x128xi32, #tpu.memory_space<vmem>> -> memref<1x128xi32, #tpu.memory_space<vmem>>
    %dma_start3A_139 = tpu.memref_squeeze %dma_start3A_138 : memref<1x128xi32, #tpu.memory_space<vmem>> -> memref<128xi32, #tpu.memory_space<vmem>>
    %dma_start3A_140 = arith.constant 0 : i32
    %dma_start3A_141 = tpu.memref_slice %arg4[%add3A_134, %dma_start3A_140] : memref<2560x128xi32, #tpu.memory_space<hbm>> -> memref<1x128xi32, #tpu.memory_space<hbm>>
    %dma_start3A_142 = tpu.memref_squeeze %dma_start3A_141 : memref<1x128xi32, #tpu.memory_space<hbm>> -> memref<128xi32, #tpu.memory_space<hbm>>
    %dma_start3A_143 = tpu.memref_slice %arg11[%dma_start3A_136] : memref<8x!tpu.dma_semaphore, #tpu.memory_space<semaphore_mem>> -> memref<1x!tpu.dma_semaphore, #tpu.memory_space<semaphore_mem>>
    %dma_start3A_144 = tpu.memref_squeeze %dma_start3A_143 : memref<1x!tpu.dma_semaphore, #tpu.memory_space<semaphore_mem>> -> memref<!tpu.dma_semaphore, #tpu.memory_space<semaphore_mem>>
    %dma_start3A_145 = arith.constant 0 : i32
    %dma_start3A_146 = tpu.memref_slice %arg7[%dma_start3A_135, %dma_start3A_145] : memref<8x128xi32, #tpu.memory_space<vmem>> -> memref<1x128xi32, #tpu.memory_space<vmem>>
    %dma_start3A_147 = tpu.memref_squeeze %dma_start3A_146 : memref<1x128xi32, #tpu.memory_space<vmem>> -> memref<128xi32, #tpu.memory_space<vmem>>
    %dma_start3A_148 = arith.constant 0 : i32
    %dma_start3A_149 = tpu.memref_slice %arg4[%add3A_134, %dma_start3A_148] : memref<2560x128xi32, #tpu.memory_space<hbm>> -> memref<1x128xi32, #tpu.memory_space<hbm>>
    %dma_start3A_150 = tpu.memref_squeeze %dma_start3A_149 : memref<1x128xi32, #tpu.memory_space<hbm>> -> memref<128xi32, #tpu.memory_space<hbm>>
    tpu.enqueue_dma source(%dma_start3A_150 : memref<128xi32, #tpu.memory_space<hbm>>) target(%dma_start3A_147 : memref<128xi32, #tpu.memory_space<vmem>>) target_semaphore(%dma_start3A_144 : memref<!tpu.dma_semaphore, #tpu.memory_space<semaphore_mem>>)
    %add3A_151 = arith.constant 0 : i32
    %add3A_152 = arith.addi %mul3A_0, %add3A_151 : i32
    %dma_start3A_153 = arith.constant 0 : i32
    %dma_start3A_154 = arith.constant 0 : i32
    %dma_start3A_155 = arith.constant 0 : i32
    %dma_start3A_156 = tpu.memref_slice %arg8[%dma_start3A_153, %dma_start3A_155] : memref<8x128xi32, #tpu.memory_space<vmem>> -> memref<1x128xi32, #tpu.memory_space<vmem>>
    %dma_start3A_157 = tpu.memref_squeeze %dma_start3A_156 : memref<1x128xi32, #tpu.memory_space<vmem>> -> memref<128xi32, #tpu.memory_space<vmem>>
    %dma_start3A_158 = arith.constant 0 : i32
    %dma_start3A_159 = tpu.memref_slice %arg5[%add3A_152, %dma_start3A_158] : memref<2560x128xi32, #tpu.memory_space<hbm>> -> memref<1x128xi32, #tpu.memory_space<hbm>>
    %dma_start3A_160 = tpu.memref_squeeze %dma_start3A_159 : memref<1x128xi32, #tpu.memory_space<hbm>> -> memref<128xi32, #tpu.memory_space<hbm>>
    %dma_start3A_161 = tpu.memref_slice %arg12[%dma_start3A_154] : memref<8x!tpu.dma_semaphore, #tpu.memory_space<semaphore_mem>> -> memref<1x!tpu.dma_semaphore, #tpu.memory_space<semaphore_mem>>
    %dma_start3A_162 = tpu.memref_squeeze %dma_start3A_161 : memref<1x!tpu.dma_semaphore, #tpu.memory_space<semaphore_mem>> -> memref<!tpu.dma_semaphore, #tpu.memory_space<semaphore_mem>>
    %dma_start3A_163 = arith.constant 0 : i32
    %dma_start3A_164 = tpu.memref_slice %arg8[%dma_start3A_153, %dma_start3A_163] : memref<8x128xi32, #tpu.memory_space<vmem>> -> memref<1x128xi32, #tpu.memory_space<vmem>>
    %dma_start3A_165 = tpu.memref_squeeze %dma_start3A_164 : memref<1x128xi32, #tpu.memory_space<vmem>> -> memref<128xi32, #tpu.memory_space<vmem>>
    %dma_start3A_166 = arith.constant 0 : i32
    %dma_start3A_167 = tpu.memref_slice %arg5[%add3A_152, %dma_start3A_166] : memref<2560x128xi32, #tpu.memory_space<hbm>> -> memref<1x128xi32, #tpu.memory_space<hbm>>
    %dma_start3A_168 = tpu.memref_squeeze %dma_start3A_167 : memref<1x128xi32, #tpu.memory_space<hbm>> -> memref<128xi32, #tpu.memory_space<hbm>>
    tpu.enqueue_dma source(%dma_start3A_168 : memref<128xi32, #tpu.memory_space<hbm>>) target(%dma_start3A_165 : memref<128xi32, #tpu.memory_space<vmem>>) target_semaphore(%dma_start3A_162 : memref<!tpu.dma_semaphore, #tpu.memory_space<semaphore_mem>>)
    %add3A_169 = arith.constant 1 : i32
    %add3A_170 = arith.addi %mul3A_0, %add3A_169 : i32
    %dma_start3A_171 = arith.constant 1 : i32
    %dma_start3A_172 = arith.constant 1 : i32
    %dma_start3A_173 = arith.constant 0 : i32
    %dma_start3A_174 = tpu.memref_slice %arg8[%dma_start3A_171, %dma_start3A_173] : memref<8x128xi32, #tpu.memory_space<vmem>> -> memref<1x128xi32, #tpu.memory_space<vmem>>
    %dma_start3A_175 = tpu.memref_squeeze %dma_start3A_174 : memref<1x128xi32, #tpu.memory_space<vmem>> -> memref<128xi32, #tpu.memory_space<vmem>>
    %dma_start3A_176 = arith.constant 0 : i32
    %dma_start3A_177 = tpu.memref_slice %arg5[%add3A_170, %dma_start3A_176] : memref<2560x128xi32, #tpu.memory_space<hbm>> -> memref<1x128xi32, #tpu.memory_space<hbm>>
    %dma_start3A_178 = tpu.memref_squeeze %dma_start3A_177 : memref<1x128xi32, #tpu.memory_space<hbm>> -> memref<128xi32, #tpu.memory_space<hbm>>
    %dma_start3A_179 = tpu.memref_slice %arg12[%dma_start3A_172] : memref<8x!tpu.dma_semaphore, #tpu.memory_space<semaphore_mem>> -> memref<1x!tpu.dma_semaphore, #tpu.memory_space<semaphore_mem>>
    %dma_start3A_180 = tpu.memref_squeeze %dma_start3A_179 : memref<1x!tpu.dma_semaphore, #tpu.memory_space<semaphore_mem>> -> memref<!tpu.dma_semaphore, #tpu.memory_space<semaphore_mem>>
    %dma_start3A_181 = arith.constant 0 : i32
    %dma_start3A_182 = tpu.memref_slice %arg8[%dma_start3A_171, %dma_start3A_181] : memref<8x128xi32, #tpu.memory_space<vmem>> -> memref<1x128xi32, #tpu.memory_space<vmem>>
    %dma_start3A_183 = tpu.memref_squeeze %dma_start3A_182 : memref<1x128xi32, #tpu.memory_space<vmem>> -> memref<128xi32, #tpu.memory_space<vmem>>
    %dma_start3A_184 = arith.constant 0 : i32
    %dma_start3A_185 = tpu.memref_slice %arg5[%add3A_170, %dma_start3A_184] : memref<2560x128xi32, #tpu.memory_space<hbm>> -> memref<1x128xi32, #tpu.memory_space<hbm>>
    %dma_start3A_186 = tpu.memref_squeeze %dma_start3A_185 : memref<1x128xi32, #tpu.memory_space<hbm>> -> memref<128xi32, #tpu.memory_space<hbm>>
    tpu.enqueue_dma source(%dma_start3A_186 : memref<128xi32, #tpu.memory_space<hbm>>) target(%dma_start3A_183 : memref<128xi32, #tpu.memory_space<vmem>>) target_semaphore(%dma_start3A_180 : memref<!tpu.dma_semaphore, #tpu.memory_space<semaphore_mem>>)
    %add3A_187 = arith.constant 2 : i32
    %add3A_188 = arith.addi %mul3A_0, %add3A_187 : i32
    %dma_start3A_189 = arith.constant 2 : i32
    %dma_start3A_190 = arith.constant 2 : i32
    %dma_start3A_191 = arith.constant 0 : i32
    %dma_start3A_192 = tpu.memref_slice %arg8[%dma_start3A_189, %dma_start3A_191] : memref<8x128xi32, #tpu.memory_space<vmem>> -> memref<1x128xi32, #tpu.memory_space<vmem>>
    %dma_start3A_193 = tpu.memref_squeeze %dma_start3A_192 : memref<1x128xi32, #tpu.memory_space<vmem>> -> memref<128xi32, #tpu.memory_space<vmem>>
    %dma_start3A_194 = arith.constant 0 : i32
    %dma_start3A_195 = tpu.memref_slice %arg5[%add3A_188, %dma_start3A_194] : memref<2560x128xi32, #tpu.memory_space<hbm>> -> memref<1x128xi32, #tpu.memory_space<hbm>>
    %dma_start3A_196 = tpu.memref_squeeze %dma_start3A_195 : memref<1x128xi32, #tpu.memory_space<hbm>> -> memref<128xi32, #tpu.memory_space<hbm>>
    %dma_start3A_197 = tpu.memref_slice %arg12[%dma_start3A_190] : memref<8x!tpu.dma_semaphore, #tpu.memory_space<semaphore_mem>> -> memref<1x!tpu.dma_semaphore, #tpu.memory_space<semaphore_mem>>
    %dma_start3A_198 = tpu.memref_squeeze %dma_start3A_197 : memref<1x!tpu.dma_semaphore, #tpu.memory_space<semaphore_mem>> -> memref<!tpu.dma_semaphore, #tpu.memory_space<semaphore_mem>>
    %dma_start3A_199 = arith.constant 0 : i32
    %dma_start3A_200 = tpu.memref_slice %arg8[%dma_start3A_189, %dma_start3A_199] : memref<8x128xi32, #tpu.memory_space<vmem>> -> memref<1x128xi32, #tpu.memory_space<vmem>>
    %dma_start3A_201 = tpu.memref_squeeze %dma_start3A_200 : memref<1x128xi32, #tpu.memory_space<vmem>> -> memref<128xi32, #tpu.memory_space<vmem>>
    %dma_start3A_202 = arith.constant 0 : i32
    %dma_start3A_203 = tpu.memref_slice %arg5[%add3A_188, %dma_start3A_202] : memref<2560x128xi32, #tpu.memory_space<hbm>> -> memref<1x128xi32, #tpu.memory_space<hbm>>
    %dma_start3A_204 = tpu.memref_squeeze %dma_start3A_203 : memref<1x128xi32, #tpu.memory_space<hbm>> -> memref<128xi32, #tpu.memory_space<hbm>>
    tpu.enqueue_dma source(%dma_start3A_204 : memref<128xi32, #tpu.memory_space<hbm>>) target(%dma_start3A_201 : memref<128xi32, #tpu.memory_space<vmem>>) target_semaphore(%dma_start3A_198 : memref<!tpu.dma_semaphore, #tpu.memory_space<semaphore_mem>>)
    %add3A_205 = arith.constant 3 : i32
    %add3A_206 = arith.addi %mul3A_0, %add3A_205 : i32
    %dma_start3A_207 = arith.constant 3 : i32
    %dma_start3A_208 = arith.constant 3 : i32
    %dma_start3A_209 = arith.constant 0 : i32
    %dma_start3A_210 = tpu.memref_slice %arg8[%dma_start3A_207, %dma_start3A_209] : memref<8x128xi32, #tpu.memory_space<vmem>> -> memref<1x128xi32, #tpu.memory_space<vmem>>
    %dma_start3A_211 = tpu.memref_squeeze %dma_start3A_210 : memref<1x128xi32, #tpu.memory_space<vmem>> -> memref<128xi32, #tpu.memory_space<vmem>>
    %dma_start3A_212 = arith.constant 0 : i32
    %dma_start3A_213 = tpu.memref_slice %arg5[%add3A_206, %dma_start3A_212] : memref<2560x128xi32, #tpu.memory_space<hbm>> -> memref<1x128xi32, #tpu.memory_space<hbm>>
    %dma_start3A_214 = tpu.memref_squeeze %dma_start3A_213 : memref<1x128xi32, #tpu.memory_space<hbm>> -> memref<128xi32, #tpu.memory_space<hbm>>
    %dma_start3A_215 = tpu.memref_slice %arg12[%dma_start3A_208] : memref<8x!tpu.dma_semaphore, #tpu.memory_space<semaphore_mem>> -> memref<1x!tpu.dma_semaphore, #tpu.memory_space<semaphore_mem>>
    %dma_start3A_216 = tpu.memref_squeeze %dma_start3A_215 : memref<1x!tpu.dma_semaphore, #tpu.memory_space<semaphore_mem>> -> memref<!tpu.dma_semaphore, #tpu.memory_space<semaphore_mem>>
    %dma_start3A_217 = arith.constant 0 : i32
    %dma_start3A_218 = tpu.memref_slice %arg8[%dma_start3A_207, %dma_start3A_217] : memref<8x128xi32, #tpu.memory_space<vmem>> -> memref<1x128xi32, #tpu.memory_space<vmem>>
    %dma_start3A_219 = tpu.memref_squeeze %dma_start3A_218 : memref<1x128xi32, #tpu.memory_space<vmem>> -> memref<128xi32, #tpu.memory_space<vmem>>
    %dma_start3A_220 = arith.constant 0 : i32
    %dma_start3A_221 = tpu.memref_slice %arg5[%add3A_206, %dma_start3A_220] : memref<2560x128xi32, #tpu.memory_space<hbm>> -> memref<1x128xi32, #tpu.memory_space<hbm>>
    %dma_start3A_222 = tpu.memref_squeeze %dma_start3A_221 : memref<1x128xi32, #tpu.memory_space<hbm>> -> memref<128xi32, #tpu.memory_space<hbm>>
    tpu.enqueue_dma source(%dma_start3A_222 : memref<128xi32, #tpu.memory_space<hbm>>) target(%dma_start3A_219 : memref<128xi32, #tpu.memory_space<vmem>>) target_semaphore(%dma_start3A_216 : memref<!tpu.dma_semaphore, #tpu.memory_space<semaphore_mem>>)
    %add3A_223 = arith.constant 0 : i32
    %add3A_224 = arith.addi %mul3A_0, %add3A_223 : i32
    %dma_wait3A = arith.constant 0 : i32
    %dma_wait3A_225 = arith.constant 0 : i32
    %dma_wait3A_226 = arith.constant 0 : i32
    %dma_wait3A_227 = tpu.memref_slice %arg7[%dma_wait3A, %dma_wait3A_226] : memref<8x128xi32, #tpu.memory_space<vmem>> -> memref<1x128xi32, #tpu.memory_space<vmem>>
    %dma_wait3A_228 = tpu.memref_squeeze %dma_wait3A_227 : memref<1x128xi32, #tpu.memory_space<vmem>> -> memref<128xi32, #tpu.memory_space<vmem>>
    %dma_wait3A_229 = arith.constant 0 : i32
    %dma_wait3A_230 = tpu.memref_slice %arg4[%add3A_224, %dma_wait3A_229] : memref<2560x128xi32, #tpu.memory_space<hbm>> -> memref<1x128xi32, #tpu.memory_space<hbm>>
    %dma_wait3A_231 = tpu.memref_squeeze %dma_wait3A_230 : memref<1x128xi32, #tpu.memory_space<hbm>> -> memref<128xi32, #tpu.memory_space<hbm>>
    %dma_wait3A_232 = tpu.memref_slice %arg11[%dma_wait3A_225] : memref<8x!tpu.dma_semaphore, #tpu.memory_space<semaphore_mem>> -> memref<1x!tpu.dma_semaphore, #tpu.memory_space<semaphore_mem>>
    %dma_wait3A_233 = tpu.memref_squeeze %dma_wait3A_232 : memref<1x!tpu.dma_semaphore, #tpu.memory_space<semaphore_mem>> -> memref<!tpu.dma_semaphore, #tpu.memory_space<semaphore_mem>>
    %dma_wait3A_234 = arith.constant 0 : i32
    %dma_wait3A_235 = tpu.memref_slice %arg7[%dma_wait3A, %dma_wait3A_234] : memref<8x128xi32, #tpu.memory_space<vmem>> -> memref<1x128xi32, #tpu.memory_space<vmem>>
    %dma_wait3A_236 = tpu.memref_squeeze %dma_wait3A_235 : memref<1x128xi32, #tpu.memory_space<vmem>> -> memref<128xi32, #tpu.memory_space<vmem>>
    %dma_wait3A_237 = arith.constant 0 : i32
    %dma_wait3A_238 = tpu.memref_slice %arg4[%add3A_224, %dma_wait3A_237] : memref<2560x128xi32, #tpu.memory_space<hbm>> -> memref<1x128xi32, #tpu.memory_space<hbm>>
    %dma_wait3A_239 = tpu.memref_squeeze %dma_wait3A_238 : memref<1x128xi32, #tpu.memory_space<hbm>> -> memref<128xi32, #tpu.memory_space<hbm>>
    tpu.wait_dma2 semaphore(%dma_wait3A_233 : memref<!tpu.dma_semaphore, #tpu.memory_space<semaphore_mem>>) src(%dma_wait3A_239 : memref<128xi32, #tpu.memory_space<hbm>>) dst(%dma_wait3A_236 : memref<128xi32, #tpu.memory_space<vmem>>)
    %eq3A = arith.constant 0 : i32
    %eq3A_240 = arith.cmpi eq, %arg0, %eq3A : i32
    %convert_element_type3A = arith.extui %eq3A_240 : i1 to i32
    %cond3A = arith.constant 0 : i32
    %cond3A_241 = arith.cmpi ne, %convert_element_type3A, %cond3A : i32
    scf.if %cond3A_241 {
      %dma_start3A_338 = arith.constant 0 : i32
      %dma_start3A_339 = arith.constant 0 : i32
      %dma_start3A_340 = arith.constant 0 : i32
      %dma_start3A_341 = arith.constant 0 : i32
      %dma_start3A_342 = tpu.memref_slice %arg9[%dma_start3A_340, %dma_start3A_341] : memref<1024x64xf32, #tpu.memory_space<vmem>> -> memref<128x64xf32, #tpu.memory_space<vmem>>
      %dma_start3A_343 = arith.constant 0 : i32
      %dma_start3A_344 = tpu.memref_slice %arg7[%dma_start3A_338, %dma_start3A_343] : memref<8x128xi32, #tpu.memory_space<vmem>> -> memref<1x128xi32, #tpu.memory_space<vmem>>
      %dma_start3A_345 = tpu.memref_squeeze %dma_start3A_344 : memref<1x128xi32, #tpu.memory_space<vmem>> -> memref<128xi32, #tpu.memory_space<vmem>>
      %dma_start3A_346 = arith.constant 0 : i32
      %dma_start3A_347 = arith.constant 0 : i32
      %dma_start3A_348 = tpu.memref_slice %arg2[%dma_start3A_346, %dma_start3A_347] : memref<10000x64xf32, #tpu.memory_space<hbm>> -> memref<10000x64xf32, #tpu.memory_space<hbm>>
      %dma_start3A_349 = tpu.memref_slice %arg13[%dma_start3A_339] : memref<8x!tpu.dma_semaphore, #tpu.memory_space<semaphore_mem>> -> memref<1x!tpu.dma_semaphore, #tpu.memory_space<semaphore_mem>>
      %dma_start3A_350 = tpu.memref_squeeze %dma_start3A_349 : memref<1x!tpu.dma_semaphore, #tpu.memory_space<semaphore_mem>> -> memref<!tpu.dma_semaphore, #tpu.memory_space<semaphore_mem>>
      tpu.enqueue_indirect_dma source(%dma_start3A_348 : memref<10000x64xf32, #tpu.memory_space<hbm>>) target(%dma_start3A_342 : memref<128x64xf32, #tpu.memory_space<vmem>>) offsets(%dma_start3A_345 : memref<128xi32, #tpu.memory_space<vmem>>) semaphore(%dma_start3A_350 : memref<!tpu.dma_semaphore, #tpu.memory_space<semaphore_mem>>)
    } else {
    }
    %eq3A_242 = arith.constant 1 : i32
    %eq3A_243 = arith.cmpi eq, %arg0, %eq3A_242 : i32
    %convert_element_type3A_244 = arith.extui %eq3A_243 : i1 to i32
    %cond3A_245 = arith.constant 0 : i32
    %cond3A_246 = arith.cmpi ne, %convert_element_type3A_244, %cond3A_245 : i32
    scf.if %cond3A_246 {
      %dma_start3A_338 = arith.constant 0 : i32
      %dma_start3A_339 = arith.constant 0 : i32
      %dma_start3A_340 = arith.constant 0 : i32
      %dma_start3A_341 = arith.constant 0 : i32
      %dma_start3A_342 = tpu.memref_slice %arg9[%dma_start3A_340, %dma_start3A_341] : memref<1024x64xf32, #tpu.memory_space<vmem>> -> memref<128x64xf32, #tpu.memory_space<vmem>>
      %dma_start3A_343 = arith.constant 0 : i32
      %dma_start3A_344 = tpu.memref_slice %arg7[%dma_start3A_338, %dma_start3A_343] : memref<8x128xi32, #tpu.memory_space<vmem>> -> memref<1x128xi32, #tpu.memory_space<vmem>>
      %dma_start3A_345 = tpu.memref_squeeze %dma_start3A_344 : memref<1x128xi32, #tpu.memory_space<vmem>> -> memref<128xi32, #tpu.memory_space<vmem>>
      %dma_start3A_346 = arith.constant 0 : i32
      %dma_start3A_347 = arith.constant 0 : i32
      %dma_start3A_348 = tpu.memref_slice %arg3[%dma_start3A_346, %dma_start3A_347] : memref<10000x64xf32, #tpu.memory_space<hbm>> -> memref<10000x64xf32, #tpu.memory_space<hbm>>
      %dma_start3A_349 = tpu.memref_slice %arg13[%dma_start3A_339] : memref<8x!tpu.dma_semaphore, #tpu.memory_space<semaphore_mem>> -> memref<1x!tpu.dma_semaphore, #tpu.memory_space<semaphore_mem>>
      %dma_start3A_350 = tpu.memref_squeeze %dma_start3A_349 : memref<1x!tpu.dma_semaphore, #tpu.memory_space<semaphore_mem>> -> memref<!tpu.dma_semaphore, #tpu.memory_space<semaphore_mem>>
      tpu.enqueue_indirect_dma source(%dma_start3A_348 : memref<10000x64xf32, #tpu.memory_space<hbm>>) target(%dma_start3A_342 : memref<128x64xf32, #tpu.memory_space<vmem>>) offsets(%dma_start3A_345 : memref<128xi32, #tpu.memory_space<vmem>>) semaphore(%dma_start3A_350 : memref<!tpu.dma_semaphore, #tpu.memory_space<semaphore_mem>>)
    } else {
    }
    %add3A_247 = arith.constant 1 : i32
    %add3A_248 = arith.addi %mul3A_0, %add3A_247 : i32
    %dma_wait3A_249 = arith.constant 1 : i32
    %dma_wait3A_250 = arith.constant 1 : i32
    %dma_wait3A_251 = arith.constant 0 : i32
    %dma_wait3A_252 = tpu.memref_slice %arg7[%dma_wait3A_249, %dma_wait3A_251] : memref<8x128xi32, #tpu.memory_space<vmem>> -> memref<1x128xi32, #tpu.memory_space<vmem>>
    %dma_wait3A_253 = tpu.memref_squeeze %dma_wait3A_252 : memref<1x128xi32, #tpu.memory_space<vmem>> -> memref<128xi32, #tpu.memory_space<vmem>>
    %dma_wait3A_254 = arith.constant 0 : i32
    %dma_wait3A_255 = tpu.memref_slice %arg4[%add3A_248, %dma_wait3A_254] : memref<2560x128xi32, #tpu.memory_space<hbm>> -> memref<1x128xi32, #tpu.memory_space<hbm>>
    %dma_wait3A_256 = tpu.memref_squeeze %dma_wait3A_255 : memref<1x128xi32, #tpu.memory_space<hbm>> -> memref<128xi32, #tpu.memory_space<hbm>>
    %dma_wait3A_257 = tpu.memref_slice %arg11[%dma_wait3A_250] : memref<8x!tpu.dma_semaphore, #tpu.memory_space<semaphore_mem>> -> memref<1x!tpu.dma_semaphore, #tpu.memory_space<semaphore_mem>>
    %dma_wait3A_258 = tpu.memref_squeeze %dma_wait3A_257 : memref<1x!tpu.dma_semaphore, #tpu.memory_space<semaphore_mem>> -> memref<!tpu.dma_semaphore, #tpu.memory_space<semaphore_mem>>
    %dma_wait3A_259 = arith.constant 0 : i32
    %dma_wait3A_260 = tpu.memref_slice %arg7[%dma_wait3A_249, %dma_wait3A_259] : memref<8x128xi32, #tpu.memory_space<vmem>> -> memref<1x128xi32, #tpu.memory_space<vmem>>
    %dma_wait3A_261 = tpu.memref_squeeze %dma_wait3A_260 : memref<1x128xi32, #tpu.memory_space<vmem>> -> memref<128xi32, #tpu.memory_space<vmem>>
    %dma_wait3A_262 = arith.constant 0 : i32
    %dma_wait3A_263 = tpu.memref_slice %arg4[%add3A_248, %dma_wait3A_262] : memref<2560x128xi32, #tpu.memory_space<hbm>> -> memref<1x128xi32, #tpu.memory_space<hbm>>
    %dma_wait3A_264 = tpu.memref_squeeze %dma_wait3A_263 : memref<1x128xi32, #tpu.memory_space<hbm>> -> memref<128xi32, #tpu.memory_space<hbm>>
    tpu.wait_dma2 semaphore(%dma_wait3A_258 : memref<!tpu.dma_semaphore, #tpu.memory_space<semaphore_mem>>) src(%dma_wait3A_264 : memref<128xi32, #tpu.memory_space<hbm>>) dst(%dma_wait3A_261 : memref<128xi32, #tpu.memory_space<vmem>>)
    %eq3A_265 = arith.constant 0 : i32
    %eq3A_266 = arith.cmpi eq, %arg0, %eq3A_265 : i32
    %convert_element_type3A_267 = arith.extui %eq3A_266 : i1 to i32
    %cond3A_268 = arith.constant 0 : i32
    %cond3A_269 = arith.cmpi ne, %convert_element_type3A_267, %cond3A_268 : i32
    scf.if %cond3A_269 {
      %dma_start3A_338 = arith.constant 1 : i32
      %dma_start3A_339 = arith.constant 1 : i32
      %dma_start3A_340 = arith.constant 128 : i32
      %dma_start3A_341 = arith.constant 0 : i32
      %dma_start3A_342 = tpu.memref_slice %arg9[%dma_start3A_340, %dma_start3A_341] : memref<1024x64xf32, #tpu.memory_space<vmem>> -> memref<128x64xf32, #tpu.memory_space<vmem>>
      %dma_start3A_343 = arith.constant 0 : i32
      %dma_start3A_344 = tpu.memref_slice %arg7[%dma_start3A_338, %dma_start3A_343] : memref<8x128xi32, #tpu.memory_space<vmem>> -> memref<1x128xi32, #tpu.memory_space<vmem>>
      %dma_start3A_345 = tpu.memref_squeeze %dma_start3A_344 : memref<1x128xi32, #tpu.memory_space<vmem>> -> memref<128xi32, #tpu.memory_space<vmem>>
      %dma_start3A_346 = arith.constant 0 : i32
      %dma_start3A_347 = arith.constant 0 : i32
      %dma_start3A_348 = tpu.memref_slice %arg2[%dma_start3A_346, %dma_start3A_347] : memref<10000x64xf32, #tpu.memory_space<hbm>> -> memref<10000x64xf32, #tpu.memory_space<hbm>>
      %dma_start3A_349 = tpu.memref_slice %arg13[%dma_start3A_339] : memref<8x!tpu.dma_semaphore, #tpu.memory_space<semaphore_mem>> -> memref<1x!tpu.dma_semaphore, #tpu.memory_space<semaphore_mem>>
      %dma_start3A_350 = tpu.memref_squeeze %dma_start3A_349 : memref<1x!tpu.dma_semaphore, #tpu.memory_space<semaphore_mem>> -> memref<!tpu.dma_semaphore, #tpu.memory_space<semaphore_mem>>
      tpu.enqueue_indirect_dma source(%dma_start3A_348 : memref<10000x64xf32, #tpu.memory_space<hbm>>) target(%dma_start3A_342 : memref<128x64xf32, #tpu.memory_space<vmem>>) offsets(%dma_start3A_345 : memref<128xi32, #tpu.memory_space<vmem>>) semaphore(%dma_start3A_350 : memref<!tpu.dma_semaphore, #tpu.memory_space<semaphore_mem>>)
    } else {
    }
    %eq3A_270 = arith.constant 1 : i32
    %eq3A_271 = arith.cmpi eq, %arg0, %eq3A_270 : i32
    %convert_element_type3A_272 = arith.extui %eq3A_271 : i1 to i32
    %cond3A_273 = arith.constant 0 : i32
    %cond3A_274 = arith.cmpi ne, %convert_element_type3A_272, %cond3A_273 : i32
    scf.if %cond3A_274 {
      %dma_start3A_338 = arith.constant 1 : i32
      %dma_start3A_339 = arith.constant 1 : i32
      %dma_start3A_340 = arith.constant 128 : i32
      %dma_start3A_341 = arith.constant 0 : i32
      %dma_start3A_342 = tpu.memref_slice %arg9[%dma_start3A_340, %dma_start3A_341] : memref<1024x64xf32, #tpu.memory_space<vmem>> -> memref<128x64xf32, #tpu.memory_space<vmem>>
      %dma_start3A_343 = arith.constant 0 : i32
      %dma_start3A_344 = tpu.memref_slice %arg7[%dma_start3A_338, %dma_start3A_343] : memref<8x128xi32, #tpu.memory_space<vmem>> -> memref<1x128xi32, #tpu.memory_space<vmem>>
      %dma_start3A_345 = tpu.memref_squeeze %dma_start3A_344 : memref<1x128xi32, #tpu.memory_space<vmem>> -> memref<128xi32, #tpu.memory_space<vmem>>
      %dma_start3A_346 = arith.constant 0 : i32
      %dma_start3A_347 = arith.constant 0 : i32
      %dma_start3A_348 = tpu.memref_slice %arg3[%dma_start3A_346, %dma_start3A_347] : memref<10000x64xf32, #tpu.memory_space<hbm>> -> memref<10000x64xf32, #tpu.memory_space<hbm>>
      %dma_start3A_349 = tpu.memref_slice %arg13[%dma_start3A_339] : memref<8x!tpu.dma_semaphore, #tpu.memory_space<semaphore_mem>> -> memref<1x!tpu.dma_semaphore, #tpu.memory_space<semaphore_mem>>
      %dma_start3A_350 = tpu.memref_squeeze %dma_start3A_349 : memref<1x!tpu.dma_semaphore, #tpu.memory_space<semaphore_mem>> -> memref<!tpu.dma_semaphore, #tpu.memory_space<semaphore_mem>>
      tpu.enqueue_indirect_dma source(%dma_start3A_348 : memref<10000x64xf32, #tpu.memory_space<hbm>>) target(%dma_start3A_342 : memref<128x64xf32, #tpu.memory_space<vmem>>) offsets(%dma_start3A_345 : memref<128xi32, #tpu.memory_space<vmem>>) semaphore(%dma_start3A_350 : memref<!tpu.dma_semaphore, #tpu.memory_space<semaphore_mem>>)
    } else {
    }
    %add3A_275 = arith.constant 2 : i32
    %add3A_276 = arith.addi %mul3A_0, %add3A_275 : i32
    %dma_wait3A_277 = arith.constant 2 : i32
    %dma_wait3A_278 = arith.constant 2 : i32
    %dma_wait3A_279 = arith.constant 0 : i32
    %dma_wait3A_280 = tpu.memref_slice %arg7[%dma_wait3A_277, %dma_wait3A_279] : memref<8x128xi32, #tpu.memory_space<vmem>> -> memref<1x128xi32, #tpu.memory_space<vmem>>
    %dma_wait3A_281 = tpu.memref_squeeze %dma_wait3A_280 : memref<1x128xi32, #tpu.memory_space<vmem>> -> memref<128xi32, #tpu.memory_space<vmem>>
    %dma_wait3A_282 = arith.constant 0 : i32
    %dma_wait3A_283 = tpu.memref_slice %arg4[%add3A_276, %dma_wait3A_282] : memref<2560x128xi32, #tpu.memory_space<hbm>> -> memref<1x128xi32, #tpu.memory_space<hbm>>
    %dma_wait3A_284 = tpu.memref_squeeze %dma_wait3A_283 : memref<1x128xi32, #tpu.memory_space<hbm>> -> memref<128xi32, #tpu.memory_space<hbm>>
    %dma_wait3A_285 = tpu.memref_slice %arg11[%dma_wait3A_278] : memref<8x!tpu.dma_semaphore, #tpu.memory_space<semaphore_mem>> -> memref<1x!tpu.dma_semaphore, #tpu.memory_space<semaphore_mem>>
    %dma_wait3A_286 = tpu.memref_squeeze %dma_wait3A_285 : memref<1x!tpu.dma_semaphore, #tpu.memory_space<semaphore_mem>> -> memref<!tpu.dma_semaphore, #tpu.memory_space<semaphore_mem>>
    %dma_wait3A_287 = arith.constant 0 : i32
    %dma_wait3A_288 = tpu.memref_slice %arg7[%dma_wait3A_277, %dma_wait3A_287] : memref<8x128xi32, #tpu.memory_space<vmem>> -> memref<1x128xi32, #tpu.memory_space<vmem>>
    %dma_wait3A_289 = tpu.memref_squeeze %dma_wait3A_288 : memref<1x128xi32, #tpu.memory_space<vmem>> -> memref<128xi32, #tpu.memory_space<vmem>>
    %dma_wait3A_290 = arith.constant 0 : i32
    %dma_wait3A_291 = tpu.memref_slice %arg4[%add3A_276, %dma_wait3A_290] : memref<2560x128xi32, #tpu.memory_space<hbm>> -> memref<1x128xi32, #tpu.memory_space<hbm>>
    %dma_wait3A_292 = tpu.memref_squeeze %dma_wait3A_291 : memref<1x128xi32, #tpu.memory_space<hbm>> -> memref<128xi32, #tpu.memory_space<hbm>>
    tpu.wait_dma2 semaphore(%dma_wait3A_286 : memref<!tpu.dma_semaphore, #tpu.memory_space<semaphore_mem>>) src(%dma_wait3A_292 : memref<128xi32, #tpu.memory_space<hbm>>) dst(%dma_wait3A_289 : memref<128xi32, #tpu.memory_space<vmem>>)
    %eq3A_293 = arith.constant 0 : i32
    %eq3A_294 = arith.cmpi eq, %arg0, %eq3A_293 : i32
    %convert_element_type3A_295 = arith.extui %eq3A_294 : i1 to i32
    %cond3A_296 = arith.constant 0 : i32
    %cond3A_297 = arith.cmpi ne, %convert_element_type3A_295, %cond3A_296 : i32
    scf.if %cond3A_297 {
      %dma_start3A_338 = arith.constant 2 : i32
      %dma_start3A_339 = arith.constant 2 : i32
      %dma_start3A_340 = arith.constant 256 : i32
      %dma_start3A_341 = arith.constant 0 : i32
      %dma_start3A_342 = tpu.memref_slice %arg9[%dma_start3A_340, %dma_start3A_341] : memref<1024x64xf32, #tpu.memory_space<vmem>> -> memref<128x64xf32, #tpu.memory_space<vmem>>
      %dma_start3A_343 = arith.constant 0 : i32
      %dma_start3A_344 = tpu.memref_slice %arg7[%dma_start3A_338, %dma_start3A_343] : memref<8x128xi32, #tpu.memory_space<vmem>> -> memref<1x128xi32, #tpu.memory_space<vmem>>
      %dma_start3A_345 = tpu.memref_squeeze %dma_start3A_344 : memref<1x128xi32, #tpu.memory_space<vmem>> -> memref<128xi32, #tpu.memory_space<vmem>>
      %dma_start3A_346 = arith.constant 0 : i32
      %dma_start3A_347 = arith.constant 0 : i32
      %dma_start3A_348 = tpu.memref_slice %arg2[%dma_start3A_346, %dma_start3A_347] : memref<10000x64xf32, #tpu.memory_space<hbm>> -> memref<10000x64xf32, #tpu.memory_space<hbm>>
      %dma_start3A_349 = tpu.memref_slice %arg13[%dma_start3A_339] : memref<8x!tpu.dma_semaphore, #tpu.memory_space<semaphore_mem>> -> memref<1x!tpu.dma_semaphore, #tpu.memory_space<semaphore_mem>>
      %dma_start3A_350 = tpu.memref_squeeze %dma_start3A_349 : memref<1x!tpu.dma_semaphore, #tpu.memory_space<semaphore_mem>> -> memref<!tpu.dma_semaphore, #tpu.memory_space<semaphore_mem>>
      tpu.enqueue_indirect_dma source(%dma_start3A_348 : memref<10000x64xf32, #tpu.memory_space<hbm>>) target(%dma_start3A_342 : memref<128x64xf32, #tpu.memory_space<vmem>>) offsets(%dma_start3A_345 : memref<128xi32, #tpu.memory_space<vmem>>) semaphore(%dma_start3A_350 : memref<!tpu.dma_semaphore, #tpu.memory_space<semaphore_mem>>)
    } else {
    }
    %eq3A_298 = arith.constant 1 : i32
    %eq3A_299 = arith.cmpi eq, %arg0, %eq3A_298 : i32
    %convert_element_type3A_300 = arith.extui %eq3A_299 : i1 to i32
    %cond3A_301 = arith.constant 0 : i32
    %cond3A_302 = arith.cmpi ne, %convert_element_type3A_300, %cond3A_301 : i32
    scf.if %cond3A_302 {
      %dma_start3A_338 = arith.constant 2 : i32
      %dma_start3A_339 = arith.constant 2 : i32
      %dma_start3A_340 = arith.constant 256 : i32
      %dma_start3A_341 = arith.constant 0 : i32
      %dma_start3A_342 = tpu.memref_slice %arg9[%dma_start3A_340, %dma_start3A_341] : memref<1024x64xf32, #tpu.memory_space<vmem>> -> memref<128x64xf32, #tpu.memory_space<vmem>>
      %dma_start3A_343 = arith.constant 0 : i32
      %dma_start3A_344 = tpu.memref_slice %arg7[%dma_start3A_338, %dma_start3A_343] : memref<8x128xi32, #tpu.memory_space<vmem>> -> memref<1x128xi32, #tpu.memory_space<vmem>>
      %dma_start3A_345 = tpu.memref_squeeze %dma_start3A_344 : memref<1x128xi32, #tpu.memory_space<vmem>> -> memref<128xi32, #tpu.memory_space<vmem>>
      %dma_start3A_346 = arith.constant 0 : i32
      %dma_start3A_347 = arith.constant 0 : i32
      %dma_start3A_348 = tpu.memref_slice %arg3[%dma_start3A_346, %dma_start3A_347] : memref<10000x64xf32, #tpu.memory_space<hbm>> -> memref<10000x64xf32, #tpu.memory_space<hbm>>
      %dma_start3A_349 = tpu.memref_slice %arg13[%dma_start3A_339] : memref<8x!tpu.dma_semaphore, #tpu.memory_space<semaphore_mem>> -> memref<1x!tpu.dma_semaphore, #tpu.memory_space<semaphore_mem>>
      %dma_start3A_350 = tpu.memref_squeeze %dma_start3A_349 : memref<1x!tpu.dma_semaphore, #tpu.memory_space<semaphore_mem>> -> memref<!tpu.dma_semaphore, #tpu.memory_space<semaphore_mem>>
      tpu.enqueue_indirect_dma source(%dma_start3A_348 : memref<10000x64xf32, #tpu.memory_space<hbm>>) target(%dma_start3A_342 : memref<128x64xf32, #tpu.memory_space<vmem>>) offsets(%dma_start3A_345 : memref<128xi32, #tpu.memory_space<vmem>>) semaphore(%dma_start3A_350 : memref<!tpu.dma_semaphore, #tpu.memory_space<semaphore_mem>>)
    } else {
    }
    %add3A_303 = arith.constant 3 : i32
    %add3A_304 = arith.addi %mul3A_0, %add3A_303 : i32
    %dma_wait3A_305 = arith.constant 3 : i32
    %dma_wait3A_306 = arith.constant 3 : i32
    %dma_wait3A_307 = arith.constant 0 : i32
    %dma_wait3A_308 = tpu.memref_slice %arg7[%dma_wait3A_305, %dma_wait3A_307] : memref<8x128xi32, #tpu.memory_space<vmem>> -> memref<1x128xi32, #tpu.memory_space<vmem>>
    %dma_wait3A_309 = tpu.memref_squeeze %dma_wait3A_308 : memref<1x128xi32, #tpu.memory_space<vmem>> -> memref<128xi32, #tpu.memory_space<vmem>>
    %dma_wait3A_310 = arith.constant 0 : i32
    %dma_wait3A_311 = tpu.memref_slice %arg4[%add3A_304, %dma_wait3A_310] : memref<2560x128xi32, #tpu.memory_space<hbm>> -> memref<1x128xi32, #tpu.memory_space<hbm>>
    %dma_wait3A_312 = tpu.memref_squeeze %dma_wait3A_311 : memref<1x128xi32, #tpu.memory_space<hbm>> -> memref<128xi32, #tpu.memory_space<hbm>>
    %dma_wait3A_313 = tpu.memref_slice %arg11[%dma_wait3A_306] : memref<8x!tpu.dma_semaphore, #tpu.memory_space<semaphore_mem>> -> memref<1x!tpu.dma_semaphore, #tpu.memory_space<semaphore_mem>>
    %dma_wait3A_314 = tpu.memref_squeeze %dma_wait3A_313 : memref<1x!tpu.dma_semaphore, #tpu.memory_space<semaphore_mem>> -> memref<!tpu.dma_semaphore, #tpu.memory_space<semaphore_mem>>
    %dma_wait3A_315 = arith.constant 0 : i32
    %dma_wait3A_316 = tpu.memref_slice %arg7[%dma_wait3A_305, %dma_wait3A_315] : memref<8x128xi32, #tpu.memory_space<vmem>> -> memref<1x128xi32, #tpu.memory_space<vmem>>
    %dma_wait3A_317 = tpu.memref_squeeze %dma_wait3A_316 : memref<1x128xi32, #tpu.memory_space<vmem>> -> memref<128xi32, #tpu.memory_space<vmem>>
    %dma_wait3A_318 = arith.constant 0 : i32
    %dma_wait3A_319 = tpu.memref_slice %arg4[%add3A_304, %dma_wait3A_318] : memref<2560x128xi32, #tpu.memory_space<hbm>> -> memref<1x128xi32, #tpu.memory_space<hbm>>
    %dma_wait3A_320 = tpu.memref_squeeze %dma_wait3A_319 : memref<1x128xi32, #tpu.memory_space<hbm>> -> memref<128xi32, #tpu.memory_space<hbm>>
    tpu.wait_dma2 semaphore(%dma_wait3A_314 : memref<!tpu.dma_semaphore, #tpu.memory_space<semaphore_mem>>) src(%dma_wait3A_320 : memref<128xi32, #tpu.memory_space<hbm>>) dst(%dma_wait3A_317 : memref<128xi32, #tpu.memory_space<vmem>>)
    %eq3A_321 = arith.constant 0 : i32
    %eq3A_322 = arith.cmpi eq, %arg0, %eq3A_321 : i32
    %convert_element_type3A_323 = arith.extui %eq3A_322 : i1 to i32
    %cond3A_324 = arith.constant 0 : i32
    %cond3A_325 = arith.cmpi ne, %convert_element_type3A_323, %cond3A_324 : i32
    scf.if %cond3A_325 {
      %dma_start3A_338 = arith.constant 3 : i32
      %dma_start3A_339 = arith.constant 3 : i32
      %dma_start3A_340 = arith.constant 384 : i32
      %dma_start3A_341 = arith.constant 0 : i32
      %dma_start3A_342 = tpu.memref_slice %arg9[%dma_start3A_340, %dma_start3A_341] : memref<1024x64xf32, #tpu.memory_space<vmem>> -> memref<128x64xf32, #tpu.memory_space<vmem>>
      %dma_start3A_343 = arith.constant 0 : i32
      %dma_start3A_344 = tpu.memref_slice %arg7[%dma_start3A_338, %dma_start3A_343] : memref<8x128xi32, #tpu.memory_space<vmem>> -> memref<1x128xi32, #tpu.memory_space<vmem>>
      %dma_start3A_345 = tpu.memref_squeeze %dma_start3A_344 : memref<1x128xi32, #tpu.memory_space<vmem>> -> memref<128xi32, #tpu.memory_space<vmem>>
      %dma_start3A_346 = arith.constant 0 : i32
      %dma_start3A_347 = arith.constant 0 : i32
      %dma_start3A_348 = tpu.memref_slice %arg2[%dma_start3A_346, %dma_start3A_347] : memref<10000x64xf32, #tpu.memory_space<hbm>> -> memref<10000x64xf32, #tpu.memory_space<hbm>>
      %dma_start3A_349 = tpu.memref_slice %arg13[%dma_start3A_339] : memref<8x!tpu.dma_semaphore, #tpu.memory_space<semaphore_mem>> -> memref<1x!tpu.dma_semaphore, #tpu.memory_space<semaphore_mem>>
      %dma_start3A_350 = tpu.memref_squeeze %dma_start3A_349 : memref<1x!tpu.dma_semaphore, #tpu.memory_space<semaphore_mem>> -> memref<!tpu.dma_semaphore, #tpu.memory_space<semaphore_mem>>
      tpu.enqueue_indirect_dma source(%dma_start3A_348 : memref<10000x64xf32, #tpu.memory_space<hbm>>) target(%dma_start3A_342 : memref<128x64xf32, #tpu.memory_space<vmem>>) offsets(%dma_start3A_345 : memref<128xi32, #tpu.memory_space<vmem>>) semaphore(%dma_start3A_350 : memref<!tpu.dma_semaphore, #tpu.memory_space<semaphore_mem>>)
    } else {
    }
    %eq3A_326 = arith.constant 1 : i32
    %eq3A_327 = arith.cmpi eq, %arg0, %eq3A_326 : i32
    %convert_element_type3A_328 = arith.extui %eq3A_327 : i1 to i32
    %cond3A_329 = arith.constant 0 : i32
    %cond3A_330 = arith.cmpi ne, %convert_element_type3A_328, %cond3A_329 : i32
    scf.if %cond3A_330 {
      %dma_start3A_338 = arith.constant 3 : i32
      %dma_start3A_339 = arith.constant 3 : i32
      %dma_start3A_340 = arith.constant 384 : i32
      %dma_start3A_341 = arith.constant 0 : i32
      %dma_start3A_342 = tpu.memref_slice %arg9[%dma_start3A_340, %dma_start3A_341] : memref<1024x64xf32, #tpu.memory_space<vmem>> -> memref<128x64xf32, #tpu.memory_space<vmem>>
      %dma_start3A_343 = arith.constant 0 : i32
      %dma_start3A_344 = tpu.memref_slice %arg7[%dma_start3A_338, %dma_start3A_343] : memref<8x128xi32, #tpu.memory_space<vmem>> -> memref<1x128xi32, #tpu.memory_space<vmem>>
      %dma_start3A_345 = tpu.memref_squeeze %dma_start3A_344 : memref<1x128xi32, #tpu.memory_space<vmem>> -> memref<128xi32, #tpu.memory_space<vmem>>
      %dma_start3A_346 = arith.constant 0 : i32
      %dma_start3A_347 = arith.constant 0 : i32
      %dma_start3A_348 = tpu.memref_slice %arg3[%dma_start3A_346, %dma_start3A_347] : memref<10000x64xf32, #tpu.memory_space<hbm>> -> memref<10000x64xf32, #tpu.memory_space<hbm>>
      %dma_start3A_349 = tpu.memref_slice %arg13[%dma_start3A_339] : memref<8x!tpu.dma_semaphore, #tpu.memory_space<semaphore_mem>> -> memref<1x!tpu.dma_semaphore, #tpu.memory_space<semaphore_mem>>
      %dma_start3A_350 = tpu.memref_squeeze %dma_start3A_349 : memref<1x!tpu.dma_semaphore, #tpu.memory_space<semaphore_mem>> -> memref<!tpu.dma_semaphore, #tpu.memory_space<semaphore_mem>>
      tpu.enqueue_indirect_dma source(%dma_start3A_348 : memref<10000x64xf32, #tpu.memory_space<hbm>>) target(%dma_start3A_342 : memref<128x64xf32, #tpu.memory_space<vmem>>) offsets(%dma_start3A_345 : memref<128xi32, #tpu.memory_space<vmem>>) semaphore(%dma_start3A_350 : memref<!tpu.dma_semaphore, #tpu.memory_space<semaphore_mem>>)
    } else {
    }
    %scan3A_331 = arith.constant 0 : i32
    %scan3A_332 = arith.constant 0 : i32
    %scan3A_333 = arith.constant 20 : i32
    %scan3A_334 = arith.addi %scan3A_332, %scan3A_333 : i32
    %scan3A_335 = arith.constant 1 : i32
    scf.for %scan3A_338 = %scan3A_332 to %scan3A_334 step %scan3A_335  : i32 {
      %mul3A_339 = arith.constant 8 : i32
      %mul3A_340 = arith.muli %scan3A_338, %mul3A_339 : i32
      %add3A_341 = arith.constant 0 : i32
      %add3A_342 = arith.addi %mul3A_340, %add3A_341 : i32
      %add3A_343 = arith.constant 4 : i32
      %add3A_344 = arith.addi %add3A_342, %add3A_343 : i32
      %jit3A = arith.constant 8 : i32
      %eq3A_345 = arith.constant 0 : i32
      %eq3A_346 = arith.cmpi eq, %jit3A, %eq3A_345 : i32
      %jit3A_347 = arith.constant 1 : i32
      %select_n3A = arith.select %eq3A_346, %jit3A_347, %jit3A : i32
      %rem3A = arith.remsi %add3A_344, %select_n3A : i32
      %ne3A = arith.constant 0 : i32
      %ne3A_348 = arith.cmpi ne, %rem3A, %ne3A : i32
      %lt3A = arith.constant 0 : i32
      %lt3A_349 = arith.cmpi slt, %rem3A, %lt3A : i32
      %lt3A_350 = arith.constant 0 : i32
      %lt3A_351 = arith.cmpi slt, %select_n3A, %lt3A_350 : i32
      %ne3A_352 = arith.xori %lt3A_349, %lt3A_351 : i1
      %and3A = arith.andi %ne3A_352, %ne3A_348 : i1
      %add3A_353 = arith.addi %rem3A, %select_n3A : i32
      %select_n3A_354 = arith.select %and3A, %add3A_353, %rem3A : i32
      %lt3A_355 = arith.constant 160 : i32
      %lt3A_356 = arith.cmpi slt, %add3A_344, %lt3A_355 : i32
      %convert_element_type3A_357 = arith.extui %lt3A_356 : i1 to i32
      %cond3A_358 = arith.constant 0 : i32
      %cond3A_359 = arith.cmpi ne, %convert_element_type3A_357, %cond3A_358 : i32
      scf.if %cond3A_359 {
        %add3A_852 = arith.addi %mul3A_0, %add3A_344 : i32
        %dma_start3A_853 = arith.constant 0 : i32
        %dma_start3A_854 = tpu.memref_slice %arg8[%select_n3A_354, %dma_start3A_853] : memref<8x128xi32, #tpu.memory_space<vmem>> -> memref<1x128xi32, #tpu.memory_space<vmem>>
        %dma_start3A_855 = tpu.memref_squeeze %dma_start3A_854 : memref<1x128xi32, #tpu.memory_space<vmem>> -> memref<128xi32, #tpu.memory_space<vmem>>
        %dma_start3A_856 = arith.constant 0 : i32
        %dma_start3A_857 = tpu.memref_slice %arg5[%add3A_852, %dma_start3A_856] : memref<2560x128xi32, #tpu.memory_space<hbm>> -> memref<1x128xi32, #tpu.memory_space<hbm>>
        %dma_start3A_858 = tpu.memref_squeeze %dma_start3A_857 : memref<1x128xi32, #tpu.memory_space<hbm>> -> memref<128xi32, #tpu.memory_space<hbm>>
        %dma_start3A_859 = tpu.memref_slice %arg12[%select_n3A_354] : memref<8x!tpu.dma_semaphore, #tpu.memory_space<semaphore_mem>> -> memref<1x!tpu.dma_semaphore, #tpu.memory_space<semaphore_mem>>
        %dma_start3A_860 = tpu.memref_squeeze %dma_start3A_859 : memref<1x!tpu.dma_semaphore, #tpu.memory_space<semaphore_mem>> -> memref<!tpu.dma_semaphore, #tpu.memory_space<semaphore_mem>>
        %dma_start3A_861 = arith.constant 0 : i32
        %dma_start3A_862 = tpu.memref_slice %arg8[%select_n3A_354, %dma_start3A_861] : memref<8x128xi32, #tpu.memory_space<vmem>> -> memref<1x128xi32, #tpu.memory_space<vmem>>
        %dma_start3A_863 = tpu.memref_squeeze %dma_start3A_862 : memref<1x128xi32, #tpu.memory_space<vmem>> -> memref<128xi32, #tpu.memory_space<vmem>>
        %dma_start3A_864 = arith.constant 0 : i32
        %dma_start3A_865 = tpu.memref_slice %arg5[%add3A_852, %dma_start3A_864] : memref<2560x128xi32, #tpu.memory_space<hbm>> -> memref<1x128xi32, #tpu.memory_space<hbm>>
        %dma_start3A_866 = tpu.memref_squeeze %dma_start3A_865 : memref<1x128xi32, #tpu.memory_space<hbm>> -> memref<128xi32, #tpu.memory_space<hbm>>
        tpu.enqueue_dma source(%dma_start3A_866 : memref<128xi32, #tpu.memory_space<hbm>>) target(%dma_start3A_863 : memref<128xi32, #tpu.memory_space<vmem>>) target_semaphore(%dma_start3A_860 : memref<!tpu.dma_semaphore, #tpu.memory_space<semaphore_mem>>)
        %add3A_867 = arith.addi %mul3A_0, %add3A_344 : i32
        %dma_wait3A_868 = arith.constant 0 : i32
        %dma_wait3A_869 = tpu.memref_slice %arg7[%select_n3A_354, %dma_wait3A_868] : memref<8x128xi32, #tpu.memory_space<vmem>> -> memref<1x128xi32, #tpu.memory_space<vmem>>
        %dma_wait3A_870 = tpu.memref_squeeze %dma_wait3A_869 : memref<1x128xi32, #tpu.memory_space<vmem>> -> memref<128xi32, #tpu.memory_space<vmem>>
        %dma_wait3A_871 = arith.constant 0 : i32
        %dma_wait3A_872 = tpu.memref_slice %arg4[%add3A_867, %dma_wait3A_871] : memref<2560x128xi32, #tpu.memory_space<hbm>> -> memref<1x128xi32, #tpu.memory_space<hbm>>
        %dma_wait3A_873 = tpu.memref_squeeze %dma_wait3A_872 : memref<1x128xi32, #tpu.memory_space<hbm>> -> memref<128xi32, #tpu.memory_space<hbm>>
        %dma_wait3A_874 = tpu.memref_slice %arg11[%select_n3A_354] : memref<8x!tpu.dma_semaphore, #tpu.memory_space<semaphore_mem>> -> memref<1x!tpu.dma_semaphore, #tpu.memory_space<semaphore_mem>>
        %dma_wait3A_875 = tpu.memref_squeeze %dma_wait3A_874 : memref<1x!tpu.dma_semaphore, #tpu.memory_space<semaphore_mem>> -> memref<!tpu.dma_semaphore, #tpu.memory_space<semaphore_mem>>
        %dma_wait3A_876 = arith.constant 0 : i32
        %dma_wait3A_877 = tpu.memref_slice %arg7[%select_n3A_354, %dma_wait3A_876] : memref<8x128xi32, #tpu.memory_space<vmem>> -> memref<1x128xi32, #tpu.memory_space<vmem>>
        %dma_wait3A_878 = tpu.memref_squeeze %dma_wait3A_877 : memref<1x128xi32, #tpu.memory_space<vmem>> -> memref<128xi32, #tpu.memory_space<vmem>>
        %dma_wait3A_879 = arith.constant 0 : i32
        %dma_wait3A_880 = tpu.memref_slice %arg4[%add3A_867, %dma_wait3A_879] : memref<2560x128xi32, #tpu.memory_space<hbm>> -> memref<1x128xi32, #tpu.memory_space<hbm>>
        %dma_wait3A_881 = tpu.memref_squeeze %dma_wait3A_880 : memref<1x128xi32, #tpu.memory_space<hbm>> -> memref<128xi32, #tpu.memory_space<hbm>>
        tpu.wait_dma2 semaphore(%dma_wait3A_875 : memref<!tpu.dma_semaphore, #tpu.memory_space<semaphore_mem>>) src(%dma_wait3A_881 : memref<128xi32, #tpu.memory_space<hbm>>) dst(%dma_wait3A_878 : memref<128xi32, #tpu.memory_space<vmem>>)
        %mul3A_882 = arith.constant 128 : i32
        %mul3A_883 = arith.muli %select_n3A_354, %mul3A_882 : i32
        %eq3A_884 = arith.constant 0 : i32
        %eq3A_885 = arith.cmpi eq, %arg0, %eq3A_884 : i32
        %convert_element_type3A_886 = arith.extui %eq3A_885 : i1 to i32
        %cond3A_887 = arith.constant 0 : i32
        %cond3A_888 = arith.cmpi ne, %convert_element_type3A_886, %cond3A_887 : i32
        scf.if %cond3A_888 {
          %dma_start3A_894 = arith.constant 0 : i32
          %dma_start3A_895 = tpu.memref_slice %arg9[%mul3A_883, %dma_start3A_894] : memref<1024x64xf32, #tpu.memory_space<vmem>> -> memref<128x64xf32, #tpu.memory_space<vmem>>
          %dma_start3A_896 = arith.constant 0 : i32
          %dma_start3A_897 = tpu.memref_slice %arg7[%select_n3A_354, %dma_start3A_896] : memref<8x128xi32, #tpu.memory_space<vmem>> -> memref<1x128xi32, #tpu.memory_space<vmem>>
          %dma_start3A_898 = tpu.memref_squeeze %dma_start3A_897 : memref<1x128xi32, #tpu.memory_space<vmem>> -> memref<128xi32, #tpu.memory_space<vmem>>
          %dma_start3A_899 = arith.constant 0 : i32
          %dma_start3A_900 = arith.constant 0 : i32
          %dma_start3A_901 = tpu.memref_slice %arg2[%dma_start3A_899, %dma_start3A_900] : memref<10000x64xf32, #tpu.memory_space<hbm>> -> memref<10000x64xf32, #tpu.memory_space<hbm>>
          %dma_start3A_902 = tpu.memref_slice %arg13[%select_n3A_354] : memref<8x!tpu.dma_semaphore, #tpu.memory_space<semaphore_mem>> -> memref<1x!tpu.dma_semaphore, #tpu.memory_space<semaphore_mem>>
          %dma_start3A_903 = tpu.memref_squeeze %dma_start3A_902 : memref<1x!tpu.dma_semaphore, #tpu.memory_space<semaphore_mem>> -> memref<!tpu.dma_semaphore, #tpu.memory_space<semaphore_mem>>
          tpu.enqueue_indirect_dma source(%dma_start3A_901 : memref<10000x64xf32, #tpu.memory_space<hbm>>) target(%dma_start3A_895 : memref<128x64xf32, #tpu.memory_space<vmem>>) offsets(%dma_start3A_898 : memref<128xi32, #tpu.memory_space<vmem>>) semaphore(%dma_start3A_903 : memref<!tpu.dma_semaphore, #tpu.memory_space<semaphore_mem>>)
        } else {
        }
        %eq3A_889 = arith.constant 1 : i32
        %eq3A_890 = arith.cmpi eq, %arg0, %eq3A_889 : i32
        %convert_element_type3A_891 = arith.extui %eq3A_890 : i1 to i32
        %cond3A_892 = arith.constant 0 : i32
        %cond3A_893 = arith.cmpi ne, %convert_element_type3A_891, %cond3A_892 : i32
        scf.if %cond3A_893 {
          %dma_start3A_894 = arith.constant 0 : i32
          %dma_start3A_895 = tpu.memref_slice %arg9[%mul3A_883, %dma_start3A_894] : memref<1024x64xf32, #tpu.memory_space<vmem>> -> memref<128x64xf32, #tpu.memory_space<vmem>>
          %dma_start3A_896 = arith.constant 0 : i32
          %dma_start3A_897 = tpu.memref_slice %arg7[%select_n3A_354, %dma_start3A_896] : memref<8x128xi32, #tpu.memory_space<vmem>> -> memref<1x128xi32, #tpu.memory_space<vmem>>
          %dma_start3A_898 = tpu.memref_squeeze %dma_start3A_897 : memref<1x128xi32, #tpu.memory_space<vmem>> -> memref<128xi32, #tpu.memory_space<vmem>>
          %dma_start3A_899 = arith.constant 0 : i32
          %dma_start3A_900 = arith.constant 0 : i32
          %dma_start3A_901 = tpu.memref_slice %arg3[%dma_start3A_899, %dma_start3A_900] : memref<10000x64xf32, #tpu.memory_space<hbm>> -> memref<10000x64xf32, #tpu.memory_space<hbm>>
          %dma_start3A_902 = tpu.memref_slice %arg13[%select_n3A_354] : memref<8x!tpu.dma_semaphore, #tpu.memory_space<semaphore_mem>> -> memref<1x!tpu.dma_semaphore, #tpu.memory_space<semaphore_mem>>
          %dma_start3A_903 = tpu.memref_squeeze %dma_start3A_902 : memref<1x!tpu.dma_semaphore, #tpu.memory_space<semaphore_mem>> -> memref<!tpu.dma_semaphore, #tpu.memory_space<semaphore_mem>>
          tpu.enqueue_indirect_dma source(%dma_start3A_901 : memref<10000x64xf32, #tpu.memory_space<hbm>>) target(%dma_start3A_895 : memref<128x64xf32, #tpu.memory_space<vmem>>) offsets(%dma_start3A_898 : memref<128xi32, #tpu.memory_space<vmem>>) semaphore(%dma_start3A_903 : memref<!tpu.dma_semaphore, #tpu.memory_space<semaphore_mem>>)
        } else {
        }
      } else {
      }
      %dma_wait3A_360 = arith.constant 0 : i32
      %dma_wait3A_361 = arith.constant 0 : i32
      %dma_wait3A_362 = arith.constant 0 : i32
      %dma_wait3A_363 = arith.constant 0 : i32
      %dma_wait3A_364 = tpu.memref_slice %arg9[%dma_wait3A_362, %dma_wait3A_363] : memref<1024x64xf32, #tpu.memory_space<vmem>> -> memref<128x64xf32, #tpu.memory_space<vmem>>
      %dma_wait3A_365 = arith.constant 0 : i32
      %dma_wait3A_366 = tpu.memref_slice %arg7[%dma_wait3A_360, %dma_wait3A_365] : memref<8x128xi32, #tpu.memory_space<vmem>> -> memref<1x128xi32, #tpu.memory_space<vmem>>
      %dma_wait3A_367 = tpu.memref_squeeze %dma_wait3A_366 : memref<1x128xi32, #tpu.memory_space<vmem>> -> memref<128xi32, #tpu.memory_space<vmem>>
      %dma_wait3A_368 = arith.constant 0 : i32
      %dma_wait3A_369 = arith.constant 0 : i32
      %dma_wait3A_370 = tpu.memref_slice %arg2[%dma_wait3A_368, %dma_wait3A_369] : memref<10000x64xf32, #tpu.memory_space<hbm>> -> memref<10000x64xf32, #tpu.memory_space<hbm>>
      %dma_wait3A_371 = tpu.memref_slice %arg13[%dma_wait3A_361] : memref<8x!tpu.dma_semaphore, #tpu.memory_space<semaphore_mem>> -> memref<1x!tpu.dma_semaphore, #tpu.memory_space<semaphore_mem>>
      %dma_wait3A_372 = tpu.memref_squeeze %dma_wait3A_371 : memref<1x!tpu.dma_semaphore, #tpu.memory_space<semaphore_mem>> -> memref<!tpu.dma_semaphore, #tpu.memory_space<semaphore_mem>>
      tpu.wait_indirect_dma semaphore(%dma_wait3A_372 : memref<!tpu.dma_semaphore, #tpu.memory_space<semaphore_mem>>) src(%dma_wait3A_370 : memref<10000x64xf32, #tpu.memory_space<hbm>>) dst(%dma_wait3A_364 : memref<128x64xf32, #tpu.memory_space<vmem>>)
      %add3A_373 = arith.constant 8 : i32
      %add3A_374 = arith.addi %add3A_342, %add3A_373 : i32
      %lt3A_375 = arith.constant 160 : i32
      %lt3A_376 = arith.cmpi slt, %add3A_374, %lt3A_375 : i32
      %convert_element_type3A_377 = arith.extui %lt3A_376 : i1 to i32
      %cond3A_378 = arith.constant 0 : i32
      %cond3A_379 = arith.cmpi ne, %convert_element_type3A_377, %cond3A_378 : i32
      scf.if %cond3A_379 {
        %add3A_852 = arith.addi %mul3A_0, %add3A_374 : i32
        %dma_start3A_853 = arith.constant 0 : i32
        %dma_start3A_854 = arith.constant 0 : i32
        %dma_start3A_855 = arith.constant 0 : i32
        %dma_start3A_856 = tpu.memref_slice %arg7[%dma_start3A_853, %dma_start3A_855] : memref<8x128xi32, #tpu.memory_space<vmem>> -> memref<1x128xi32, #tpu.memory_space<vmem>>
        %dma_start3A_857 = tpu.memref_squeeze %dma_start3A_856 : memref<1x128xi32, #tpu.memory_space<vmem>> -> memref<128xi32, #tpu.memory_space<vmem>>
        %dma_start3A_858 = arith.constant 0 : i32
        %dma_start3A_859 = tpu.memref_slice %arg4[%add3A_852, %dma_start3A_858] : memref<2560x128xi32, #tpu.memory_space<hbm>> -> memref<1x128xi32, #tpu.memory_space<hbm>>
        %dma_start3A_860 = tpu.memref_squeeze %dma_start3A_859 : memref<1x128xi32, #tpu.memory_space<hbm>> -> memref<128xi32, #tpu.memory_space<hbm>>
        %dma_start3A_861 = tpu.memref_slice %arg11[%dma_start3A_854] : memref<8x!tpu.dma_semaphore, #tpu.memory_space<semaphore_mem>> -> memref<1x!tpu.dma_semaphore, #tpu.memory_space<semaphore_mem>>
        %dma_start3A_862 = tpu.memref_squeeze %dma_start3A_861 : memref<1x!tpu.dma_semaphore, #tpu.memory_space<semaphore_mem>> -> memref<!tpu.dma_semaphore, #tpu.memory_space<semaphore_mem>>
        %dma_start3A_863 = arith.constant 0 : i32
        %dma_start3A_864 = tpu.memref_slice %arg7[%dma_start3A_853, %dma_start3A_863] : memref<8x128xi32, #tpu.memory_space<vmem>> -> memref<1x128xi32, #tpu.memory_space<vmem>>
        %dma_start3A_865 = tpu.memref_squeeze %dma_start3A_864 : memref<1x128xi32, #tpu.memory_space<vmem>> -> memref<128xi32, #tpu.memory_space<vmem>>
        %dma_start3A_866 = arith.constant 0 : i32
        %dma_start3A_867 = tpu.memref_slice %arg4[%add3A_852, %dma_start3A_866] : memref<2560x128xi32, #tpu.memory_space<hbm>> -> memref<1x128xi32, #tpu.memory_space<hbm>>
        %dma_start3A_868 = tpu.memref_squeeze %dma_start3A_867 : memref<1x128xi32, #tpu.memory_space<hbm>> -> memref<128xi32, #tpu.memory_space<hbm>>
        tpu.enqueue_dma source(%dma_start3A_868 : memref<128xi32, #tpu.memory_space<hbm>>) target(%dma_start3A_865 : memref<128xi32, #tpu.memory_space<vmem>>) target_semaphore(%dma_start3A_862 : memref<!tpu.dma_semaphore, #tpu.memory_space<semaphore_mem>>)
      } else {
      }
      %add3A_380 = arith.addi %mul3A_0, %add3A_342 : i32
      %dma_wait3A_381 = arith.constant 0 : i32
      %dma_wait3A_382 = arith.constant 0 : i32
      %dma_wait3A_383 = arith.constant 0 : i32
      %dma_wait3A_384 = tpu.memref_slice %arg8[%dma_wait3A_381, %dma_wait3A_383] : memref<8x128xi32, #tpu.memory_space<vmem>> -> memref<1x128xi32, #tpu.memory_space<vmem>>
      %dma_wait3A_385 = tpu.memref_squeeze %dma_wait3A_384 : memref<1x128xi32, #tpu.memory_space<vmem>> -> memref<128xi32, #tpu.memory_space<vmem>>
      %dma_wait3A_386 = arith.constant 0 : i32
      %dma_wait3A_387 = tpu.memref_slice %arg5[%add3A_380, %dma_wait3A_386] : memref<2560x128xi32, #tpu.memory_space<hbm>> -> memref<1x128xi32, #tpu.memory_space<hbm>>
      %dma_wait3A_388 = tpu.memref_squeeze %dma_wait3A_387 : memref<1x128xi32, #tpu.memory_space<hbm>> -> memref<128xi32, #tpu.memory_space<hbm>>
      %dma_wait3A_389 = tpu.memref_slice %arg12[%dma_wait3A_382] : memref<8x!tpu.dma_semaphore, #tpu.memory_space<semaphore_mem>> -> memref<1x!tpu.dma_semaphore, #tpu.memory_space<semaphore_mem>>
      %dma_wait3A_390 = tpu.memref_squeeze %dma_wait3A_389 : memref<1x!tpu.dma_semaphore, #tpu.memory_space<semaphore_mem>> -> memref<!tpu.dma_semaphore, #tpu.memory_space<semaphore_mem>>
      %dma_wait3A_391 = arith.constant 0 : i32
      %dma_wait3A_392 = tpu.memref_slice %arg8[%dma_wait3A_381, %dma_wait3A_391] : memref<8x128xi32, #tpu.memory_space<vmem>> -> memref<1x128xi32, #tpu.memory_space<vmem>>
      %dma_wait3A_393 = tpu.memref_squeeze %dma_wait3A_392 : memref<1x128xi32, #tpu.memory_space<vmem>> -> memref<128xi32, #tpu.memory_space<vmem>>
      %dma_wait3A_394 = arith.constant 0 : i32
      %dma_wait3A_395 = tpu.memref_slice %arg5[%add3A_380, %dma_wait3A_394] : memref<2560x128xi32, #tpu.memory_space<hbm>> -> memref<1x128xi32, #tpu.memory_space<hbm>>
      %dma_wait3A_396 = tpu.memref_squeeze %dma_wait3A_395 : memref<1x128xi32, #tpu.memory_space<hbm>> -> memref<128xi32, #tpu.memory_space<hbm>>
      tpu.wait_dma2 semaphore(%dma_wait3A_390 : memref<!tpu.dma_semaphore, #tpu.memory_space<semaphore_mem>>) src(%dma_wait3A_396 : memref<128xi32, #tpu.memory_space<hbm>>) dst(%dma_wait3A_393 : memref<128xi32, #tpu.memory_space<vmem>>)
      %run_scoped3A = arith.constant 0 : i32
      "tpu.region"() ({
        %run_scoped3A_852 = tpu.sem_alloc : memref<!tpu.dma_semaphore, #tpu.memory_space<semaphore_mem>>
        %dma_start3A_853 = arith.constant 0 : i32
        %dma_start3A_854 = arith.constant 0 : i32
        %dma_start3A_855 = tpu.memref_slice %arg9[%dma_start3A_853, %dma_start3A_854] : memref<1024x64xf32, #tpu.memory_space<vmem>> -> memref<128x64xf32, #tpu.memory_space<vmem>>
        %dma_start3A_856 = arith.constant 0 : i32
        %dma_start3A_857 = tpu.memref_slice %arg8[%run_scoped3A, %dma_start3A_856] : memref<8x128xi32, #tpu.memory_space<vmem>> -> memref<1x128xi32, #tpu.memory_space<vmem>>
        %dma_start3A_858 = tpu.memref_squeeze %dma_start3A_857 : memref<1x128xi32, #tpu.memory_space<vmem>> -> memref<128xi32, #tpu.memory_space<vmem>>
        %dma_start3A_859 = arith.constant 0 : i32
        %dma_start3A_860 = arith.constant 0 : i32
        %dma_start3A_861 = tpu.memref_slice %arg10[%dma_start3A_859, %dma_start3A_860] : memref<10112x64xf32, #tpu.memory_space<vmem_shared>> -> memref<10112x64xf32, #tpu.memory_space<vmem_shared>>
        tpu.enqueue_indirect_dma source(%dma_start3A_855 : memref<128x64xf32, #tpu.memory_space<vmem>>) target(%dma_start3A_861 : memref<10112x64xf32, #tpu.memory_space<vmem_shared>>) offsets(%dma_start3A_858 : memref<128xi32, #tpu.memory_space<vmem>>) semaphore(%run_scoped3A_852 : memref<!tpu.dma_semaphore, #tpu.memory_space<semaphore_mem>>) {add = true}
        %dma_wait3A_862 = arith.constant 0 : i32
        %dma_wait3A_863 = arith.constant 0 : i32
        %dma_wait3A_864 = tpu.memref_slice %arg9[%dma_wait3A_862, %dma_wait3A_863] : memref<1024x64xf32, #tpu.memory_space<vmem>> -> memref<128x64xf32, #tpu.memory_space<vmem>>
        %dma_wait3A_865 = arith.constant 0 : i32
        %dma_wait3A_866 = tpu.memref_slice %arg8[%run_scoped3A, %dma_wait3A_865] : memref<8x128xi32, #tpu.memory_space<vmem>> -> memref<1x128xi32, #tpu.memory_space<vmem>>
        %dma_wait3A_867 = tpu.memref_squeeze %dma_wait3A_866 : memref<1x128xi32, #tpu.memory_space<vmem>> -> memref<128xi32, #tpu.memory_space<vmem>>
        %dma_wait3A_868 = arith.constant 0 : i32
        %dma_wait3A_869 = arith.constant 0 : i32
        %dma_wait3A_870 = tpu.memref_slice %arg10[%dma_wait3A_868, %dma_wait3A_869] : memref<10112x64xf32, #tpu.memory_space<vmem_shared>> -> memref<10112x64xf32, #tpu.memory_space<vmem_shared>>
        tpu.wait_indirect_dma semaphore(%run_scoped3A_852 : memref<!tpu.dma_semaphore, #tpu.memory_space<semaphore_mem>>) src(%dma_wait3A_864 : memref<128x64xf32, #tpu.memory_space<vmem>>) dst(%dma_wait3A_870 : memref<10112x64xf32, #tpu.memory_space<vmem_shared>>)
        tpu.yield
      }) : () -> ()
      %mul3A_397 = arith.constant 8 : i32
      %mul3A_398 = arith.muli %scan3A_338, %mul3A_397 : i32
      %add3A_399 = arith.constant 1 : i32
      %add3A_400 = arith.addi %mul3A_398, %add3A_399 : i32
      %add3A_401 = arith.constant 4 : i32
      %add3A_402 = arith.addi %add3A_400, %add3A_401 : i32
      %jit3A_403 = arith.constant 8 : i32
      %eq3A_404 = arith.constant 0 : i32
      %eq3A_405 = arith.cmpi eq, %jit3A_403, %eq3A_404 : i32
      %jit3A_406 = arith.constant 1 : i32
      %select_n3A_407 = arith.select %eq3A_405, %jit3A_406, %jit3A_403 : i32
      %rem3A_408 = arith.remsi %add3A_402, %select_n3A_407 : i32
      %ne3A_409 = arith.constant 0 : i32
      %ne3A_410 = arith.cmpi ne, %rem3A_408, %ne3A_409 : i32
      %lt3A_411 = arith.constant 0 : i32
      %lt3A_412 = arith.cmpi slt, %rem3A_408, %lt3A_411 : i32
      %lt3A_413 = arith.constant 0 : i32
      %lt3A_414 = arith.cmpi slt, %select_n3A_407, %lt3A_413 : i32
      %ne3A_415 = arith.xori %lt3A_412, %lt3A_414 : i1
      %and3A_416 = arith.andi %ne3A_415, %ne3A_410 : i1
      %add3A_417 = arith.addi %rem3A_408, %select_n3A_407 : i32
      %select_n3A_418 = arith.select %and3A_416, %add3A_417, %rem3A_408 : i32
      %lt3A_419 = arith.constant 160 : i32
      %lt3A_420 = arith.cmpi slt, %add3A_402, %lt3A_419 : i32
      %convert_element_type3A_421 = arith.extui %lt3A_420 : i1 to i32
      %cond3A_422 = arith.constant 0 : i32
      %cond3A_423 = arith.cmpi ne, %convert_element_type3A_421, %cond3A_422 : i32
      scf.if %cond3A_423 {
        %add3A_852 = arith.addi %mul3A_0, %add3A_402 : i32
        %dma_start3A_853 = arith.constant 0 : i32
        %dma_start3A_854 = tpu.memref_slice %arg8[%select_n3A_418, %dma_start3A_853] : memref<8x128xi32, #tpu.memory_space<vmem>> -> memref<1x128xi32, #tpu.memory_space<vmem>>
        %dma_start3A_855 = tpu.memref_squeeze %dma_start3A_854 : memref<1x128xi32, #tpu.memory_space<vmem>> -> memref<128xi32, #tpu.memory_space<vmem>>
        %dma_start3A_856 = arith.constant 0 : i32
        %dma_start3A_857 = tpu.memref_slice %arg5[%add3A_852, %dma_start3A_856] : memref<2560x128xi32, #tpu.memory_space<hbm>> -> memref<1x128xi32, #tpu.memory_space<hbm>>
        %dma_start3A_858 = tpu.memref_squeeze %dma_start3A_857 : memref<1x128xi32, #tpu.memory_space<hbm>> -> memref<128xi32, #tpu.memory_space<hbm>>
        %dma_start3A_859 = tpu.memref_slice %arg12[%select_n3A_418] : memref<8x!tpu.dma_semaphore, #tpu.memory_space<semaphore_mem>> -> memref<1x!tpu.dma_semaphore, #tpu.memory_space<semaphore_mem>>
        %dma_start3A_860 = tpu.memref_squeeze %dma_start3A_859 : memref<1x!tpu.dma_semaphore, #tpu.memory_space<semaphore_mem>> -> memref<!tpu.dma_semaphore, #tpu.memory_space<semaphore_mem>>
        %dma_start3A_861 = arith.constant 0 : i32
        %dma_start3A_862 = tpu.memref_slice %arg8[%select_n3A_418, %dma_start3A_861] : memref<8x128xi32, #tpu.memory_space<vmem>> -> memref<1x128xi32, #tpu.memory_space<vmem>>
        %dma_start3A_863 = tpu.memref_squeeze %dma_start3A_862 : memref<1x128xi32, #tpu.memory_space<vmem>> -> memref<128xi32, #tpu.memory_space<vmem>>
        %dma_start3A_864 = arith.constant 0 : i32
        %dma_start3A_865 = tpu.memref_slice %arg5[%add3A_852, %dma_start3A_864] : memref<2560x128xi32, #tpu.memory_space<hbm>> -> memref<1x128xi32, #tpu.memory_space<hbm>>
        %dma_start3A_866 = tpu.memref_squeeze %dma_start3A_865 : memref<1x128xi32, #tpu.memory_space<hbm>> -> memref<128xi32, #tpu.memory_space<hbm>>
        tpu.enqueue_dma source(%dma_start3A_866 : memref<128xi32, #tpu.memory_space<hbm>>) target(%dma_start3A_863 : memref<128xi32, #tpu.memory_space<vmem>>) target_semaphore(%dma_start3A_860 : memref<!tpu.dma_semaphore, #tpu.memory_space<semaphore_mem>>)
        %add3A_867 = arith.addi %mul3A_0, %add3A_402 : i32
        %dma_wait3A_868 = arith.constant 0 : i32
        %dma_wait3A_869 = tpu.memref_slice %arg7[%select_n3A_418, %dma_wait3A_868] : memref<8x128xi32, #tpu.memory_space<vmem>> -> memref<1x128xi32, #tpu.memory_space<vmem>>
        %dma_wait3A_870 = tpu.memref_squeeze %dma_wait3A_869 : memref<1x128xi32, #tpu.memory_space<vmem>> -> memref<128xi32, #tpu.memory_space<vmem>>
        %dma_wait3A_871 = arith.constant 0 : i32
        %dma_wait3A_872 = tpu.memref_slice %arg4[%add3A_867, %dma_wait3A_871] : memref<2560x128xi32, #tpu.memory_space<hbm>> -> memref<1x128xi32, #tpu.memory_space<hbm>>
        %dma_wait3A_873 = tpu.memref_squeeze %dma_wait3A_872 : memref<1x128xi32, #tpu.memory_space<hbm>> -> memref<128xi32, #tpu.memory_space<hbm>>
        %dma_wait3A_874 = tpu.memref_slice %arg11[%select_n3A_418] : memref<8x!tpu.dma_semaphore, #tpu.memory_space<semaphore_mem>> -> memref<1x!tpu.dma_semaphore, #tpu.memory_space<semaphore_mem>>
        %dma_wait3A_875 = tpu.memref_squeeze %dma_wait3A_874 : memref<1x!tpu.dma_semaphore, #tpu.memory_space<semaphore_mem>> -> memref<!tpu.dma_semaphore, #tpu.memory_space<semaphore_mem>>
        %dma_wait3A_876 = arith.constant 0 : i32
        %dma_wait3A_877 = tpu.memref_slice %arg7[%select_n3A_418, %dma_wait3A_876] : memref<8x128xi32, #tpu.memory_space<vmem>> -> memref<1x128xi32, #tpu.memory_space<vmem>>
        %dma_wait3A_878 = tpu.memref_squeeze %dma_wait3A_877 : memref<1x128xi32, #tpu.memory_space<vmem>> -> memref<128xi32, #tpu.memory_space<vmem>>
        %dma_wait3A_879 = arith.constant 0 : i32
        %dma_wait3A_880 = tpu.memref_slice %arg4[%add3A_867, %dma_wait3A_879] : memref<2560x128xi32, #tpu.memory_space<hbm>> -> memref<1x128xi32, #tpu.memory_space<hbm>>
        %dma_wait3A_881 = tpu.memref_squeeze %dma_wait3A_880 : memref<1x128xi32, #tpu.memory_space<hbm>> -> memref<128xi32, #tpu.memory_space<hbm>>
        tpu.wait_dma2 semaphore(%dma_wait3A_875 : memref<!tpu.dma_semaphore, #tpu.memory_space<semaphore_mem>>) src(%dma_wait3A_881 : memref<128xi32, #tpu.memory_space<hbm>>) dst(%dma_wait3A_878 : memref<128xi32, #tpu.memory_space<vmem>>)
        %mul3A_882 = arith.constant 128 : i32
        %mul3A_883 = arith.muli %select_n3A_418, %mul3A_882 : i32
        %eq3A_884 = arith.constant 0 : i32
        %eq3A_885 = arith.cmpi eq, %arg0, %eq3A_884 : i32
        %convert_element_type3A_886 = arith.extui %eq3A_885 : i1 to i32
        %cond3A_887 = arith.constant 0 : i32
        %cond3A_888 = arith.cmpi ne, %convert_element_type3A_886, %cond3A_887 : i32
        scf.if %cond3A_888 {
          %dma_start3A_894 = arith.constant 0 : i32
          %dma_start3A_895 = tpu.memref_slice %arg9[%mul3A_883, %dma_start3A_894] : memref<1024x64xf32, #tpu.memory_space<vmem>> -> memref<128x64xf32, #tpu.memory_space<vmem>>
          %dma_start3A_896 = arith.constant 0 : i32
          %dma_start3A_897 = tpu.memref_slice %arg7[%select_n3A_418, %dma_start3A_896] : memref<8x128xi32, #tpu.memory_space<vmem>> -> memref<1x128xi32, #tpu.memory_space<vmem>>
          %dma_start3A_898 = tpu.memref_squeeze %dma_start3A_897 : memref<1x128xi32, #tpu.memory_space<vmem>> -> memref<128xi32, #tpu.memory_space<vmem>>
          %dma_start3A_899 = arith.constant 0 : i32
          %dma_start3A_900 = arith.constant 0 : i32
          %dma_start3A_901 = tpu.memref_slice %arg2[%dma_start3A_899, %dma_start3A_900] : memref<10000x64xf32, #tpu.memory_space<hbm>> -> memref<10000x64xf32, #tpu.memory_space<hbm>>
          %dma_start3A_902 = tpu.memref_slice %arg13[%select_n3A_418] : memref<8x!tpu.dma_semaphore, #tpu.memory_space<semaphore_mem>> -> memref<1x!tpu.dma_semaphore, #tpu.memory_space<semaphore_mem>>
          %dma_start3A_903 = tpu.memref_squeeze %dma_start3A_902 : memref<1x!tpu.dma_semaphore, #tpu.memory_space<semaphore_mem>> -> memref<!tpu.dma_semaphore, #tpu.memory_space<semaphore_mem>>
          tpu.enqueue_indirect_dma source(%dma_start3A_901 : memref<10000x64xf32, #tpu.memory_space<hbm>>) target(%dma_start3A_895 : memref<128x64xf32, #tpu.memory_space<vmem>>) offsets(%dma_start3A_898 : memref<128xi32, #tpu.memory_space<vmem>>) semaphore(%dma_start3A_903 : memref<!tpu.dma_semaphore, #tpu.memory_space<semaphore_mem>>)
        } else {
        }
        %eq3A_889 = arith.constant 1 : i32
        %eq3A_890 = arith.cmpi eq, %arg0, %eq3A_889 : i32
        %convert_element_type3A_891 = arith.extui %eq3A_890 : i1 to i32
        %cond3A_892 = arith.constant 0 : i32
        %cond3A_893 = arith.cmpi ne, %convert_element_type3A_891, %cond3A_892 : i32
        scf.if %cond3A_893 {
          %dma_start3A_894 = arith.constant 0 : i32
          %dma_start3A_895 = tpu.memref_slice %arg9[%mul3A_883, %dma_start3A_894] : memref<1024x64xf32, #tpu.memory_space<vmem>> -> memref<128x64xf32, #tpu.memory_space<vmem>>
          %dma_start3A_896 = arith.constant 0 : i32
          %dma_start3A_897 = tpu.memref_slice %arg7[%select_n3A_418, %dma_start3A_896] : memref<8x128xi32, #tpu.memory_space<vmem>> -> memref<1x128xi32, #tpu.memory_space<vmem>>
          %dma_start3A_898 = tpu.memref_squeeze %dma_start3A_897 : memref<1x128xi32, #tpu.memory_space<vmem>> -> memref<128xi32, #tpu.memory_space<vmem>>
          %dma_start3A_899 = arith.constant 0 : i32
          %dma_start3A_900 = arith.constant 0 : i32
          %dma_start3A_901 = tpu.memref_slice %arg3[%dma_start3A_899, %dma_start3A_900] : memref<10000x64xf32, #tpu.memory_space<hbm>> -> memref<10000x64xf32, #tpu.memory_space<hbm>>
          %dma_start3A_902 = tpu.memref_slice %arg13[%select_n3A_418] : memref<8x!tpu.dma_semaphore, #tpu.memory_space<semaphore_mem>> -> memref<1x!tpu.dma_semaphore, #tpu.memory_space<semaphore_mem>>
          %dma_start3A_903 = tpu.memref_squeeze %dma_start3A_902 : memref<1x!tpu.dma_semaphore, #tpu.memory_space<semaphore_mem>> -> memref<!tpu.dma_semaphore, #tpu.memory_space<semaphore_mem>>
          tpu.enqueue_indirect_dma source(%dma_start3A_901 : memref<10000x64xf32, #tpu.memory_space<hbm>>) target(%dma_start3A_895 : memref<128x64xf32, #tpu.memory_space<vmem>>) offsets(%dma_start3A_898 : memref<128xi32, #tpu.memory_space<vmem>>) semaphore(%dma_start3A_903 : memref<!tpu.dma_semaphore, #tpu.memory_space<semaphore_mem>>)
        } else {
        }
      } else {
      }
      %dma_wait3A_424 = arith.constant 1 : i32
      %dma_wait3A_425 = arith.constant 1 : i32
      %dma_wait3A_426 = arith.constant 128 : i32
      %dma_wait3A_427 = arith.constant 0 : i32
      %dma_wait3A_428 = tpu.memref_slice %arg9[%dma_wait3A_426, %dma_wait3A_427] : memref<1024x64xf32, #tpu.memory_space<vmem>> -> memref<128x64xf32, #tpu.memory_space<vmem>>
      %dma_wait3A_429 = arith.constant 0 : i32
      %dma_wait3A_430 = tpu.memref_slice %arg7[%dma_wait3A_424, %dma_wait3A_429] : memref<8x128xi32, #tpu.memory_space<vmem>> -> memref<1x128xi32, #tpu.memory_space<vmem>>
      %dma_wait3A_431 = tpu.memref_squeeze %dma_wait3A_430 : memref<1x128xi32, #tpu.memory_space<vmem>> -> memref<128xi32, #tpu.memory_space<vmem>>
      %dma_wait3A_432 = arith.constant 0 : i32
      %dma_wait3A_433 = arith.constant 0 : i32
      %dma_wait3A_434 = tpu.memref_slice %arg2[%dma_wait3A_432, %dma_wait3A_433] : memref<10000x64xf32, #tpu.memory_space<hbm>> -> memref<10000x64xf32, #tpu.memory_space<hbm>>
      %dma_wait3A_435 = tpu.memref_slice %arg13[%dma_wait3A_425] : memref<8x!tpu.dma_semaphore, #tpu.memory_space<semaphore_mem>> -> memref<1x!tpu.dma_semaphore, #tpu.memory_space<semaphore_mem>>
      %dma_wait3A_436 = tpu.memref_squeeze %dma_wait3A_435 : memref<1x!tpu.dma_semaphore, #tpu.memory_space<semaphore_mem>> -> memref<!tpu.dma_semaphore, #tpu.memory_space<semaphore_mem>>
      tpu.wait_indirect_dma semaphore(%dma_wait3A_436 : memref<!tpu.dma_semaphore, #tpu.memory_space<semaphore_mem>>) src(%dma_wait3A_434 : memref<10000x64xf32, #tpu.memory_space<hbm>>) dst(%dma_wait3A_428 : memref<128x64xf32, #tpu.memory_space<vmem>>)
      %add3A_437 = arith.constant 8 : i32
      %add3A_438 = arith.addi %add3A_400, %add3A_437 : i32
      %lt3A_439 = arith.constant 160 : i32
      %lt3A_440 = arith.cmpi slt, %add3A_438, %lt3A_439 : i32
      %convert_element_type3A_441 = arith.extui %lt3A_440 : i1 to i32
      %cond3A_442 = arith.constant 0 : i32
      %cond3A_443 = arith.cmpi ne, %convert_element_type3A_441, %cond3A_442 : i32
      scf.if %cond3A_443 {
        %add3A_852 = arith.addi %mul3A_0, %add3A_438 : i32
        %dma_start3A_853 = arith.constant 1 : i32
        %dma_start3A_854 = arith.constant 1 : i32
        %dma_start3A_855 = arith.constant 0 : i32
        %dma_start3A_856 = tpu.memref_slice %arg7[%dma_start3A_853, %dma_start3A_855] : memref<8x128xi32, #tpu.memory_space<vmem>> -> memref<1x128xi32, #tpu.memory_space<vmem>>
        %dma_start3A_857 = tpu.memref_squeeze %dma_start3A_856 : memref<1x128xi32, #tpu.memory_space<vmem>> -> memref<128xi32, #tpu.memory_space<vmem>>
        %dma_start3A_858 = arith.constant 0 : i32
        %dma_start3A_859 = tpu.memref_slice %arg4[%add3A_852, %dma_start3A_858] : memref<2560x128xi32, #tpu.memory_space<hbm>> -> memref<1x128xi32, #tpu.memory_space<hbm>>
        %dma_start3A_860 = tpu.memref_squeeze %dma_start3A_859 : memref<1x128xi32, #tpu.memory_space<hbm>> -> memref<128xi32, #tpu.memory_space<hbm>>
        %dma_start3A_861 = tpu.memref_slice %arg11[%dma_start3A_854] : memref<8x!tpu.dma_semaphore, #tpu.memory_space<semaphore_mem>> -> memref<1x!tpu.dma_semaphore, #tpu.memory_space<semaphore_mem>>
        %dma_start3A_862 = tpu.memref_squeeze %dma_start3A_861 : memref<1x!tpu.dma_semaphore, #tpu.memory_space<semaphore_mem>> -> memref<!tpu.dma_semaphore, #tpu.memory_space<semaphore_mem>>
        %dma_start3A_863 = arith.constant 0 : i32
        %dma_start3A_864 = tpu.memref_slice %arg7[%dma_start3A_853, %dma_start3A_863] : memref<8x128xi32, #tpu.memory_space<vmem>> -> memref<1x128xi32, #tpu.memory_space<vmem>>
        %dma_start3A_865 = tpu.memref_squeeze %dma_start3A_864 : memref<1x128xi32, #tpu.memory_space<vmem>> -> memref<128xi32, #tpu.memory_space<vmem>>
        %dma_start3A_866 = arith.constant 0 : i32
        %dma_start3A_867 = tpu.memref_slice %arg4[%add3A_852, %dma_start3A_866] : memref<2560x128xi32, #tpu.memory_space<hbm>> -> memref<1x128xi32, #tpu.memory_space<hbm>>
        %dma_start3A_868 = tpu.memref_squeeze %dma_start3A_867 : memref<1x128xi32, #tpu.memory_space<hbm>> -> memref<128xi32, #tpu.memory_space<hbm>>
        tpu.enqueue_dma source(%dma_start3A_868 : memref<128xi32, #tpu.memory_space<hbm>>) target(%dma_start3A_865 : memref<128xi32, #tpu.memory_space<vmem>>) target_semaphore(%dma_start3A_862 : memref<!tpu.dma_semaphore, #tpu.memory_space<semaphore_mem>>)
      } else {
      }
      %add3A_444 = arith.addi %mul3A_0, %add3A_400 : i32
      %dma_wait3A_445 = arith.constant 1 : i32
      %dma_wait3A_446 = arith.constant 1 : i32
      %dma_wait3A_447 = arith.constant 0 : i32
      %dma_wait3A_448 = tpu.memref_slice %arg8[%dma_wait3A_445, %dma_wait3A_447] : memref<8x128xi32, #tpu.memory_space<vmem>> -> memref<1x128xi32, #tpu.memory_space<vmem>>
      %dma_wait3A_449 = tpu.memref_squeeze %dma_wait3A_448 : memref<1x128xi32, #tpu.memory_space<vmem>> -> memref<128xi32, #tpu.memory_space<vmem>>
      %dma_wait3A_450 = arith.constant 0 : i32
      %dma_wait3A_451 = tpu.memref_slice %arg5[%add3A_444, %dma_wait3A_450] : memref<2560x128xi32, #tpu.memory_space<hbm>> -> memref<1x128xi32, #tpu.memory_space<hbm>>
      %dma_wait3A_452 = tpu.memref_squeeze %dma_wait3A_451 : memref<1x128xi32, #tpu.memory_space<hbm>> -> memref<128xi32, #tpu.memory_space<hbm>>
      %dma_wait3A_453 = tpu.memref_slice %arg12[%dma_wait3A_446] : memref<8x!tpu.dma_semaphore, #tpu.memory_space<semaphore_mem>> -> memref<1x!tpu.dma_semaphore, #tpu.memory_space<semaphore_mem>>
      %dma_wait3A_454 = tpu.memref_squeeze %dma_wait3A_453 : memref<1x!tpu.dma_semaphore, #tpu.memory_space<semaphore_mem>> -> memref<!tpu.dma_semaphore, #tpu.memory_space<semaphore_mem>>
      %dma_wait3A_455 = arith.constant 0 : i32
      %dma_wait3A_456 = tpu.memref_slice %arg8[%dma_wait3A_445, %dma_wait3A_455] : memref<8x128xi32, #tpu.memory_space<vmem>> -> memref<1x128xi32, #tpu.memory_space<vmem>>
      %dma_wait3A_457 = tpu.memref_squeeze %dma_wait3A_456 : memref<1x128xi32, #tpu.memory_space<vmem>> -> memref<128xi32, #tpu.memory_space<vmem>>
      %dma_wait3A_458 = arith.constant 0 : i32
      %dma_wait3A_459 = tpu.memref_slice %arg5[%add3A_444, %dma_wait3A_458] : memref<2560x128xi32, #tpu.memory_space<hbm>> -> memref<1x128xi32, #tpu.memory_space<hbm>>
      %dma_wait3A_460 = tpu.memref_squeeze %dma_wait3A_459 : memref<1x128xi32, #tpu.memory_space<hbm>> -> memref<128xi32, #tpu.memory_space<hbm>>
      tpu.wait_dma2 semaphore(%dma_wait3A_454 : memref<!tpu.dma_semaphore, #tpu.memory_space<semaphore_mem>>) src(%dma_wait3A_460 : memref<128xi32, #tpu.memory_space<hbm>>) dst(%dma_wait3A_457 : memref<128xi32, #tpu.memory_space<vmem>>)
      %run_scoped3A_461 = arith.constant 1 : i32
      "tpu.region"() ({
        %run_scoped3A_852 = tpu.sem_alloc : memref<!tpu.dma_semaphore, #tpu.memory_space<semaphore_mem>>
        %dma_start3A_853 = arith.constant 128 : i32
        %dma_start3A_854 = arith.constant 0 : i32
        %dma_start3A_855 = tpu.memref_slice %arg9[%dma_start3A_853, %dma_start3A_854] : memref<1024x64xf32, #tpu.memory_space<vmem>> -> memref<128x64xf32, #tpu.memory_space<vmem>>
        %dma_start3A_856 = arith.constant 0 : i32
        %dma_start3A_857 = tpu.memref_slice %arg8[%run_scoped3A_461, %dma_start3A_856] : memref<8x128xi32, #tpu.memory_space<vmem>> -> memref<1x128xi32, #tpu.memory_space<vmem>>
        %dma_start3A_858 = tpu.memref_squeeze %dma_start3A_857 : memref<1x128xi32, #tpu.memory_space<vmem>> -> memref<128xi32, #tpu.memory_space<vmem>>
        %dma_start3A_859 = arith.constant 0 : i32
        %dma_start3A_860 = arith.constant 0 : i32
        %dma_start3A_861 = tpu.memref_slice %arg10[%dma_start3A_859, %dma_start3A_860] : memref<10112x64xf32, #tpu.memory_space<vmem_shared>> -> memref<10112x64xf32, #tpu.memory_space<vmem_shared>>
        tpu.enqueue_indirect_dma source(%dma_start3A_855 : memref<128x64xf32, #tpu.memory_space<vmem>>) target(%dma_start3A_861 : memref<10112x64xf32, #tpu.memory_space<vmem_shared>>) offsets(%dma_start3A_858 : memref<128xi32, #tpu.memory_space<vmem>>) semaphore(%run_scoped3A_852 : memref<!tpu.dma_semaphore, #tpu.memory_space<semaphore_mem>>) {add = true}
        %dma_wait3A_862 = arith.constant 128 : i32
        %dma_wait3A_863 = arith.constant 0 : i32
        %dma_wait3A_864 = tpu.memref_slice %arg9[%dma_wait3A_862, %dma_wait3A_863] : memref<1024x64xf32, #tpu.memory_space<vmem>> -> memref<128x64xf32, #tpu.memory_space<vmem>>
        %dma_wait3A_865 = arith.constant 0 : i32
        %dma_wait3A_866 = tpu.memref_slice %arg8[%run_scoped3A_461, %dma_wait3A_865] : memref<8x128xi32, #tpu.memory_space<vmem>> -> memref<1x128xi32, #tpu.memory_space<vmem>>
        %dma_wait3A_867 = tpu.memref_squeeze %dma_wait3A_866 : memref<1x128xi32, #tpu.memory_space<vmem>> -> memref<128xi32, #tpu.memory_space<vmem>>
        %dma_wait3A_868 = arith.constant 0 : i32
        %dma_wait3A_869 = arith.constant 0 : i32
        %dma_wait3A_870 = tpu.memref_slice %arg10[%dma_wait3A_868, %dma_wait3A_869] : memref<10112x64xf32, #tpu.memory_space<vmem_shared>> -> memref<10112x64xf32, #tpu.memory_space<vmem_shared>>
        tpu.wait_indirect_dma semaphore(%run_scoped3A_852 : memref<!tpu.dma_semaphore, #tpu.memory_space<semaphore_mem>>) src(%dma_wait3A_864 : memref<128x64xf32, #tpu.memory_space<vmem>>) dst(%dma_wait3A_870 : memref<10112x64xf32, #tpu.memory_space<vmem_shared>>)
        tpu.yield
      }) : () -> ()
      %mul3A_462 = arith.constant 8 : i32
      %mul3A_463 = arith.muli %scan3A_338, %mul3A_462 : i32
      %add3A_464 = arith.constant 2 : i32
      %add3A_465 = arith.addi %mul3A_463, %add3A_464 : i32
      %add3A_466 = arith.constant 4 : i32
      %add3A_467 = arith.addi %add3A_465, %add3A_466 : i32
      %jit3A_468 = arith.constant 8 : i32
      %eq3A_469 = arith.constant 0 : i32
      %eq3A_470 = arith.cmpi eq, %jit3A_468, %eq3A_469 : i32
      %jit3A_471 = arith.constant 1 : i32
      %select_n3A_472 = arith.select %eq3A_470, %jit3A_471, %jit3A_468 : i32
      %rem3A_473 = arith.remsi %add3A_467, %select_n3A_472 : i32
      %ne3A_474 = arith.constant 0 : i32
      %ne3A_475 = arith.cmpi ne, %rem3A_473, %ne3A_474 : i32
      %lt3A_476 = arith.constant 0 : i32
      %lt3A_477 = arith.cmpi slt, %rem3A_473, %lt3A_476 : i32
      %lt3A_478 = arith.constant 0 : i32
      %lt3A_479 = arith.cmpi slt, %select_n3A_472, %lt3A_478 : i32
      %ne3A_480 = arith.xori %lt3A_477, %lt3A_479 : i1
      %and3A_481 = arith.andi %ne3A_480, %ne3A_475 : i1
      %add3A_482 = arith.addi %rem3A_473, %select_n3A_472 : i32
      %select_n3A_483 = arith.select %and3A_481, %add3A_482, %rem3A_473 : i32
      %lt3A_484 = arith.constant 160 : i32
      %lt3A_485 = arith.cmpi slt, %add3A_467, %lt3A_484 : i32
      %convert_element_type3A_486 = arith.extui %lt3A_485 : i1 to i32
      %cond3A_487 = arith.constant 0 : i32
      %cond3A_488 = arith.cmpi ne, %convert_element_type3A_486, %cond3A_487 : i32
      scf.if %cond3A_488 {
        %add3A_852 = arith.addi %mul3A_0, %add3A_467 : i32
        %dma_start3A_853 = arith.constant 0 : i32
        %dma_start3A_854 = tpu.memref_slice %arg8[%select_n3A_483, %dma_start3A_853] : memref<8x128xi32, #tpu.memory_space<vmem>> -> memref<1x128xi32, #tpu.memory_space<vmem>>
        %dma_start3A_855 = tpu.memref_squeeze %dma_start3A_854 : memref<1x128xi32, #tpu.memory_space<vmem>> -> memref<128xi32, #tpu.memory_space<vmem>>
        %dma_start3A_856 = arith.constant 0 : i32
        %dma_start3A_857 = tpu.memref_slice %arg5[%add3A_852, %dma_start3A_856] : memref<2560x128xi32, #tpu.memory_space<hbm>> -> memref<1x128xi32, #tpu.memory_space<hbm>>
        %dma_start3A_858 = tpu.memref_squeeze %dma_start3A_857 : memref<1x128xi32, #tpu.memory_space<hbm>> -> memref<128xi32, #tpu.memory_space<hbm>>
        %dma_start3A_859 = tpu.memref_slice %arg12[%select_n3A_483] : memref<8x!tpu.dma_semaphore, #tpu.memory_space<semaphore_mem>> -> memref<1x!tpu.dma_semaphore, #tpu.memory_space<semaphore_mem>>
        %dma_start3A_860 = tpu.memref_squeeze %dma_start3A_859 : memref<1x!tpu.dma_semaphore, #tpu.memory_space<semaphore_mem>> -> memref<!tpu.dma_semaphore, #tpu.memory_space<semaphore_mem>>
        %dma_start3A_861 = arith.constant 0 : i32
        %dma_start3A_862 = tpu.memref_slice %arg8[%select_n3A_483, %dma_start3A_861] : memref<8x128xi32, #tpu.memory_space<vmem>> -> memref<1x128xi32, #tpu.memory_space<vmem>>
        %dma_start3A_863 = tpu.memref_squeeze %dma_start3A_862 : memref<1x128xi32, #tpu.memory_space<vmem>> -> memref<128xi32, #tpu.memory_space<vmem>>
        %dma_start3A_864 = arith.constant 0 : i32
        %dma_start3A_865 = tpu.memref_slice %arg5[%add3A_852, %dma_start3A_864] : memref<2560x128xi32, #tpu.memory_space<hbm>> -> memref<1x128xi32, #tpu.memory_space<hbm>>
        %dma_start3A_866 = tpu.memref_squeeze %dma_start3A_865 : memref<1x128xi32, #tpu.memory_space<hbm>> -> memref<128xi32, #tpu.memory_space<hbm>>
        tpu.enqueue_dma source(%dma_start3A_866 : memref<128xi32, #tpu.memory_space<hbm>>) target(%dma_start3A_863 : memref<128xi32, #tpu.memory_space<vmem>>) target_semaphore(%dma_start3A_860 : memref<!tpu.dma_semaphore, #tpu.memory_space<semaphore_mem>>)
        %add3A_867 = arith.addi %mul3A_0, %add3A_467 : i32
        %dma_wait3A_868 = arith.constant 0 : i32
        %dma_wait3A_869 = tpu.memref_slice %arg7[%select_n3A_483, %dma_wait3A_868] : memref<8x128xi32, #tpu.memory_space<vmem>> -> memref<1x128xi32, #tpu.memory_space<vmem>>
        %dma_wait3A_870 = tpu.memref_squeeze %dma_wait3A_869 : memref<1x128xi32, #tpu.memory_space<vmem>> -> memref<128xi32, #tpu.memory_space<vmem>>
        %dma_wait3A_871 = arith.constant 0 : i32
        %dma_wait3A_872 = tpu.memref_slice %arg4[%add3A_867, %dma_wait3A_871] : memref<2560x128xi32, #tpu.memory_space<hbm>> -> memref<1x128xi32, #tpu.memory_space<hbm>>
        %dma_wait3A_873 = tpu.memref_squeeze %dma_wait3A_872 : memref<1x128xi32, #tpu.memory_space<hbm>> -> memref<128xi32, #tpu.memory_space<hbm>>
        %dma_wait3A_874 = tpu.memref_slice %arg11[%select_n3A_483] : memref<8x!tpu.dma_semaphore, #tpu.memory_space<semaphore_mem>> -> memref<1x!tpu.dma_semaphore, #tpu.memory_space<semaphore_mem>>
        %dma_wait3A_875 = tpu.memref_squeeze %dma_wait3A_874 : memref<1x!tpu.dma_semaphore, #tpu.memory_space<semaphore_mem>> -> memref<!tpu.dma_semaphore, #tpu.memory_space<semaphore_mem>>
        %dma_wait3A_876 = arith.constant 0 : i32
        %dma_wait3A_877 = tpu.memref_slice %arg7[%select_n3A_483, %dma_wait3A_876] : memref<8x128xi32, #tpu.memory_space<vmem>> -> memref<1x128xi32, #tpu.memory_space<vmem>>
        %dma_wait3A_878 = tpu.memref_squeeze %dma_wait3A_877 : memref<1x128xi32, #tpu.memory_space<vmem>> -> memref<128xi32, #tpu.memory_space<vmem>>
        %dma_wait3A_879 = arith.constant 0 : i32
        %dma_wait3A_880 = tpu.memref_slice %arg4[%add3A_867, %dma_wait3A_879] : memref<2560x128xi32, #tpu.memory_space<hbm>> -> memref<1x128xi32, #tpu.memory_space<hbm>>
        %dma_wait3A_881 = tpu.memref_squeeze %dma_wait3A_880 : memref<1x128xi32, #tpu.memory_space<hbm>> -> memref<128xi32, #tpu.memory_space<hbm>>
        tpu.wait_dma2 semaphore(%dma_wait3A_875 : memref<!tpu.dma_semaphore, #tpu.memory_space<semaphore_mem>>) src(%dma_wait3A_881 : memref<128xi32, #tpu.memory_space<hbm>>) dst(%dma_wait3A_878 : memref<128xi32, #tpu.memory_space<vmem>>)
        %mul3A_882 = arith.constant 128 : i32
        %mul3A_883 = arith.muli %select_n3A_483, %mul3A_882 : i32
        %eq3A_884 = arith.constant 0 : i32
        %eq3A_885 = arith.cmpi eq, %arg0, %eq3A_884 : i32
        %convert_element_type3A_886 = arith.extui %eq3A_885 : i1 to i32
        %cond3A_887 = arith.constant 0 : i32
        %cond3A_888 = arith.cmpi ne, %convert_element_type3A_886, %cond3A_887 : i32
        scf.if %cond3A_888 {
          %dma_start3A_894 = arith.constant 0 : i32
          %dma_start3A_895 = tpu.memref_slice %arg9[%mul3A_883, %dma_start3A_894] : memref<1024x64xf32, #tpu.memory_space<vmem>> -> memref<128x64xf32, #tpu.memory_space<vmem>>
          %dma_start3A_896 = arith.constant 0 : i32
          %dma_start3A_897 = tpu.memref_slice %arg7[%select_n3A_483, %dma_start3A_896] : memref<8x128xi32, #tpu.memory_space<vmem>> -> memref<1x128xi32, #tpu.memory_space<vmem>>
          %dma_start3A_898 = tpu.memref_squeeze %dma_start3A_897 : memref<1x128xi32, #tpu.memory_space<vmem>> -> memref<128xi32, #tpu.memory_space<vmem>>
          %dma_start3A_899 = arith.constant 0 : i32
          %dma_start3A_900 = arith.constant 0 : i32
          %dma_start3A_901 = tpu.memref_slice %arg2[%dma_start3A_899, %dma_start3A_900] : memref<10000x64xf32, #tpu.memory_space<hbm>> -> memref<10000x64xf32, #tpu.memory_space<hbm>>
          %dma_start3A_902 = tpu.memref_slice %arg13[%select_n3A_483] : memref<8x!tpu.dma_semaphore, #tpu.memory_space<semaphore_mem>> -> memref<1x!tpu.dma_semaphore, #tpu.memory_space<semaphore_mem>>
          %dma_start3A_903 = tpu.memref_squeeze %dma_start3A_902 : memref<1x!tpu.dma_semaphore, #tpu.memory_space<semaphore_mem>> -> memref<!tpu.dma_semaphore, #tpu.memory_space<semaphore_mem>>
          tpu.enqueue_indirect_dma source(%dma_start3A_901 : memref<10000x64xf32, #tpu.memory_space<hbm>>) target(%dma_start3A_895 : memref<128x64xf32, #tpu.memory_space<vmem>>) offsets(%dma_start3A_898 : memref<128xi32, #tpu.memory_space<vmem>>) semaphore(%dma_start3A_903 : memref<!tpu.dma_semaphore, #tpu.memory_space<semaphore_mem>>)
        } else {
        }
        %eq3A_889 = arith.constant 1 : i32
        %eq3A_890 = arith.cmpi eq, %arg0, %eq3A_889 : i32
        %convert_element_type3A_891 = arith.extui %eq3A_890 : i1 to i32
        %cond3A_892 = arith.constant 0 : i32
        %cond3A_893 = arith.cmpi ne, %convert_element_type3A_891, %cond3A_892 : i32
        scf.if %cond3A_893 {
          %dma_start3A_894 = arith.constant 0 : i32
          %dma_start3A_895 = tpu.memref_slice %arg9[%mul3A_883, %dma_start3A_894] : memref<1024x64xf32, #tpu.memory_space<vmem>> -> memref<128x64xf32, #tpu.memory_space<vmem>>
          %dma_start3A_896 = arith.constant 0 : i32
          %dma_start3A_897 = tpu.memref_slice %arg7[%select_n3A_483, %dma_start3A_896] : memref<8x128xi32, #tpu.memory_space<vmem>> -> memref<1x128xi32, #tpu.memory_space<vmem>>
          %dma_start3A_898 = tpu.memref_squeeze %dma_start3A_897 : memref<1x128xi32, #tpu.memory_space<vmem>> -> memref<128xi32, #tpu.memory_space<vmem>>
          %dma_start3A_899 = arith.constant 0 : i32
          %dma_start3A_900 = arith.constant 0 : i32
          %dma_start3A_901 = tpu.memref_slice %arg3[%dma_start3A_899, %dma_start3A_900] : memref<10000x64xf32, #tpu.memory_space<hbm>> -> memref<10000x64xf32, #tpu.memory_space<hbm>>
          %dma_start3A_902 = tpu.memref_slice %arg13[%select_n3A_483] : memref<8x!tpu.dma_semaphore, #tpu.memory_space<semaphore_mem>> -> memref<1x!tpu.dma_semaphore, #tpu.memory_space<semaphore_mem>>
          %dma_start3A_903 = tpu.memref_squeeze %dma_start3A_902 : memref<1x!tpu.dma_semaphore, #tpu.memory_space<semaphore_mem>> -> memref<!tpu.dma_semaphore, #tpu.memory_space<semaphore_mem>>
          tpu.enqueue_indirect_dma source(%dma_start3A_901 : memref<10000x64xf32, #tpu.memory_space<hbm>>) target(%dma_start3A_895 : memref<128x64xf32, #tpu.memory_space<vmem>>) offsets(%dma_start3A_898 : memref<128xi32, #tpu.memory_space<vmem>>) semaphore(%dma_start3A_903 : memref<!tpu.dma_semaphore, #tpu.memory_space<semaphore_mem>>)
        } else {
        }
      } else {
      }
      %dma_wait3A_489 = arith.constant 2 : i32
      %dma_wait3A_490 = arith.constant 2 : i32
      %dma_wait3A_491 = arith.constant 256 : i32
      %dma_wait3A_492 = arith.constant 0 : i32
      %dma_wait3A_493 = tpu.memref_slice %arg9[%dma_wait3A_491, %dma_wait3A_492] : memref<1024x64xf32, #tpu.memory_space<vmem>> -> memref<128x64xf32, #tpu.memory_space<vmem>>
      %dma_wait3A_494 = arith.constant 0 : i32
      %dma_wait3A_495 = tpu.memref_slice %arg7[%dma_wait3A_489, %dma_wait3A_494] : memref<8x128xi32, #tpu.memory_space<vmem>> -> memref<1x128xi32, #tpu.memory_space<vmem>>
      %dma_wait3A_496 = tpu.memref_squeeze %dma_wait3A_495 : memref<1x128xi32, #tpu.memory_space<vmem>> -> memref<128xi32, #tpu.memory_space<vmem>>
      %dma_wait3A_497 = arith.constant 0 : i32
      %dma_wait3A_498 = arith.constant 0 : i32
      %dma_wait3A_499 = tpu.memref_slice %arg2[%dma_wait3A_497, %dma_wait3A_498] : memref<10000x64xf32, #tpu.memory_space<hbm>> -> memref<10000x64xf32, #tpu.memory_space<hbm>>
      %dma_wait3A_500 = tpu.memref_slice %arg13[%dma_wait3A_490] : memref<8x!tpu.dma_semaphore, #tpu.memory_space<semaphore_mem>> -> memref<1x!tpu.dma_semaphore, #tpu.memory_space<semaphore_mem>>
      %dma_wait3A_501 = tpu.memref_squeeze %dma_wait3A_500 : memref<1x!tpu.dma_semaphore, #tpu.memory_space<semaphore_mem>> -> memref<!tpu.dma_semaphore, #tpu.memory_space<semaphore_mem>>
      tpu.wait_indirect_dma semaphore(%dma_wait3A_501 : memref<!tpu.dma_semaphore, #tpu.memory_space<semaphore_mem>>) src(%dma_wait3A_499 : memref<10000x64xf32, #tpu.memory_space<hbm>>) dst(%dma_wait3A_493 : memref<128x64xf32, #tpu.memory_space<vmem>>)
      %add3A_502 = arith.constant 8 : i32
      %add3A_503 = arith.addi %add3A_465, %add3A_502 : i32
      %lt3A_504 = arith.constant 160 : i32
      %lt3A_505 = arith.cmpi slt, %add3A_503, %lt3A_504 : i32
      %convert_element_type3A_506 = arith.extui %lt3A_505 : i1 to i32
      %cond3A_507 = arith.constant 0 : i32
      %cond3A_508 = arith.cmpi ne, %convert_element_type3A_506, %cond3A_507 : i32
      scf.if %cond3A_508 {
        %add3A_852 = arith.addi %mul3A_0, %add3A_503 : i32
        %dma_start3A_853 = arith.constant 2 : i32
        %dma_start3A_854 = arith.constant 2 : i32
        %dma_start3A_855 = arith.constant 0 : i32
        %dma_start3A_856 = tpu.memref_slice %arg7[%dma_start3A_853, %dma_start3A_855] : memref<8x128xi32, #tpu.memory_space<vmem>> -> memref<1x128xi32, #tpu.memory_space<vmem>>
        %dma_start3A_857 = tpu.memref_squeeze %dma_start3A_856 : memref<1x128xi32, #tpu.memory_space<vmem>> -> memref<128xi32, #tpu.memory_space<vmem>>
        %dma_start3A_858 = arith.constant 0 : i32
        %dma_start3A_859 = tpu.memref_slice %arg4[%add3A_852, %dma_start3A_858] : memref<2560x128xi32, #tpu.memory_space<hbm>> -> memref<1x128xi32, #tpu.memory_space<hbm>>
        %dma_start3A_860 = tpu.memref_squeeze %dma_start3A_859 : memref<1x128xi32, #tpu.memory_space<hbm>> -> memref<128xi32, #tpu.memory_space<hbm>>
        %dma_start3A_861 = tpu.memref_slice %arg11[%dma_start3A_854] : memref<8x!tpu.dma_semaphore, #tpu.memory_space<semaphore_mem>> -> memref<1x!tpu.dma_semaphore, #tpu.memory_space<semaphore_mem>>
        %dma_start3A_862 = tpu.memref_squeeze %dma_start3A_861 : memref<1x!tpu.dma_semaphore, #tpu.memory_space<semaphore_mem>> -> memref<!tpu.dma_semaphore, #tpu.memory_space<semaphore_mem>>
        %dma_start3A_863 = arith.constant 0 : i32
        %dma_start3A_864 = tpu.memref_slice %arg7[%dma_start3A_853, %dma_start3A_863] : memref<8x128xi32, #tpu.memory_space<vmem>> -> memref<1x128xi32, #tpu.memory_space<vmem>>
        %dma_start3A_865 = tpu.memref_squeeze %dma_start3A_864 : memref<1x128xi32, #tpu.memory_space<vmem>> -> memref<128xi32, #tpu.memory_space<vmem>>
        %dma_start3A_866 = arith.constant 0 : i32
        %dma_start3A_867 = tpu.memref_slice %arg4[%add3A_852, %dma_start3A_866] : memref<2560x128xi32, #tpu.memory_space<hbm>> -> memref<1x128xi32, #tpu.memory_space<hbm>>
        %dma_start3A_868 = tpu.memref_squeeze %dma_start3A_867 : memref<1x128xi32, #tpu.memory_space<hbm>> -> memref<128xi32, #tpu.memory_space<hbm>>
        tpu.enqueue_dma source(%dma_start3A_868 : memref<128xi32, #tpu.memory_space<hbm>>) target(%dma_start3A_865 : memref<128xi32, #tpu.memory_space<vmem>>) target_semaphore(%dma_start3A_862 : memref<!tpu.dma_semaphore, #tpu.memory_space<semaphore_mem>>)
      } else {
      }
      %add3A_509 = arith.addi %mul3A_0, %add3A_465 : i32
      %dma_wait3A_510 = arith.constant 2 : i32
      %dma_wait3A_511 = arith.constant 2 : i32
      %dma_wait3A_512 = arith.constant 0 : i32
      %dma_wait3A_513 = tpu.memref_slice %arg8[%dma_wait3A_510, %dma_wait3A_512] : memref<8x128xi32, #tpu.memory_space<vmem>> -> memref<1x128xi32, #tpu.memory_space<vmem>>
      %dma_wait3A_514 = tpu.memref_squeeze %dma_wait3A_513 : memref<1x128xi32, #tpu.memory_space<vmem>> -> memref<128xi32, #tpu.memory_space<vmem>>
      %dma_wait3A_515 = arith.constant 0 : i32
      %dma_wait3A_516 = tpu.memref_slice %arg5[%add3A_509, %dma_wait3A_515] : memref<2560x128xi32, #tpu.memory_space<hbm>> -> memref<1x128xi32, #tpu.memory_space<hbm>>
      %dma_wait3A_517 = tpu.memref_squeeze %dma_wait3A_516 : memref<1x128xi32, #tpu.memory_space<hbm>> -> memref<128xi32, #tpu.memory_space<hbm>>
      %dma_wait3A_518 = tpu.memref_slice %arg12[%dma_wait3A_511] : memref<8x!tpu.dma_semaphore, #tpu.memory_space<semaphore_mem>> -> memref<1x!tpu.dma_semaphore, #tpu.memory_space<semaphore_mem>>
      %dma_wait3A_519 = tpu.memref_squeeze %dma_wait3A_518 : memref<1x!tpu.dma_semaphore, #tpu.memory_space<semaphore_mem>> -> memref<!tpu.dma_semaphore, #tpu.memory_space<semaphore_mem>>
      %dma_wait3A_520 = arith.constant 0 : i32
      %dma_wait3A_521 = tpu.memref_slice %arg8[%dma_wait3A_510, %dma_wait3A_520] : memref<8x128xi32, #tpu.memory_space<vmem>> -> memref<1x128xi32, #tpu.memory_space<vmem>>
      %dma_wait3A_522 = tpu.memref_squeeze %dma_wait3A_521 : memref<1x128xi32, #tpu.memory_space<vmem>> -> memref<128xi32, #tpu.memory_space<vmem>>
      %dma_wait3A_523 = arith.constant 0 : i32
      %dma_wait3A_524 = tpu.memref_slice %arg5[%add3A_509, %dma_wait3A_523] : memref<2560x128xi32, #tpu.memory_space<hbm>> -> memref<1x128xi32, #tpu.memory_space<hbm>>
      %dma_wait3A_525 = tpu.memref_squeeze %dma_wait3A_524 : memref<1x128xi32, #tpu.memory_space<hbm>> -> memref<128xi32, #tpu.memory_space<hbm>>
      tpu.wait_dma2 semaphore(%dma_wait3A_519 : memref<!tpu.dma_semaphore, #tpu.memory_space<semaphore_mem>>) src(%dma_wait3A_525 : memref<128xi32, #tpu.memory_space<hbm>>) dst(%dma_wait3A_522 : memref<128xi32, #tpu.memory_space<vmem>>)
      %run_scoped3A_526 = arith.constant 2 : i32
      "tpu.region"() ({
        %run_scoped3A_852 = tpu.sem_alloc : memref<!tpu.dma_semaphore, #tpu.memory_space<semaphore_mem>>
        %dma_start3A_853 = arith.constant 256 : i32
        %dma_start3A_854 = arith.constant 0 : i32
        %dma_start3A_855 = tpu.memref_slice %arg9[%dma_start3A_853, %dma_start3A_854] : memref<1024x64xf32, #tpu.memory_space<vmem>> -> memref<128x64xf32, #tpu.memory_space<vmem>>
        %dma_start3A_856 = arith.constant 0 : i32
        %dma_start3A_857 = tpu.memref_slice %arg8[%run_scoped3A_526, %dma_start3A_856] : memref<8x128xi32, #tpu.memory_space<vmem>> -> memref<1x128xi32, #tpu.memory_space<vmem>>
        %dma_start3A_858 = tpu.memref_squeeze %dma_start3A_857 : memref<1x128xi32, #tpu.memory_space<vmem>> -> memref<128xi32, #tpu.memory_space<vmem>>
        %dma_start3A_859 = arith.constant 0 : i32
        %dma_start3A_860 = arith.constant 0 : i32
        %dma_start3A_861 = tpu.memref_slice %arg10[%dma_start3A_859, %dma_start3A_860] : memref<10112x64xf32, #tpu.memory_space<vmem_shared>> -> memref<10112x64xf32, #tpu.memory_space<vmem_shared>>
        tpu.enqueue_indirect_dma source(%dma_start3A_855 : memref<128x64xf32, #tpu.memory_space<vmem>>) target(%dma_start3A_861 : memref<10112x64xf32, #tpu.memory_space<vmem_shared>>) offsets(%dma_start3A_858 : memref<128xi32, #tpu.memory_space<vmem>>) semaphore(%run_scoped3A_852 : memref<!tpu.dma_semaphore, #tpu.memory_space<semaphore_mem>>) {add = true}
        %dma_wait3A_862 = arith.constant 256 : i32
        %dma_wait3A_863 = arith.constant 0 : i32
        %dma_wait3A_864 = tpu.memref_slice %arg9[%dma_wait3A_862, %dma_wait3A_863] : memref<1024x64xf32, #tpu.memory_space<vmem>> -> memref<128x64xf32, #tpu.memory_space<vmem>>
        %dma_wait3A_865 = arith.constant 0 : i32
        %dma_wait3A_866 = tpu.memref_slice %arg8[%run_scoped3A_526, %dma_wait3A_865] : memref<8x128xi32, #tpu.memory_space<vmem>> -> memref<1x128xi32, #tpu.memory_space<vmem>>
        %dma_wait3A_867 = tpu.memref_squeeze %dma_wait3A_866 : memref<1x128xi32, #tpu.memory_space<vmem>> -> memref<128xi32, #tpu.memory_space<vmem>>
        %dma_wait3A_868 = arith.constant 0 : i32
        %dma_wait3A_869 = arith.constant 0 : i32
        %dma_wait3A_870 = tpu.memref_slice %arg10[%dma_wait3A_868, %dma_wait3A_869] : memref<10112x64xf32, #tpu.memory_space<vmem_shared>> -> memref<10112x64xf32, #tpu.memory_space<vmem_shared>>
        tpu.wait_indirect_dma semaphore(%run_scoped3A_852 : memref<!tpu.dma_semaphore, #tpu.memory_space<semaphore_mem>>) src(%dma_wait3A_864 : memref<128x64xf32, #tpu.memory_space<vmem>>) dst(%dma_wait3A_870 : memref<10112x64xf32, #tpu.memory_space<vmem_shared>>)
        tpu.yield
      }) : () -> ()
      %mul3A_527 = arith.constant 8 : i32
      %mul3A_528 = arith.muli %scan3A_338, %mul3A_527 : i32
      %add3A_529 = arith.constant 3 : i32
      %add3A_530 = arith.addi %mul3A_528, %add3A_529 : i32
      %add3A_531 = arith.constant 4 : i32
      %add3A_532 = arith.addi %add3A_530, %add3A_531 : i32
      %jit3A_533 = arith.constant 8 : i32
      %eq3A_534 = arith.constant 0 : i32
      %eq3A_535 = arith.cmpi eq, %jit3A_533, %eq3A_534 : i32
      %jit3A_536 = arith.constant 1 : i32
      %select_n3A_537 = arith.select %eq3A_535, %jit3A_536, %jit3A_533 : i32
      %rem3A_538 = arith.remsi %add3A_532, %select_n3A_537 : i32
      %ne3A_539 = arith.constant 0 : i32
      %ne3A_540 = arith.cmpi ne, %rem3A_538, %ne3A_539 : i32
      %lt3A_541 = arith.constant 0 : i32
      %lt3A_542 = arith.cmpi slt, %rem3A_538, %lt3A_541 : i32
      %lt3A_543 = arith.constant 0 : i32
      %lt3A_544 = arith.cmpi slt, %select_n3A_537, %lt3A_543 : i32
      %ne3A_545 = arith.xori %lt3A_542, %lt3A_544 : i1
      %and3A_546 = arith.andi %ne3A_545, %ne3A_540 : i1
      %add3A_547 = arith.addi %rem3A_538, %select_n3A_537 : i32
      %select_n3A_548 = arith.select %and3A_546, %add3A_547, %rem3A_538 : i32
      %lt3A_549 = arith.constant 160 : i32
      %lt3A_550 = arith.cmpi slt, %add3A_532, %lt3A_549 : i32
      %convert_element_type3A_551 = arith.extui %lt3A_550 : i1 to i32
      %cond3A_552 = arith.constant 0 : i32
      %cond3A_553 = arith.cmpi ne, %convert_element_type3A_551, %cond3A_552 : i32
      scf.if %cond3A_553 {
        %add3A_852 = arith.addi %mul3A_0, %add3A_532 : i32
        %dma_start3A_853 = arith.constant 0 : i32
        %dma_start3A_854 = tpu.memref_slice %arg8[%select_n3A_548, %dma_start3A_853] : memref<8x128xi32, #tpu.memory_space<vmem>> -> memref<1x128xi32, #tpu.memory_space<vmem>>
        %dma_start3A_855 = tpu.memref_squeeze %dma_start3A_854 : memref<1x128xi32, #tpu.memory_space<vmem>> -> memref<128xi32, #tpu.memory_space<vmem>>
        %dma_start3A_856 = arith.constant 0 : i32
        %dma_start3A_857 = tpu.memref_slice %arg5[%add3A_852, %dma_start3A_856] : memref<2560x128xi32, #tpu.memory_space<hbm>> -> memref<1x128xi32, #tpu.memory_space<hbm>>
        %dma_start3A_858 = tpu.memref_squeeze %dma_start3A_857 : memref<1x128xi32, #tpu.memory_space<hbm>> -> memref<128xi32, #tpu.memory_space<hbm>>
        %dma_start3A_859 = tpu.memref_slice %arg12[%select_n3A_548] : memref<8x!tpu.dma_semaphore, #tpu.memory_space<semaphore_mem>> -> memref<1x!tpu.dma_semaphore, #tpu.memory_space<semaphore_mem>>
        %dma_start3A_860 = tpu.memref_squeeze %dma_start3A_859 : memref<1x!tpu.dma_semaphore, #tpu.memory_space<semaphore_mem>> -> memref<!tpu.dma_semaphore, #tpu.memory_space<semaphore_mem>>
        %dma_start3A_861 = arith.constant 0 : i32
        %dma_start3A_862 = tpu.memref_slice %arg8[%select_n3A_548, %dma_start3A_861] : memref<8x128xi32, #tpu.memory_space<vmem>> -> memref<1x128xi32, #tpu.memory_space<vmem>>
        %dma_start3A_863 = tpu.memref_squeeze %dma_start3A_862 : memref<1x128xi32, #tpu.memory_space<vmem>> -> memref<128xi32, #tpu.memory_space<vmem>>
        %dma_start3A_864 = arith.constant 0 : i32
        %dma_start3A_865 = tpu.memref_slice %arg5[%add3A_852, %dma_start3A_864] : memref<2560x128xi32, #tpu.memory_space<hbm>> -> memref<1x128xi32, #tpu.memory_space<hbm>>
        %dma_start3A_866 = tpu.memref_squeeze %dma_start3A_865 : memref<1x128xi32, #tpu.memory_space<hbm>> -> memref<128xi32, #tpu.memory_space<hbm>>
        tpu.enqueue_dma source(%dma_start3A_866 : memref<128xi32, #tpu.memory_space<hbm>>) target(%dma_start3A_863 : memref<128xi32, #tpu.memory_space<vmem>>) target_semaphore(%dma_start3A_860 : memref<!tpu.dma_semaphore, #tpu.memory_space<semaphore_mem>>)
        %add3A_867 = arith.addi %mul3A_0, %add3A_532 : i32
        %dma_wait3A_868 = arith.constant 0 : i32
        %dma_wait3A_869 = tpu.memref_slice %arg7[%select_n3A_548, %dma_wait3A_868] : memref<8x128xi32, #tpu.memory_space<vmem>> -> memref<1x128xi32, #tpu.memory_space<vmem>>
        %dma_wait3A_870 = tpu.memref_squeeze %dma_wait3A_869 : memref<1x128xi32, #tpu.memory_space<vmem>> -> memref<128xi32, #tpu.memory_space<vmem>>
        %dma_wait3A_871 = arith.constant 0 : i32
        %dma_wait3A_872 = tpu.memref_slice %arg4[%add3A_867, %dma_wait3A_871] : memref<2560x128xi32, #tpu.memory_space<hbm>> -> memref<1x128xi32, #tpu.memory_space<hbm>>
        %dma_wait3A_873 = tpu.memref_squeeze %dma_wait3A_872 : memref<1x128xi32, #tpu.memory_space<hbm>> -> memref<128xi32, #tpu.memory_space<hbm>>
        %dma_wait3A_874 = tpu.memref_slice %arg11[%select_n3A_548] : memref<8x!tpu.dma_semaphore, #tpu.memory_space<semaphore_mem>> -> memref<1x!tpu.dma_semaphore, #tpu.memory_space<semaphore_mem>>
        %dma_wait3A_875 = tpu.memref_squeeze %dma_wait3A_874 : memref<1x!tpu.dma_semaphore, #tpu.memory_space<semaphore_mem>> -> memref<!tpu.dma_semaphore, #tpu.memory_space<semaphore_mem>>
        %dma_wait3A_876 = arith.constant 0 : i32
        %dma_wait3A_877 = tpu.memref_slice %arg7[%select_n3A_548, %dma_wait3A_876] : memref<8x128xi32, #tpu.memory_space<vmem>> -> memref<1x128xi32, #tpu.memory_space<vmem>>
        %dma_wait3A_878 = tpu.memref_squeeze %dma_wait3A_877 : memref<1x128xi32, #tpu.memory_space<vmem>> -> memref<128xi32, #tpu.memory_space<vmem>>
        %dma_wait3A_879 = arith.constant 0 : i32
        %dma_wait3A_880 = tpu.memref_slice %arg4[%add3A_867, %dma_wait3A_879] : memref<2560x128xi32, #tpu.memory_space<hbm>> -> memref<1x128xi32, #tpu.memory_space<hbm>>
        %dma_wait3A_881 = tpu.memref_squeeze %dma_wait3A_880 : memref<1x128xi32, #tpu.memory_space<hbm>> -> memref<128xi32, #tpu.memory_space<hbm>>
        tpu.wait_dma2 semaphore(%dma_wait3A_875 : memref<!tpu.dma_semaphore, #tpu.memory_space<semaphore_mem>>) src(%dma_wait3A_881 : memref<128xi32, #tpu.memory_space<hbm>>) dst(%dma_wait3A_878 : memref<128xi32, #tpu.memory_space<vmem>>)
        %mul3A_882 = arith.constant 128 : i32
        %mul3A_883 = arith.muli %select_n3A_548, %mul3A_882 : i32
        %eq3A_884 = arith.constant 0 : i32
        %eq3A_885 = arith.cmpi eq, %arg0, %eq3A_884 : i32
        %convert_element_type3A_886 = arith.extui %eq3A_885 : i1 to i32
        %cond3A_887 = arith.constant 0 : i32
        %cond3A_888 = arith.cmpi ne, %convert_element_type3A_886, %cond3A_887 : i32
        scf.if %cond3A_888 {
          %dma_start3A_894 = arith.constant 0 : i32
          %dma_start3A_895 = tpu.memref_slice %arg9[%mul3A_883, %dma_start3A_894] : memref<1024x64xf32, #tpu.memory_space<vmem>> -> memref<128x64xf32, #tpu.memory_space<vmem>>
          %dma_start3A_896 = arith.constant 0 : i32
          %dma_start3A_897 = tpu.memref_slice %arg7[%select_n3A_548, %dma_start3A_896] : memref<8x128xi32, #tpu.memory_space<vmem>> -> memref<1x128xi32, #tpu.memory_space<vmem>>
          %dma_start3A_898 = tpu.memref_squeeze %dma_start3A_897 : memref<1x128xi32, #tpu.memory_space<vmem>> -> memref<128xi32, #tpu.memory_space<vmem>>
          %dma_start3A_899 = arith.constant 0 : i32
          %dma_start3A_900 = arith.constant 0 : i32
          %dma_start3A_901 = tpu.memref_slice %arg2[%dma_start3A_899, %dma_start3A_900] : memref<10000x64xf32, #tpu.memory_space<hbm>> -> memref<10000x64xf32, #tpu.memory_space<hbm>>
          %dma_start3A_902 = tpu.memref_slice %arg13[%select_n3A_548] : memref<8x!tpu.dma_semaphore, #tpu.memory_space<semaphore_mem>> -> memref<1x!tpu.dma_semaphore, #tpu.memory_space<semaphore_mem>>
          %dma_start3A_903 = tpu.memref_squeeze %dma_start3A_902 : memref<1x!tpu.dma_semaphore, #tpu.memory_space<semaphore_mem>> -> memref<!tpu.dma_semaphore, #tpu.memory_space<semaphore_mem>>
          tpu.enqueue_indirect_dma source(%dma_start3A_901 : memref<10000x64xf32, #tpu.memory_space<hbm>>) target(%dma_start3A_895 : memref<128x64xf32, #tpu.memory_space<vmem>>) offsets(%dma_start3A_898 : memref<128xi32, #tpu.memory_space<vmem>>) semaphore(%dma_start3A_903 : memref<!tpu.dma_semaphore, #tpu.memory_space<semaphore_mem>>)
        } else {
        }
        %eq3A_889 = arith.constant 1 : i32
        %eq3A_890 = arith.cmpi eq, %arg0, %eq3A_889 : i32
        %convert_element_type3A_891 = arith.extui %eq3A_890 : i1 to i32
        %cond3A_892 = arith.constant 0 : i32
        %cond3A_893 = arith.cmpi ne, %convert_element_type3A_891, %cond3A_892 : i32
        scf.if %cond3A_893 {
          %dma_start3A_894 = arith.constant 0 : i32
          %dma_start3A_895 = tpu.memref_slice %arg9[%mul3A_883, %dma_start3A_894] : memref<1024x64xf32, #tpu.memory_space<vmem>> -> memref<128x64xf32, #tpu.memory_space<vmem>>
          %dma_start3A_896 = arith.constant 0 : i32
          %dma_start3A_897 = tpu.memref_slice %arg7[%select_n3A_548, %dma_start3A_896] : memref<8x128xi32, #tpu.memory_space<vmem>> -> memref<1x128xi32, #tpu.memory_space<vmem>>
          %dma_start3A_898 = tpu.memref_squeeze %dma_start3A_897 : memref<1x128xi32, #tpu.memory_space<vmem>> -> memref<128xi32, #tpu.memory_space<vmem>>
          %dma_start3A_899 = arith.constant 0 : i32
          %dma_start3A_900 = arith.constant 0 : i32
          %dma_start3A_901 = tpu.memref_slice %arg3[%dma_start3A_899, %dma_start3A_900] : memref<10000x64xf32, #tpu.memory_space<hbm>> -> memref<10000x64xf32, #tpu.memory_space<hbm>>
          %dma_start3A_902 = tpu.memref_slice %arg13[%select_n3A_548] : memref<8x!tpu.dma_semaphore, #tpu.memory_space<semaphore_mem>> -> memref<1x!tpu.dma_semaphore, #tpu.memory_space<semaphore_mem>>
          %dma_start3A_903 = tpu.memref_squeeze %dma_start3A_902 : memref<1x!tpu.dma_semaphore, #tpu.memory_space<semaphore_mem>> -> memref<!tpu.dma_semaphore, #tpu.memory_space<semaphore_mem>>
          tpu.enqueue_indirect_dma source(%dma_start3A_901 : memref<10000x64xf32, #tpu.memory_space<hbm>>) target(%dma_start3A_895 : memref<128x64xf32, #tpu.memory_space<vmem>>) offsets(%dma_start3A_898 : memref<128xi32, #tpu.memory_space<vmem>>) semaphore(%dma_start3A_903 : memref<!tpu.dma_semaphore, #tpu.memory_space<semaphore_mem>>)
        } else {
        }
      } else {
      }
      %dma_wait3A_554 = arith.constant 3 : i32
      %dma_wait3A_555 = arith.constant 3 : i32
      %dma_wait3A_556 = arith.constant 384 : i32
      %dma_wait3A_557 = arith.constant 0 : i32
      %dma_wait3A_558 = tpu.memref_slice %arg9[%dma_wait3A_556, %dma_wait3A_557] : memref<1024x64xf32, #tpu.memory_space<vmem>> -> memref<128x64xf32, #tpu.memory_space<vmem>>
      %dma_wait3A_559 = arith.constant 0 : i32
      %dma_wait3A_560 = tpu.memref_slice %arg7[%dma_wait3A_554, %dma_wait3A_559] : memref<8x128xi32, #tpu.memory_space<vmem>> -> memref<1x128xi32, #tpu.memory_space<vmem>>
      %dma_wait3A_561 = tpu.memref_squeeze %dma_wait3A_560 : memref<1x128xi32, #tpu.memory_space<vmem>> -> memref<128xi32, #tpu.memory_space<vmem>>
      %dma_wait3A_562 = arith.constant 0 : i32
      %dma_wait3A_563 = arith.constant 0 : i32
      %dma_wait3A_564 = tpu.memref_slice %arg2[%dma_wait3A_562, %dma_wait3A_563] : memref<10000x64xf32, #tpu.memory_space<hbm>> -> memref<10000x64xf32, #tpu.memory_space<hbm>>
      %dma_wait3A_565 = tpu.memref_slice %arg13[%dma_wait3A_555] : memref<8x!tpu.dma_semaphore, #tpu.memory_space<semaphore_mem>> -> memref<1x!tpu.dma_semaphore, #tpu.memory_space<semaphore_mem>>
      %dma_wait3A_566 = tpu.memref_squeeze %dma_wait3A_565 : memref<1x!tpu.dma_semaphore, #tpu.memory_space<semaphore_mem>> -> memref<!tpu.dma_semaphore, #tpu.memory_space<semaphore_mem>>
      tpu.wait_indirect_dma semaphore(%dma_wait3A_566 : memref<!tpu.dma_semaphore, #tpu.memory_space<semaphore_mem>>) src(%dma_wait3A_564 : memref<10000x64xf32, #tpu.memory_space<hbm>>) dst(%dma_wait3A_558 : memref<128x64xf32, #tpu.memory_space<vmem>>)
      %add3A_567 = arith.constant 8 : i32
      %add3A_568 = arith.addi %add3A_530, %add3A_567 : i32
      %lt3A_569 = arith.constant 160 : i32
      %lt3A_570 = arith.cmpi slt, %add3A_568, %lt3A_569 : i32
      %convert_element_type3A_571 = arith.extui %lt3A_570 : i1 to i32
      %cond3A_572 = arith.constant 0 : i32
      %cond3A_573 = arith.cmpi ne, %convert_element_type3A_571, %cond3A_572 : i32
      scf.if %cond3A_573 {
        %add3A_852 = arith.addi %mul3A_0, %add3A_568 : i32
        %dma_start3A_853 = arith.constant 3 : i32
        %dma_start3A_854 = arith.constant 3 : i32
        %dma_start3A_855 = arith.constant 0 : i32
        %dma_start3A_856 = tpu.memref_slice %arg7[%dma_start3A_853, %dma_start3A_855] : memref<8x128xi32, #tpu.memory_space<vmem>> -> memref<1x128xi32, #tpu.memory_space<vmem>>
        %dma_start3A_857 = tpu.memref_squeeze %dma_start3A_856 : memref<1x128xi32, #tpu.memory_space<vmem>> -> memref<128xi32, #tpu.memory_space<vmem>>
        %dma_start3A_858 = arith.constant 0 : i32
        %dma_start3A_859 = tpu.memref_slice %arg4[%add3A_852, %dma_start3A_858] : memref<2560x128xi32, #tpu.memory_space<hbm>> -> memref<1x128xi32, #tpu.memory_space<hbm>>
        %dma_start3A_860 = tpu.memref_squeeze %dma_start3A_859 : memref<1x128xi32, #tpu.memory_space<hbm>> -> memref<128xi32, #tpu.memory_space<hbm>>
        %dma_start3A_861 = tpu.memref_slice %arg11[%dma_start3A_854] : memref<8x!tpu.dma_semaphore, #tpu.memory_space<semaphore_mem>> -> memref<1x!tpu.dma_semaphore, #tpu.memory_space<semaphore_mem>>
        %dma_start3A_862 = tpu.memref_squeeze %dma_start3A_861 : memref<1x!tpu.dma_semaphore, #tpu.memory_space<semaphore_mem>> -> memref<!tpu.dma_semaphore, #tpu.memory_space<semaphore_mem>>
        %dma_start3A_863 = arith.constant 0 : i32
        %dma_start3A_864 = tpu.memref_slice %arg7[%dma_start3A_853, %dma_start3A_863] : memref<8x128xi32, #tpu.memory_space<vmem>> -> memref<1x128xi32, #tpu.memory_space<vmem>>
        %dma_start3A_865 = tpu.memref_squeeze %dma_start3A_864 : memref<1x128xi32, #tpu.memory_space<vmem>> -> memref<128xi32, #tpu.memory_space<vmem>>
        %dma_start3A_866 = arith.constant 0 : i32
        %dma_start3A_867 = tpu.memref_slice %arg4[%add3A_852, %dma_start3A_866] : memref<2560x128xi32, #tpu.memory_space<hbm>> -> memref<1x128xi32, #tpu.memory_space<hbm>>
        %dma_start3A_868 = tpu.memref_squeeze %dma_start3A_867 : memref<1x128xi32, #tpu.memory_space<hbm>> -> memref<128xi32, #tpu.memory_space<hbm>>
        tpu.enqueue_dma source(%dma_start3A_868 : memref<128xi32, #tpu.memory_space<hbm>>) target(%dma_start3A_865 : memref<128xi32, #tpu.memory_space<vmem>>) target_semaphore(%dma_start3A_862 : memref<!tpu.dma_semaphore, #tpu.memory_space<semaphore_mem>>)
      } else {
      }
      %add3A_574 = arith.addi %mul3A_0, %add3A_530 : i32
      %dma_wait3A_575 = arith.constant 3 : i32
      %dma_wait3A_576 = arith.constant 3 : i32
      %dma_wait3A_577 = arith.constant 0 : i32
      %dma_wait3A_578 = tpu.memref_slice %arg8[%dma_wait3A_575, %dma_wait3A_577] : memref<8x128xi32, #tpu.memory_space<vmem>> -> memref<1x128xi32, #tpu.memory_space<vmem>>
      %dma_wait3A_579 = tpu.memref_squeeze %dma_wait3A_578 : memref<1x128xi32, #tpu.memory_space<vmem>> -> memref<128xi32, #tpu.memory_space<vmem>>
      %dma_wait3A_580 = arith.constant 0 : i32
      %dma_wait3A_581 = tpu.memref_slice %arg5[%add3A_574, %dma_wait3A_580] : memref<2560x128xi32, #tpu.memory_space<hbm>> -> memref<1x128xi32, #tpu.memory_space<hbm>>
      %dma_wait3A_582 = tpu.memref_squeeze %dma_wait3A_581 : memref<1x128xi32, #tpu.memory_space<hbm>> -> memref<128xi32, #tpu.memory_space<hbm>>
      %dma_wait3A_583 = tpu.memref_slice %arg12[%dma_wait3A_576] : memref<8x!tpu.dma_semaphore, #tpu.memory_space<semaphore_mem>> -> memref<1x!tpu.dma_semaphore, #tpu.memory_space<semaphore_mem>>
      %dma_wait3A_584 = tpu.memref_squeeze %dma_wait3A_583 : memref<1x!tpu.dma_semaphore, #tpu.memory_space<semaphore_mem>> -> memref<!tpu.dma_semaphore, #tpu.memory_space<semaphore_mem>>
      %dma_wait3A_585 = arith.constant 0 : i32
      %dma_wait3A_586 = tpu.memref_slice %arg8[%dma_wait3A_575, %dma_wait3A_585] : memref<8x128xi32, #tpu.memory_space<vmem>> -> memref<1x128xi32, #tpu.memory_space<vmem>>
      %dma_wait3A_587 = tpu.memref_squeeze %dma_wait3A_586 : memref<1x128xi32, #tpu.memory_space<vmem>> -> memref<128xi32, #tpu.memory_space<vmem>>
      %dma_wait3A_588 = arith.constant 0 : i32
      %dma_wait3A_589 = tpu.memref_slice %arg5[%add3A_574, %dma_wait3A_588] : memref<2560x128xi32, #tpu.memory_space<hbm>> -> memref<1x128xi32, #tpu.memory_space<hbm>>
      %dma_wait3A_590 = tpu.memref_squeeze %dma_wait3A_589 : memref<1x128xi32, #tpu.memory_space<hbm>> -> memref<128xi32, #tpu.memory_space<hbm>>
      tpu.wait_dma2 semaphore(%dma_wait3A_584 : memref<!tpu.dma_semaphore, #tpu.memory_space<semaphore_mem>>) src(%dma_wait3A_590 : memref<128xi32, #tpu.memory_space<hbm>>) dst(%dma_wait3A_587 : memref<128xi32, #tpu.memory_space<vmem>>)
      %run_scoped3A_591 = arith.constant 3 : i32
      "tpu.region"() ({
        %run_scoped3A_852 = tpu.sem_alloc : memref<!tpu.dma_semaphore, #tpu.memory_space<semaphore_mem>>
        %dma_start3A_853 = arith.constant 384 : i32
        %dma_start3A_854 = arith.constant 0 : i32
        %dma_start3A_855 = tpu.memref_slice %arg9[%dma_start3A_853, %dma_start3A_854] : memref<1024x64xf32, #tpu.memory_space<vmem>> -> memref<128x64xf32, #tpu.memory_space<vmem>>
        %dma_start3A_856 = arith.constant 0 : i32
        %dma_start3A_857 = tpu.memref_slice %arg8[%run_scoped3A_591, %dma_start3A_856] : memref<8x128xi32, #tpu.memory_space<vmem>> -> memref<1x128xi32, #tpu.memory_space<vmem>>
        %dma_start3A_858 = tpu.memref_squeeze %dma_start3A_857 : memref<1x128xi32, #tpu.memory_space<vmem>> -> memref<128xi32, #tpu.memory_space<vmem>>
        %dma_start3A_859 = arith.constant 0 : i32
        %dma_start3A_860 = arith.constant 0 : i32
        %dma_start3A_861 = tpu.memref_slice %arg10[%dma_start3A_859, %dma_start3A_860] : memref<10112x64xf32, #tpu.memory_space<vmem_shared>> -> memref<10112x64xf32, #tpu.memory_space<vmem_shared>>
        tpu.enqueue_indirect_dma source(%dma_start3A_855 : memref<128x64xf32, #tpu.memory_space<vmem>>) target(%dma_start3A_861 : memref<10112x64xf32, #tpu.memory_space<vmem_shared>>) offsets(%dma_start3A_858 : memref<128xi32, #tpu.memory_space<vmem>>) semaphore(%run_scoped3A_852 : memref<!tpu.dma_semaphore, #tpu.memory_space<semaphore_mem>>) {add = true}
        %dma_wait3A_862 = arith.constant 384 : i32
        %dma_wait3A_863 = arith.constant 0 : i32
        %dma_wait3A_864 = tpu.memref_slice %arg9[%dma_wait3A_862, %dma_wait3A_863] : memref<1024x64xf32, #tpu.memory_space<vmem>> -> memref<128x64xf32, #tpu.memory_space<vmem>>
        %dma_wait3A_865 = arith.constant 0 : i32
        %dma_wait3A_866 = tpu.memref_slice %arg8[%run_scoped3A_591, %dma_wait3A_865] : memref<8x128xi32, #tpu.memory_space<vmem>> -> memref<1x128xi32, #tpu.memory_space<vmem>>
        %dma_wait3A_867 = tpu.memref_squeeze %dma_wait3A_866 : memref<1x128xi32, #tpu.memory_space<vmem>> -> memref<128xi32, #tpu.memory_space<vmem>>
        %dma_wait3A_868 = arith.constant 0 : i32
        %dma_wait3A_869 = arith.constant 0 : i32
        %dma_wait3A_870 = tpu.memref_slice %arg10[%dma_wait3A_868, %dma_wait3A_869] : memref<10112x64xf32, #tpu.memory_space<vmem_shared>> -> memref<10112x64xf32, #tpu.memory_space<vmem_shared>>
        tpu.wait_indirect_dma semaphore(%run_scoped3A_852 : memref<!tpu.dma_semaphore, #tpu.memory_space<semaphore_mem>>) src(%dma_wait3A_864 : memref<128x64xf32, #tpu.memory_space<vmem>>) dst(%dma_wait3A_870 : memref<10112x64xf32, #tpu.memory_space<vmem_shared>>)
        tpu.yield
      }) : () -> ()
      %mul3A_592 = arith.constant 8 : i32
      %mul3A_593 = arith.muli %scan3A_338, %mul3A_592 : i32
      %add3A_594 = arith.constant 4 : i32
      %add3A_595 = arith.addi %mul3A_593, %add3A_594 : i32
      %add3A_596 = arith.constant 4 : i32
      %add3A_597 = arith.addi %add3A_595, %add3A_596 : i32
      %jit3A_598 = arith.constant 8 : i32
      %eq3A_599 = arith.constant 0 : i32
      %eq3A_600 = arith.cmpi eq, %jit3A_598, %eq3A_599 : i32
      %jit3A_601 = arith.constant 1 : i32
      %select_n3A_602 = arith.select %eq3A_600, %jit3A_601, %jit3A_598 : i32
      %rem3A_603 = arith.remsi %add3A_597, %select_n3A_602 : i32
      %ne3A_604 = arith.constant 0 : i32
      %ne3A_605 = arith.cmpi ne, %rem3A_603, %ne3A_604 : i32
      %lt3A_606 = arith.constant 0 : i32
      %lt3A_607 = arith.cmpi slt, %rem3A_603, %lt3A_606 : i32
      %lt3A_608 = arith.constant 0 : i32
      %lt3A_609 = arith.cmpi slt, %select_n3A_602, %lt3A_608 : i32
      %ne3A_610 = arith.xori %lt3A_607, %lt3A_609 : i1
      %and3A_611 = arith.andi %ne3A_610, %ne3A_605 : i1
      %add3A_612 = arith.addi %rem3A_603, %select_n3A_602 : i32
      %select_n3A_613 = arith.select %and3A_611, %add3A_612, %rem3A_603 : i32
      %lt3A_614 = arith.constant 160 : i32
      %lt3A_615 = arith.cmpi slt, %add3A_597, %lt3A_614 : i32
      %convert_element_type3A_616 = arith.extui %lt3A_615 : i1 to i32
      %cond3A_617 = arith.constant 0 : i32
      %cond3A_618 = arith.cmpi ne, %convert_element_type3A_616, %cond3A_617 : i32
      scf.if %cond3A_618 {
        %add3A_852 = arith.addi %mul3A_0, %add3A_597 : i32
        %dma_start3A_853 = arith.constant 0 : i32
        %dma_start3A_854 = tpu.memref_slice %arg8[%select_n3A_613, %dma_start3A_853] : memref<8x128xi32, #tpu.memory_space<vmem>> -> memref<1x128xi32, #tpu.memory_space<vmem>>
        %dma_start3A_855 = tpu.memref_squeeze %dma_start3A_854 : memref<1x128xi32, #tpu.memory_space<vmem>> -> memref<128xi32, #tpu.memory_space<vmem>>
        %dma_start3A_856 = arith.constant 0 : i32
        %dma_start3A_857 = tpu.memref_slice %arg5[%add3A_852, %dma_start3A_856] : memref<2560x128xi32, #tpu.memory_space<hbm>> -> memref<1x128xi32, #tpu.memory_space<hbm>>
        %dma_start3A_858 = tpu.memref_squeeze %dma_start3A_857 : memref<1x128xi32, #tpu.memory_space<hbm>> -> memref<128xi32, #tpu.memory_space<hbm>>
        %dma_start3A_859 = tpu.memref_slice %arg12[%select_n3A_613] : memref<8x!tpu.dma_semaphore, #tpu.memory_space<semaphore_mem>> -> memref<1x!tpu.dma_semaphore, #tpu.memory_space<semaphore_mem>>
        %dma_start3A_860 = tpu.memref_squeeze %dma_start3A_859 : memref<1x!tpu.dma_semaphore, #tpu.memory_space<semaphore_mem>> -> memref<!tpu.dma_semaphore, #tpu.memory_space<semaphore_mem>>
        %dma_start3A_861 = arith.constant 0 : i32
        %dma_start3A_862 = tpu.memref_slice %arg8[%select_n3A_613, %dma_start3A_861] : memref<8x128xi32, #tpu.memory_space<vmem>> -> memref<1x128xi32, #tpu.memory_space<vmem>>
        %dma_start3A_863 = tpu.memref_squeeze %dma_start3A_862 : memref<1x128xi32, #tpu.memory_space<vmem>> -> memref<128xi32, #tpu.memory_space<vmem>>
        %dma_start3A_864 = arith.constant 0 : i32
        %dma_start3A_865 = tpu.memref_slice %arg5[%add3A_852, %dma_start3A_864] : memref<2560x128xi32, #tpu.memory_space<hbm>> -> memref<1x128xi32, #tpu.memory_space<hbm>>
        %dma_start3A_866 = tpu.memref_squeeze %dma_start3A_865 : memref<1x128xi32, #tpu.memory_space<hbm>> -> memref<128xi32, #tpu.memory_space<hbm>>
        tpu.enqueue_dma source(%dma_start3A_866 : memref<128xi32, #tpu.memory_space<hbm>>) target(%dma_start3A_863 : memref<128xi32, #tpu.memory_space<vmem>>) target_semaphore(%dma_start3A_860 : memref<!tpu.dma_semaphore, #tpu.memory_space<semaphore_mem>>)
        %add3A_867 = arith.addi %mul3A_0, %add3A_597 : i32
        %dma_wait3A_868 = arith.constant 0 : i32
        %dma_wait3A_869 = tpu.memref_slice %arg7[%select_n3A_613, %dma_wait3A_868] : memref<8x128xi32, #tpu.memory_space<vmem>> -> memref<1x128xi32, #tpu.memory_space<vmem>>
        %dma_wait3A_870 = tpu.memref_squeeze %dma_wait3A_869 : memref<1x128xi32, #tpu.memory_space<vmem>> -> memref<128xi32, #tpu.memory_space<vmem>>
        %dma_wait3A_871 = arith.constant 0 : i32
        %dma_wait3A_872 = tpu.memref_slice %arg4[%add3A_867, %dma_wait3A_871] : memref<2560x128xi32, #tpu.memory_space<hbm>> -> memref<1x128xi32, #tpu.memory_space<hbm>>
        %dma_wait3A_873 = tpu.memref_squeeze %dma_wait3A_872 : memref<1x128xi32, #tpu.memory_space<hbm>> -> memref<128xi32, #tpu.memory_space<hbm>>
        %dma_wait3A_874 = tpu.memref_slice %arg11[%select_n3A_613] : memref<8x!tpu.dma_semaphore, #tpu.memory_space<semaphore_mem>> -> memref<1x!tpu.dma_semaphore, #tpu.memory_space<semaphore_mem>>
        %dma_wait3A_875 = tpu.memref_squeeze %dma_wait3A_874 : memref<1x!tpu.dma_semaphore, #tpu.memory_space<semaphore_mem>> -> memref<!tpu.dma_semaphore, #tpu.memory_space<semaphore_mem>>
        %dma_wait3A_876 = arith.constant 0 : i32
        %dma_wait3A_877 = tpu.memref_slice %arg7[%select_n3A_613, %dma_wait3A_876] : memref<8x128xi32, #tpu.memory_space<vmem>> -> memref<1x128xi32, #tpu.memory_space<vmem>>
        %dma_wait3A_878 = tpu.memref_squeeze %dma_wait3A_877 : memref<1x128xi32, #tpu.memory_space<vmem>> -> memref<128xi32, #tpu.memory_space<vmem>>
        %dma_wait3A_879 = arith.constant 0 : i32
        %dma_wait3A_880 = tpu.memref_slice %arg4[%add3A_867, %dma_wait3A_879] : memref<2560x128xi32, #tpu.memory_space<hbm>> -> memref<1x128xi32, #tpu.memory_space<hbm>>
        %dma_wait3A_881 = tpu.memref_squeeze %dma_wait3A_880 : memref<1x128xi32, #tpu.memory_space<hbm>> -> memref<128xi32, #tpu.memory_space<hbm>>
        tpu.wait_dma2 semaphore(%dma_wait3A_875 : memref<!tpu.dma_semaphore, #tpu.memory_space<semaphore_mem>>) src(%dma_wait3A_881 : memref<128xi32, #tpu.memory_space<hbm>>) dst(%dma_wait3A_878 : memref<128xi32, #tpu.memory_space<vmem>>)
        %mul3A_882 = arith.constant 128 : i32
        %mul3A_883 = arith.muli %select_n3A_613, %mul3A_882 : i32
        %eq3A_884 = arith.constant 0 : i32
        %eq3A_885 = arith.cmpi eq, %arg0, %eq3A_884 : i32
        %convert_element_type3A_886 = arith.extui %eq3A_885 : i1 to i32
        %cond3A_887 = arith.constant 0 : i32
        %cond3A_888 = arith.cmpi ne, %convert_element_type3A_886, %cond3A_887 : i32
        scf.if %cond3A_888 {
          %dma_start3A_894 = arith.constant 0 : i32
          %dma_start3A_895 = tpu.memref_slice %arg9[%mul3A_883, %dma_start3A_894] : memref<1024x64xf32, #tpu.memory_space<vmem>> -> memref<128x64xf32, #tpu.memory_space<vmem>>
          %dma_start3A_896 = arith.constant 0 : i32
          %dma_start3A_897 = tpu.memref_slice %arg7[%select_n3A_613, %dma_start3A_896] : memref<8x128xi32, #tpu.memory_space<vmem>> -> memref<1x128xi32, #tpu.memory_space<vmem>>
          %dma_start3A_898 = tpu.memref_squeeze %dma_start3A_897 : memref<1x128xi32, #tpu.memory_space<vmem>> -> memref<128xi32, #tpu.memory_space<vmem>>
          %dma_start3A_899 = arith.constant 0 : i32
          %dma_start3A_900 = arith.constant 0 : i32
          %dma_start3A_901 = tpu.memref_slice %arg2[%dma_start3A_899, %dma_start3A_900] : memref<10000x64xf32, #tpu.memory_space<hbm>> -> memref<10000x64xf32, #tpu.memory_space<hbm>>
          %dma_start3A_902 = tpu.memref_slice %arg13[%select_n3A_613] : memref<8x!tpu.dma_semaphore, #tpu.memory_space<semaphore_mem>> -> memref<1x!tpu.dma_semaphore, #tpu.memory_space<semaphore_mem>>
          %dma_start3A_903 = tpu.memref_squeeze %dma_start3A_902 : memref<1x!tpu.dma_semaphore, #tpu.memory_space<semaphore_mem>> -> memref<!tpu.dma_semaphore, #tpu.memory_space<semaphore_mem>>
          tpu.enqueue_indirect_dma source(%dma_start3A_901 : memref<10000x64xf32, #tpu.memory_space<hbm>>) target(%dma_start3A_895 : memref<128x64xf32, #tpu.memory_space<vmem>>) offsets(%dma_start3A_898 : memref<128xi32, #tpu.memory_space<vmem>>) semaphore(%dma_start3A_903 : memref<!tpu.dma_semaphore, #tpu.memory_space<semaphore_mem>>)
        } else {
        }
        %eq3A_889 = arith.constant 1 : i32
        %eq3A_890 = arith.cmpi eq, %arg0, %eq3A_889 : i32
        %convert_element_type3A_891 = arith.extui %eq3A_890 : i1 to i32
        %cond3A_892 = arith.constant 0 : i32
        %cond3A_893 = arith.cmpi ne, %convert_element_type3A_891, %cond3A_892 : i32
        scf.if %cond3A_893 {
          %dma_start3A_894 = arith.constant 0 : i32
          %dma_start3A_895 = tpu.memref_slice %arg9[%mul3A_883, %dma_start3A_894] : memref<1024x64xf32, #tpu.memory_space<vmem>> -> memref<128x64xf32, #tpu.memory_space<vmem>>
          %dma_start3A_896 = arith.constant 0 : i32
          %dma_start3A_897 = tpu.memref_slice %arg7[%select_n3A_613, %dma_start3A_896] : memref<8x128xi32, #tpu.memory_space<vmem>> -> memref<1x128xi32, #tpu.memory_space<vmem>>
          %dma_start3A_898 = tpu.memref_squeeze %dma_start3A_897 : memref<1x128xi32, #tpu.memory_space<vmem>> -> memref<128xi32, #tpu.memory_space<vmem>>
          %dma_start3A_899 = arith.constant 0 : i32
          %dma_start3A_900 = arith.constant 0 : i32
          %dma_start3A_901 = tpu.memref_slice %arg3[%dma_start3A_899, %dma_start3A_900] : memref<10000x64xf32, #tpu.memory_space<hbm>> -> memref<10000x64xf32, #tpu.memory_space<hbm>>
          %dma_start3A_902 = tpu.memref_slice %arg13[%select_n3A_613] : memref<8x!tpu.dma_semaphore, #tpu.memory_space<semaphore_mem>> -> memref<1x!tpu.dma_semaphore, #tpu.memory_space<semaphore_mem>>
          %dma_start3A_903 = tpu.memref_squeeze %dma_start3A_902 : memref<1x!tpu.dma_semaphore, #tpu.memory_space<semaphore_mem>> -> memref<!tpu.dma_semaphore, #tpu.memory_space<semaphore_mem>>
          tpu.enqueue_indirect_dma source(%dma_start3A_901 : memref<10000x64xf32, #tpu.memory_space<hbm>>) target(%dma_start3A_895 : memref<128x64xf32, #tpu.memory_space<vmem>>) offsets(%dma_start3A_898 : memref<128xi32, #tpu.memory_space<vmem>>) semaphore(%dma_start3A_903 : memref<!tpu.dma_semaphore, #tpu.memory_space<semaphore_mem>>)
        } else {
        }
      } else {
      }
      %dma_wait3A_619 = arith.constant 4 : i32
      %dma_wait3A_620 = arith.constant 4 : i32
      %dma_wait3A_621 = arith.constant 512 : i32
      %dma_wait3A_622 = arith.constant 0 : i32
      %dma_wait3A_623 = tpu.memref_slice %arg9[%dma_wait3A_621, %dma_wait3A_622] : memref<1024x64xf32, #tpu.memory_space<vmem>> -> memref<128x64xf32, #tpu.memory_space<vmem>>
      %dma_wait3A_624 = arith.constant 0 : i32
      %dma_wait3A_625 = tpu.memref_slice %arg7[%dma_wait3A_619, %dma_wait3A_624] : memref<8x128xi32, #tpu.memory_space<vmem>> -> memref<1x128xi32, #tpu.memory_space<vmem>>
      %dma_wait3A_626 = tpu.memref_squeeze %dma_wait3A_625 : memref<1x128xi32, #tpu.memory_space<vmem>> -> memref<128xi32, #tpu.memory_space<vmem>>
      %dma_wait3A_627 = arith.constant 0 : i32
      %dma_wait3A_628 = arith.constant 0 : i32
      %dma_wait3A_629 = tpu.memref_slice %arg2[%dma_wait3A_627, %dma_wait3A_628] : memref<10000x64xf32, #tpu.memory_space<hbm>> -> memref<10000x64xf32, #tpu.memory_space<hbm>>
      %dma_wait3A_630 = tpu.memref_slice %arg13[%dma_wait3A_620] : memref<8x!tpu.dma_semaphore, #tpu.memory_space<semaphore_mem>> -> memref<1x!tpu.dma_semaphore, #tpu.memory_space<semaphore_mem>>
      %dma_wait3A_631 = tpu.memref_squeeze %dma_wait3A_630 : memref<1x!tpu.dma_semaphore, #tpu.memory_space<semaphore_mem>> -> memref<!tpu.dma_semaphore, #tpu.memory_space<semaphore_mem>>
      tpu.wait_indirect_dma semaphore(%dma_wait3A_631 : memref<!tpu.dma_semaphore, #tpu.memory_space<semaphore_mem>>) src(%dma_wait3A_629 : memref<10000x64xf32, #tpu.memory_space<hbm>>) dst(%dma_wait3A_623 : memref<128x64xf32, #tpu.memory_space<vmem>>)
      %add3A_632 = arith.constant 8 : i32
      %add3A_633 = arith.addi %add3A_595, %add3A_632 : i32
      %lt3A_634 = arith.constant 160 : i32
      %lt3A_635 = arith.cmpi slt, %add3A_633, %lt3A_634 : i32
      %convert_element_type3A_636 = arith.extui %lt3A_635 : i1 to i32
      %cond3A_637 = arith.constant 0 : i32
      %cond3A_638 = arith.cmpi ne, %convert_element_type3A_636, %cond3A_637 : i32
      scf.if %cond3A_638 {
        %add3A_852 = arith.addi %mul3A_0, %add3A_633 : i32
        %dma_start3A_853 = arith.constant 4 : i32
        %dma_start3A_854 = arith.constant 4 : i32
        %dma_start3A_855 = arith.constant 0 : i32
        %dma_start3A_856 = tpu.memref_slice %arg7[%dma_start3A_853, %dma_start3A_855] : memref<8x128xi32, #tpu.memory_space<vmem>> -> memref<1x128xi32, #tpu.memory_space<vmem>>
        %dma_start3A_857 = tpu.memref_squeeze %dma_start3A_856 : memref<1x128xi32, #tpu.memory_space<vmem>> -> memref<128xi32, #tpu.memory_space<vmem>>
        %dma_start3A_858 = arith.constant 0 : i32
        %dma_start3A_859 = tpu.memref_slice %arg4[%add3A_852, %dma_start3A_858] : memref<2560x128xi32, #tpu.memory_space<hbm>> -> memref<1x128xi32, #tpu.memory_space<hbm>>
        %dma_start3A_860 = tpu.memref_squeeze %dma_start3A_859 : memref<1x128xi32, #tpu.memory_space<hbm>> -> memref<128xi32, #tpu.memory_space<hbm>>
        %dma_start3A_861 = tpu.memref_slice %arg11[%dma_start3A_854] : memref<8x!tpu.dma_semaphore, #tpu.memory_space<semaphore_mem>> -> memref<1x!tpu.dma_semaphore, #tpu.memory_space<semaphore_mem>>
        %dma_start3A_862 = tpu.memref_squeeze %dma_start3A_861 : memref<1x!tpu.dma_semaphore, #tpu.memory_space<semaphore_mem>> -> memref<!tpu.dma_semaphore, #tpu.memory_space<semaphore_mem>>
        %dma_start3A_863 = arith.constant 0 : i32
        %dma_start3A_864 = tpu.memref_slice %arg7[%dma_start3A_853, %dma_start3A_863] : memref<8x128xi32, #tpu.memory_space<vmem>> -> memref<1x128xi32, #tpu.memory_space<vmem>>
        %dma_start3A_865 = tpu.memref_squeeze %dma_start3A_864 : memref<1x128xi32, #tpu.memory_space<vmem>> -> memref<128xi32, #tpu.memory_space<vmem>>
        %dma_start3A_866 = arith.constant 0 : i32
        %dma_start3A_867 = tpu.memref_slice %arg4[%add3A_852, %dma_start3A_866] : memref<2560x128xi32, #tpu.memory_space<hbm>> -> memref<1x128xi32, #tpu.memory_space<hbm>>
        %dma_start3A_868 = tpu.memref_squeeze %dma_start3A_867 : memref<1x128xi32, #tpu.memory_space<hbm>> -> memref<128xi32, #tpu.memory_space<hbm>>
        tpu.enqueue_dma source(%dma_start3A_868 : memref<128xi32, #tpu.memory_space<hbm>>) target(%dma_start3A_865 : memref<128xi32, #tpu.memory_space<vmem>>) target_semaphore(%dma_start3A_862 : memref<!tpu.dma_semaphore, #tpu.memory_space<semaphore_mem>>)
      } else {
      }
      %add3A_639 = arith.addi %mul3A_0, %add3A_595 : i32
      %dma_wait3A_640 = arith.constant 4 : i32
      %dma_wait3A_641 = arith.constant 4 : i32
      %dma_wait3A_642 = arith.constant 0 : i32
      %dma_wait3A_643 = tpu.memref_slice %arg8[%dma_wait3A_640, %dma_wait3A_642] : memref<8x128xi32, #tpu.memory_space<vmem>> -> memref<1x128xi32, #tpu.memory_space<vmem>>
      %dma_wait3A_644 = tpu.memref_squeeze %dma_wait3A_643 : memref<1x128xi32, #tpu.memory_space<vmem>> -> memref<128xi32, #tpu.memory_space<vmem>>
      %dma_wait3A_645 = arith.constant 0 : i32
      %dma_wait3A_646 = tpu.memref_slice %arg5[%add3A_639, %dma_wait3A_645] : memref<2560x128xi32, #tpu.memory_space<hbm>> -> memref<1x128xi32, #tpu.memory_space<hbm>>
      %dma_wait3A_647 = tpu.memref_squeeze %dma_wait3A_646 : memref<1x128xi32, #tpu.memory_space<hbm>> -> memref<128xi32, #tpu.memory_space<hbm>>
      %dma_wait3A_648 = tpu.memref_slice %arg12[%dma_wait3A_641] : memref<8x!tpu.dma_semaphore, #tpu.memory_space<semaphore_mem>> -> memref<1x!tpu.dma_semaphore, #tpu.memory_space<semaphore_mem>>
      %dma_wait3A_649 = tpu.memref_squeeze %dma_wait3A_648 : memref<1x!tpu.dma_semaphore, #tpu.memory_space<semaphore_mem>> -> memref<!tpu.dma_semaphore, #tpu.memory_space<semaphore_mem>>
      %dma_wait3A_650 = arith.constant 0 : i32
      %dma_wait3A_651 = tpu.memref_slice %arg8[%dma_wait3A_640, %dma_wait3A_650] : memref<8x128xi32, #tpu.memory_space<vmem>> -> memref<1x128xi32, #tpu.memory_space<vmem>>
      %dma_wait3A_652 = tpu.memref_squeeze %dma_wait3A_651 : memref<1x128xi32, #tpu.memory_space<vmem>> -> memref<128xi32, #tpu.memory_space<vmem>>
      %dma_wait3A_653 = arith.constant 0 : i32
      %dma_wait3A_654 = tpu.memref_slice %arg5[%add3A_639, %dma_wait3A_653] : memref<2560x128xi32, #tpu.memory_space<hbm>> -> memref<1x128xi32, #tpu.memory_space<hbm>>
      %dma_wait3A_655 = tpu.memref_squeeze %dma_wait3A_654 : memref<1x128xi32, #tpu.memory_space<hbm>> -> memref<128xi32, #tpu.memory_space<hbm>>
      tpu.wait_dma2 semaphore(%dma_wait3A_649 : memref<!tpu.dma_semaphore, #tpu.memory_space<semaphore_mem>>) src(%dma_wait3A_655 : memref<128xi32, #tpu.memory_space<hbm>>) dst(%dma_wait3A_652 : memref<128xi32, #tpu.memory_space<vmem>>)
      %run_scoped3A_656 = arith.constant 4 : i32
      "tpu.region"() ({
        %run_scoped3A_852 = tpu.sem_alloc : memref<!tpu.dma_semaphore, #tpu.memory_space<semaphore_mem>>
        %dma_start3A_853 = arith.constant 512 : i32
        %dma_start3A_854 = arith.constant 0 : i32
        %dma_start3A_855 = tpu.memref_slice %arg9[%dma_start3A_853, %dma_start3A_854] : memref<1024x64xf32, #tpu.memory_space<vmem>> -> memref<128x64xf32, #tpu.memory_space<vmem>>
        %dma_start3A_856 = arith.constant 0 : i32
        %dma_start3A_857 = tpu.memref_slice %arg8[%run_scoped3A_656, %dma_start3A_856] : memref<8x128xi32, #tpu.memory_space<vmem>> -> memref<1x128xi32, #tpu.memory_space<vmem>>
        %dma_start3A_858 = tpu.memref_squeeze %dma_start3A_857 : memref<1x128xi32, #tpu.memory_space<vmem>> -> memref<128xi32, #tpu.memory_space<vmem>>
        %dma_start3A_859 = arith.constant 0 : i32
        %dma_start3A_860 = arith.constant 0 : i32
        %dma_start3A_861 = tpu.memref_slice %arg10[%dma_start3A_859, %dma_start3A_860] : memref<10112x64xf32, #tpu.memory_space<vmem_shared>> -> memref<10112x64xf32, #tpu.memory_space<vmem_shared>>
        tpu.enqueue_indirect_dma source(%dma_start3A_855 : memref<128x64xf32, #tpu.memory_space<vmem>>) target(%dma_start3A_861 : memref<10112x64xf32, #tpu.memory_space<vmem_shared>>) offsets(%dma_start3A_858 : memref<128xi32, #tpu.memory_space<vmem>>) semaphore(%run_scoped3A_852 : memref<!tpu.dma_semaphore, #tpu.memory_space<semaphore_mem>>) {add = true}
        %dma_wait3A_862 = arith.constant 512 : i32
        %dma_wait3A_863 = arith.constant 0 : i32
        %dma_wait3A_864 = tpu.memref_slice %arg9[%dma_wait3A_862, %dma_wait3A_863] : memref<1024x64xf32, #tpu.memory_space<vmem>> -> memref<128x64xf32, #tpu.memory_space<vmem>>
        %dma_wait3A_865 = arith.constant 0 : i32
        %dma_wait3A_866 = tpu.memref_slice %arg8[%run_scoped3A_656, %dma_wait3A_865] : memref<8x128xi32, #tpu.memory_space<vmem>> -> memref<1x128xi32, #tpu.memory_space<vmem>>
        %dma_wait3A_867 = tpu.memref_squeeze %dma_wait3A_866 : memref<1x128xi32, #tpu.memory_space<vmem>> -> memref<128xi32, #tpu.memory_space<vmem>>
        %dma_wait3A_868 = arith.constant 0 : i32
        %dma_wait3A_869 = arith.constant 0 : i32
        %dma_wait3A_870 = tpu.memref_slice %arg10[%dma_wait3A_868, %dma_wait3A_869] : memref<10112x64xf32, #tpu.memory_space<vmem_shared>> -> memref<10112x64xf32, #tpu.memory_space<vmem_shared>>
        tpu.wait_indirect_dma semaphore(%run_scoped3A_852 : memref<!tpu.dma_semaphore, #tpu.memory_space<semaphore_mem>>) src(%dma_wait3A_864 : memref<128x64xf32, #tpu.memory_space<vmem>>) dst(%dma_wait3A_870 : memref<10112x64xf32, #tpu.memory_space<vmem_shared>>)
        tpu.yield
      }) : () -> ()
      %mul3A_657 = arith.constant 8 : i32
      %mul3A_658 = arith.muli %scan3A_338, %mul3A_657 : i32
      %add3A_659 = arith.constant 5 : i32
      %add3A_660 = arith.addi %mul3A_658, %add3A_659 : i32
      %add3A_661 = arith.constant 4 : i32
      %add3A_662 = arith.addi %add3A_660, %add3A_661 : i32
      %jit3A_663 = arith.constant 8 : i32
      %eq3A_664 = arith.constant 0 : i32
      %eq3A_665 = arith.cmpi eq, %jit3A_663, %eq3A_664 : i32
      %jit3A_666 = arith.constant 1 : i32
      %select_n3A_667 = arith.select %eq3A_665, %jit3A_666, %jit3A_663 : i32
      %rem3A_668 = arith.remsi %add3A_662, %select_n3A_667 : i32
      %ne3A_669 = arith.constant 0 : i32
      %ne3A_670 = arith.cmpi ne, %rem3A_668, %ne3A_669 : i32
      %lt3A_671 = arith.constant 0 : i32
      %lt3A_672 = arith.cmpi slt, %rem3A_668, %lt3A_671 : i32
      %lt3A_673 = arith.constant 0 : i32
      %lt3A_674 = arith.cmpi slt, %select_n3A_667, %lt3A_673 : i32
      %ne3A_675 = arith.xori %lt3A_672, %lt3A_674 : i1
      %and3A_676 = arith.andi %ne3A_675, %ne3A_670 : i1
      %add3A_677 = arith.addi %rem3A_668, %select_n3A_667 : i32
      %select_n3A_678 = arith.select %and3A_676, %add3A_677, %rem3A_668 : i32
      %lt3A_679 = arith.constant 160 : i32
      %lt3A_680 = arith.cmpi slt, %add3A_662, %lt3A_679 : i32
      %convert_element_type3A_681 = arith.extui %lt3A_680 : i1 to i32
      %cond3A_682 = arith.constant 0 : i32
      %cond3A_683 = arith.cmpi ne, %convert_element_type3A_681, %cond3A_682 : i32
      scf.if %cond3A_683 {
        %add3A_852 = arith.addi %mul3A_0, %add3A_662 : i32
        %dma_start3A_853 = arith.constant 0 : i32
        %dma_start3A_854 = tpu.memref_slice %arg8[%select_n3A_678, %dma_start3A_853] : memref<8x128xi32, #tpu.memory_space<vmem>> -> memref<1x128xi32, #tpu.memory_space<vmem>>
        %dma_start3A_855 = tpu.memref_squeeze %dma_start3A_854 : memref<1x128xi32, #tpu.memory_space<vmem>> -> memref<128xi32, #tpu.memory_space<vmem>>
        %dma_start3A_856 = arith.constant 0 : i32
        %dma_start3A_857 = tpu.memref_slice %arg5[%add3A_852, %dma_start3A_856] : memref<2560x128xi32, #tpu.memory_space<hbm>> -> memref<1x128xi32, #tpu.memory_space<hbm>>
        %dma_start3A_858 = tpu.memref_squeeze %dma_start3A_857 : memref<1x128xi32, #tpu.memory_space<hbm>> -> memref<128xi32, #tpu.memory_space<hbm>>
        %dma_start3A_859 = tpu.memref_slice %arg12[%select_n3A_678] : memref<8x!tpu.dma_semaphore, #tpu.memory_space<semaphore_mem>> -> memref<1x!tpu.dma_semaphore, #tpu.memory_space<semaphore_mem>>
        %dma_start3A_860 = tpu.memref_squeeze %dma_start3A_859 : memref<1x!tpu.dma_semaphore, #tpu.memory_space<semaphore_mem>> -> memref<!tpu.dma_semaphore, #tpu.memory_space<semaphore_mem>>
        %dma_start3A_861 = arith.constant 0 : i32
        %dma_start3A_862 = tpu.memref_slice %arg8[%select_n3A_678, %dma_start3A_861] : memref<8x128xi32, #tpu.memory_space<vmem>> -> memref<1x128xi32, #tpu.memory_space<vmem>>
        %dma_start3A_863 = tpu.memref_squeeze %dma_start3A_862 : memref<1x128xi32, #tpu.memory_space<vmem>> -> memref<128xi32, #tpu.memory_space<vmem>>
        %dma_start3A_864 = arith.constant 0 : i32
        %dma_start3A_865 = tpu.memref_slice %arg5[%add3A_852, %dma_start3A_864] : memref<2560x128xi32, #tpu.memory_space<hbm>> -> memref<1x128xi32, #tpu.memory_space<hbm>>
        %dma_start3A_866 = tpu.memref_squeeze %dma_start3A_865 : memref<1x128xi32, #tpu.memory_space<hbm>> -> memref<128xi32, #tpu.memory_space<hbm>>
        tpu.enqueue_dma source(%dma_start3A_866 : memref<128xi32, #tpu.memory_space<hbm>>) target(%dma_start3A_863 : memref<128xi32, #tpu.memory_space<vmem>>) target_semaphore(%dma_start3A_860 : memref<!tpu.dma_semaphore, #tpu.memory_space<semaphore_mem>>)
        %add3A_867 = arith.addi %mul3A_0, %add3A_662 : i32
        %dma_wait3A_868 = arith.constant 0 : i32
        %dma_wait3A_869 = tpu.memref_slice %arg7[%select_n3A_678, %dma_wait3A_868] : memref<8x128xi32, #tpu.memory_space<vmem>> -> memref<1x128xi32, #tpu.memory_space<vmem>>
        %dma_wait3A_870 = tpu.memref_squeeze %dma_wait3A_869 : memref<1x128xi32, #tpu.memory_space<vmem>> -> memref<128xi32, #tpu.memory_space<vmem>>
        %dma_wait3A_871 = arith.constant 0 : i32
        %dma_wait3A_872 = tpu.memref_slice %arg4[%add3A_867, %dma_wait3A_871] : memref<2560x128xi32, #tpu.memory_space<hbm>> -> memref<1x128xi32, #tpu.memory_space<hbm>>
        %dma_wait3A_873 = tpu.memref_squeeze %dma_wait3A_872 : memref<1x128xi32, #tpu.memory_space<hbm>> -> memref<128xi32, #tpu.memory_space<hbm>>
        %dma_wait3A_874 = tpu.memref_slice %arg11[%select_n3A_678] : memref<8x!tpu.dma_semaphore, #tpu.memory_space<semaphore_mem>> -> memref<1x!tpu.dma_semaphore, #tpu.memory_space<semaphore_mem>>
        %dma_wait3A_875 = tpu.memref_squeeze %dma_wait3A_874 : memref<1x!tpu.dma_semaphore, #tpu.memory_space<semaphore_mem>> -> memref<!tpu.dma_semaphore, #tpu.memory_space<semaphore_mem>>
        %dma_wait3A_876 = arith.constant 0 : i32
        %dma_wait3A_877 = tpu.memref_slice %arg7[%select_n3A_678, %dma_wait3A_876] : memref<8x128xi32, #tpu.memory_space<vmem>> -> memref<1x128xi32, #tpu.memory_space<vmem>>
        %dma_wait3A_878 = tpu.memref_squeeze %dma_wait3A_877 : memref<1x128xi32, #tpu.memory_space<vmem>> -> memref<128xi32, #tpu.memory_space<vmem>>
        %dma_wait3A_879 = arith.constant 0 : i32
        %dma_wait3A_880 = tpu.memref_slice %arg4[%add3A_867, %dma_wait3A_879] : memref<2560x128xi32, #tpu.memory_space<hbm>> -> memref<1x128xi32, #tpu.memory_space<hbm>>
        %dma_wait3A_881 = tpu.memref_squeeze %dma_wait3A_880 : memref<1x128xi32, #tpu.memory_space<hbm>> -> memref<128xi32, #tpu.memory_space<hbm>>
        tpu.wait_dma2 semaphore(%dma_wait3A_875 : memref<!tpu.dma_semaphore, #tpu.memory_space<semaphore_mem>>) src(%dma_wait3A_881 : memref<128xi32, #tpu.memory_space<hbm>>) dst(%dma_wait3A_878 : memref<128xi32, #tpu.memory_space<vmem>>)
        %mul3A_882 = arith.constant 128 : i32
        %mul3A_883 = arith.muli %select_n3A_678, %mul3A_882 : i32
        %eq3A_884 = arith.constant 0 : i32
        %eq3A_885 = arith.cmpi eq, %arg0, %eq3A_884 : i32
        %convert_element_type3A_886 = arith.extui %eq3A_885 : i1 to i32
        %cond3A_887 = arith.constant 0 : i32
        %cond3A_888 = arith.cmpi ne, %convert_element_type3A_886, %cond3A_887 : i32
        scf.if %cond3A_888 {
          %dma_start3A_894 = arith.constant 0 : i32
          %dma_start3A_895 = tpu.memref_slice %arg9[%mul3A_883, %dma_start3A_894] : memref<1024x64xf32, #tpu.memory_space<vmem>> -> memref<128x64xf32, #tpu.memory_space<vmem>>
          %dma_start3A_896 = arith.constant 0 : i32
          %dma_start3A_897 = tpu.memref_slice %arg7[%select_n3A_678, %dma_start3A_896] : memref<8x128xi32, #tpu.memory_space<vmem>> -> memref<1x128xi32, #tpu.memory_space<vmem>>
          %dma_start3A_898 = tpu.memref_squeeze %dma_start3A_897 : memref<1x128xi32, #tpu.memory_space<vmem>> -> memref<128xi32, #tpu.memory_space<vmem>>
          %dma_start3A_899 = arith.constant 0 : i32
          %dma_start3A_900 = arith.constant 0 : i32
          %dma_start3A_901 = tpu.memref_slice %arg2[%dma_start3A_899, %dma_start3A_900] : memref<10000x64xf32, #tpu.memory_space<hbm>> -> memref<10000x64xf32, #tpu.memory_space<hbm>>
          %dma_start3A_902 = tpu.memref_slice %arg13[%select_n3A_678] : memref<8x!tpu.dma_semaphore, #tpu.memory_space<semaphore_mem>> -> memref<1x!tpu.dma_semaphore, #tpu.memory_space<semaphore_mem>>
          %dma_start3A_903 = tpu.memref_squeeze %dma_start3A_902 : memref<1x!tpu.dma_semaphore, #tpu.memory_space<semaphore_mem>> -> memref<!tpu.dma_semaphore, #tpu.memory_space<semaphore_mem>>
          tpu.enqueue_indirect_dma source(%dma_start3A_901 : memref<10000x64xf32, #tpu.memory_space<hbm>>) target(%dma_start3A_895 : memref<128x64xf32, #tpu.memory_space<vmem>>) offsets(%dma_start3A_898 : memref<128xi32, #tpu.memory_space<vmem>>) semaphore(%dma_start3A_903 : memref<!tpu.dma_semaphore, #tpu.memory_space<semaphore_mem>>)
        } else {
        }
        %eq3A_889 = arith.constant 1 : i32
        %eq3A_890 = arith.cmpi eq, %arg0, %eq3A_889 : i32
        %convert_element_type3A_891 = arith.extui %eq3A_890 : i1 to i32
        %cond3A_892 = arith.constant 0 : i32
        %cond3A_893 = arith.cmpi ne, %convert_element_type3A_891, %cond3A_892 : i32
        scf.if %cond3A_893 {
          %dma_start3A_894 = arith.constant 0 : i32
          %dma_start3A_895 = tpu.memref_slice %arg9[%mul3A_883, %dma_start3A_894] : memref<1024x64xf32, #tpu.memory_space<vmem>> -> memref<128x64xf32, #tpu.memory_space<vmem>>
          %dma_start3A_896 = arith.constant 0 : i32
          %dma_start3A_897 = tpu.memref_slice %arg7[%select_n3A_678, %dma_start3A_896] : memref<8x128xi32, #tpu.memory_space<vmem>> -> memref<1x128xi32, #tpu.memory_space<vmem>>
          %dma_start3A_898 = tpu.memref_squeeze %dma_start3A_897 : memref<1x128xi32, #tpu.memory_space<vmem>> -> memref<128xi32, #tpu.memory_space<vmem>>
          %dma_start3A_899 = arith.constant 0 : i32
          %dma_start3A_900 = arith.constant 0 : i32
          %dma_start3A_901 = tpu.memref_slice %arg3[%dma_start3A_899, %dma_start3A_900] : memref<10000x64xf32, #tpu.memory_space<hbm>> -> memref<10000x64xf32, #tpu.memory_space<hbm>>
          %dma_start3A_902 = tpu.memref_slice %arg13[%select_n3A_678] : memref<8x!tpu.dma_semaphore, #tpu.memory_space<semaphore_mem>> -> memref<1x!tpu.dma_semaphore, #tpu.memory_space<semaphore_mem>>
          %dma_start3A_903 = tpu.memref_squeeze %dma_start3A_902 : memref<1x!tpu.dma_semaphore, #tpu.memory_space<semaphore_mem>> -> memref<!tpu.dma_semaphore, #tpu.memory_space<semaphore_mem>>
          tpu.enqueue_indirect_dma source(%dma_start3A_901 : memref<10000x64xf32, #tpu.memory_space<hbm>>) target(%dma_start3A_895 : memref<128x64xf32, #tpu.memory_space<vmem>>) offsets(%dma_start3A_898 : memref<128xi32, #tpu.memory_space<vmem>>) semaphore(%dma_start3A_903 : memref<!tpu.dma_semaphore, #tpu.memory_space<semaphore_mem>>)
        } else {
        }
      } else {
      }
      %dma_wait3A_684 = arith.constant 5 : i32
      %dma_wait3A_685 = arith.constant 5 : i32
      %dma_wait3A_686 = arith.constant 640 : i32
      %dma_wait3A_687 = arith.constant 0 : i32
      %dma_wait3A_688 = tpu.memref_slice %arg9[%dma_wait3A_686, %dma_wait3A_687] : memref<1024x64xf32, #tpu.memory_space<vmem>> -> memref<128x64xf32, #tpu.memory_space<vmem>>
      %dma_wait3A_689 = arith.constant 0 : i32
      %dma_wait3A_690 = tpu.memref_slice %arg7[%dma_wait3A_684, %dma_wait3A_689] : memref<8x128xi32, #tpu.memory_space<vmem>> -> memref<1x128xi32, #tpu.memory_space<vmem>>
      %dma_wait3A_691 = tpu.memref_squeeze %dma_wait3A_690 : memref<1x128xi32, #tpu.memory_space<vmem>> -> memref<128xi32, #tpu.memory_space<vmem>>
      %dma_wait3A_692 = arith.constant 0 : i32
      %dma_wait3A_693 = arith.constant 0 : i32
      %dma_wait3A_694 = tpu.memref_slice %arg2[%dma_wait3A_692, %dma_wait3A_693] : memref<10000x64xf32, #tpu.memory_space<hbm>> -> memref<10000x64xf32, #tpu.memory_space<hbm>>
      %dma_wait3A_695 = tpu.memref_slice %arg13[%dma_wait3A_685] : memref<8x!tpu.dma_semaphore, #tpu.memory_space<semaphore_mem>> -> memref<1x!tpu.dma_semaphore, #tpu.memory_space<semaphore_mem>>
      %dma_wait3A_696 = tpu.memref_squeeze %dma_wait3A_695 : memref<1x!tpu.dma_semaphore, #tpu.memory_space<semaphore_mem>> -> memref<!tpu.dma_semaphore, #tpu.memory_space<semaphore_mem>>
      tpu.wait_indirect_dma semaphore(%dma_wait3A_696 : memref<!tpu.dma_semaphore, #tpu.memory_space<semaphore_mem>>) src(%dma_wait3A_694 : memref<10000x64xf32, #tpu.memory_space<hbm>>) dst(%dma_wait3A_688 : memref<128x64xf32, #tpu.memory_space<vmem>>)
      %add3A_697 = arith.constant 8 : i32
      %add3A_698 = arith.addi %add3A_660, %add3A_697 : i32
      %lt3A_699 = arith.constant 160 : i32
      %lt3A_700 = arith.cmpi slt, %add3A_698, %lt3A_699 : i32
      %convert_element_type3A_701 = arith.extui %lt3A_700 : i1 to i32
      %cond3A_702 = arith.constant 0 : i32
      %cond3A_703 = arith.cmpi ne, %convert_element_type3A_701, %cond3A_702 : i32
      scf.if %cond3A_703 {
        %add3A_852 = arith.addi %mul3A_0, %add3A_698 : i32
        %dma_start3A_853 = arith.constant 5 : i32
        %dma_start3A_854 = arith.constant 5 : i32
        %dma_start3A_855 = arith.constant 0 : i32
        %dma_start3A_856 = tpu.memref_slice %arg7[%dma_start3A_853, %dma_start3A_855] : memref<8x128xi32, #tpu.memory_space<vmem>> -> memref<1x128xi32, #tpu.memory_space<vmem>>
        %dma_start3A_857 = tpu.memref_squeeze %dma_start3A_856 : memref<1x128xi32, #tpu.memory_space<vmem>> -> memref<128xi32, #tpu.memory_space<vmem>>
        %dma_start3A_858 = arith.constant 0 : i32
        %dma_start3A_859 = tpu.memref_slice %arg4[%add3A_852, %dma_start3A_858] : memref<2560x128xi32, #tpu.memory_space<hbm>> -> memref<1x128xi32, #tpu.memory_space<hbm>>
        %dma_start3A_860 = tpu.memref_squeeze %dma_start3A_859 : memref<1x128xi32, #tpu.memory_space<hbm>> -> memref<128xi32, #tpu.memory_space<hbm>>
        %dma_start3A_861 = tpu.memref_slice %arg11[%dma_start3A_854] : memref<8x!tpu.dma_semaphore, #tpu.memory_space<semaphore_mem>> -> memref<1x!tpu.dma_semaphore, #tpu.memory_space<semaphore_mem>>
        %dma_start3A_862 = tpu.memref_squeeze %dma_start3A_861 : memref<1x!tpu.dma_semaphore, #tpu.memory_space<semaphore_mem>> -> memref<!tpu.dma_semaphore, #tpu.memory_space<semaphore_mem>>
        %dma_start3A_863 = arith.constant 0 : i32
        %dma_start3A_864 = tpu.memref_slice %arg7[%dma_start3A_853, %dma_start3A_863] : memref<8x128xi32, #tpu.memory_space<vmem>> -> memref<1x128xi32, #tpu.memory_space<vmem>>
        %dma_start3A_865 = tpu.memref_squeeze %dma_start3A_864 : memref<1x128xi32, #tpu.memory_space<vmem>> -> memref<128xi32, #tpu.memory_space<vmem>>
        %dma_start3A_866 = arith.constant 0 : i32
        %dma_start3A_867 = tpu.memref_slice %arg4[%add3A_852, %dma_start3A_866] : memref<2560x128xi32, #tpu.memory_space<hbm>> -> memref<1x128xi32, #tpu.memory_space<hbm>>
        %dma_start3A_868 = tpu.memref_squeeze %dma_start3A_867 : memref<1x128xi32, #tpu.memory_space<hbm>> -> memref<128xi32, #tpu.memory_space<hbm>>
        tpu.enqueue_dma source(%dma_start3A_868 : memref<128xi32, #tpu.memory_space<hbm>>) target(%dma_start3A_865 : memref<128xi32, #tpu.memory_space<vmem>>) target_semaphore(%dma_start3A_862 : memref<!tpu.dma_semaphore, #tpu.memory_space<semaphore_mem>>)
      } else {
      }
      %add3A_704 = arith.addi %mul3A_0, %add3A_660 : i32
      %dma_wait3A_705 = arith.constant 5 : i32
      %dma_wait3A_706 = arith.constant 5 : i32
      %dma_wait3A_707 = arith.constant 0 : i32
      %dma_wait3A_708 = tpu.memref_slice %arg8[%dma_wait3A_705, %dma_wait3A_707] : memref<8x128xi32, #tpu.memory_space<vmem>> -> memref<1x128xi32, #tpu.memory_space<vmem>>
      %dma_wait3A_709 = tpu.memref_squeeze %dma_wait3A_708 : memref<1x128xi32, #tpu.memory_space<vmem>> -> memref<128xi32, #tpu.memory_space<vmem>>
      %dma_wait3A_710 = arith.constant 0 : i32
      %dma_wait3A_711 = tpu.memref_slice %arg5[%add3A_704, %dma_wait3A_710] : memref<2560x128xi32, #tpu.memory_space<hbm>> -> memref<1x128xi32, #tpu.memory_space<hbm>>
      %dma_wait3A_712 = tpu.memref_squeeze %dma_wait3A_711 : memref<1x128xi32, #tpu.memory_space<hbm>> -> memref<128xi32, #tpu.memory_space<hbm>>
      %dma_wait3A_713 = tpu.memref_slice %arg12[%dma_wait3A_706] : memref<8x!tpu.dma_semaphore, #tpu.memory_space<semaphore_mem>> -> memref<1x!tpu.dma_semaphore, #tpu.memory_space<semaphore_mem>>
      %dma_wait3A_714 = tpu.memref_squeeze %dma_wait3A_713 : memref<1x!tpu.dma_semaphore, #tpu.memory_space<semaphore_mem>> -> memref<!tpu.dma_semaphore, #tpu.memory_space<semaphore_mem>>
      %dma_wait3A_715 = arith.constant 0 : i32
      %dma_wait3A_716 = tpu.memref_slice %arg8[%dma_wait3A_705, %dma_wait3A_715] : memref<8x128xi32, #tpu.memory_space<vmem>> -> memref<1x128xi32, #tpu.memory_space<vmem>>
      %dma_wait3A_717 = tpu.memref_squeeze %dma_wait3A_716 : memref<1x128xi32, #tpu.memory_space<vmem>> -> memref<128xi32, #tpu.memory_space<vmem>>
      %dma_wait3A_718 = arith.constant 0 : i32
      %dma_wait3A_719 = tpu.memref_slice %arg5[%add3A_704, %dma_wait3A_718] : memref<2560x128xi32, #tpu.memory_space<hbm>> -> memref<1x128xi32, #tpu.memory_space<hbm>>
      %dma_wait3A_720 = tpu.memref_squeeze %dma_wait3A_719 : memref<1x128xi32, #tpu.memory_space<hbm>> -> memref<128xi32, #tpu.memory_space<hbm>>
      tpu.wait_dma2 semaphore(%dma_wait3A_714 : memref<!tpu.dma_semaphore, #tpu.memory_space<semaphore_mem>>) src(%dma_wait3A_720 : memref<128xi32, #tpu.memory_space<hbm>>) dst(%dma_wait3A_717 : memref<128xi32, #tpu.memory_space<vmem>>)
      %run_scoped3A_721 = arith.constant 5 : i32
      "tpu.region"() ({
        %run_scoped3A_852 = tpu.sem_alloc : memref<!tpu.dma_semaphore, #tpu.memory_space<semaphore_mem>>
        %dma_start3A_853 = arith.constant 640 : i32
        %dma_start3A_854 = arith.constant 0 : i32
        %dma_start3A_855 = tpu.memref_slice %arg9[%dma_start3A_853, %dma_start3A_854] : memref<1024x64xf32, #tpu.memory_space<vmem>> -> memref<128x64xf32, #tpu.memory_space<vmem>>
        %dma_start3A_856 = arith.constant 0 : i32
        %dma_start3A_857 = tpu.memref_slice %arg8[%run_scoped3A_721, %dma_start3A_856] : memref<8x128xi32, #tpu.memory_space<vmem>> -> memref<1x128xi32, #tpu.memory_space<vmem>>
        %dma_start3A_858 = tpu.memref_squeeze %dma_start3A_857 : memref<1x128xi32, #tpu.memory_space<vmem>> -> memref<128xi32, #tpu.memory_space<vmem>>
        %dma_start3A_859 = arith.constant 0 : i32
        %dma_start3A_860 = arith.constant 0 : i32
        %dma_start3A_861 = tpu.memref_slice %arg10[%dma_start3A_859, %dma_start3A_860] : memref<10112x64xf32, #tpu.memory_space<vmem_shared>> -> memref<10112x64xf32, #tpu.memory_space<vmem_shared>>
        tpu.enqueue_indirect_dma source(%dma_start3A_855 : memref<128x64xf32, #tpu.memory_space<vmem>>) target(%dma_start3A_861 : memref<10112x64xf32, #tpu.memory_space<vmem_shared>>) offsets(%dma_start3A_858 : memref<128xi32, #tpu.memory_space<vmem>>) semaphore(%run_scoped3A_852 : memref<!tpu.dma_semaphore, #tpu.memory_space<semaphore_mem>>) {add = true}
        %dma_wait3A_862 = arith.constant 640 : i32
        %dma_wait3A_863 = arith.constant 0 : i32
        %dma_wait3A_864 = tpu.memref_slice %arg9[%dma_wait3A_862, %dma_wait3A_863] : memref<1024x64xf32, #tpu.memory_space<vmem>> -> memref<128x64xf32, #tpu.memory_space<vmem>>
        %dma_wait3A_865 = arith.constant 0 : i32
        %dma_wait3A_866 = tpu.memref_slice %arg8[%run_scoped3A_721, %dma_wait3A_865] : memref<8x128xi32, #tpu.memory_space<vmem>> -> memref<1x128xi32, #tpu.memory_space<vmem>>
        %dma_wait3A_867 = tpu.memref_squeeze %dma_wait3A_866 : memref<1x128xi32, #tpu.memory_space<vmem>> -> memref<128xi32, #tpu.memory_space<vmem>>
        %dma_wait3A_868 = arith.constant 0 : i32
        %dma_wait3A_869 = arith.constant 0 : i32
        %dma_wait3A_870 = tpu.memref_slice %arg10[%dma_wait3A_868, %dma_wait3A_869] : memref<10112x64xf32, #tpu.memory_space<vmem_shared>> -> memref<10112x64xf32, #tpu.memory_space<vmem_shared>>
        tpu.wait_indirect_dma semaphore(%run_scoped3A_852 : memref<!tpu.dma_semaphore, #tpu.memory_space<semaphore_mem>>) src(%dma_wait3A_864 : memref<128x64xf32, #tpu.memory_space<vmem>>) dst(%dma_wait3A_870 : memref<10112x64xf32, #tpu.memory_space<vmem_shared>>)
        tpu.yield
      }) : () -> ()
      %mul3A_722 = arith.constant 8 : i32
      %mul3A_723 = arith.muli %scan3A_338, %mul3A_722 : i32
      %add3A_724 = arith.constant 6 : i32
      %add3A_725 = arith.addi %mul3A_723, %add3A_724 : i32
      %add3A_726 = arith.constant 4 : i32
      %add3A_727 = arith.addi %add3A_725, %add3A_726 : i32
      %jit3A_728 = arith.constant 8 : i32
      %eq3A_729 = arith.constant 0 : i32
      %eq3A_730 = arith.cmpi eq, %jit3A_728, %eq3A_729 : i32
      %jit3A_731 = arith.constant 1 : i32
      %select_n3A_732 = arith.select %eq3A_730, %jit3A_731, %jit3A_728 : i32
      %rem3A_733 = arith.remsi %add3A_727, %select_n3A_732 : i32
      %ne3A_734 = arith.constant 0 : i32
      %ne3A_735 = arith.cmpi ne, %rem3A_733, %ne3A_734 : i32
      %lt3A_736 = arith.constant 0 : i32
      %lt3A_737 = arith.cmpi slt, %rem3A_733, %lt3A_736 : i32
      %lt3A_738 = arith.constant 0 : i32
      %lt3A_739 = arith.cmpi slt, %select_n3A_732, %lt3A_738 : i32
      %ne3A_740 = arith.xori %lt3A_737, %lt3A_739 : i1
      %and3A_741 = arith.andi %ne3A_740, %ne3A_735 : i1
      %add3A_742 = arith.addi %rem3A_733, %select_n3A_732 : i32
      %select_n3A_743 = arith.select %and3A_741, %add3A_742, %rem3A_733 : i32
      %lt3A_744 = arith.constant 160 : i32
      %lt3A_745 = arith.cmpi slt, %add3A_727, %lt3A_744 : i32
      %convert_element_type3A_746 = arith.extui %lt3A_745 : i1 to i32
      %cond3A_747 = arith.constant 0 : i32
      %cond3A_748 = arith.cmpi ne, %convert_element_type3A_746, %cond3A_747 : i32
      scf.if %cond3A_748 {
        %add3A_852 = arith.addi %mul3A_0, %add3A_727 : i32
        %dma_start3A_853 = arith.constant 0 : i32
        %dma_start3A_854 = tpu.memref_slice %arg8[%select_n3A_743, %dma_start3A_853] : memref<8x128xi32, #tpu.memory_space<vmem>> -> memref<1x128xi32, #tpu.memory_space<vmem>>
        %dma_start3A_855 = tpu.memref_squeeze %dma_start3A_854 : memref<1x128xi32, #tpu.memory_space<vmem>> -> memref<128xi32, #tpu.memory_space<vmem>>
        %dma_start3A_856 = arith.constant 0 : i32
        %dma_start3A_857 = tpu.memref_slice %arg5[%add3A_852, %dma_start3A_856] : memref<2560x128xi32, #tpu.memory_space<hbm>> -> memref<1x128xi32, #tpu.memory_space<hbm>>
        %dma_start3A_858 = tpu.memref_squeeze %dma_start3A_857 : memref<1x128xi32, #tpu.memory_space<hbm>> -> memref<128xi32, #tpu.memory_space<hbm>>
        %dma_start3A_859 = tpu.memref_slice %arg12[%select_n3A_743] : memref<8x!tpu.dma_semaphore, #tpu.memory_space<semaphore_mem>> -> memref<1x!tpu.dma_semaphore, #tpu.memory_space<semaphore_mem>>
        %dma_start3A_860 = tpu.memref_squeeze %dma_start3A_859 : memref<1x!tpu.dma_semaphore, #tpu.memory_space<semaphore_mem>> -> memref<!tpu.dma_semaphore, #tpu.memory_space<semaphore_mem>>
        %dma_start3A_861 = arith.constant 0 : i32
        %dma_start3A_862 = tpu.memref_slice %arg8[%select_n3A_743, %dma_start3A_861] : memref<8x128xi32, #tpu.memory_space<vmem>> -> memref<1x128xi32, #tpu.memory_space<vmem>>
        %dma_start3A_863 = tpu.memref_squeeze %dma_start3A_862 : memref<1x128xi32, #tpu.memory_space<vmem>> -> memref<128xi32, #tpu.memory_space<vmem>>
        %dma_start3A_864 = arith.constant 0 : i32
        %dma_start3A_865 = tpu.memref_slice %arg5[%add3A_852, %dma_start3A_864] : memref<2560x128xi32, #tpu.memory_space<hbm>> -> memref<1x128xi32, #tpu.memory_space<hbm>>
        %dma_start3A_866 = tpu.memref_squeeze %dma_start3A_865 : memref<1x128xi32, #tpu.memory_space<hbm>> -> memref<128xi32, #tpu.memory_space<hbm>>
        tpu.enqueue_dma source(%dma_start3A_866 : memref<128xi32, #tpu.memory_space<hbm>>) target(%dma_start3A_863 : memref<128xi32, #tpu.memory_space<vmem>>) target_semaphore(%dma_start3A_860 : memref<!tpu.dma_semaphore, #tpu.memory_space<semaphore_mem>>)
        %add3A_867 = arith.addi %mul3A_0, %add3A_727 : i32
        %dma_wait3A_868 = arith.constant 0 : i32
        %dma_wait3A_869 = tpu.memref_slice %arg7[%select_n3A_743, %dma_wait3A_868] : memref<8x128xi32, #tpu.memory_space<vmem>> -> memref<1x128xi32, #tpu.memory_space<vmem>>
        %dma_wait3A_870 = tpu.memref_squeeze %dma_wait3A_869 : memref<1x128xi32, #tpu.memory_space<vmem>> -> memref<128xi32, #tpu.memory_space<vmem>>
        %dma_wait3A_871 = arith.constant 0 : i32
        %dma_wait3A_872 = tpu.memref_slice %arg4[%add3A_867, %dma_wait3A_871] : memref<2560x128xi32, #tpu.memory_space<hbm>> -> memref<1x128xi32, #tpu.memory_space<hbm>>
        %dma_wait3A_873 = tpu.memref_squeeze %dma_wait3A_872 : memref<1x128xi32, #tpu.memory_space<hbm>> -> memref<128xi32, #tpu.memory_space<hbm>>
        %dma_wait3A_874 = tpu.memref_slice %arg11[%select_n3A_743] : memref<8x!tpu.dma_semaphore, #tpu.memory_space<semaphore_mem>> -> memref<1x!tpu.dma_semaphore, #tpu.memory_space<semaphore_mem>>
        %dma_wait3A_875 = tpu.memref_squeeze %dma_wait3A_874 : memref<1x!tpu.dma_semaphore, #tpu.memory_space<semaphore_mem>> -> memref<!tpu.dma_semaphore, #tpu.memory_space<semaphore_mem>>
        %dma_wait3A_876 = arith.constant 0 : i32
        %dma_wait3A_877 = tpu.memref_slice %arg7[%select_n3A_743, %dma_wait3A_876] : memref<8x128xi32, #tpu.memory_space<vmem>> -> memref<1x128xi32, #tpu.memory_space<vmem>>
        %dma_wait3A_878 = tpu.memref_squeeze %dma_wait3A_877 : memref<1x128xi32, #tpu.memory_space<vmem>> -> memref<128xi32, #tpu.memory_space<vmem>>
        %dma_wait3A_879 = arith.constant 0 : i32
        %dma_wait3A_880 = tpu.memref_slice %arg4[%add3A_867, %dma_wait3A_879] : memref<2560x128xi32, #tpu.memory_space<hbm>> -> memref<1x128xi32, #tpu.memory_space<hbm>>
        %dma_wait3A_881 = tpu.memref_squeeze %dma_wait3A_880 : memref<1x128xi32, #tpu.memory_space<hbm>> -> memref<128xi32, #tpu.memory_space<hbm>>
        tpu.wait_dma2 semaphore(%dma_wait3A_875 : memref<!tpu.dma_semaphore, #tpu.memory_space<semaphore_mem>>) src(%dma_wait3A_881 : memref<128xi32, #tpu.memory_space<hbm>>) dst(%dma_wait3A_878 : memref<128xi32, #tpu.memory_space<vmem>>)
        %mul3A_882 = arith.constant 128 : i32
        %mul3A_883 = arith.muli %select_n3A_743, %mul3A_882 : i32
        %eq3A_884 = arith.constant 0 : i32
        %eq3A_885 = arith.cmpi eq, %arg0, %eq3A_884 : i32
        %convert_element_type3A_886 = arith.extui %eq3A_885 : i1 to i32
        %cond3A_887 = arith.constant 0 : i32
        %cond3A_888 = arith.cmpi ne, %convert_element_type3A_886, %cond3A_887 : i32
        scf.if %cond3A_888 {
          %dma_start3A_894 = arith.constant 0 : i32
          %dma_start3A_895 = tpu.memref_slice %arg9[%mul3A_883, %dma_start3A_894] : memref<1024x64xf32, #tpu.memory_space<vmem>> -> memref<128x64xf32, #tpu.memory_space<vmem>>
          %dma_start3A_896 = arith.constant 0 : i32
          %dma_start3A_897 = tpu.memref_slice %arg7[%select_n3A_743, %dma_start3A_896] : memref<8x128xi32, #tpu.memory_space<vmem>> -> memref<1x128xi32, #tpu.memory_space<vmem>>
          %dma_start3A_898 = tpu.memref_squeeze %dma_start3A_897 : memref<1x128xi32, #tpu.memory_space<vmem>> -> memref<128xi32, #tpu.memory_space<vmem>>
          %dma_start3A_899 = arith.constant 0 : i32
          %dma_start3A_900 = arith.constant 0 : i32
          %dma_start3A_901 = tpu.memref_slice %arg2[%dma_start3A_899, %dma_start3A_900] : memref<10000x64xf32, #tpu.memory_space<hbm>> -> memref<10000x64xf32, #tpu.memory_space<hbm>>
          %dma_start3A_902 = tpu.memref_slice %arg13[%select_n3A_743] : memref<8x!tpu.dma_semaphore, #tpu.memory_space<semaphore_mem>> -> memref<1x!tpu.dma_semaphore, #tpu.memory_space<semaphore_mem>>
          %dma_start3A_903 = tpu.memref_squeeze %dma_start3A_902 : memref<1x!tpu.dma_semaphore, #tpu.memory_space<semaphore_mem>> -> memref<!tpu.dma_semaphore, #tpu.memory_space<semaphore_mem>>
          tpu.enqueue_indirect_dma source(%dma_start3A_901 : memref<10000x64xf32, #tpu.memory_space<hbm>>) target(%dma_start3A_895 : memref<128x64xf32, #tpu.memory_space<vmem>>) offsets(%dma_start3A_898 : memref<128xi32, #tpu.memory_space<vmem>>) semaphore(%dma_start3A_903 : memref<!tpu.dma_semaphore, #tpu.memory_space<semaphore_mem>>)
        } else {
        }
        %eq3A_889 = arith.constant 1 : i32
        %eq3A_890 = arith.cmpi eq, %arg0, %eq3A_889 : i32
        %convert_element_type3A_891 = arith.extui %eq3A_890 : i1 to i32
        %cond3A_892 = arith.constant 0 : i32
        %cond3A_893 = arith.cmpi ne, %convert_element_type3A_891, %cond3A_892 : i32
        scf.if %cond3A_893 {
          %dma_start3A_894 = arith.constant 0 : i32
          %dma_start3A_895 = tpu.memref_slice %arg9[%mul3A_883, %dma_start3A_894] : memref<1024x64xf32, #tpu.memory_space<vmem>> -> memref<128x64xf32, #tpu.memory_space<vmem>>
          %dma_start3A_896 = arith.constant 0 : i32
          %dma_start3A_897 = tpu.memref_slice %arg7[%select_n3A_743, %dma_start3A_896] : memref<8x128xi32, #tpu.memory_space<vmem>> -> memref<1x128xi32, #tpu.memory_space<vmem>>
          %dma_start3A_898 = tpu.memref_squeeze %dma_start3A_897 : memref<1x128xi32, #tpu.memory_space<vmem>> -> memref<128xi32, #tpu.memory_space<vmem>>
          %dma_start3A_899 = arith.constant 0 : i32
          %dma_start3A_900 = arith.constant 0 : i32
          %dma_start3A_901 = tpu.memref_slice %arg3[%dma_start3A_899, %dma_start3A_900] : memref<10000x64xf32, #tpu.memory_space<hbm>> -> memref<10000x64xf32, #tpu.memory_space<hbm>>
          %dma_start3A_902 = tpu.memref_slice %arg13[%select_n3A_743] : memref<8x!tpu.dma_semaphore, #tpu.memory_space<semaphore_mem>> -> memref<1x!tpu.dma_semaphore, #tpu.memory_space<semaphore_mem>>
          %dma_start3A_903 = tpu.memref_squeeze %dma_start3A_902 : memref<1x!tpu.dma_semaphore, #tpu.memory_space<semaphore_mem>> -> memref<!tpu.dma_semaphore, #tpu.memory_space<semaphore_mem>>
          tpu.enqueue_indirect_dma source(%dma_start3A_901 : memref<10000x64xf32, #tpu.memory_space<hbm>>) target(%dma_start3A_895 : memref<128x64xf32, #tpu.memory_space<vmem>>) offsets(%dma_start3A_898 : memref<128xi32, #tpu.memory_space<vmem>>) semaphore(%dma_start3A_903 : memref<!tpu.dma_semaphore, #tpu.memory_space<semaphore_mem>>)
        } else {
        }
      } else {
      }
      %dma_wait3A_749 = arith.constant 6 : i32
      %dma_wait3A_750 = arith.constant 6 : i32
      %dma_wait3A_751 = arith.constant 768 : i32
      %dma_wait3A_752 = arith.constant 0 : i32
      %dma_wait3A_753 = tpu.memref_slice %arg9[%dma_wait3A_751, %dma_wait3A_752] : memref<1024x64xf32, #tpu.memory_space<vmem>> -> memref<128x64xf32, #tpu.memory_space<vmem>>
      %dma_wait3A_754 = arith.constant 0 : i32
      %dma_wait3A_755 = tpu.memref_slice %arg7[%dma_wait3A_749, %dma_wait3A_754] : memref<8x128xi32, #tpu.memory_space<vmem>> -> memref<1x128xi32, #tpu.memory_space<vmem>>
      %dma_wait3A_756 = tpu.memref_squeeze %dma_wait3A_755 : memref<1x128xi32, #tpu.memory_space<vmem>> -> memref<128xi32, #tpu.memory_space<vmem>>
      %dma_wait3A_757 = arith.constant 0 : i32
      %dma_wait3A_758 = arith.constant 0 : i32
      %dma_wait3A_759 = tpu.memref_slice %arg2[%dma_wait3A_757, %dma_wait3A_758] : memref<10000x64xf32, #tpu.memory_space<hbm>> -> memref<10000x64xf32, #tpu.memory_space<hbm>>
      %dma_wait3A_760 = tpu.memref_slice %arg13[%dma_wait3A_750] : memref<8x!tpu.dma_semaphore, #tpu.memory_space<semaphore_mem>> -> memref<1x!tpu.dma_semaphore, #tpu.memory_space<semaphore_mem>>
      %dma_wait3A_761 = tpu.memref_squeeze %dma_wait3A_760 : memref<1x!tpu.dma_semaphore, #tpu.memory_space<semaphore_mem>> -> memref<!tpu.dma_semaphore, #tpu.memory_space<semaphore_mem>>
      tpu.wait_indirect_dma semaphore(%dma_wait3A_761 : memref<!tpu.dma_semaphore, #tpu.memory_space<semaphore_mem>>) src(%dma_wait3A_759 : memref<10000x64xf32, #tpu.memory_space<hbm>>) dst(%dma_wait3A_753 : memref<128x64xf32, #tpu.memory_space<vmem>>)
      %add3A_762 = arith.constant 8 : i32
      %add3A_763 = arith.addi %add3A_725, %add3A_762 : i32
      %lt3A_764 = arith.constant 160 : i32
      %lt3A_765 = arith.cmpi slt, %add3A_763, %lt3A_764 : i32
      %convert_element_type3A_766 = arith.extui %lt3A_765 : i1 to i32
      %cond3A_767 = arith.constant 0 : i32
      %cond3A_768 = arith.cmpi ne, %convert_element_type3A_766, %cond3A_767 : i32
      scf.if %cond3A_768 {
        %add3A_852 = arith.addi %mul3A_0, %add3A_763 : i32
        %dma_start3A_853 = arith.constant 6 : i32
        %dma_start3A_854 = arith.constant 6 : i32
        %dma_start3A_855 = arith.constant 0 : i32
        %dma_start3A_856 = tpu.memref_slice %arg7[%dma_start3A_853, %dma_start3A_855] : memref<8x128xi32, #tpu.memory_space<vmem>> -> memref<1x128xi32, #tpu.memory_space<vmem>>
        %dma_start3A_857 = tpu.memref_squeeze %dma_start3A_856 : memref<1x128xi32, #tpu.memory_space<vmem>> -> memref<128xi32, #tpu.memory_space<vmem>>
        %dma_start3A_858 = arith.constant 0 : i32
        %dma_start3A_859 = tpu.memref_slice %arg4[%add3A_852, %dma_start3A_858] : memref<2560x128xi32, #tpu.memory_space<hbm>> -> memref<1x128xi32, #tpu.memory_space<hbm>>
        %dma_start3A_860 = tpu.memref_squeeze %dma_start3A_859 : memref<1x128xi32, #tpu.memory_space<hbm>> -> memref<128xi32, #tpu.memory_space<hbm>>
        %dma_start3A_861 = tpu.memref_slice %arg11[%dma_start3A_854] : memref<8x!tpu.dma_semaphore, #tpu.memory_space<semaphore_mem>> -> memref<1x!tpu.dma_semaphore, #tpu.memory_space<semaphore_mem>>
        %dma_start3A_862 = tpu.memref_squeeze %dma_start3A_861 : memref<1x!tpu.dma_semaphore, #tpu.memory_space<semaphore_mem>> -> memref<!tpu.dma_semaphore, #tpu.memory_space<semaphore_mem>>
        %dma_start3A_863 = arith.constant 0 : i32
        %dma_start3A_864 = tpu.memref_slice %arg7[%dma_start3A_853, %dma_start3A_863] : memref<8x128xi32, #tpu.memory_space<vmem>> -> memref<1x128xi32, #tpu.memory_space<vmem>>
        %dma_start3A_865 = tpu.memref_squeeze %dma_start3A_864 : memref<1x128xi32, #tpu.memory_space<vmem>> -> memref<128xi32, #tpu.memory_space<vmem>>
        %dma_start3A_866 = arith.constant 0 : i32
        %dma_start3A_867 = tpu.memref_slice %arg4[%add3A_852, %dma_start3A_866] : memref<2560x128xi32, #tpu.memory_space<hbm>> -> memref<1x128xi32, #tpu.memory_space<hbm>>
        %dma_start3A_868 = tpu.memref_squeeze %dma_start3A_867 : memref<1x128xi32, #tpu.memory_space<hbm>> -> memref<128xi32, #tpu.memory_space<hbm>>
        tpu.enqueue_dma source(%dma_start3A_868 : memref<128xi32, #tpu.memory_space<hbm>>) target(%dma_start3A_865 : memref<128xi32, #tpu.memory_space<vmem>>) target_semaphore(%dma_start3A_862 : memref<!tpu.dma_semaphore, #tpu.memory_space<semaphore_mem>>)
      } else {
      }
      %add3A_769 = arith.addi %mul3A_0, %add3A_725 : i32
      %dma_wait3A_770 = arith.constant 6 : i32
      %dma_wait3A_771 = arith.constant 6 : i32
      %dma_wait3A_772 = arith.constant 0 : i32
      %dma_wait3A_773 = tpu.memref_slice %arg8[%dma_wait3A_770, %dma_wait3A_772] : memref<8x128xi32, #tpu.memory_space<vmem>> -> memref<1x128xi32, #tpu.memory_space<vmem>>
      %dma_wait3A_774 = tpu.memref_squeeze %dma_wait3A_773 : memref<1x128xi32, #tpu.memory_space<vmem>> -> memref<128xi32, #tpu.memory_space<vmem>>
      %dma_wait3A_775 = arith.constant 0 : i32
      %dma_wait3A_776 = tpu.memref_slice %arg5[%add3A_769, %dma_wait3A_775] : memref<2560x128xi32, #tpu.memory_space<hbm>> -> memref<1x128xi32, #tpu.memory_space<hbm>>
      %dma_wait3A_777 = tpu.memref_squeeze %dma_wait3A_776 : memref<1x128xi32, #tpu.memory_space<hbm>> -> memref<128xi32, #tpu.memory_space<hbm>>
      %dma_wait3A_778 = tpu.memref_slice %arg12[%dma_wait3A_771] : memref<8x!tpu.dma_semaphore, #tpu.memory_space<semaphore_mem>> -> memref<1x!tpu.dma_semaphore, #tpu.memory_space<semaphore_mem>>
      %dma_wait3A_779 = tpu.memref_squeeze %dma_wait3A_778 : memref<1x!tpu.dma_semaphore, #tpu.memory_space<semaphore_mem>> -> memref<!tpu.dma_semaphore, #tpu.memory_space<semaphore_mem>>
      %dma_wait3A_780 = arith.constant 0 : i32
      %dma_wait3A_781 = tpu.memref_slice %arg8[%dma_wait3A_770, %dma_wait3A_780] : memref<8x128xi32, #tpu.memory_space<vmem>> -> memref<1x128xi32, #tpu.memory_space<vmem>>
      %dma_wait3A_782 = tpu.memref_squeeze %dma_wait3A_781 : memref<1x128xi32, #tpu.memory_space<vmem>> -> memref<128xi32, #tpu.memory_space<vmem>>
      %dma_wait3A_783 = arith.constant 0 : i32
      %dma_wait3A_784 = tpu.memref_slice %arg5[%add3A_769, %dma_wait3A_783] : memref<2560x128xi32, #tpu.memory_space<hbm>> -> memref<1x128xi32, #tpu.memory_space<hbm>>
      %dma_wait3A_785 = tpu.memref_squeeze %dma_wait3A_784 : memref<1x128xi32, #tpu.memory_space<hbm>> -> memref<128xi32, #tpu.memory_space<hbm>>
      tpu.wait_dma2 semaphore(%dma_wait3A_779 : memref<!tpu.dma_semaphore, #tpu.memory_space<semaphore_mem>>) src(%dma_wait3A_785 : memref<128xi32, #tpu.memory_space<hbm>>) dst(%dma_wait3A_782 : memref<128xi32, #tpu.memory_space<vmem>>)
      %run_scoped3A_786 = arith.constant 6 : i32
      "tpu.region"() ({
        %run_scoped3A_852 = tpu.sem_alloc : memref<!tpu.dma_semaphore, #tpu.memory_space<semaphore_mem>>
        %dma_start3A_853 = arith.constant 768 : i32
        %dma_start3A_854 = arith.constant 0 : i32
        %dma_start3A_855 = tpu.memref_slice %arg9[%dma_start3A_853, %dma_start3A_854] : memref<1024x64xf32, #tpu.memory_space<vmem>> -> memref<128x64xf32, #tpu.memory_space<vmem>>
        %dma_start3A_856 = arith.constant 0 : i32
        %dma_start3A_857 = tpu.memref_slice %arg8[%run_scoped3A_786, %dma_start3A_856] : memref<8x128xi32, #tpu.memory_space<vmem>> -> memref<1x128xi32, #tpu.memory_space<vmem>>
        %dma_start3A_858 = tpu.memref_squeeze %dma_start3A_857 : memref<1x128xi32, #tpu.memory_space<vmem>> -> memref<128xi32, #tpu.memory_space<vmem>>
        %dma_start3A_859 = arith.constant 0 : i32
        %dma_start3A_860 = arith.constant 0 : i32
        %dma_start3A_861 = tpu.memref_slice %arg10[%dma_start3A_859, %dma_start3A_860] : memref<10112x64xf32, #tpu.memory_space<vmem_shared>> -> memref<10112x64xf32, #tpu.memory_space<vmem_shared>>
        tpu.enqueue_indirect_dma source(%dma_start3A_855 : memref<128x64xf32, #tpu.memory_space<vmem>>) target(%dma_start3A_861 : memref<10112x64xf32, #tpu.memory_space<vmem_shared>>) offsets(%dma_start3A_858 : memref<128xi32, #tpu.memory_space<vmem>>) semaphore(%run_scoped3A_852 : memref<!tpu.dma_semaphore, #tpu.memory_space<semaphore_mem>>) {add = true}
        %dma_wait3A_862 = arith.constant 768 : i32
        %dma_wait3A_863 = arith.constant 0 : i32
        %dma_wait3A_864 = tpu.memref_slice %arg9[%dma_wait3A_862, %dma_wait3A_863] : memref<1024x64xf32, #tpu.memory_space<vmem>> -> memref<128x64xf32, #tpu.memory_space<vmem>>
        %dma_wait3A_865 = arith.constant 0 : i32
        %dma_wait3A_866 = tpu.memref_slice %arg8[%run_scoped3A_786, %dma_wait3A_865] : memref<8x128xi32, #tpu.memory_space<vmem>> -> memref<1x128xi32, #tpu.memory_space<vmem>>
        %dma_wait3A_867 = tpu.memref_squeeze %dma_wait3A_866 : memref<1x128xi32, #tpu.memory_space<vmem>> -> memref<128xi32, #tpu.memory_space<vmem>>
        %dma_wait3A_868 = arith.constant 0 : i32
        %dma_wait3A_869 = arith.constant 0 : i32
        %dma_wait3A_870 = tpu.memref_slice %arg10[%dma_wait3A_868, %dma_wait3A_869] : memref<10112x64xf32, #tpu.memory_space<vmem_shared>> -> memref<10112x64xf32, #tpu.memory_space<vmem_shared>>
        tpu.wait_indirect_dma semaphore(%run_scoped3A_852 : memref<!tpu.dma_semaphore, #tpu.memory_space<semaphore_mem>>) src(%dma_wait3A_864 : memref<128x64xf32, #tpu.memory_space<vmem>>) dst(%dma_wait3A_870 : memref<10112x64xf32, #tpu.memory_space<vmem_shared>>)
        tpu.yield
      }) : () -> ()
      %mul3A_787 = arith.constant 8 : i32
      %mul3A_788 = arith.muli %scan3A_338, %mul3A_787 : i32
      %add3A_789 = arith.constant 7 : i32
      %add3A_790 = arith.addi %mul3A_788, %add3A_789 : i32
      %add3A_791 = arith.constant 4 : i32
      %add3A_792 = arith.addi %add3A_790, %add3A_791 : i32
      %jit3A_793 = arith.constant 8 : i32
      %eq3A_794 = arith.constant 0 : i32
      %eq3A_795 = arith.cmpi eq, %jit3A_793, %eq3A_794 : i32
      %jit3A_796 = arith.constant 1 : i32
      %select_n3A_797 = arith.select %eq3A_795, %jit3A_796, %jit3A_793 : i32
      %rem3A_798 = arith.remsi %add3A_792, %select_n3A_797 : i32
      %ne3A_799 = arith.constant 0 : i32
      %ne3A_800 = arith.cmpi ne, %rem3A_798, %ne3A_799 : i32
      %lt3A_801 = arith.constant 0 : i32
      %lt3A_802 = arith.cmpi slt, %rem3A_798, %lt3A_801 : i32
      %lt3A_803 = arith.constant 0 : i32
      %lt3A_804 = arith.cmpi slt, %select_n3A_797, %lt3A_803 : i32
      %ne3A_805 = arith.xori %lt3A_802, %lt3A_804 : i1
      %and3A_806 = arith.andi %ne3A_805, %ne3A_800 : i1
      %add3A_807 = arith.addi %rem3A_798, %select_n3A_797 : i32
      %select_n3A_808 = arith.select %and3A_806, %add3A_807, %rem3A_798 : i32
      %lt3A_809 = arith.constant 160 : i32
      %lt3A_810 = arith.cmpi slt, %add3A_792, %lt3A_809 : i32
      %convert_element_type3A_811 = arith.extui %lt3A_810 : i1 to i32
      %cond3A_812 = arith.constant 0 : i32
      %cond3A_813 = arith.cmpi ne, %convert_element_type3A_811, %cond3A_812 : i32
      scf.if %cond3A_813 {
        %add3A_852 = arith.addi %mul3A_0, %add3A_792 : i32
        %dma_start3A_853 = arith.constant 0 : i32
        %dma_start3A_854 = tpu.memref_slice %arg8[%select_n3A_808, %dma_start3A_853] : memref<8x128xi32, #tpu.memory_space<vmem>> -> memref<1x128xi32, #tpu.memory_space<vmem>>
        %dma_start3A_855 = tpu.memref_squeeze %dma_start3A_854 : memref<1x128xi32, #tpu.memory_space<vmem>> -> memref<128xi32, #tpu.memory_space<vmem>>
        %dma_start3A_856 = arith.constant 0 : i32
        %dma_start3A_857 = tpu.memref_slice %arg5[%add3A_852, %dma_start3A_856] : memref<2560x128xi32, #tpu.memory_space<hbm>> -> memref<1x128xi32, #tpu.memory_space<hbm>>
        %dma_start3A_858 = tpu.memref_squeeze %dma_start3A_857 : memref<1x128xi32, #tpu.memory_space<hbm>> -> memref<128xi32, #tpu.memory_space<hbm>>
        %dma_start3A_859 = tpu.memref_slice %arg12[%select_n3A_808] : memref<8x!tpu.dma_semaphore, #tpu.memory_space<semaphore_mem>> -> memref<1x!tpu.dma_semaphore, #tpu.memory_space<semaphore_mem>>
        %dma_start3A_860 = tpu.memref_squeeze %dma_start3A_859 : memref<1x!tpu.dma_semaphore, #tpu.memory_space<semaphore_mem>> -> memref<!tpu.dma_semaphore, #tpu.memory_space<semaphore_mem>>
        %dma_start3A_861 = arith.constant 0 : i32
        %dma_start3A_862 = tpu.memref_slice %arg8[%select_n3A_808, %dma_start3A_861] : memref<8x128xi32, #tpu.memory_space<vmem>> -> memref<1x128xi32, #tpu.memory_space<vmem>>
        %dma_start3A_863 = tpu.memref_squeeze %dma_start3A_862 : memref<1x128xi32, #tpu.memory_space<vmem>> -> memref<128xi32, #tpu.memory_space<vmem>>
        %dma_start3A_864 = arith.constant 0 : i32
        %dma_start3A_865 = tpu.memref_slice %arg5[%add3A_852, %dma_start3A_864] : memref<2560x128xi32, #tpu.memory_space<hbm>> -> memref<1x128xi32, #tpu.memory_space<hbm>>
        %dma_start3A_866 = tpu.memref_squeeze %dma_start3A_865 : memref<1x128xi32, #tpu.memory_space<hbm>> -> memref<128xi32, #tpu.memory_space<hbm>>
        tpu.enqueue_dma source(%dma_start3A_866 : memref<128xi32, #tpu.memory_space<hbm>>) target(%dma_start3A_863 : memref<128xi32, #tpu.memory_space<vmem>>) target_semaphore(%dma_start3A_860 : memref<!tpu.dma_semaphore, #tpu.memory_space<semaphore_mem>>)
        %add3A_867 = arith.addi %mul3A_0, %add3A_792 : i32
        %dma_wait3A_868 = arith.constant 0 : i32
        %dma_wait3A_869 = tpu.memref_slice %arg7[%select_n3A_808, %dma_wait3A_868] : memref<8x128xi32, #tpu.memory_space<vmem>> -> memref<1x128xi32, #tpu.memory_space<vmem>>
        %dma_wait3A_870 = tpu.memref_squeeze %dma_wait3A_869 : memref<1x128xi32, #tpu.memory_space<vmem>> -> memref<128xi32, #tpu.memory_space<vmem>>
        %dma_wait3A_871 = arith.constant 0 : i32
        %dma_wait3A_872 = tpu.memref_slice %arg4[%add3A_867, %dma_wait3A_871] : memref<2560x128xi32, #tpu.memory_space<hbm>> -> memref<1x128xi32, #tpu.memory_space<hbm>>
        %dma_wait3A_873 = tpu.memref_squeeze %dma_wait3A_872 : memref<1x128xi32, #tpu.memory_space<hbm>> -> memref<128xi32, #tpu.memory_space<hbm>>
        %dma_wait3A_874 = tpu.memref_slice %arg11[%select_n3A_808] : memref<8x!tpu.dma_semaphore, #tpu.memory_space<semaphore_mem>> -> memref<1x!tpu.dma_semaphore, #tpu.memory_space<semaphore_mem>>
        %dma_wait3A_875 = tpu.memref_squeeze %dma_wait3A_874 : memref<1x!tpu.dma_semaphore, #tpu.memory_space<semaphore_mem>> -> memref<!tpu.dma_semaphore, #tpu.memory_space<semaphore_mem>>
        %dma_wait3A_876 = arith.constant 0 : i32
        %dma_wait3A_877 = tpu.memref_slice %arg7[%select_n3A_808, %dma_wait3A_876] : memref<8x128xi32, #tpu.memory_space<vmem>> -> memref<1x128xi32, #tpu.memory_space<vmem>>
        %dma_wait3A_878 = tpu.memref_squeeze %dma_wait3A_877 : memref<1x128xi32, #tpu.memory_space<vmem>> -> memref<128xi32, #tpu.memory_space<vmem>>
        %dma_wait3A_879 = arith.constant 0 : i32
        %dma_wait3A_880 = tpu.memref_slice %arg4[%add3A_867, %dma_wait3A_879] : memref<2560x128xi32, #tpu.memory_space<hbm>> -> memref<1x128xi32, #tpu.memory_space<hbm>>
        %dma_wait3A_881 = tpu.memref_squeeze %dma_wait3A_880 : memref<1x128xi32, #tpu.memory_space<hbm>> -> memref<128xi32, #tpu.memory_space<hbm>>
        tpu.wait_dma2 semaphore(%dma_wait3A_875 : memref<!tpu.dma_semaphore, #tpu.memory_space<semaphore_mem>>) src(%dma_wait3A_881 : memref<128xi32, #tpu.memory_space<hbm>>) dst(%dma_wait3A_878 : memref<128xi32, #tpu.memory_space<vmem>>)
        %mul3A_882 = arith.constant 128 : i32
        %mul3A_883 = arith.muli %select_n3A_808, %mul3A_882 : i32
        %eq3A_884 = arith.constant 0 : i32
        %eq3A_885 = arith.cmpi eq, %arg0, %eq3A_884 : i32
        %convert_element_type3A_886 = arith.extui %eq3A_885 : i1 to i32
        %cond3A_887 = arith.constant 0 : i32
        %cond3A_888 = arith.cmpi ne, %convert_element_type3A_886, %cond3A_887 : i32
        scf.if %cond3A_888 {
          %dma_start3A_894 = arith.constant 0 : i32
          %dma_start3A_895 = tpu.memref_slice %arg9[%mul3A_883, %dma_start3A_894] : memref<1024x64xf32, #tpu.memory_space<vmem>> -> memref<128x64xf32, #tpu.memory_space<vmem>>
          %dma_start3A_896 = arith.constant 0 : i32
          %dma_start3A_897 = tpu.memref_slice %arg7[%select_n3A_808, %dma_start3A_896] : memref<8x128xi32, #tpu.memory_space<vmem>> -> memref<1x128xi32, #tpu.memory_space<vmem>>
          %dma_start3A_898 = tpu.memref_squeeze %dma_start3A_897 : memref<1x128xi32, #tpu.memory_space<vmem>> -> memref<128xi32, #tpu.memory_space<vmem>>
          %dma_start3A_899 = arith.constant 0 : i32
          %dma_start3A_900 = arith.constant 0 : i32
          %dma_start3A_901 = tpu.memref_slice %arg2[%dma_start3A_899, %dma_start3A_900] : memref<10000x64xf32, #tpu.memory_space<hbm>> -> memref<10000x64xf32, #tpu.memory_space<hbm>>
          %dma_start3A_902 = tpu.memref_slice %arg13[%select_n3A_808] : memref<8x!tpu.dma_semaphore, #tpu.memory_space<semaphore_mem>> -> memref<1x!tpu.dma_semaphore, #tpu.memory_space<semaphore_mem>>
          %dma_start3A_903 = tpu.memref_squeeze %dma_start3A_902 : memref<1x!tpu.dma_semaphore, #tpu.memory_space<semaphore_mem>> -> memref<!tpu.dma_semaphore, #tpu.memory_space<semaphore_mem>>
          tpu.enqueue_indirect_dma source(%dma_start3A_901 : memref<10000x64xf32, #tpu.memory_space<hbm>>) target(%dma_start3A_895 : memref<128x64xf32, #tpu.memory_space<vmem>>) offsets(%dma_start3A_898 : memref<128xi32, #tpu.memory_space<vmem>>) semaphore(%dma_start3A_903 : memref<!tpu.dma_semaphore, #tpu.memory_space<semaphore_mem>>)
        } else {
        }
        %eq3A_889 = arith.constant 1 : i32
        %eq3A_890 = arith.cmpi eq, %arg0, %eq3A_889 : i32
        %convert_element_type3A_891 = arith.extui %eq3A_890 : i1 to i32
        %cond3A_892 = arith.constant 0 : i32
        %cond3A_893 = arith.cmpi ne, %convert_element_type3A_891, %cond3A_892 : i32
        scf.if %cond3A_893 {
          %dma_start3A_894 = arith.constant 0 : i32
          %dma_start3A_895 = tpu.memref_slice %arg9[%mul3A_883, %dma_start3A_894] : memref<1024x64xf32, #tpu.memory_space<vmem>> -> memref<128x64xf32, #tpu.memory_space<vmem>>
          %dma_start3A_896 = arith.constant 0 : i32
          %dma_start3A_897 = tpu.memref_slice %arg7[%select_n3A_808, %dma_start3A_896] : memref<8x128xi32, #tpu.memory_space<vmem>> -> memref<1x128xi32, #tpu.memory_space<vmem>>
          %dma_start3A_898 = tpu.memref_squeeze %dma_start3A_897 : memref<1x128xi32, #tpu.memory_space<vmem>> -> memref<128xi32, #tpu.memory_space<vmem>>
          %dma_start3A_899 = arith.constant 0 : i32
          %dma_start3A_900 = arith.constant 0 : i32
          %dma_start3A_901 = tpu.memref_slice %arg3[%dma_start3A_899, %dma_start3A_900] : memref<10000x64xf32, #tpu.memory_space<hbm>> -> memref<10000x64xf32, #tpu.memory_space<hbm>>
          %dma_start3A_902 = tpu.memref_slice %arg13[%select_n3A_808] : memref<8x!tpu.dma_semaphore, #tpu.memory_space<semaphore_mem>> -> memref<1x!tpu.dma_semaphore, #tpu.memory_space<semaphore_mem>>
          %dma_start3A_903 = tpu.memref_squeeze %dma_start3A_902 : memref<1x!tpu.dma_semaphore, #tpu.memory_space<semaphore_mem>> -> memref<!tpu.dma_semaphore, #tpu.memory_space<semaphore_mem>>
          tpu.enqueue_indirect_dma source(%dma_start3A_901 : memref<10000x64xf32, #tpu.memory_space<hbm>>) target(%dma_start3A_895 : memref<128x64xf32, #tpu.memory_space<vmem>>) offsets(%dma_start3A_898 : memref<128xi32, #tpu.memory_space<vmem>>) semaphore(%dma_start3A_903 : memref<!tpu.dma_semaphore, #tpu.memory_space<semaphore_mem>>)
        } else {
        }
      } else {
      }
      %dma_wait3A_814 = arith.constant 7 : i32
      %dma_wait3A_815 = arith.constant 7 : i32
      %dma_wait3A_816 = arith.constant 896 : i32
      %dma_wait3A_817 = arith.constant 0 : i32
      %dma_wait3A_818 = tpu.memref_slice %arg9[%dma_wait3A_816, %dma_wait3A_817] : memref<1024x64xf32, #tpu.memory_space<vmem>> -> memref<128x64xf32, #tpu.memory_space<vmem>>
      %dma_wait3A_819 = arith.constant 0 : i32
      %dma_wait3A_820 = tpu.memref_slice %arg7[%dma_wait3A_814, %dma_wait3A_819] : memref<8x128xi32, #tpu.memory_space<vmem>> -> memref<1x128xi32, #tpu.memory_space<vmem>>
      %dma_wait3A_821 = tpu.memref_squeeze %dma_wait3A_820 : memref<1x128xi32, #tpu.memory_space<vmem>> -> memref<128xi32, #tpu.memory_space<vmem>>
      %dma_wait3A_822 = arith.constant 0 : i32
      %dma_wait3A_823 = arith.constant 0 : i32
      %dma_wait3A_824 = tpu.memref_slice %arg2[%dma_wait3A_822, %dma_wait3A_823] : memref<10000x64xf32, #tpu.memory_space<hbm>> -> memref<10000x64xf32, #tpu.memory_space<hbm>>
      %dma_wait3A_825 = tpu.memref_slice %arg13[%dma_wait3A_815] : memref<8x!tpu.dma_semaphore, #tpu.memory_space<semaphore_mem>> -> memref<1x!tpu.dma_semaphore, #tpu.memory_space<semaphore_mem>>
      %dma_wait3A_826 = tpu.memref_squeeze %dma_wait3A_825 : memref<1x!tpu.dma_semaphore, #tpu.memory_space<semaphore_mem>> -> memref<!tpu.dma_semaphore, #tpu.memory_space<semaphore_mem>>
      tpu.wait_indirect_dma semaphore(%dma_wait3A_826 : memref<!tpu.dma_semaphore, #tpu.memory_space<semaphore_mem>>) src(%dma_wait3A_824 : memref<10000x64xf32, #tpu.memory_space<hbm>>) dst(%dma_wait3A_818 : memref<128x64xf32, #tpu.memory_space<vmem>>)
      %add3A_827 = arith.constant 8 : i32
      %add3A_828 = arith.addi %add3A_790, %add3A_827 : i32
      %lt3A_829 = arith.constant 160 : i32
      %lt3A_830 = arith.cmpi slt, %add3A_828, %lt3A_829 : i32
      %convert_element_type3A_831 = arith.extui %lt3A_830 : i1 to i32
      %cond3A_832 = arith.constant 0 : i32
      %cond3A_833 = arith.cmpi ne, %convert_element_type3A_831, %cond3A_832 : i32
      scf.if %cond3A_833 {
        %add3A_852 = arith.addi %mul3A_0, %add3A_828 : i32
        %dma_start3A_853 = arith.constant 7 : i32
        %dma_start3A_854 = arith.constant 7 : i32
        %dma_start3A_855 = arith.constant 0 : i32
        %dma_start3A_856 = tpu.memref_slice %arg7[%dma_start3A_853, %dma_start3A_855] : memref<8x128xi32, #tpu.memory_space<vmem>> -> memref<1x128xi32, #tpu.memory_space<vmem>>
        %dma_start3A_857 = tpu.memref_squeeze %dma_start3A_856 : memref<1x128xi32, #tpu.memory_space<vmem>> -> memref<128xi32, #tpu.memory_space<vmem>>
        %dma_start3A_858 = arith.constant 0 : i32
        %dma_start3A_859 = tpu.memref_slice %arg4[%add3A_852, %dma_start3A_858] : memref<2560x128xi32, #tpu.memory_space<hbm>> -> memref<1x128xi32, #tpu.memory_space<hbm>>
        %dma_start3A_860 = tpu.memref_squeeze %dma_start3A_859 : memref<1x128xi32, #tpu.memory_space<hbm>> -> memref<128xi32, #tpu.memory_space<hbm>>
        %dma_start3A_861 = tpu.memref_slice %arg11[%dma_start3A_854] : memref<8x!tpu.dma_semaphore, #tpu.memory_space<semaphore_mem>> -> memref<1x!tpu.dma_semaphore, #tpu.memory_space<semaphore_mem>>
        %dma_start3A_862 = tpu.memref_squeeze %dma_start3A_861 : memref<1x!tpu.dma_semaphore, #tpu.memory_space<semaphore_mem>> -> memref<!tpu.dma_semaphore, #tpu.memory_space<semaphore_mem>>
        %dma_start3A_863 = arith.constant 0 : i32
        %dma_start3A_864 = tpu.memref_slice %arg7[%dma_start3A_853, %dma_start3A_863] : memref<8x128xi32, #tpu.memory_space<vmem>> -> memref<1x128xi32, #tpu.memory_space<vmem>>
        %dma_start3A_865 = tpu.memref_squeeze %dma_start3A_864 : memref<1x128xi32, #tpu.memory_space<vmem>> -> memref<128xi32, #tpu.memory_space<vmem>>
        %dma_start3A_866 = arith.constant 0 : i32
        %dma_start3A_867 = tpu.memref_slice %arg4[%add3A_852, %dma_start3A_866] : memref<2560x128xi32, #tpu.memory_space<hbm>> -> memref<1x128xi32, #tpu.memory_space<hbm>>
        %dma_start3A_868 = tpu.memref_squeeze %dma_start3A_867 : memref<1x128xi32, #tpu.memory_space<hbm>> -> memref<128xi32, #tpu.memory_space<hbm>>
        tpu.enqueue_dma source(%dma_start3A_868 : memref<128xi32, #tpu.memory_space<hbm>>) target(%dma_start3A_865 : memref<128xi32, #tpu.memory_space<vmem>>) target_semaphore(%dma_start3A_862 : memref<!tpu.dma_semaphore, #tpu.memory_space<semaphore_mem>>)
      } else {
      }
      %add3A_834 = arith.addi %mul3A_0, %add3A_790 : i32
      %dma_wait3A_835 = arith.constant 7 : i32
      %dma_wait3A_836 = arith.constant 7 : i32
      %dma_wait3A_837 = arith.constant 0 : i32
      %dma_wait3A_838 = tpu.memref_slice %arg8[%dma_wait3A_835, %dma_wait3A_837] : memref<8x128xi32, #tpu.memory_space<vmem>> -> memref<1x128xi32, #tpu.memory_space<vmem>>
      %dma_wait3A_839 = tpu.memref_squeeze %dma_wait3A_838 : memref<1x128xi32, #tpu.memory_space<vmem>> -> memref<128xi32, #tpu.memory_space<vmem>>
      %dma_wait3A_840 = arith.constant 0 : i32
      %dma_wait3A_841 = tpu.memref_slice %arg5[%add3A_834, %dma_wait3A_840] : memref<2560x128xi32, #tpu.memory_space<hbm>> -> memref<1x128xi32, #tpu.memory_space<hbm>>
      %dma_wait3A_842 = tpu.memref_squeeze %dma_wait3A_841 : memref<1x128xi32, #tpu.memory_space<hbm>> -> memref<128xi32, #tpu.memory_space<hbm>>
      %dma_wait3A_843 = tpu.memref_slice %arg12[%dma_wait3A_836] : memref<8x!tpu.dma_semaphore, #tpu.memory_space<semaphore_mem>> -> memref<1x!tpu.dma_semaphore, #tpu.memory_space<semaphore_mem>>
      %dma_wait3A_844 = tpu.memref_squeeze %dma_wait3A_843 : memref<1x!tpu.dma_semaphore, #tpu.memory_space<semaphore_mem>> -> memref<!tpu.dma_semaphore, #tpu.memory_space<semaphore_mem>>
      %dma_wait3A_845 = arith.constant 0 : i32
      %dma_wait3A_846 = tpu.memref_slice %arg8[%dma_wait3A_835, %dma_wait3A_845] : memref<8x128xi32, #tpu.memory_space<vmem>> -> memref<1x128xi32, #tpu.memory_space<vmem>>
      %dma_wait3A_847 = tpu.memref_squeeze %dma_wait3A_846 : memref<1x128xi32, #tpu.memory_space<vmem>> -> memref<128xi32, #tpu.memory_space<vmem>>
      %dma_wait3A_848 = arith.constant 0 : i32
      %dma_wait3A_849 = tpu.memref_slice %arg5[%add3A_834, %dma_wait3A_848] : memref<2560x128xi32, #tpu.memory_space<hbm>> -> memref<1x128xi32, #tpu.memory_space<hbm>>
      %dma_wait3A_850 = tpu.memref_squeeze %dma_wait3A_849 : memref<1x128xi32, #tpu.memory_space<hbm>> -> memref<128xi32, #tpu.memory_space<hbm>>
      tpu.wait_dma2 semaphore(%dma_wait3A_844 : memref<!tpu.dma_semaphore, #tpu.memory_space<semaphore_mem>>) src(%dma_wait3A_850 : memref<128xi32, #tpu.memory_space<hbm>>) dst(%dma_wait3A_847 : memref<128xi32, #tpu.memory_space<vmem>>)
      %run_scoped3A_851 = arith.constant 7 : i32
      "tpu.region"() ({
        %run_scoped3A_852 = tpu.sem_alloc : memref<!tpu.dma_semaphore, #tpu.memory_space<semaphore_mem>>
        %dma_start3A_853 = arith.constant 896 : i32
        %dma_start3A_854 = arith.constant 0 : i32
        %dma_start3A_855 = tpu.memref_slice %arg9[%dma_start3A_853, %dma_start3A_854] : memref<1024x64xf32, #tpu.memory_space<vmem>> -> memref<128x64xf32, #tpu.memory_space<vmem>>
        %dma_start3A_856 = arith.constant 0 : i32
        %dma_start3A_857 = tpu.memref_slice %arg8[%run_scoped3A_851, %dma_start3A_856] : memref<8x128xi32, #tpu.memory_space<vmem>> -> memref<1x128xi32, #tpu.memory_space<vmem>>
        %dma_start3A_858 = tpu.memref_squeeze %dma_start3A_857 : memref<1x128xi32, #tpu.memory_space<vmem>> -> memref<128xi32, #tpu.memory_space<vmem>>
        %dma_start3A_859 = arith.constant 0 : i32
        %dma_start3A_860 = arith.constant 0 : i32
        %dma_start3A_861 = tpu.memref_slice %arg10[%dma_start3A_859, %dma_start3A_860] : memref<10112x64xf32, #tpu.memory_space<vmem_shared>> -> memref<10112x64xf32, #tpu.memory_space<vmem_shared>>
        tpu.enqueue_indirect_dma source(%dma_start3A_855 : memref<128x64xf32, #tpu.memory_space<vmem>>) target(%dma_start3A_861 : memref<10112x64xf32, #tpu.memory_space<vmem_shared>>) offsets(%dma_start3A_858 : memref<128xi32, #tpu.memory_space<vmem>>) semaphore(%run_scoped3A_852 : memref<!tpu.dma_semaphore, #tpu.memory_space<semaphore_mem>>) {add = true}
        %dma_wait3A_862 = arith.constant 896 : i32
        %dma_wait3A_863 = arith.constant 0 : i32
        %dma_wait3A_864 = tpu.memref_slice %arg9[%dma_wait3A_862, %dma_wait3A_863] : memref<1024x64xf32, #tpu.memory_space<vmem>> -> memref<128x64xf32, #tpu.memory_space<vmem>>
        %dma_wait3A_865 = arith.constant 0 : i32
        %dma_wait3A_866 = tpu.memref_slice %arg8[%run_scoped3A_851, %dma_wait3A_865] : memref<8x128xi32, #tpu.memory_space<vmem>> -> memref<1x128xi32, #tpu.memory_space<vmem>>
        %dma_wait3A_867 = tpu.memref_squeeze %dma_wait3A_866 : memref<1x128xi32, #tpu.memory_space<vmem>> -> memref<128xi32, #tpu.memory_space<vmem>>
        %dma_wait3A_868 = arith.constant 0 : i32
        %dma_wait3A_869 = arith.constant 0 : i32
        %dma_wait3A_870 = tpu.memref_slice %arg10[%dma_wait3A_868, %dma_wait3A_869] : memref<10112x64xf32, #tpu.memory_space<vmem_shared>> -> memref<10112x64xf32, #tpu.memory_space<vmem_shared>>
        tpu.wait_indirect_dma semaphore(%run_scoped3A_852 : memref<!tpu.dma_semaphore, #tpu.memory_space<semaphore_mem>>) src(%dma_wait3A_864 : memref<128x64xf32, #tpu.memory_space<vmem>>) dst(%dma_wait3A_870 : memref<10112x64xf32, #tpu.memory_space<vmem_shared>>)
        tpu.yield
      }) : () -> ()
    }
    %scan3A_336 = arith.constant 20 : i32
    %barrier3A_337 = arith.constant 0 : index
    tpu.barrier barrier_id(%barrier3A_337)
    "tpu.region"() ({
      %run_scoped3A = tpu.sem_alloc : memref<!tpu.dma_semaphore, #tpu.memory_space<semaphore_mem>>
      %dma_start3A_338 = arith.constant 0 : i32
      %dma_start3A_339 = tpu.memref_slice %arg6[%arg0, %mul3A_8, %dma_start3A_338] : memref<2x10112x64xf32, #tpu.memory_space<hbm>> -> memref<1x632x64xf32, #tpu.memory_space<hbm>>
      %dma_start3A_340 = tpu.memref_squeeze %dma_start3A_339 : memref<1x632x64xf32, #tpu.memory_space<hbm>> -> memref<632x64xf32, #tpu.memory_space<hbm>>
      %dma_start3A_341 = arith.constant 0 : i32
      %dma_start3A_342 = tpu.memref_slice %arg10[%mul3A_8, %dma_start3A_341] : memref<10112x64xf32, #tpu.memory_space<vmem_shared>> -> memref<632x64xf32, #tpu.memory_space<vmem_shared>>
      tpu.enqueue_dma source(%dma_start3A_342 : memref<632x64xf32, #tpu.memory_space<vmem_shared>>) target(%dma_start3A_340 : memref<632x64xf32, #tpu.memory_space<hbm>>) target_semaphore(%run_scoped3A : memref<!tpu.dma_semaphore, #tpu.memory_space<semaphore_mem>>)
      %dma_wait3A_343 = arith.constant 0 : i32
      %dma_wait3A_344 = tpu.memref_slice %arg6[%arg0, %mul3A_8, %dma_wait3A_343] : memref<2x10112x64xf32, #tpu.memory_space<hbm>> -> memref<1x632x64xf32, #tpu.memory_space<hbm>>
      %dma_wait3A_345 = tpu.memref_squeeze %dma_wait3A_344 : memref<1x632x64xf32, #tpu.memory_space<hbm>> -> memref<632x64xf32, #tpu.memory_space<hbm>>
      %dma_wait3A_346 = arith.constant 0 : i32
      %dma_wait3A_347 = tpu.memref_slice %arg10[%mul3A_8, %dma_wait3A_346] : memref<10112x64xf32, #tpu.memory_space<vmem_shared>> -> memref<632x64xf32, #tpu.memory_space<vmem_shared>>
      tpu.wait_dma2 semaphore(%run_scoped3A : memref<!tpu.dma_semaphore, #tpu.memory_space<semaphore_mem>>) src(%dma_wait3A_347 : memref<632x64xf32, #tpu.memory_space<vmem_shared>>) dst(%dma_wait3A_345 : memref<632x64xf32, #tpu.memory_space<hbm>>)
      tpu.yield
    }) : () -> ()
    return
  }
}

module attributes {stable_mosaic.version = 14 : i64} {
  func.func @_presplit_body(%arg0: memref<10000x128xf32, #tpu.memory_space<vmem>>, %arg1: memref<10000x64xf32, #tpu.memory_space<vmem>>, %arg2: memref<10000x64xf32, #tpu.memory_space<vmem>>) attributes {dimension_semantics = [], scalar_prefetch = 0 : i64, scratch_operands = 0 : i64, tpu.core_type = #tpu.core_type<tc>} {
    %get3A = arith.constant 0 : index
    %get3A_0 = arith.constant 0 : index
    %get3A_1 = vector.load %arg0[%get3A, %get3A_0] : memref<10000x128xf32, #tpu.memory_space<vmem>>, vector<10000x128xf32>
    %slice3A = vector.extract_strided_slice %get3A_1 {offsets = [0, 0], sizes = [10000, 64], strides = [1, 1]} : vector<10000x128xf32> to vector<10000x64xf32>
    %swap3A = arith.constant 0 : index
    %swap3A_2 = arith.constant 0 : index
    %swap3A_3 = vector.load %arg1[%swap3A, %swap3A_2] : memref<10000x64xf32, #tpu.memory_space<vmem>>, vector<10000x64xf32>
    tpu.vector_store %arg1[%swap3A, %swap3A_2], %slice3A {strides = array<i32>} : memref<10000x64xf32, #tpu.memory_space<vmem>>, vector<10000x64xf32>,
    %slice3A_4 = vector.extract_strided_slice %get3A_1 {offsets = [0, 64], sizes = [10000, 64], strides = [1, 1]} : vector<10000x128xf32> to vector<10000x64xf32>
    %swap3A_5 = arith.constant 0 : index
    %swap3A_6 = arith.constant 0 : index
    %swap3A_7 = vector.load %arg2[%swap3A_5, %swap3A_6] : memref<10000x64xf32, #tpu.memory_space<vmem>>, vector<10000x64xf32>
    tpu.vector_store %arg2[%swap3A_5, %swap3A_6], %slice3A_4 {strides = array<i32>} : memref<10000x64xf32, #tpu.memory_space<vmem>>, vector<10000x64xf32>,
    return
  }
}

module attributes {stable_mosaic.version = 14 : i64} {
  func.func @_dense1_body(%arg0: memref<10000x128xf32, #tpu.memory_space<vmem>>, %arg1: memref<2x10112x64xf32, #tpu.memory_space<vmem>>, %arg2: memref<128x32xf32, #tpu.memory_space<vmem>>, %arg3: memref<1x32xf32, #tpu.memory_space<vmem>>, %arg4: memref<32x32xf32, #tpu.memory_space<vmem>>, %arg5: memref<1x32xf32, #tpu.memory_space<vmem>>, %arg6: memref<1x32xf32, #tpu.memory_space<vmem>>, %arg7: memref<1x32xf32, #tpu.memory_space<vmem>>, %arg8: memref<10000x32xf32, #tpu.memory_space<vmem>>) attributes {dimension_semantics = [], scalar_prefetch = 0 : i64, scratch_operands = 0 : i64, tpu.core_type = #tpu.core_type<tc>} {
    %get3A = arith.constant 0 : index
    %get3A_0 = arith.constant 0 : index
    %get3A_1 = arith.constant 0 : index
    %get3A_2 = vector.load %arg1[%get3A, %get3A_0, %get3A_1] : memref<2x10112x64xf32, #tpu.memory_space<vmem>>, vector<2x10112x64xf32>
    %slice3A = vector.extract_strided_slice %get3A_2 {offsets = [0, 0, 0], sizes = [1, 10000, 64], strides = [1, 1, 1]} : vector<2x10112x64xf32> to vector<1x10000x64xf32>
    %squeeze3A = vector.shape_cast %slice3A : vector<1x10000x64xf32> to vector<10000x64xf32>
    %slice3A_3 = vector.extract_strided_slice %get3A_2 {offsets = [1, 0, 0], sizes = [1, 10000, 64], strides = [1, 1, 1]} : vector<2x10112x64xf32> to vector<1x10000x64xf32>
    %squeeze3A_4 = vector.shape_cast %slice3A_3 : vector<1x10000x64xf32> to vector<10000x64xf32>
    %concatenate3A = tpu.concatenate %squeeze3A, %squeeze3A_4 in 1 : vector<10000x64xf32>, vector<10000x64xf32> -> vector<10000x128xf32>
    %get3A_5 = arith.constant 0 : index
    %get3A_6 = arith.constant 0 : index
    %get3A_7 = vector.load %arg0[%get3A_5, %get3A_6] : memref<10000x128xf32, #tpu.memory_space<vmem>>, vector<10000x128xf32>
    %add3A = arith.addf %get3A_7, %concatenate3A : vector<10000x128xf32>
    %get3A_8 = arith.constant 0 : index
    %get3A_9 = arith.constant 0 : index
    %get3A_10 = vector.load %arg2[%get3A_8, %get3A_9] : memref<128x32xf32, #tpu.memory_space<vmem>>, vector<128x32xf32>
    %dot_general3A = arith.constant dense<0.000000e+00> : vector<10000x32xf32>
    %dot_general3A_11 = tpu.matmul %add3A, %get3A_10, %dot_general3A {dimension_numbers = #tpu.dot_dimension_numbers<[1], [0], [0], [1], [0, 0, 1, 1], [], []>, transpose_lhs_hint = false} : vector<10000x128xf32>, vector<128x32xf32>, vector<10000x32xf32> -> vector<10000x32xf32>
    %get3A_12 = arith.constant 0 : index
    %get3A_13 = arith.constant 0 : index
    %get3A_14 = vector.load %arg3[%get3A_12, %get3A_13] : memref<1x32xf32, #tpu.memory_space<vmem>>, vector<1x32xf32>
    %add3A_15 = vector.broadcast %get3A_14 : vector<1x32xf32> to vector<10000x32xf32>
    %add3A_16 = arith.addf %dot_general3A_11, %add3A_15 : vector<10000x32xf32>
    %max3A = arith.constant 0.000000e+00 : f32
    %max3A_17 = vector.broadcast %max3A : f32 to vector<10000x32xf32>
    %max3A_18 = arith.maximumf %add3A_16, %max3A_17 : vector<10000x32xf32>
    %get3A_19 = arith.constant 0 : index
    %get3A_20 = arith.constant 0 : index
    %get3A_21 = vector.load %arg4[%get3A_19, %get3A_20] : memref<32x32xf32, #tpu.memory_space<vmem>>, vector<32x32xf32>
    %dot_general3A_22 = arith.constant dense<0.000000e+00> : vector<10000x32xf32>
    %dot_general3A_23 = tpu.matmul %max3A_18, %get3A_21, %dot_general3A_22 {dimension_numbers = #tpu.dot_dimension_numbers<[1], [0], [0], [1], [0, 0, 1, 1], [], []>, transpose_lhs_hint = false} : vector<10000x32xf32>, vector<32x32xf32>, vector<10000x32xf32> -> vector<10000x32xf32>
    %get3A_24 = arith.constant 0 : index
    %get3A_25 = arith.constant 0 : index
    %get3A_26 = vector.load %arg5[%get3A_24, %get3A_25] : memref<1x32xf32, #tpu.memory_space<vmem>>, vector<1x32xf32>
    %add3A_27 = vector.broadcast %get3A_26 : vector<1x32xf32> to vector<10000x32xf32>
    %add3A_28 = arith.addf %dot_general3A_23, %add3A_27 : vector<10000x32xf32>
    %max3A_29 = arith.constant 0.000000e+00 : f32
    %max3A_30 = vector.broadcast %max3A_29 : f32 to vector<10000x32xf32>
    %max3A_31 = arith.maximumf %add3A_28, %max3A_30 : vector<10000x32xf32>
    %get3A_32 = arith.constant 0 : index
    %get3A_33 = arith.constant 0 : index
    %get3A_34 = vector.load %arg6[%get3A_32, %get3A_33] : memref<1x32xf32, #tpu.memory_space<vmem>>, vector<1x32xf32>
    %get3A_35 = arith.constant 0 : index
    %get3A_36 = arith.constant 0 : index
    %get3A_37 = vector.load %arg7[%get3A_35, %get3A_36] : memref<1x32xf32, #tpu.memory_space<vmem>>, vector<1x32xf32>
    %reduce_sum3A = arith.constant dense<0.000000e+00> : vector<32xf32>
    %reduce_sum3A_38 = vector.multi_reduction <add>, %max3A_31, %reduce_sum3A [0] : vector<10000x32xf32> to vector<32xf32>
    %broadcast_in_dim3A = vector.shape_cast %reduce_sum3A_38 : vector<32xf32> to vector<1x32xf32>
    %div3A = arith.constant 1.000000e+04 : f32
    %div3A_39 = vector.broadcast %div3A : f32 to vector<1x32xf32>
    %div3A_40 = arith.divf %broadcast_in_dim3A, %div3A_39 : vector<1x32xf32>
    %sub3A = vector.broadcast %div3A_40 : vector<1x32xf32> to vector<10000x32xf32>
    %sub3A_41 = arith.subf %max3A_31, %sub3A : vector<10000x32xf32>
    %integer_pow3A = arith.mulf %sub3A_41, %sub3A_41 : vector<10000x32xf32>
    %reduce_sum3A_42 = arith.constant dense<0.000000e+00> : vector<32xf32>
    %reduce_sum3A_43 = vector.multi_reduction <add>, %integer_pow3A, %reduce_sum3A_42 [0] : vector<10000x32xf32> to vector<32xf32>
    %broadcast_in_dim3A_44 = vector.shape_cast %reduce_sum3A_43 : vector<32xf32> to vector<1x32xf32>
    %div3A_45 = arith.constant 1.000000e+04 : f32
    %div3A_46 = vector.broadcast %div3A_45 : f32 to vector<1x32xf32>
    %div3A_47 = arith.divf %broadcast_in_dim3A_44, %div3A_46 : vector<1x32xf32>
    %sub3A_48 = vector.broadcast %div3A_40 : vector<1x32xf32> to vector<10000x32xf32>
    %sub3A_49 = arith.subf %max3A_31, %sub3A_48 : vector<10000x32xf32>
    %add3A_50 = arith.constant 9.99999974E-6 : f32
    %add3A_51 = vector.broadcast %add3A_50 : f32 to vector<1x32xf32>
    %add3A_52 = arith.addf %div3A_47, %add3A_51 : vector<1x32xf32>
    %sqrt3A = math.sqrt %add3A_52 : vector<1x32xf32>
    %div3A_53 = vector.broadcast %sqrt3A : vector<1x32xf32> to vector<10000x32xf32>
    %div3A_54 = arith.divf %sub3A_49, %div3A_53 : vector<10000x32xf32>
    %mul3A = vector.broadcast %get3A_34 : vector<1x32xf32> to vector<10000x32xf32>
    %mul3A_55 = arith.mulf %div3A_54, %mul3A : vector<10000x32xf32>
    %add3A_56 = vector.broadcast %get3A_37 : vector<1x32xf32> to vector<10000x32xf32>
    %add3A_57 = arith.addf %mul3A_55, %add3A_56 : vector<10000x32xf32>
    %swap3A = arith.constant 0 : index
    %swap3A_58 = arith.constant 0 : index
    %swap3A_59 = vector.load %arg8[%swap3A, %swap3A_58] : memref<10000x32xf32, #tpu.memory_space<vmem>>, vector<10000x32xf32>
    tpu.vector_store %arg8[%swap3A, %swap3A_58], %add3A_57 {strides = array<i32>} : memref<10000x32xf32, #tpu.memory_space<vmem>>, vector<10000x32xf32>,
    return
  }
}

module attributes {stable_mosaic.version = 14 : i64} {
  func.func @_dense2_body(%arg0: memref<10000x32xf32, #tpu.memory_space<vmem>>, %arg1: memref<2x10112x32xf32, #tpu.memory_space<vmem>>, %arg2: memref<32x32xf32, #tpu.memory_space<vmem>>, %arg3: memref<1x32xf32, #tpu.memory_space<vmem>>, %arg4: memref<32x128xf32, #tpu.memory_space<vmem>>, %arg5: memref<1x128xf32, #tpu.memory_space<vmem>>, %arg6: memref<1x128xf32, #tpu.memory_space<vmem>>, %arg7: memref<1x128xf32, #tpu.memory_space<vmem>>, %arg8: memref<10000x128xf32, #tpu.memory_space<vmem>>) attributes {dimension_semantics = [], scalar_prefetch = 0 : i64, scratch_operands = 0 : i64, tpu.core_type = #tpu.core_type<tc>} {
    %get3A = arith.constant 0 : index
    %get3A_0 = arith.constant 0 : index
    %get3A_1 = arith.constant 0 : index
    %get3A_2 = vector.load %arg1[%get3A, %get3A_0, %get3A_1] : memref<2x10112x32xf32, #tpu.memory_space<vmem>>, vector<2x10112x32xf32>
    %get3A_3 = arith.constant 0 : index
    %get3A_4 = arith.constant 0 : index
    %get3A_5 = vector.load %arg0[%get3A_3, %get3A_4] : memref<10000x32xf32, #tpu.memory_space<vmem>>, vector<10000x32xf32>
    %slice3A = vector.extract_strided_slice %get3A_2 {offsets = [0, 0, 0], sizes = [1, 10000, 32], strides = [1, 1, 1]} : vector<2x10112x32xf32> to vector<1x10000x32xf32>
    %squeeze3A = vector.shape_cast %slice3A : vector<1x10000x32xf32> to vector<10000x32xf32>
    %add3A = arith.addf %get3A_5, %squeeze3A : vector<10000x32xf32>
    %slice3A_6 = vector.extract_strided_slice %get3A_2 {offsets = [1, 0, 0], sizes = [1, 10000, 32], strides = [1, 1, 1]} : vector<2x10112x32xf32> to vector<1x10000x32xf32>
    %squeeze3A_7 = vector.shape_cast %slice3A_6 : vector<1x10000x32xf32> to vector<10000x32xf32>
    %add3A_8 = arith.addf %add3A, %squeeze3A_7 : vector<10000x32xf32>
    %get3A_9 = arith.constant 0 : index
    %get3A_10 = arith.constant 0 : index
    %get3A_11 = vector.load %arg2[%get3A_9, %get3A_10] : memref<32x32xf32, #tpu.memory_space<vmem>>, vector<32x32xf32>
    %dot_general3A = arith.constant dense<0.000000e+00> : vector<10000x32xf32>
    %dot_general3A_12 = tpu.matmul %add3A_8, %get3A_11, %dot_general3A {dimension_numbers = #tpu.dot_dimension_numbers<[1], [0], [0], [1], [0, 0, 1, 1], [], []>, transpose_lhs_hint = false} : vector<10000x32xf32>, vector<32x32xf32>, vector<10000x32xf32> -> vector<10000x32xf32>
    %get3A_13 = arith.constant 0 : index
    %get3A_14 = arith.constant 0 : index
    %get3A_15 = vector.load %arg3[%get3A_13, %get3A_14] : memref<1x32xf32, #tpu.memory_space<vmem>>, vector<1x32xf32>
    %add3A_16 = vector.broadcast %get3A_15 : vector<1x32xf32> to vector<10000x32xf32>
    %add3A_17 = arith.addf %dot_general3A_12, %add3A_16 : vector<10000x32xf32>
    %max3A = arith.constant 0.000000e+00 : f32
    %max3A_18 = vector.broadcast %max3A : f32 to vector<10000x32xf32>
    %max3A_19 = arith.maximumf %add3A_17, %max3A_18 : vector<10000x32xf32>
    %get3A_20 = arith.constant 0 : index
    %get3A_21 = arith.constant 0 : index
    %get3A_22 = vector.load %arg4[%get3A_20, %get3A_21] : memref<32x128xf32, #tpu.memory_space<vmem>>, vector<32x128xf32>
    %dot_general3A_23 = arith.constant dense<0.000000e+00> : vector<10000x128xf32>
    %dot_general3A_24 = tpu.matmul %max3A_19, %get3A_22, %dot_general3A_23 {dimension_numbers = #tpu.dot_dimension_numbers<[1], [0], [0], [1], [0, 0, 1, 1], [], []>, transpose_lhs_hint = false} : vector<10000x32xf32>, vector<32x128xf32>, vector<10000x128xf32> -> vector<10000x128xf32>
    %get3A_25 = arith.constant 0 : index
    %get3A_26 = arith.constant 0 : index
    %get3A_27 = vector.load %arg5[%get3A_25, %get3A_26] : memref<1x128xf32, #tpu.memory_space<vmem>>, vector<1x128xf32>
    %add3A_28 = vector.broadcast %get3A_27 : vector<1x128xf32> to vector<10000x128xf32>
    %add3A_29 = arith.addf %dot_general3A_24, %add3A_28 : vector<10000x128xf32>
    %max3A_30 = arith.constant 0.000000e+00 : f32
    %max3A_31 = vector.broadcast %max3A_30 : f32 to vector<10000x128xf32>
    %max3A_32 = arith.maximumf %add3A_29, %max3A_31 : vector<10000x128xf32>
    %get3A_33 = arith.constant 0 : index
    %get3A_34 = arith.constant 0 : index
    %get3A_35 = vector.load %arg6[%get3A_33, %get3A_34] : memref<1x128xf32, #tpu.memory_space<vmem>>, vector<1x128xf32>
    %get3A_36 = arith.constant 0 : index
    %get3A_37 = arith.constant 0 : index
    %get3A_38 = vector.load %arg7[%get3A_36, %get3A_37] : memref<1x128xf32, #tpu.memory_space<vmem>>, vector<1x128xf32>
    %reduce_sum3A = arith.constant dense<0.000000e+00> : vector<128xf32>
    %reduce_sum3A_39 = vector.multi_reduction <add>, %max3A_32, %reduce_sum3A [0] : vector<10000x128xf32> to vector<128xf32>
    %broadcast_in_dim3A = vector.shape_cast %reduce_sum3A_39 : vector<128xf32> to vector<1x128xf32>
    %div3A = arith.constant 1.000000e+04 : f32
    %div3A_40 = vector.broadcast %div3A : f32 to vector<1x128xf32>
    %div3A_41 = arith.divf %broadcast_in_dim3A, %div3A_40 : vector<1x128xf32>
    %sub3A = vector.broadcast %div3A_41 : vector<1x128xf32> to vector<10000x128xf32>
    %sub3A_42 = arith.subf %max3A_32, %sub3A : vector<10000x128xf32>
    %integer_pow3A = arith.mulf %sub3A_42, %sub3A_42 : vector<10000x128xf32>
    %reduce_sum3A_43 = arith.constant dense<0.000000e+00> : vector<128xf32>
    %reduce_sum3A_44 = vector.multi_reduction <add>, %integer_pow3A, %reduce_sum3A_43 [0] : vector<10000x128xf32> to vector<128xf32>
    %broadcast_in_dim3A_45 = vector.shape_cast %reduce_sum3A_44 : vector<128xf32> to vector<1x128xf32>
    %div3A_46 = arith.constant 1.000000e+04 : f32
    %div3A_47 = vector.broadcast %div3A_46 : f32 to vector<1x128xf32>
    %div3A_48 = arith.divf %broadcast_in_dim3A_45, %div3A_47 : vector<1x128xf32>
    %sub3A_49 = vector.broadcast %div3A_41 : vector<1x128xf32> to vector<10000x128xf32>
    %sub3A_50 = arith.subf %max3A_32, %sub3A_49 : vector<10000x128xf32>
    %add3A_51 = arith.constant 9.99999974E-6 : f32
    %add3A_52 = vector.broadcast %add3A_51 : f32 to vector<1x128xf32>
    %add3A_53 = arith.addf %div3A_48, %add3A_52 : vector<1x128xf32>
    %sqrt3A = math.sqrt %add3A_53 : vector<1x128xf32>
    %div3A_54 = vector.broadcast %sqrt3A : vector<1x128xf32> to vector<10000x128xf32>
    %div3A_55 = arith.divf %sub3A_50, %div3A_54 : vector<10000x128xf32>
    %mul3A = vector.broadcast %get3A_35 : vector<1x128xf32> to vector<10000x128xf32>
    %mul3A_56 = arith.mulf %div3A_55, %mul3A : vector<10000x128xf32>
    %add3A_57 = vector.broadcast %get3A_38 : vector<1x128xf32> to vector<10000x128xf32>
    %add3A_58 = arith.addf %mul3A_56, %add3A_57 : vector<10000x128xf32>
    %swap3A = arith.constant 0 : index
    %swap3A_59 = arith.constant 0 : index
    %swap3A_60 = vector.load %arg8[%swap3A, %swap3A_59] : memref<10000x128xf32, #tpu.memory_space<vmem>>, vector<10000x128xf32>
    tpu.vector_store %arg8[%swap3A, %swap3A_59], %add3A_58 {strides = array<i32>} : memref<10000x128xf32, #tpu.memory_space<vmem>>, vector<10000x128xf32>,
    return
  }
}

</mosaic_0001>

<sc_bundles>
// kernel: kernel.10.cloned.1.call-start
scs
__scs_entry_jumppad:
0x0: {  	(pc) =	sbr.rel $0x88, $3  }
0x1: {  	(tag) =	ssettag $0x0;
	lr =	simm.s32 $0x1  }
0x2: {  	[smem:$0x3F93] =	sst lr;
	_ =	strace $0xD0000000  }
0x3: {  	_ = 	snop  }
0x4: {  	_ = 	snop  }
0x5: {  	_ = 	snop  }
0x6: {  	_ = 	snop  }
0x7: {  	_ = 	snop  }
__scs_overlays_trampoline_lowered:
0x8: {  	[smem:$0x3FA2] =	sst s0  }
0x9: {  	[smem:$0x3FA3] =	sst s1  }
0xa: {  	[smem:$0x3FA4] =	sst s2  }
0xb: {  	[smem:$0x3FA5] =	sst s3  }
0xc: {  	[smem:$0x3FA6] =	sst s4  }
0xd: {  	[smem:$0x3FA7] =	sst s5  }
0xe: {  	[smem:$0x3FA8] =	sst s6  }
0xf: {  	[smem:$0x3FA9] =	sst s7  }
0x10: {  	[smem:$0x3FAA] =	sst s8  }
0x11: {  	[smem:$0x3FAB] =	sst s9;
	s0 =	simm.s32 @!p0 $0x0  }
0x12: {  	s1 =	sld [smem:$0x3F91];
	s0 =	simm.s32 @p0 $0x1  }
0x13: {  	[smem:$0x3FAC] =	sst s0;
	s0 =	simm.s32 @!p1 $0x0  }
0x14: {  	s2 =	sld [smem:$0x3F90];
	s0 =	simm.s32 @p1 $0x1  }
0x15: {  	[smem:$0x3FAD] =	sst s0;
	s0 =	simm.s32 @!p2 $0x0  }
0x16: {  	s3 =	sld [smem:$0x3FDB];
	s0 =	simm.s32 @p2 $0x1  }
0x17: {  	s4 =	simm.s32 $0x1BF5;
	[smem:$0x3FAF] =	sst s0  }
0x18: {  	s0 =	sld [smem:$0x3F92];
	_ =	swait.ge [sflag:s4], $0x0  }
0x19: {  	s7 =	sld [smem:$0x3F93]  }
0x1a: {  	s8 =	sadd.s32 $0xFFFFE003, lr  }
0x1b: {  	s9 =	sadd.s32 $0xFFFFFEF7, lr;
	s5 =	simm.s32 $0xFFFFFFFF;
	p2 =	slt.u32 s8, $0xFFFFF086  }
0x1c: {  	p1 =	slt.u32 s9, $0xF7A;
	s5 =	simm.s32 @!p2 $0x0  }
0x1d: {  	s5 =	simm.s32 @p1 $0x1;
	p0 =	seq.s32 s7, s2  }
0x1e: {  	s7 =	smul.u32 @!p0 $0xF7A, s2;
	p2 =	seq.s32 @!p0 s5, $0x0  }
0x1f: {  	s9 =	smul.u32 $0xF7A, s1;
	s8 =	simm.s32 @!p0 $0x1BF5;
	p2 =	por !p2, p0  }
0x20: {  	[sflag:s8] =	ssyncset.s32 @!p0 $0xFFFFF086;
	s6 =	sadd.s32 @!p0 s3, s7;
	s7 =	simm.s32 @!p0 $0x108  }
0x21: {  	s3 =	sadd.s32 s3, s9;
	s6 =	sadd.s32 @!p0 $0x88, s6;
	s7 =	simm.s32 @p2 $0x1082  }
0x22: {  	[simem:s7], [sflag:s8] =	dma.local @!p0 [hbm:s6], $0xF7A  }
0x23: {  	s9 =	sor.u32 $0xD0000000, s2;
	s6 =	simm.s32 $0x108;
	_ =	swait.ge @!p0 [sflag:s8], $0x0  }
0x24: {  	s3 =	sadd.s32 $0x88, s3;
	s6 =	simm.s32 @!p1 $0x1082;
	[sflag:s4] =	ssyncset.s32 $0xFFFFF086  }
0x25: {  	[simem:s6], [sflag:s4] =	dma.local [hbm:s3], $0xF7A  }
0x26: {  	[smem:$0x3F93] =	sst s1;
	(tag) =	ssettag s2;
	_ =	strace s9  }
0x27: {  	s1 =	sld [smem:$0x3FA3]  }
0x28: {  	s2 =	sld [smem:$0x3FA4]  }
0x29: {  	s4 =	sld [smem:$0x3FA6]  }
0x2a: {  	p0 =	seq.s32 s5, $0x0;
	s5 =	sld [smem:$0x3FA7]  }
0x2b: {  	s6 =	sld [smem:$0x3FA8]  }
0x2c: {  	s7 =	sld [smem:$0x3FA9]  }
0x2d: {  	s3 =	simm.s32 $0x108;
	s8 =	sld [smem:$0x3FAA]  }
0x2e: {  	s3 =	simm.s32 @!p0 $0x1082;
	s9 =	sld [smem:$0x3FAB]  }
0x2f: {  	lr =	sadd.s32 s0, s3;
	s0 =	sld [smem:$0x3FA2]  }
0x30: {  	s3 =	sld [smem:$0x3FA5]  }
0x31: {  	[smem:$0x3FAE] =	sst s10  }
0x32: {  	s10 =	sld [smem:$0x3FAC];
	_ =	sdelay $0x3  }
0x33: {  	p0 =	seq.s32 s10, $0x1;
	s10 =	sld [smem:$0x3FAE];
	_ =	sdelay $0x3  }
0x34: {  	[smem:$0x3FAE] =	sst s10  }
0x35: {  	s10 =	sld [smem:$0x3FAD];
	_ =	sdelay $0x3  }
0x36: {  	p1 =	seq.s32 s10, $0x1;
	s10 =	sld [smem:$0x3FAE];
	_ =	sdelay $0x3  }
0x37: {  	[smem:$0x3FAE] =	sst s10  }
0x38: {  	s10 =	sld [smem:$0x3FAF]  }
0x39: {  	_ = 	snop;
	(pc) =	sbr.ind lr, $3  }
0x3a: {  	_ = 	snop  }
0x3b: {  	_ = 	snop  }
0x3c: {  	p2 =	seq.s32 s10, $0x1;
	s10 =	sld [smem:$0x3FAE]  }
0x3d: {  	_ =	shalt  }
0x3e: {  	_ =	shalt  }
0x3f: {  	_ =	shalt  }
0x40: {  	_ =	shalt  }
0x41: {  	_ =	shalt  }
0x42: {  	_ =	shalt  }
0x43: {  	_ =	shalt  }
0x44: {  	_ =	shalt  }
0x45: {  	_ =	shalt  }
0x46: {  	_ =	shalt  }
0x47: {  	_ =	shalt  }
0x48: {  	_ =	shalt  }
0x49: {  	_ =	shalt  }
0x4a: {  	_ =	shalt  }
0x4b: {  	_ =	shalt  }
0x4c: {  	_ =	shalt  }
0x4d: {  	_ =	shalt  }
0x4e: {  	_ =	shalt  }
0x4f: {  	_ =	shalt  }
0x50: {  	_ =	shalt  }
0x51: {  	_ =	shalt  }
0x52: {  	_ =	shalt  }
0x53: {  	_ =	shalt  }
0x54: {  	_ =	shalt  }
0x55: {  	_ =	shalt  }
0x56: {  	_ =	shalt  }
0x57: {  	_ =	shalt  }
0x58: {  	_ =	shalt  }
0x59: {  	_ =	shalt  }
0x5a: {  	_ =	shalt  }
0x5b: {  	_ =	shalt  }
0x5c: {  	_ =	shalt  }
0x5d: {  	_ =	shalt  }
0x5e: {  	_ =	shalt  }
0x5f: {  	_ =	shalt  }
0x60: {  	_ =	shalt  }
0x61: {  	_ =	shalt  }
0x62: {  	_ =	shalt  }
0x63: {  	_ =	shalt  }
0x64: {  	_ =	shalt  }
0x65: {  	_ =	shalt  }
0x66: {  	_ =	shalt  }
0x67: {  	_ =	shalt  }
0x68: {  	_ =	shalt  }
0x69: {  	_ =	shalt  }
0x6a: {  	_ =	shalt  }
0x6b: {  	_ =	shalt  }
0x6c: {  	_ =	shalt  }
0x6d: {  	_ =	shalt  }
0x6e: {  	_ =	shalt  }
0x6f: {  	_ =	shalt  }
0x70: {  	_ =	shalt  }
0x71: {  	_ =	shalt  }
0x72: {  	_ =	shalt  }
0x73: {  	_ =	shalt  }
0x74: {  	_ =	shalt  }
0x75: {  	_ =	shalt  }
0x76: {  	_ =	shalt  }
0x77: {  	_ =	shalt  }
0x78: {  	_ =	shalt  }
0x79: {  	_ =	shalt  }
0x7a: {  	_ =	shalt  }
0x7b: {  	_ =	shalt  }
0x7c: {  	_ =	shalt  }
0x7d: {  	_ =	shalt  }
0x7e: {  	_ =	shalt  }
0x7f: {  	_ =	shalt  }
0x80: {  	_ =	shalt  }
0x81: {  	_ =	shalt  }
0x82: {  	_ =	shalt  }
0x83: {  	_ =	shalt  }
0x84: {  	_ =	shalt  }
0x85: {  	_ =	shalt  }
0x86: {  	_ =	shalt  }
0x87: {  	_ =	shalt  }
.Lfunc_end0:
.L_simem_size_0:
called_computation.1_lowered:
.L_overlay_start_0:
0x88: {  	s2 =	sld [smem:$0x3FD9]  }
0x89: {  	s3 =	sld [smem:$0x3FFE];
	_ =	sdelay $0x1  }
0x8a: {  	s1 =	srdreg.scid  }
0x8b: {  	s0 =	sand.u32 $0x1, s1  }
0x8c: {  	s17 =	sshll.u32 s0, $0xA;
	s2 =	sadd.s32 s3, s2  }
0x8d: {  	s2 =	sadd.s32 s2, s17  }
0x8e: {  	[smem:$0x3FBA] =	sst s2  }
0x8f: {  	_ = 	snop  }
0x90: {  	s2 =	sld [smem:$0x3FD0];
	(tm) =	ssettm $0x1  }
0x91: {  	s18 =	sld [smem:$0x3FFB];
	_ =	sdelay $0x3  }
0x92: {  	_ =	strace s18  }
0x93: {  	s3 =	sld [smem:$0x3FFC];
	_ =	sdelay $0x3  }
0x94: {  	_ =	strace s3  }
0x95: {  	s3 =	sld [smem:$0x3FFD];
	_ =	sdelay $0x3  }
0x96: {  	_ =	strace s3  }
0x97: {  	_ =	strace $0x8FFFFFFF  }
0x98: {  	s19 =	sld [smem:$0x3FDB];
	_ =	sdelay $0x1  }
0x99: {  	s4 =	simm.s32 $_scs_section_size  }
0x9a: {  	s5 =	simm.s32 $_size__tile_overlayer_lowered;
	s6 =	simm.s32 $_tile_overlayer_lowered  }
0x9b: {  	s22 =	simm.s32 $0x1BFF;
	s21 =	sshll.u32 s6, $0x1;
	s3 =	sadd.s32 s4, s19  }
0x9c: {  	s7 =	simm.s32 $0x0;
	s20 =	sshll.u32 s5, $0x1;
	s5 =	sadd.s32 s21, s3  }
0x9d: {  	[timem:s7], [sflag:s22] =	dma.local [hbm:s5], s20  }
0x9e: {  	_ =	swait.ge [sflag:s22], s20  }
0x9f: {  	s4 =	ssub.s32 $0x0, s20;
	[sflag:s22] =	ssyncset.done $0x0  }
0xa0: {  	[sflag:s22] =	ssyncadd.s32 s4;
	_ =	sdelay $0x1  }
0xa1: {  	s23 =	simm.s32 $0x1B8B  }
0xa2: {  	_ =	swait.ge [sflag:s23], $0x1  }
0xa3: {  	[sflag:s23] =	ssyncset.done $0x0  }
0xa4: {  	s25 =	simm.s32 $0x1B8E;
	s24 =	sld [smem:$0x3FFE];
	[sflag:s23] =	ssyncadd.s32 $0xFFFFFFFF  }
0xa5: {  	s26 =	simm.s32 $execute0_lowered;
	[smem:$0x3FD2] =	sst s25  }
0xa6: {  	s5 =	sshll.u32 s26, $0x1;
	_ =	strace $0x80000049;
	[dreg:$0x1] =	wrdreg $0xFFFFFFFF  }
0xa7: {  	s28 =	simm.s32 $_size_execute0_lowered;
	s3 =	sadd.s32 s3, s5;
	[dreg:$0x0] =	wrdreg $0x0  }
0xa8: {  	s5 =	sshll.u32 s28, $0x1;
	[dreg:$0x2] =	wrdreg s3  }
0xa9: {  	[dreg:$0x3] =	wrdreg s5  }
0xaa: {  	[dreg:$0x4] =	wrdreg $0xC0  }
0xab: {  	_ =	task [dreg:s7], $0x5FFFF  }
0xac: {  	[dreg:$0x1] =	wrdreg $0xFFFFFFFF  }
0xad: {  	[dreg:$0x0] =	wrdreg $0x60  }
0xae: {  	[dreg:$0x2] =	wrdreg s24  }
0xaf: {  	[dreg:$0x3] =	wrdreg s2  }
0xb0: {  	[dreg:$0x4] =	wrdreg $0x88000  }
0xb1: {  	[dreg:$0x5] =	wrdreg $0x9  }
0xb2: {  	_ =	task.clear_ibuf [dreg:s7], $0x6FFFF;
	_ =	strace $0x90000049  }
0xb3: {  	s29 =	simm.s32 $0x9;
	_ =	strace $0x8000004B  }
0xb4: {  	_ =	swait.ge [sflag:s29], $0x1  }
0xb5: {  	[sflag:s29] =	ssyncadd.s32 $0xFFFFFFFF  }
0xb6: {  	_ =	strace $0x9000004B  }
0xb7: {  	_ =	sfence  }
0xb8: {  	s30 =	sld [smem:$0x0];
	_ =	sdelay $0x2  }
0xb9: {  	s31 =	sshll.u32 s1, $0xD;
	s1 =	sshrl.u32 s1, $0x2  }
0xba: {  	s3 =	sand.u32 $0x4000, s31;
	s1 =	sadd.s32 s1, s30  }
0xbb: {  	s0 =	sor.u32 s3, s0;
	s1 =	sshll.u32 s1, $0x11  }
0xbc: {  	s0 =	sor.u32 s1, s0  }
0xbd: {  	s0 =	sadd.s32 $0x8F2B, s0  }
0xbe: {  	[sflag:s0] =	ssyncadd.remote.s32 $0x1  }
0xbf: {  	_ =	sfence.sel $0xFFFF  }
0xc0: {  	[dreg:$0x0] =	wrdreg $0xFFFFFFFF;
	(pc) =	sbr.abs _section_cstart, $3  }
0xc1: {  	[dreg:$0x1] =	wrdreg $0xFFFFFFFF  }
0xc2: {  	_ =	task.clear_ibuf [dreg:s7], $0x2FFFF;
	_ =	strace $0x9FFFFFFF  }
0xc3: {  	(tm) =	ssettm $0x7FFFFFFF  }
tec
execute0_lowered:
.L_overlay_start_1:
0x0: {  	(tag) =	ssettag $0x1  }
0x1: {  	s0 =	rddreg [dreg:$0x0]  }
0x2: {  	s1 =	rddreg [dreg:$0x1]  }
0x3: {  	s2 =	rddreg [dreg:$0x2];
	s3 =	simm.s32 $0x0;
	s4 =	srdreg.scid  }
0x4: {  	s11 =	stileid.u32;
	s28 =	simm.s32 $0x800;
	[smem:$0x7FF] =	sst s3  }
0x5: {  	s5 =	sand.u32 $0x1, s4;
	s15 =	sshll.u32 s11, $0x1;
	s7 =	smul.u32 $0x4F00, s11  }
0x6: {  	s4 =	sadd.s32 $0x16200, s0;
	s9 =	sadd.s32 $0xC200, s0;
	s11 =	smul.u32 $0xA0, s11  }
0x7: {  	s6 =	sor.u32 s5, s15;
	s8 =	ssub.s32 $0x2, s5;
	s16 =	smul.u32 $0x50, s5  }
0x8: {  	_ =	strace $0x8000004A;
	s6 =	smul.u32 $0x500, s6;
	s10 =	sshrl.u32 s8, $0x1  }
0x9: {  	s5 =	smul.u32 $0x4F000, s5;
	s17 =	sadd.s32 s7, s2;
	s8 =	ssub.s32 s8, s10  }
0xa: {  	[dreg:$0xc] =	wrdreg s17;
	s18 =	sadd.s32 s9, s6;
	s12 =	sor.u32 $0x10, s6  }
0xb: {  	s14 =	sor.u32 $0x20, s6;
	s13 =	sadd.s32 s9, s12;
	[dreg:$0xd] =	wrdreg s18  }
0xc: {  	s15 =	sor.u32 $0x30, s6;
	s19 =	sadd.s32 s9, s14;
	[dreg:$0xe] =	wrdreg s13  }
0xd: {  	s10 =	sadd.s32 s16, s11;
	s20 =	sadd.s32 s9, s15;
	[dreg:$0xf] =	wrdreg s19  }
0xe: {  	s5 =	sadd.s32 s7, s5;
	s21 =	sadd.s32 $0x40, s18;
	[dreg:$0x10] =	wrdreg s20  }
0xf: {  	s5 =	sshrl.u32 s5, $0x3;
	s22 =	sadd.s32 $0x50, s18;
	[dreg:$0x11] =	wrdreg s21  }
0x10: {  	s10 =	sshll.u32 s10, $0x4;
	s1 =	sadd.s32 s1, s5;
	[dreg:$0x12] =	wrdreg s22  }
0x11: {  	s11 =	sadd.s32 s10, s9;
	s5 =	sadd.s32 $0x60, s18;
	[dreg:$0x13] =	wrdreg s1  }
0x12: {  	s0 =	sadd.s32 $0x2200, s0;
	s23 =	sadd.s32 $0xE0, s11;
	[dreg:$0x14] =	wrdreg s5  }
0x13: {  	s26 =	sor.u32 $0x80, s10;
	s16 =	sadd.s32 $0xC0, s11;
	[dreg:$0x4] =	wrdreg s23  }
0x14: {  	s30 =	simm.s32 $0x200;
	s31 =	sadd.s32 s26, s0;
	[dreg:$0x5] =	wrdreg s16  }
0x15: {  	s29 =	simm.s32 $0xB;
	s19 =	sadd.s32 $0x70, s18;
	[dreg:$0x8] =	wrdreg s31  }
0x16: {  	s13 =	sadd.s32 s10, s0;
	s20 =	sadd.s32 s0, s6;
	[dreg:$0x15] =	wrdreg s19  }
0x17: {  	s21 =	sadd.s32 s0, s12;
	s22 =	sadd.s32 s0, s14;
	[dreg:$0x16] =	wrdreg s20  }
0x18: {  	s18 =	simm.s32 $0x280;
	s5 =	simm.s32 $0x700;
	[dreg:$0x17] =	wrdreg s21  }
0x19: {  	s1 =	simm.s32 $0x0;
	s24 =	sadd.s32 $0x60, s13;
	[dreg:$0x18] =	wrdreg s22  }
0x1a: {  	s25 =	sadd.s32 $0x40, s13;
	s23 =	sadd.s32 s26, s9;
	[dreg:$0x6] =	wrdreg s24  }
0x1b: {  	s26 =	smax.u32 s8, $0x1;
	s21 =	simm.s32 $0x380;
	[dreg:$0x7] =	wrdreg s25  }
0x1c: {  	s22 =	simm.s32 $0x6800;
	s24 =	sor.u32 $0xA0, s10;
	[dreg:$0x9] =	wrdreg s23  }
0x1d: {  	s25 =	sadd.s32 s0, s15;
	[dreg:$0x1a] =	wrdreg s26;
	s23 =	simm.s32 $0x19  }
0x1e: {  	s26 =	simm.s32 $0x300;
	[dreg:$0x19] =	wrdreg s25;
	s0 =	sadd.s32 s24, s0  }
0x1f: {  	s31 =	sadd.s32 s24, s9;
	s24 =	simm.s32 $0x80;
	[dreg:$0xa] =	wrdreg s0  }
0x20: {  	v0 =	vimm.f32 $0.0e+00;
	s25 =	simm.s32 $0x4800;
	[dreg:$0xb] =	wrdreg s31;
	s0 =	simm.s32 $0x7800  }
.LBB2_1:
0x21: {  	[dreg:$0x1b] =	wrdreg s1;
	s9 =	simm.s32 $0x80;
	s14 =	simm.s32 $0x0  }
.LBB2_2:
0x22: {  	p0 =	sne.s32 s9, $0x13B80;
	[tilespmem:s14+$0x800] =	vst v0;
	s16 =	smov.u32 s9;
	s9 =	sadd.s32 $0x80, s9  }
.Ltmp0:
0x23: {  	[tilespmem:s14+$0x810] =	vst v0;
	(pc) =	sbr.rel @p0 .LBB2_2-.Ltmp0, $2  }
0x24: {  	_ =	sdelay $0x2  }
0x25: {  	s14 =	sshra.s32 s16, $0x2  }
0x26: {  	[tilespmem:s14+$0x800] =	vst v0  }
0x27: {  	[tilespmem:s14+$0x810] =	vst v0  }
0x28: {  	[spmem:s17] =	stream.linear.scatter [tilespmem:s28], [sflag:$0x19], $0x4F00, $0x38;
	[tilespmem:$0xD700] =	vst v63  }
0x29: {  	_ =	swait.ge [sflag:s23], $0x4F00  }
0x2a: {  	[sflag:s23] =	ssyncset.done $0x0  }
0x2b: {  	[sflag:s23] =	ssyncadd.s32 $0xFFFFB100  }
0x2c: {  	[bflag:$0x0] =	sbarrier.arrive $0xFFFF  }
0x2d: {  	s9 =	simm.s32 $0x0;
	s16 =	rddreg [dreg:$0xd]  }
0x2e: {  	[tilespmem:s9], [sflag:$0x1] =	stream.linear.gather [hbm4b:s16+s9], $0x80, $0x38;
	[tilespmem:$0xD700] =	vst v63  }
0x2f: {  	s17 =	rddreg [dreg:$0xe]  }
0x30: {  	[tilespmem:s24], [sflag:$0x2] =	stream.linear.gather [hbm4b:s17+s9], $0x80, $0x38;
	[tilespmem:$0xD700] =	vst v63  }
0x31: {  	s15 =	simm.s32 $0x100;
	s19 =	rddreg [dreg:$0xf]  }
0x32: {  	[tilespmem:s15], [sflag:$0x3] =	stream.linear.gather [hbm4b:s19+s9], $0x80, $0x38;
	[tilespmem:$0xD700] =	vst v63  }
0x33: {  	s20 =	rddreg [dreg:$0x10];
	s16 =	simm.s32 $0x180  }
0x34: {  	[tilespmem:s16], [sflag:$0x4] =	stream.linear.gather [hbm4b:s20+s9], $0x80, $0x38;
	[tilespmem:$0xD700] =	vst v63  }
0x35: {  	s1 =	rddreg [dreg:$0x11]  }
0x36: {  	[tilespmem:s30], [sflag:$0x5] =	stream.linear.gather [hbm4b:s1+s9], $0x80, $0x38;
	[tilespmem:$0xD700] =	vst v63  }
0x37: {  	s6 =	rddreg [dreg:$0x12]  }
0x38: {  	[tilespmem:s18], [sflag:$0x6] =	stream.linear.gather [hbm4b:s6+s9], $0x80, $0x38;
	[tilespmem:$0xD700] =	vst v63  }
0x39: {  	s7 =	rddreg [dreg:$0x14]  }
0x3a: {  	[tilespmem:s26], [sflag:$0x7] =	stream.linear.gather [hbm4b:s7+s9], $0x80, $0x38;
	[tilespmem:$0xD700] =	vst v63  }
0x3b: {  	s8 =	rddreg [dreg:$0x15]  }
0x3c: {  	[tilespmem:s21], [sflag:$0x8] =	stream.linear.gather [hbm4b:s8+s9], $0x80, $0x38;
	[tilespmem:$0xD700] =	vst v63  }
0x3d: {  	s10 =	rddreg [dreg:$0x16];
	s1 =	simm.s32 $0x400  }
0x3e: {  	[tilespmem:s1], [sflag:$0x9] =	stream.linear.gather [hbm4b:s10+s9], $0x80, $0x38;
	[tilespmem:$0xD700] =	vst v63  }
0x3f: {  	s12 =	rddreg [dreg:$0x17];
	s7 =	simm.s32 $0x480  }
0x40: {  	[tilespmem:s7], [sflag:$0xA] =	stream.linear.gather [hbm4b:s12+s9], $0x80, $0x38;
	[tilespmem:$0xD700] =	vst v63  }
0x41: {  	s17 =	rddreg [dreg:$0x18];
	s10 =	simm.s32 $0x500  }
0x42: {  	[tilespmem:s10], [sflag:$0xB] =	stream.linear.gather [hbm4b:s17+s9], $0x80, $0x38;
	[tilespmem:$0xD700] =	vst v63  }
0x43: {  	s19 =	rddreg [dreg:$0x19];
	s20 =	simm.s32 $0x580;
	s21 =	simm.s32 $0x1  }
0x44: {  	[tilespmem:s20], [sflag:$0xC] =	stream.linear.gather [hbm4b:s19+s9], $0x80, $0x38;
	[tilespmem:$0xD700] =	vst v63  }
0x45: {  	_ =	swait.ge [sflag:s21], $0x80  }
0x46: {  	[sflag:s21] =	ssyncset.done $0x0  }
0x47: {  	s6 =	simm.s32 $0x2;
	[sflag:s21] =	ssyncadd.s32 $0xFFFFFF80  }
0x48: {  	[tilespmem:s28], [sflag:$0x11] =	stream.indirect.gather [hbm4b:s4+s24], $0x20, s9, s24, $0xb8;
	[tilespmem:$0xD700] =	vst v63  }
0x49: {  	_ =	swait.ge [sflag:s6], $0x80  }
0x4a: {  	[sflag:s6] =	ssyncset.done $0x0  }
0x4b: {  	s8 =	simm.s32 $0x3;
	s17 =	simm.s32 $0x1800;
	[sflag:s6] =	ssyncadd.s32 $0xFFFFFF80  }
0x4c: {  	[tilespmem:s17], [sflag:$0x12] =	stream.indirect.gather [hbm4b:s4+s24], $0x20, s24, s24, $0xb8;
	[tilespmem:$0xD700] =	vst v63  }
0x4d: {  	_ =	swait.ge [sflag:s8], $0x80  }
0x4e: {  	[sflag:s8] =	ssyncset.done $0x0  }
0x4f: {  	s31 =	simm.s32 $0x2800;
	s12 =	simm.s32 $0x4;
	[sflag:s8] =	ssyncadd.s32 $0xFFFFFF80  }
0x50: {  	[tilespmem:s31], [sflag:$0x13] =	stream.indirect.gather [hbm4b:s4+s24], $0x20, s15, s24, $0xb8;
	[tilespmem:$0xD700] =	vst v63  }
0x51: {  	_ =	swait.ge [sflag:s12], $0x80  }
0x52: {  	[sflag:s12] =	ssyncset.done $0x0  }
0x53: {  	s19 =	simm.s32 $0x3800;
	s15 =	rddreg [dreg:$0x7];
	[sflag:s12] =	ssyncadd.s32 $0xFFFFFF80  }
0x54: {  	[tilespmem:s19], [sflag:$0x14] =	stream.indirect.gather [hbm4b:s4+s24], $0x20, s16, s24, $0xb8;
	[tilespmem:$0xD700] =	vst v63  }
0x55: {  	s6 =	simm.s32 $0x5;
	s9 =	sadd.s32 $0x0, s15;
	s15 =	simm.s32 $0x600  }
0x56: {  	[tilespmem:s15], [sflag:$0xD] =	stream.linear.gather [hbm4b:s9+s3], $0x80, $0x38;
	[tilespmem:$0xD700] =	vst v63  }
0x57: {  	_ =	swait.ge [sflag:s6], $0x80  }
0x58: {  	[sflag:s6] =	ssyncset.done $0x0  }
0x59: {  	s20 =	simm.s32 $0x11;
	s19 =	simm.s32 $0x4800;
	[sflag:s6] =	ssyncadd.s32 $0xFFFFFF80  }
0x5a: {  	[tilespmem:s19], [sflag:$0x15] =	stream.indirect.gather [hbm4b:s4+s24], $0x20, s30, s24, $0xb8;
	[tilespmem:$0xD700] =	vst v63  }
0x5b: {  	p0 =	por $0x0, $0x0;
	_ =	swait.ge [sflag:s20], $0x1000  }
0x5c: {  	s14 =	simm.s32 @!p0 $0x0;
	s9 =	rddreg [dreg:$0x9];
	[sflag:s20] =	ssyncset.done $0x0  }
0x5d: {  	s21 =	simm.s32 $0x9;
	[sflag:s20] =	ssyncadd.s32 $0xFFFFF000;
	s9 =	sadd.s32 @!p0 $0x0, s9  }
0x5e: {  	[tilespmem:s14], [sflag:$0x1] =	stream.linear.gather @!p0 [hbm4b:s9+s14], $0x80, $0x38;
	[tilespmem:$0xD700] =	vst v63  }
0x5f: {  	_ =	swait.ge [sflag:s21], $0x80  }
0x60: {  	[sflag:s21] =	ssyncset.done $0x0  }
0x61: {  	[sflag:s21] =	ssyncadd.s32 $0xFFFFFF80  }
0x62: {  	[spmem:s2] =	stream.indirect.scatter.add.f32 [tilespmem:s28], [sflag:$0x19], $0x20, s1, s24, $0xb8;
	[tilespmem:$0xD700] =	vst v63  }
0x63: {  	s16 =	sadd.s32 $0x0, s13;
	_ =	swait.ge [sflag:s23], $0x1000  }
0x64: {  	s8 =	sadd.s32 $0x50, s16;
	s6 =	simm.s32 $0x0;
	[sflag:s23] =	ssyncset.done $0x0  }
0x65: {  	s20 =	simm.s32 $0x680;
	s9 =	simm.s32 $0x6;
	[sflag:s23] =	ssyncadd.s32 $0xFFFFF000  }
0x66: {  	[tilespmem:s20], [sflag:$0xE] =	stream.linear.gather [hbm4b:s8+s6], $0x80, $0x38;
	[tilespmem:$0xD700] =	vst v63  }
0x67: {  	_ =	swait.ge [sflag:s9], $0x80  }
0x68: {  	[sflag:s9] =	ssyncset.done $0x0  }
0x69: {  	s3 =	simm.s32 $0x5800;
	s8 =	simm.s32 $0x12;
	[sflag:s9] =	ssyncadd.s32 $0xFFFFFF80  }
0x6a: {  	[tilespmem:s3], [sflag:$0x16] =	stream.indirect.gather [hbm4b:s4+s24], $0x20, s18, s24, $0xb8;
	[tilespmem:$0xD700] =	vst v63  }
0x6b: {  	_ =	swait.ge [sflag:s8], $0x1000  }
0x6c: {  	s12 =	simm.s32 $0xA;
	s18 =	sadd.s32 @!p0 $0x0, s11;
	[sflag:s8] =	ssyncset.done $0x0  }
0x6d: {  	s9 =	simm.s32 @!p0 $0x80;
	s21 =	sadd.s32 @!p0 $0x90, s18;
	[sflag:s8] =	ssyncadd.s32 $0xFFFFF000  }
0x6e: {  	[tilespmem:s9], [sflag:$0x2] =	stream.linear.gather @!p0 [hbm4b:s21+s14], $0x80, $0x38;
	[tilespmem:$0xD700] =	vst v63  }
0x6f: {  	_ =	swait.ge [sflag:s12], $0x80  }
0x70: {  	[sflag:s12] =	ssyncset.done $0x0  }
0x71: {  	[sflag:s12] =	ssyncadd.s32 $0xFFFFFF80  }
0x72: {  	[spmem:s2] =	stream.indirect.scatter.add.f32 [tilespmem:s17], [sflag:$0x19], $0x20, s7, s24, $0xb8;
	[tilespmem:$0xD700] =	vst v63  }
0x73: {  	_ =	swait.ge [sflag:s23], $0x1000  }
0x74: {  	s17 =	rddreg [dreg:$0x6];
	[sflag:s23] =	ssyncset.done $0x0  }
0x75: {  	[sflag:s23] =	ssyncadd.s32 $0xFFFFF000;
	s21 =	sadd.s32 $0x0, s17  }
0x76: {  	[tilespmem:s5], [sflag:$0xF] =	stream.linear.gather [hbm4b:s21+s6], $0x80, $0x38;
	[tilespmem:$0xD700] =	vst v63  }
0x77: {  	s21 =	simm.s32 $0x7  }
0x78: {  	_ =	swait.ge [sflag:s21], $0x80  }
0x79: {  	[sflag:s21] =	ssyncset.done $0x0  }
0x7a: {  	[sflag:s21] =	ssyncadd.s32 $0xFFFFFF80  }
0x7b: {  	[tilespmem:s22], [sflag:$0x17] =	stream.indirect.gather [hbm4b:s4+s24], $0x20, s26, s24, $0xb8;
	[tilespmem:$0xD700] =	vst v63  }
0x7c: {  	s22 =	simm.s32 $0x13  }
0x7d: {  	_ =	swait.ge [sflag:s22], $0x1000  }
0x7e: {  	s21 =	rddreg [dreg:$0xb];
	[sflag:s22] =	ssyncset.done $0x0  }
0x7f: {  	s26 =	simm.s32 @!p0 $0x100;
	[sflag:s22] =	ssyncadd.s32 $0xFFFFF000;
	s21 =	sadd.s32 @!p0 $0x0, s21  }
0x80: {  	[tilespmem:s26], [sflag:$0x3] =	stream.linear.gather @!p0 [hbm4b:s21+s14], $0x80, $0x38;
	[tilespmem:$0xD700] =	vst v63  }
0x81: {  	_ =	swait.ge [sflag:s29], $0x80  }
0x82: {  	[sflag:s29] =	ssyncset.done $0x0  }
0x83: {  	[sflag:s29] =	ssyncadd.s32 $0xFFFFFF80  }
0x84: {  	[spmem:s2] =	stream.indirect.scatter.add.f32 [tilespmem:s31], [sflag:$0x19], $0x20, s10, s24, $0xb8;
	[tilespmem:$0xD700] =	vst v63  }
0x85: {  	_ =	swait.ge [sflag:s23], $0x1000  }
0x86: {  	s16 =	sadd.s32 $0x70, s16;
	[sflag:s23] =	ssyncset.done $0x0  }
0x87: {  	s17 =	simm.s32 $0x780;
	s31 =	simm.s32 $0x8;
	[sflag:s23] =	ssyncadd.s32 $0xFFFFF000  }
0x88: {  	[tilespmem:s17], [sflag:$0x10] =	stream.linear.gather [hbm4b:s16+s6], $0x80, $0x38;
	[tilespmem:$0xD700] =	vst v63  }
0x89: {  	_ =	swait.ge [sflag:s31], $0x80  }
0x8a: {  	[sflag:s31] =	ssyncset.done $0x0  }
0x8b: {  	s1 =	simm.s32 $0x380;
	[sflag:s31] =	ssyncadd.s32 $0xFFFFFF80  }
0x8c: {  	[tilespmem:s0], [sflag:$0x18] =	stream.indirect.gather [hbm4b:s4+s24], $0x20, s1, s24, $0xb8;
	[tilespmem:$0xD700] =	vst v63  }
0x8d: {  	s0 =	simm.s32 $0x14  }
0x8e: {  	_ =	swait.ge [sflag:s0], $0x1000  }
0x8f: {  	[sflag:s0] =	ssyncset.done $0x0  }
0x90: {  	s16 =	simm.s32 @p0 $0xC;
	[sflag:s0] =	ssyncadd.s32 $0xFFFFF000  }
0x91: {  	_ =	swait.ge @p0 [sflag:s16], $0x80  }
0x92: {  	s21 =	simm.s32 @p0 $0x3800;
	[sflag:s16] =	ssyncset.done @p0 $0x0  }
0x93: {  	s26 =	simm.s32 @p0 $0x80;
	[sflag:s16] =	ssyncadd.s32 @p0 $0xFFFFFF80;
	s16 =	simm.s32 @p0 $0x580  }
0x94: {  	[spmem:s2] =	stream.indirect.scatter.add.f32 @p0 [tilespmem:s21], [sflag:$0x19], $0x20, s16, s26, $0xb8;
	[tilespmem:$0xD700] =	vst v63  }
0x95: {  	s16 =	simm.s32 @p0 $0x19  }
0x96: {  	_ =	swait.ge @p0 [sflag:s16], $0x1000  }
0x97: {  	[sflag:s16] =	ssyncset.done @p0 $0x0  }
0x98: {  	s21 =	simm.s32 @p0 $0x15;
	[sflag:s16] =	ssyncadd.s32 @p0 $0xFFFFF000  }
0x99: {  	_ =	swait.ge @p0 [sflag:s21], $0x1000  }
0x9a: {  	s26 =	simm.s32 @!p0 $0xC;
	[sflag:s21] =	ssyncset.done @p0 $0x0  }
0x9b: {  	s16 =	sadd.s32 @!p0 $0xB0, s18;
	s18 =	simm.s32 @!p0 $0x180;
	[sflag:s21] =	ssyncadd.s32 @p0 $0xFFFFF000  }
0x9c: {  	[tilespmem:s18], [sflag:$0x4] =	stream.linear.gather @!p0 [hbm4b:s16+s14], $0x80, $0x38;
	[tilespmem:$0xD700] =	vst v63  }
0x9d: {  	_ =	swait.ge @!p0 [sflag:s26], $0x80  }
0x9e: {  	s21 =	simm.s32 @!p0 $0x3800;
	[sflag:s26] =	ssyncset.done @!p0 $0x0  }
0x9f: {  	s16 =	simm.s32 @!p0 $0x19;
	s18 =	simm.s32 @!p0 $0x580;
	[sflag:s26] =	ssyncadd.s32 @!p0 $0xFFFFFF80  }
0xa0: {  	[spmem:s2] =	stream.indirect.scatter.add.f32 @!p0 [tilespmem:s21], [sflag:$0x19], $0x20, s18, s9, $0xb8;
	[tilespmem:$0xD700] =	vst v63  }
0xa1: {  	_ =	swait.ge @!p0 [sflag:s16], $0x1000  }
0xa2: {  	s21 =	simm.s32 @!p0 $0x1;
	s18 =	rddreg [dreg:$0x8];
	[sflag:s16] =	ssyncset.done @!p0 $0x0  }
0xa3: {  	[sflag:s16] =	ssyncadd.s32 @!p0 $0xFFFFF000;
	s16 =	simm.s32 @!p0 $0x400;
	s18 =	sadd.s32 @!p0 $0x0, s18  }
0xa4: {  	[tilespmem:s16], [sflag:$0x9] =	stream.linear.gather @!p0 [hbm4b:s18+s14], $0x80, $0x38;
	[tilespmem:$0xD700] =	vst v63  }
0xa5: {  	_ =	swait.ge @!p0 [sflag:s21], $0x80  }
0xa6: {  	[sflag:s21] =	ssyncset.done @!p0 $0x0  }
0xa7: {  	s16 =	simm.s32 @!p0 $0x800;
	s18 =	simm.s32 @!p0 $0x15;
	[sflag:s21] =	ssyncadd.s32 @!p0 $0xFFFFFF80  }
0xa8: {  	[tilespmem:s16], [sflag:$0x11] =	stream.indirect.gather @!p0 [hbm4b:s4+s9], $0x20, s14, s9, $0xb8;
	[tilespmem:$0xD700] =	vst v63  }
0xa9: {  	_ =	swait.ge @!p0 [sflag:s18], $0x1000  }
0xaa: {  	s1 =	simm.s32 $0xD;
	s9 =	rddreg [dreg:$0x5];
	[sflag:s18] =	ssyncset.done @!p0 $0x0  }
0xab: {  	s16 =	simm.s32 @!p0 $0x200;
	[sflag:s18] =	ssyncadd.s32 @!p0 $0xFFFFF000;
	s9 =	sadd.s32 @!p0 $0x0, s9  }
0xac: {  	[tilespmem:s16], [sflag:$0x5] =	stream.linear.gather @!p0 [hbm4b:s9+s14], $0x80, $0x38;
	[tilespmem:$0xD700] =	vst v63  }
0xad: {  	_ =	swait.ge [sflag:s1], $0x80  }
0xae: {  	[sflag:s1] =	ssyncset.done $0x0  }
0xaf: {  	p0 =	por $0x1, $0x1;
	[sflag:s1] =	ssyncadd.s32 $0xFFFFFF80  }
0xb0: {  	[spmem:s2] =	stream.indirect.scatter.add.f32 [tilespmem:s19], [sflag:$0x19], $0x20, s15, s24, $0xb8;
	[tilespmem:$0xD700] =	vst v63  }
0xb1: {  	s14 =	sadd.s32 @p0 $0x0, s13;
	_ =	swait.ge [sflag:s23], $0x1000  }
0xb2: {  	s9 =	simm.s32 @p0 $0x0;
	s18 =	simm.s32 @p0 $0x480;
	[sflag:s23] =	ssyncset.done $0x0  }
0xb3: {  	s21 =	simm.s32 @p0 $0x2;
	s16 =	sadd.s32 @p0 $0x90, s14;
	[sflag:s23] =	ssyncadd.s32 $0xFFFFF000  }
0xb4: {  	[tilespmem:s18], [sflag:$0xA] =	stream.linear.gather @p0 [hbm4b:s16+s9], $0x80, $0x38;
	[tilespmem:$0xD700] =	vst v63  }
0xb5: {  	_ =	swait.ge @p0 [sflag:s21], $0x80  }
0xb6: {  	s16 =	simm.s32 @p0 $0x80;
	[sflag:s21] =	ssyncset.done @p0 $0x0  }
0xb7: {  	s18 =	simm.s32 @p0 $0x1800;
	[sflag:s21] =	ssyncadd.s32 @p0 $0xFFFFFF80;
	s21 =	simm.s32 @p0 $0x16  }
0xb8: {  	[tilespmem:s18], [sflag:$0x12] =	stream.indirect.gather @p0 [hbm4b:s4+s16], $0x20, s16, s16, $0xb8;
	[tilespmem:$0xD700] =	vst v63  }
0xb9: {  	_ =	swait.ge @p0 [sflag:s21], $0x1000  }
0xba: {  	s18 =	sadd.s32 @p0 $0x0, s11;
	[sflag:s21] =	ssyncset.done @p0 $0x0  }
0xbb: {  	s26 =	sadd.s32 @p0 $0xD0, s18;
	[sflag:s21] =	ssyncadd.s32 @p0 $0xFFFFF000;
	s21 =	simm.s32 @p0 $0x280  }
0xbc: {  	[tilespmem:s21], [sflag:$0x6] =	stream.linear.gather @p0 [hbm4b:s26+s9], $0x80, $0x38;
	[tilespmem:$0xD700] =	vst v63  }
0xbd: {  	s21 =	simm.s32 @!p0 $0x16  }
0xbe: {  	_ =	swait.ge @!p0 [sflag:s21], $0x1000  }
0xbf: {  	[sflag:s21] =	ssyncset.done @!p0 $0x0  }
0xc0: {  	s7 =	simm.s32 $0xE;
	[sflag:s21] =	ssyncadd.s32 @!p0 $0xFFFFF000  }
0xc1: {  	_ =	swait.ge [sflag:s7], $0x80  }
0xc2: {  	[sflag:s7] =	ssyncset.done $0x0  }
0xc3: {  	[sflag:s7] =	ssyncadd.s32 $0xFFFFFF80  }
0xc4: {  	[spmem:s2] =	stream.indirect.scatter.add.f32 [tilespmem:s3], [sflag:$0x19], $0x20, s20, s24, $0xb8;
	[tilespmem:$0xD700] =	vst v63  }
0xc5: {  	_ =	swait.ge [sflag:s23], $0x1000  }
0xc6: {  	s21 =	rddreg [dreg:$0xa];
	[sflag:s23] =	ssyncset.done $0x0  }
0xc7: {  	s26 =	simm.s32 @p0 $0x500;
	[sflag:s23] =	ssyncadd.s32 $0xFFFFF000;
	s21 =	sadd.s32 @p0 $0x0, s21  }
0xc8: {  	[tilespmem:s26], [sflag:$0xB] =	stream.linear.gather @p0 [hbm4b:s21+s9], $0x80, $0x38;
	[tilespmem:$0xD700] =	vst v63  }
0xc9: {  	s21 =	simm.s32 @p0 $0x3  }
0xca: {  	_ =	swait.ge @p0 [sflag:s21], $0x80  }
0xcb: {  	[sflag:s21] =	ssyncset.done @p0 $0x0  }
0xcc: {  	s26 =	simm.s32 @p0 $0x100;
	[sflag:s21] =	ssyncadd.s32 @p0 $0xFFFFFF80;
	s21 =	simm.s32 @p0 $0x2800  }
0xcd: {  	[tilespmem:s21], [sflag:$0x13] =	stream.indirect.gather @p0 [hbm4b:s4+s16], $0x20, s26, s16, $0xb8;
	[tilespmem:$0xD700] =	vst v63  }
0xce: {  	s21 =	simm.s32 @p0 $0x17  }
0xcf: {  	_ =	swait.ge @p0 [sflag:s21], $0x1000  }
0xd0: {  	s26 =	rddreg [dreg:$0x4];
	[sflag:s21] =	ssyncset.done @p0 $0x0  }
0xd1: {  	[sflag:s21] =	ssyncadd.s32 @p0 $0xFFFFF000;
	s21 =	simm.s32 @p0 $0x300;
	s26 =	sadd.s32 @p0 $0x0, s26  }
0xd2: {  	[tilespmem:s21], [sflag:$0x7] =	stream.linear.gather @p0 [hbm4b:s26+s9], $0x80, $0x38;
	[tilespmem:$0xD700] =	vst v63  }
0xd3: {  	s21 =	simm.s32 @!p0 $0x17  }
0xd4: {  	_ =	swait.ge @!p0 [sflag:s21], $0x1000  }
0xd5: {  	[sflag:s21] =	ssyncset.done @!p0 $0x0  }
0xd6: {  	s10 =	simm.s32 $0xF;
	[sflag:s21] =	ssyncadd.s32 @!p0 $0xFFFFF000  }
0xd7: {  	_ =	swait.ge [sflag:s10], $0x80  }
0xd8: {  	[sflag:s10] =	ssyncset.done $0x0  }
0xd9: {  	s8 =	simm.s32 $0x700;
	s12 =	simm.s32 $0x6800;
	[sflag:s10] =	ssyncadd.s32 $0xFFFFFF80  }
0xda: {  	[spmem:s2] =	stream.indirect.scatter.add.f32 [tilespmem:s12], [sflag:$0x19], $0x20, s8, s24, $0xb8;
	[tilespmem:$0xD700] =	vst v63  }
0xdb: {  	_ =	swait.ge [sflag:s23], $0x1000  }
0xdc: {  	[sflag:s23] =	ssyncset.done $0x0  }
0xdd: {  	s14 =	sadd.s32 @p0 $0xB0, s14;
	s21 =	simm.s32 @p0 $0x580;
	[sflag:s23] =	ssyncadd.s32 $0xFFFFF000  }
0xde: {  	[tilespmem:s21], [sflag:$0xC] =	stream.linear.gather @p0 [hbm4b:s14+s9], $0x80, $0x38;
	[tilespmem:$0xD700] =	vst v63  }
0xdf: {  	s14 =	simm.s32 @p0 $0x4  }
0xe0: {  	_ =	swait.ge @p0 [sflag:s14], $0x80  }
0xe1: {  	[sflag:s14] =	ssyncset.done @p0 $0x0  }
0xe2: {  	s21 =	simm.s32 @p0 $0x180;
	[sflag:s14] =	ssyncadd.s32 @p0 $0xFFFFFF80;
	s14 =	simm.s32 @p0 $0x3800  }
0xe3: {  	[tilespmem:s14], [sflag:$0x14] =	stream.indirect.gather @p0 [hbm4b:s4+s16], $0x20, s21, s16, $0xb8;
	[tilespmem:$0xD700] =	vst v63  }
0xe4: {  	s14 =	simm.s32 @p0 $0x18  }
0xe5: {  	_ =	swait.ge @p0 [sflag:s14], $0x1000  }
0xe6: {  	[sflag:s14] =	ssyncset.done @p0 $0x0  }
0xe7: {  	s16 =	sadd.s32 @p0 $0xF0, s18;
	[sflag:s14] =	ssyncadd.s32 @p0 $0xFFFFF000;
	s14 =	simm.s32 @p0 $0x380  }
0xe8: {  	[tilespmem:s14], [sflag:$0x8] =	stream.linear.gather @p0 [hbm4b:s16+s9], $0x80, $0x38;
	[tilespmem:$0xD700] =	vst v63  }
0xe9: {  	s9 =	simm.s32 @!p0 $0x18  }
0xea: {  	_ =	swait.ge @!p0 [sflag:s9], $0x1000  }
0xeb: {  	[sflag:s9] =	ssyncset.done @!p0 $0x0  }
0xec: {  	s26 =	simm.s32 $0x10;
	[sflag:s9] =	ssyncadd.s32 @!p0 $0xFFFFF000  }
0xed: {  	_ =	swait.ge [sflag:s26], $0x80  }
0xee: {  	[sflag:s26] =	ssyncset.done $0x0  }
0xef: {  	s5 =	simm.s32 $0x7800;
	s14 =	simm.s32 $0x80;
	[sflag:s26] =	ssyncadd.s32 $0xFFFFFF80  }
0xf0: {  	[spmem:s2] =	stream.indirect.scatter.add.f32 [tilespmem:s5], [sflag:$0x19], $0x20, s17, s24, $0xb8;
	[tilespmem:$0xD700] =	vst v63  }
.LBB2_4:
0xf1: {  	_ =	swait.ge [sflag:s23], $0x1000;
	s16 =	smov.u32 s14  }
0xf2: {  	s19 =	simm.s32 $0x600;
	s9 =	rddreg [dreg:$0x7];
	[sflag:s23] =	ssyncset.done $0x0  }
0xf3: {  	s3 =	simm.s32 $0x5;
	[sflag:s23] =	ssyncadd.s32 $0xFFFFF000;
	s9 =	sadd.s32 s16, s9  }
0xf4: {  	[tilespmem:s19], [sflag:$0xD] =	stream.linear.gather [hbm4b:s9+s6], $0x80, $0x38;
	[tilespmem:$0xD700] =	vst v63  }
0xf5: {  	_ =	swait.ge [sflag:s3], $0x80  }
0xf6: {  	[sflag:s3] =	ssyncset.done $0x0  }
0xf7: {  	s15 =	simm.s32 $0x11;
	[sflag:s3] =	ssyncadd.s32 $0xFFFFFF80  }
0xf8: {  	[tilespmem:s25], [sflag:$0x15] =	stream.indirect.gather [hbm4b:s4+s24], $0x20, s30, s24, $0xb8;
	[tilespmem:$0xD700] =	vst v63  }
0xf9: {  	s5 =	simm.s32 $0x9;
	_ =	swait.ge [sflag:s15], $0x1000  }
0xfa: {  	p1 =	seq.s32 s16, $0x480;
	s9 =	rddreg [dreg:$0x9];
	[sflag:s15] =	ssyncset.done $0x0  }
0xfb: {  	s18 =	simm.s32 @!p1 $0x0;
	[sflag:s15] =	ssyncadd.s32 $0xFFFFF000;
	s9 =	sadd.s32 @!p1 s16, s9  }
0xfc: {  	[tilespmem:s18], [sflag:$0x1] =	stream.linear.gather @!p1 [hbm4b:s9+s18], $0x80, $0x38;
	[tilespmem:$0xD700] =	vst v63  }
0xfd: {  	_ =	swait.ge [sflag:s5], $0x80  }
0xfe: {  	[sflag:s5] =	ssyncset.done $0x0  }
0xff: {  	s8 =	simm.s32 $0x400;
	[sflag:s5] =	ssyncadd.s32 $0xFFFFFF80  }
0x100: {  	[spmem:s2] =	stream.indirect.scatter.add.f32 [tilespmem:s28], [sflag:$0x19], $0x20, s8, s24, $0xb8;
	[tilespmem:$0xD700] =	vst v63  }
0x101: {  	_ =	swait.ge [sflag:s23], $0x1000  }
0x102: {  	s20 =	simm.s32 $0x680;
	s9 =	sadd.s32 s16, s13;
	[sflag:s23] =	ssyncset.done $0x0  }
0x103: {  	s3 =	simm.s32 $0x6;
	s26 =	sadd.s32 $0x50, s9;
	[sflag:s23] =	ssyncadd.s32 $0xFFFFF000  }
0x104: {  	[tilespmem:s20], [sflag:$0xE] =	stream.linear.gather [hbm4b:s26+s6], $0x80, $0x38;
	[tilespmem:$0xD700] =	vst v63  }
0x105: {  	_ =	swait.ge [sflag:s3], $0x80  }
0x106: {  	s12 =	simm.s32 $0x280;
	[sflag:s3] =	ssyncset.done $0x0  }
0x107: {  	s8 =	simm.s32 $0x12;
	[sflag:s3] =	ssyncadd.s32 $0xFFFFFF80;
	s3 =	simm.s32 $0x5800  }
0x108: {  	[tilespmem:s3], [sflag:$0x16] =	stream.indirect.gather [hbm4b:s4+s24], $0x20, s12, s24, $0xb8;
	[tilespmem:$0xD700] =	vst v63  }
0x109: {  	s21 =	sadd.s32 @!p1 s16, s11;
	_ =	swait.ge [sflag:s8], $0x1000  }
0x10a: {  	s15 =	sadd.s32 @!p1 $0x90, s21;
	[sflag:s8] =	ssyncset.done $0x0  }
0x10b: {  	s5 =	simm.s32 $0xA;
	s26 =	simm.s32 @!p1 $0x80;
	[sflag:s8] =	ssyncadd.s32 $0xFFFFF000  }
0x10c: {  	[tilespmem:s26], [sflag:$0x2] =	stream.linear.gather @!p1 [hbm4b:s15+s18], $0x80, $0x38;
	[tilespmem:$0xD700] =	vst v63  }
0x10d: {  	_ =	swait.ge [sflag:s5], $0x80  }
0x10e: {  	[sflag:s5] =	ssyncset.done $0x0  }
0x10f: {  	s28 =	simm.s32 $0x1800;
	s8 =	simm.s32 $0x480;
	[sflag:s5] =	ssyncadd.s32 $0xFFFFFF80  }
0x110: {  	[spmem:s2] =	stream.indirect.scatter.add.f32 [tilespmem:s28], [sflag:$0x19], $0x20, s8, s24, $0xb8;
	[tilespmem:$0xD700] =	vst v63  }
0x111: {  	_ =	swait.ge [sflag:s23], $0x1000  }
0x112: {  	s5 =	simm.s32 $0x7;
	s12 =	rddreg [dreg:$0x6];
	[sflag:s23] =	ssyncset.done $0x0  }
0x113: {  	s8 =	simm.s32 $0x700;
	[sflag:s23] =	ssyncadd.s32 $0xFFFFF000;
	s15 =	sadd.s32 s16, s12  }
0x114: {  	[tilespmem:s8], [sflag:$0xF] =	stream.linear.gather [hbm4b:s15+s6], $0x80, $0x38;
	[tilespmem:$0xD700] =	vst v63  }
0x115: {  	_ =	swait.ge [sflag:s5], $0x80  }
0x116: {  	[sflag:s5] =	ssyncset.done $0x0  }
0x117: {  	s12 =	simm.s32 $0x6800;
	[sflag:s5] =	ssyncadd.s32 $0xFFFFFF80;
	s5 =	simm.s32 $0x300  }
0x118: {  	[tilespmem:s12], [sflag:$0x17] =	stream.indirect.gather [hbm4b:s4+s24], $0x20, s5, s24, $0xb8;
	[tilespmem:$0xD700] =	vst v63  }
0x119: {  	_ =	swait.ge [sflag:s22], $0x1000  }
0x11a: {  	s15 =	rddreg [dreg:$0xb];
	[sflag:s22] =	ssyncset.done $0x0  }
0x11b: {  	s28 =	simm.s32 @!p1 $0x100;
	[sflag:s22] =	ssyncadd.s32 $0xFFFFF000;
	s15 =	sadd.s32 @!p1 s16, s15  }
0x11c: {  	[tilespmem:s28], [sflag:$0x3] =	stream.linear.gather @!p1 [hbm4b:s15+s18], $0x80, $0x38;
	[tilespmem:$0xD700] =	vst v63  }
0x11d: {  	_ =	swait.ge [sflag:s29], $0x80  }
0x11e: {  	[sflag:s29] =	ssyncset.done $0x0  }
0x11f: {  	s5 =	simm.s32 $0x500;
	s28 =	simm.s32 $0x2800;
	[sflag:s29] =	ssyncadd.s32 $0xFFFFFF80  }
0x120: {  	[spmem:s2] =	stream.indirect.scatter.add.f32 [tilespmem:s28], [sflag:$0x19], $0x20, s5, s24, $0xb8;
	[tilespmem:$0xD700] =	vst v63  }
0x121: {  	_ =	swait.ge [sflag:s23], $0x1000  }
0x122: {  	[sflag:s23] =	ssyncset.done $0x0  }
0x123: {  	s9 =	sadd.s32 $0x70, s9;
	[sflag:s23] =	ssyncadd.s32 $0xFFFFF000  }
0x124: {  	[tilespmem:s17], [sflag:$0x10] =	stream.linear.gather [hbm4b:s9+s6], $0x80, $0x38;
	[tilespmem:$0xD700] =	vst v63  }
0x125: {  	_ =	swait.ge [sflag:s31], $0x80  }
0x126: {  	[sflag:s31] =	ssyncset.done $0x0  }
0x127: {  	s5 =	simm.s32 $0x7800;
	s17 =	simm.s32 $0x380;
	[sflag:s31] =	ssyncadd.s32 $0xFFFFFF80  }
0x128: {  	[tilespmem:s5], [sflag:$0x18] =	stream.indirect.gather [hbm4b:s4+s24], $0x20, s17, s24, $0xb8;
	[tilespmem:$0xD700] =	vst v63  }
0x129: {  	_ =	swait.ge [sflag:s0], $0x1000  }
0x12a: {  	[sflag:s0] =	ssyncset.done $0x0  }
0x12b: {  	s9 =	simm.s32 @p1 $0xC;
	[sflag:s0] =	ssyncadd.s32 $0xFFFFF000  }
0x12c: {  	_ =	swait.ge @p1 [sflag:s9], $0x80  }
0x12d: {  	s30 =	simm.s32 @p1 $0x80;
	s15 =	simm.s32 @p1 $0x3800;
	[sflag:s9] =	ssyncset.done @p1 $0x0  }
0x12e: {  	s28 =	simm.s32 @p1 $0x19;
	s17 =	simm.s32 @p1 $0x580;
	[sflag:s9] =	ssyncadd.s32 @p1 $0xFFFFFF80  }
0x12f: {  	[spmem:s2] =	stream.indirect.scatter.add.f32 @p1 [tilespmem:s15], [sflag:$0x19], $0x20, s17, s30, $0xb8;
	[tilespmem:$0xD700] =	vst v63  }
0x130: {  	_ =	swait.ge @p1 [sflag:s28], $0x1000  }
0x131: {  	[sflag:s28] =	ssyncset.done @p1 $0x0  }
0x132: {  	s9 =	simm.s32 @p1 $0x15;
	[sflag:s28] =	ssyncadd.s32 @p1 $0xFFFFF000  }
0x133: {  	_ =	swait.ge @p1 [sflag:s9], $0x1000  }
0x134: {  	s21 =	sadd.s32 @!p1 $0xB0, s21;
	[sflag:s9] =	ssyncset.done @p1 $0x0  }
0x135: {  	s15 =	simm.s32 @!p1 $0x180;
	s17 =	simm.s32 @!p1 $0xC;
	[sflag:s9] =	ssyncadd.s32 @p1 $0xFFFFF000  }
0x136: {  	[tilespmem:s15], [sflag:$0x4] =	stream.linear.gather @!p1 [hbm4b:s21+s18], $0x80, $0x38;
	[tilespmem:$0xD700] =	vst v63  }
0x137: {  	_ =	swait.ge @!p1 [sflag:s17], $0x80  }
0x138: {  	s9 =	simm.s32 @!p1 $0x19;
	[sflag:s17] =	ssyncset.done @!p1 $0x0  }
0x139: {  	s15 =	simm.s32 @!p1 $0x580;
	s21 =	simm.s32 @!p1 $0x3800;
	[sflag:s17] =	ssyncadd.s32 @!p1 $0xFFFFFF80  }
0x13a: {  	[spmem:s2] =	stream.indirect.scatter.add.f32 @!p1 [tilespmem:s21], [sflag:$0x19], $0x20, s15, s26, $0xb8;
	[tilespmem:$0xD700] =	vst v63  }
0x13b: {  	_ =	swait.ge @!p1 [sflag:s9], $0x1000  }
0x13c: {  	s17 =	simm.s32 @!p1 $0x1;
	s15 =	rddreg [dreg:$0x8];
	[sflag:s9] =	ssyncset.done @!p1 $0x0  }
0x13d: {  	[sflag:s9] =	ssyncadd.s32 @!p1 $0xFFFFF000;
	s9 =	simm.s32 @!p1 $0x400;
	s15 =	sadd.s32 @!p1 s16, s15  }
0x13e: {  	[tilespmem:s9], [sflag:$0x9] =	stream.linear.gather @!p1 [hbm4b:s15+s18], $0x80, $0x38;
	[tilespmem:$0xD700] =	vst v63  }
0x13f: {  	_ =	swait.ge @!p1 [sflag:s17], $0x80  }
0x140: {  	[sflag:s17] =	ssyncset.done @!p1 $0x0  }
0x141: {  	s9 =	simm.s32 @!p1 $0x800;
	s15 =	simm.s32 @!p1 $0x15;
	[sflag:s17] =	ssyncadd.s32 @!p1 $0xFFFFFF80  }
0x142: {  	[tilespmem:s9], [sflag:$0x11] =	stream.indirect.gather @!p1 [hbm4b:s4+s26], $0x20, s18, s26, $0xb8;
	[tilespmem:$0xD700] =	vst v63  }
0x143: {  	_ =	swait.ge @!p1 [sflag:s15], $0x1000  }
0x144: {  	s9 =	rddreg [dreg:$0x5];
	[sflag:s15] =	ssyncset.done @!p1 $0x0  }
0x145: {  	[sflag:s15] =	ssyncadd.s32 @!p1 $0xFFFFF000;
	s15 =	simm.s32 @!p1 $0x200;
	s9 =	sadd.s32 @!p1 s16, s9  }
0x146: {  	[tilespmem:s15], [sflag:$0x5] =	stream.linear.gather @!p1 [hbm4b:s9+s18], $0x80, $0x38;
	[tilespmem:$0xD700] =	vst v63  }
0x147: {  	_ =	swait.ge [sflag:s1], $0x80  }
0x148: {  	[sflag:s1] =	ssyncset.done $0x0  }
0x149: {  	p1 =	sne.s32 s16, $0x480;
	[sflag:s1] =	ssyncadd.s32 $0xFFFFFF80  }
0x14a: {  	[spmem:s2] =	stream.indirect.scatter.add.f32 [tilespmem:s25], [sflag:$0x19], $0x20, s19, s24, $0xb8;
	[tilespmem:$0xD700] =	vst v63  }
0x14b: {  	s26 =	sadd.s32 @p1 s16, s13;
	_ =	swait.ge [sflag:s23], $0x1000  }
0x14c: {  	s18 =	simm.s32 @p1 $0x0;
	s15 =	simm.s32 @p1 $0x480;
	[sflag:s23] =	ssyncset.done $0x0  }
0x14d: {  	s17 =	simm.s32 @p1 $0x2;
	s9 =	sadd.s32 @p1 $0x90, s26;
	[sflag:s23] =	ssyncadd.s32 $0xFFFFF000  }
0x14e: {  	[tilespmem:s15], [sflag:$0xA] =	stream.linear.gather @p1 [hbm4b:s9+s18], $0x80, $0x38;
	[tilespmem:$0xD700] =	vst v63  }
0x14f: {  	_ =	swait.ge @p1 [sflag:s17], $0x80  }
0x150: {  	s28 =	simm.s32 @p1 $0x1800;
	[sflag:s17] =	ssyncset.done @p1 $0x0  }
0x151: {  	s9 =	simm.s32 @p1 $0x80;
	[sflag:s17] =	ssyncadd.s32 @p1 $0xFFFFFF80;
	s17 =	simm.s32 @p1 $0x16  }
0x152: {  	[tilespmem:s28], [sflag:$0x12] =	stream.indirect.gather @p1 [hbm4b:s4+s9], $0x20, s9, s9, $0xb8;
	[tilespmem:$0xD700] =	vst v63  }
0x153: {  	s21 =	sadd.s32 @p1 s16, s11;
	_ =	swait.ge @p1 [sflag:s17], $0x1000  }
0x154: {  	s15 =	sadd.s32 @p1 $0xD0, s21;
	[sflag:s17] =	ssyncset.done @p1 $0x0  }
0x155: {  	s28 =	simm.s32 @p1 $0x280;
	[sflag:s17] =	ssyncadd.s32 @p1 $0xFFFFF000;
	s17 =	simm.s32 @!p1 $0x16  }
0x156: {  	[tilespmem:s28], [sflag:$0x6] =	stream.linear.gather @p1 [hbm4b:s15+s18], $0x80, $0x38;
	[tilespmem:$0xD700] =	vst v63  }
0x157: {  	_ =	swait.ge @!p1 [sflag:s17], $0x1000  }
0x158: {  	[sflag:s17] =	ssyncset.done @!p1 $0x0  }
0x159: {  	[sflag:s17] =	ssyncadd.s32 @!p1 $0xFFFFF000  }
0x15a: {  	_ =	swait.ge [sflag:s7], $0x80  }
0x15b: {  	[sflag:s7] =	ssyncset.done $0x0  }
0x15c: {  	[sflag:s7] =	ssyncadd.s32 $0xFFFFFF80  }
0x15d: {  	[spmem:s2] =	stream.indirect.scatter.add.f32 [tilespmem:s3], [sflag:$0x19], $0x20, s20, s24, $0xb8;
	[tilespmem:$0xD700] =	vst v63  }
0x15e: {  	_ =	swait.ge [sflag:s23], $0x1000  }
0x15f: {  	s28 =	simm.s32 @p1 $0x3;
	[sflag:s23] =	ssyncset.done $0x0;
	s15 =	rddreg [dreg:$0xa]  }
0x160: {  	s17 =	simm.s32 @p1 $0x500;
	[sflag:s23] =	ssyncadd.s32 $0xFFFFF000;
	s15 =	sadd.s32 @p1 s16, s15  }
0x161: {  	[tilespmem:s17], [sflag:$0xB] =	stream.linear.gather @p1 [hbm4b:s15+s18], $0x80, $0x38;
	[tilespmem:$0xD700] =	vst v63  }
0x162: {  	_ =	swait.ge @p1 [sflag:s28], $0x80  }
0x163: {  	s15 =	simm.s32 @p1 $0x100;
	[sflag:s28] =	ssyncset.done @p1 $0x0  }
0x164: {  	s17 =	simm.s32 @p1 $0x2800;
	[sflag:s28] =	ssyncadd.s32 @p1 $0xFFFFFF80;
	s28 =	simm.s32 @p1 $0x17  }
0x165: {  	[tilespmem:s17], [sflag:$0x13] =	stream.indirect.gather @p1 [hbm4b:s4+s9], $0x20, s15, s9, $0xb8;
	[tilespmem:$0xD700] =	vst v63  }
0x166: {  	_ =	swait.ge @p1 [sflag:s28], $0x1000  }
0x167: {  	s17 =	simm.s32 @p1 $0x300;
	[sflag:s28] =	ssyncset.done @p1 $0x0;
	s15 =	rddreg [dreg:$0x4]  }
0x168: {  	[sflag:s28] =	ssyncadd.s32 @p1 $0xFFFFF000;
	s15 =	sadd.s32 @p1 s16, s15;
	s16 =	simm.s32 @!p1 $0x17  }
0x169: {  	[tilespmem:s17], [sflag:$0x7] =	stream.linear.gather @p1 [hbm4b:s15+s18], $0x80, $0x38;
	[tilespmem:$0xD700] =	vst v63  }
0x16a: {  	_ =	swait.ge @!p1 [sflag:s16], $0x1000  }
0x16b: {  	[sflag:s16] =	ssyncset.done @!p1 $0x0  }
0x16c: {  	[sflag:s16] =	ssyncadd.s32 @!p1 $0xFFFFF000  }
0x16d: {  	_ =	swait.ge [sflag:s10], $0x80  }
0x16e: {  	[sflag:s10] =	ssyncset.done $0x0  }
0x16f: {  	[sflag:s10] =	ssyncadd.s32 $0xFFFFFF80  }
0x170: {  	[spmem:s2] =	stream.indirect.scatter.add.f32 [tilespmem:s12], [sflag:$0x19], $0x20, s8, s24, $0xb8;
	[tilespmem:$0xD700] =	vst v63  }
0x171: {  	_ =	swait.ge [sflag:s23], $0x1000  }
0x172: {  	s15 =	sadd.s32 @p1 $0xB0, s26;
	[sflag:s23] =	ssyncset.done $0x0  }
0x173: {  	s17 =	simm.s32 @p1 $0x4;
	s16 =	simm.s32 @p1 $0x580;
	[sflag:s23] =	ssyncadd.s32 $0xFFFFF000  }
0x174: {  	[tilespmem:s16], [sflag:$0xC] =	stream.linear.gather @p1 [hbm4b:s15+s18], $0x80, $0x38;
	[tilespmem:$0xD700] =	vst v63  }
0x175: {  	_ =	swait.ge @p1 [sflag:s17], $0x80  }
0x176: {  	s15 =	simm.s32 @p1 $0x180;
	[sflag:s17] =	ssyncset.done @p1 $0x0  }
0x177: {  	s16 =	simm.s32 @p1 $0x3800;
	[sflag:s17] =	ssyncadd.s32 @p1 $0xFFFFFF80;
	s17 =	simm.s32 @p1 $0x18  }
0x178: {  	[tilespmem:s16], [sflag:$0x14] =	stream.indirect.gather @p1 [hbm4b:s4+s9], $0x20, s15, s9, $0xb8;
	[tilespmem:$0xD700] =	vst v63  }
0x179: {  	_ =	swait.ge @p1 [sflag:s17], $0x1000  }
0x17a: {  	s21 =	sadd.s32 @p1 $0xF0, s21;
	[sflag:s17] =	ssyncset.done @p1 $0x0  }
0x17b: {  	s9 =	simm.s32 @p1 $0x380;
	s15 =	simm.s32 @!p1 $0x18;
	[sflag:s17] =	ssyncadd.s32 @p1 $0xFFFFF000  }
0x17c: {  	[tilespmem:s9], [sflag:$0x8] =	stream.linear.gather @p1 [hbm4b:s21+s18], $0x80, $0x38;
	[tilespmem:$0xD700] =	vst v63  }
0x17d: {  	s14 =	sadd.s32 $0x80, s14;
	_ =	swait.ge @!p1 [sflag:s15], $0x1000  }
0x17e: {  	p0 =	sne.s32 s14, $0x500;
	[sflag:s15] =	ssyncset.done @!p1 $0x0  }
.Ltmp1:
0x17f: {  	s26 =	simm.s32 $0x10;
	[sflag:s15] =	ssyncadd.s32 @!p1 $0xFFFFF000;
	(pc) =	sbr.rel @p0 .LBB2_4-.Ltmp1, $4  }
0x180: {  	_ =	swait.ge [sflag:s26], $0x80  }
0x181: {  	s30 =	simm.s32 $0x200;
	[sflag:s26] =	ssyncset.done $0x0  }
0x182: {  	s28 =	simm.s32 $0x800;
	s17 =	simm.s32 $0x780;
	[sflag:s26] =	ssyncadd.s32 $0xFFFFFF80  }
0x183: {  	[spmem:s2] =	stream.indirect.scatter.add.f32 [tilespmem:s5], [sflag:$0x19], $0x20, s17, s24, $0xb8;
	[tilespmem:$0xD700] =	vst v63  }
0x184: {  	_ =	swait.ge [sflag:s23], $0x1000  }
0x185: {  	[sflag:s23] =	ssyncset.done $0x0  }
0x186: {  	[sflag:s23] =	ssyncadd.s32 $0xFFFFF000  }
0x187: {  	s9 =	stileid.u32;
	[bflag:$0x0] =	sbarrier.arrive $0xFFFF  }
0x188: {  	s9 =	sshll.u32 s9, $0x6;
	s17 =	rddreg [dreg:$0xc]  }
0x189: {  	s9 =	sor.u32 $0x1C19, s9;
	s15 =	rddreg [dreg:$0x13];
	s14 =	sshrl.u32 s17, $0x3  }
0x18a: {  	[hbm:s15], [sflag:s9] =	dma.local [spmem:s14], $0x9E0  }
0x18b: {  	_ =	swait.ge [sflag:s23], $0x9E0  }
0x18c: {  	s1 =	rddreg [dreg:$0x1b]  }
0x18d: {  	s31 =	rddreg [dreg:$0x1a];
	s1 =	sadd.s32 $0x1, s1  }
0x18e: {  	p0 =	sne.s32 s1, s31  }
.Ltmp2:
0x18f: {  	_ = 	snop;
	(pc) =	sbr.rel @p0 .LBB2_1-.Ltmp2, $4  }
0x190: {  	_ = 	snop  }
0x191: {  	s18 =	simm.s32 $0x280;
	s26 =	simm.s32 $0x300;
	s21 =	simm.s32 $0x380  }
0x192: {  	s5 =	simm.s32 $0x700;
	s22 =	simm.s32 $0x6800;
	[sflag:s23] =	ssyncset.done $0x0  }
0x193: {  	s0 =	simm.s32 $0x7800;
	s3 =	simm.s32 $0x0;
	[sflag:s23] =	ssyncadd.s32 $0xFFFFF620  }
0x194: {  	_ =	sfence.sel $0x180000  }
0x195: {  	[bflag:$0x0] =	sbarrier.arrive $0xFFFF  }
0x196: {  	_ =	strace $0x9000004A  }
0x197: {  	s0 =	stileid.u32;
	[bflag:$0x2] =	sbarrier.arrive $0xFFFF  }
0x198: {  	p0 =	sne.s32 s0, $0x0;
	s0 =	rddreg [dreg:$0x3]  }
0x199: {  	s0 =	sadd.s32 @!p0 $0x100000, s0  }
0x19a: {  	[sflag:s0] =	ssyncadd.tile.s32 @!p0 $0x1;
	_ =	shalt  }
.Lfunc_end2:
_tile_overlayer_lowered:
.L_overlay_start_2:
0x19b: {  	(tag) =	ssettag $0x2  }
0x19c: {  	s0 =	rddreg [dreg:$0x0];
	s2 =	stileid.u32  }
0x19d: {  	s1 =	rddreg [dreg:$0x1];
	p0 =	sne.s32 s2, $0x0  }
0x19e: {  	s3 =	rddreg [dreg:$0x2];
	[bflag:$0x3] =	sbarrier.arrive $0xFFFF;
	s2 =	simm.s32 @!p0 $0x1C19  }
0x19f: {  	[timem:s3], [sflag:s2] =	dma.local @!p0 [hbm:s0], s1  }
0x1a0: {  	s0 =	simm.s32 @!p0 $0x19  }
0x1a1: {  	_ =	swait.ge @!p0 [sflag:s0], s1  }
0x1a2: {  	s1 =	ssub.s32 @!p0 $0x0, s1;
	[sflag:s0] =	ssyncset.done @!p0 $0x0  }
0x1a3: {  	[sflag:s0] =	ssyncadd.s32 @!p0 s1  }
0x1a4: {  	[bflag:$0x3] =	sbarrier.arrive $0xFFFF  }
0x1a5: {  	_ =	shalt  }

// kernel: kernel.7.cloned.1.call-start
scs
__scs_entry_jumppad:
0x0: {  	(pc) =	sbr.rel $0x88, $3  }
0x1: {  	(tag) =	ssettag $0x0;
	lr =	simm.s32 $0x1  }
0x2: {  	[smem:$0x3F93] =	sst lr;
	_ =	strace $0xD0000000  }
0x3: {  	_ = 	snop  }
0x4: {  	_ = 	snop  }
0x5: {  	_ = 	snop  }
0x6: {  	_ = 	snop  }
0x7: {  	_ = 	snop  }
__scs_overlays_trampoline_lowered:
0x8: {  	[smem:$0x3FA2] =	sst s0  }
0x9: {  	[smem:$0x3FA3] =	sst s1  }
0xa: {  	[smem:$0x3FA4] =	sst s2  }
0xb: {  	[smem:$0x3FA5] =	sst s3  }
0xc: {  	[smem:$0x3FA6] =	sst s4  }
0xd: {  	[smem:$0x3FA7] =	sst s5  }
0xe: {  	[smem:$0x3FA8] =	sst s6  }
0xf: {  	[smem:$0x3FA9] =	sst s7  }
0x10: {  	[smem:$0x3FAA] =	sst s8  }
0x11: {  	[smem:$0x3FAB] =	sst s9;
	s0 =	simm.s32 @!p0 $0x0  }
0x12: {  	s1 =	sld [smem:$0x3F91];
	s0 =	simm.s32 @p0 $0x1  }
0x13: {  	[smem:$0x3FAC] =	sst s0;
	s0 =	simm.s32 @!p1 $0x0  }
0x14: {  	s2 =	sld [smem:$0x3F90];
	s0 =	simm.s32 @p1 $0x1  }
0x15: {  	[smem:$0x3FAD] =	sst s0;
	s0 =	simm.s32 @!p2 $0x0  }
0x16: {  	s3 =	sld [smem:$0x3FDB];
	s0 =	simm.s32 @p2 $0x1  }
0x17: {  	s4 =	simm.s32 $0x1BF5;
	[smem:$0x3FAF] =	sst s0  }
0x18: {  	s0 =	sld [smem:$0x3F92];
	_ =	swait.ge [sflag:s4], $0x0  }
0x19: {  	s7 =	sld [smem:$0x3F93]  }
0x1a: {  	s8 =	sadd.s32 $0xFFFFE003, lr  }
0x1b: {  	s9 =	sadd.s32 $0xFFFFFEF7, lr;
	s5 =	simm.s32 $0xFFFFFFFF;
	p2 =	slt.u32 s8, $0xFFFFF086  }
0x1c: {  	p1 =	slt.u32 s9, $0xF7A;
	s5 =	simm.s32 @!p2 $0x0  }
0x1d: {  	s5 =	simm.s32 @p1 $0x1;
	p0 =	seq.s32 s7, s2  }
0x1e: {  	s7 =	smul.u32 @!p0 $0xF7A, s2;
	p2 =	seq.s32 @!p0 s5, $0x0  }
0x1f: {  	s9 =	smul.u32 $0xF7A, s1;
	s8 =	simm.s32 @!p0 $0x1BF5;
	p2 =	por !p2, p0  }
0x20: {  	[sflag:s8] =	ssyncset.s32 @!p0 $0xFFFFF086;
	s6 =	sadd.s32 @!p0 s3, s7;
	s7 =	simm.s32 @!p0 $0x108  }
0x21: {  	s3 =	sadd.s32 s3, s9;
	s6 =	sadd.s32 @!p0 $0x88, s6;
	s7 =	simm.s32 @p2 $0x1082  }
0x22: {  	[simem:s7], [sflag:s8] =	dma.local @!p0 [hbm:s6], $0xF7A  }
0x23: {  	s9 =	sor.u32 $0xD0000000, s2;
	s6 =	simm.s32 $0x108;
	_ =	swait.ge @!p0 [sflag:s8], $0x0  }
0x24: {  	s3 =	sadd.s32 $0x88, s3;
	s6 =	simm.s32 @!p1 $0x1082;
	[sflag:s4] =	ssyncset.s32 $0xFFFFF086  }
0x25: {  	[simem:s6], [sflag:s4] =	dma.local [hbm:s3], $0xF7A  }
0x26: {  	[smem:$0x3F93] =	sst s1;
	(tag) =	ssettag s2;
	_ =	strace s9  }
0x27: {  	s1 =	sld [smem:$0x3FA3]  }
0x28: {  	s2 =	sld [smem:$0x3FA4]  }
0x29: {  	s4 =	sld [smem:$0x3FA6]  }
0x2a: {  	p0 =	seq.s32 s5, $0x0;
	s5 =	sld [smem:$0x3FA7]  }
0x2b: {  	s6 =	sld [smem:$0x3FA8]  }
0x2c: {  	s7 =	sld [smem:$0x3FA9]  }
0x2d: {  	s3 =	simm.s32 $0x108;
	s8 =	sld [smem:$0x3FAA]  }
0x2e: {  	s3 =	simm.s32 @!p0 $0x1082;
	s9 =	sld [smem:$0x3FAB]  }
0x2f: {  	lr =	sadd.s32 s0, s3;
	s0 =	sld [smem:$0x3FA2]  }
0x30: {  	s3 =	sld [smem:$0x3FA5]  }
0x31: {  	[smem:$0x3FAE] =	sst s10  }
0x32: {  	s10 =	sld [smem:$0x3FAC];
	_ =	sdelay $0x3  }
0x33: {  	p0 =	seq.s32 s10, $0x1;
	s10 =	sld [smem:$0x3FAE];
	_ =	sdelay $0x3  }
0x34: {  	[smem:$0x3FAE] =	sst s10  }
0x35: {  	s10 =	sld [smem:$0x3FAD];
	_ =	sdelay $0x3  }
0x36: {  	p1 =	seq.s32 s10, $0x1;
	s10 =	sld [smem:$0x3FAE];
	_ =	sdelay $0x3  }
0x37: {  	[smem:$0x3FAE] =	sst s10  }
0x38: {  	s10 =	sld [smem:$0x3FAF]  }
0x39: {  	_ = 	snop;
	(pc) =	sbr.ind lr, $3  }
0x3a: {  	_ = 	snop  }
0x3b: {  	_ = 	snop  }
0x3c: {  	p2 =	seq.s32 s10, $0x1;
	s10 =	sld [smem:$0x3FAE]  }
0x3d: {  	_ =	shalt  }
0x3e: {  	_ =	shalt  }
0x3f: {  	_ =	shalt  }
0x40: {  	_ =	shalt  }
0x41: {  	_ =	shalt  }
0x42: {  	_ =	shalt  }
0x43: {  	_ =	shalt  }
0x44: {  	_ =	shalt  }
0x45: {  	_ =	shalt  }
0x46: {  	_ =	shalt  }
0x47: {  	_ =	shalt  }
0x48: {  	_ =	shalt  }
0x49: {  	_ =	shalt  }
0x4a: {  	_ =	shalt  }
0x4b: {  	_ =	shalt  }
0x4c: {  	_ =	shalt  }
0x4d: {  	_ =	shalt  }
0x4e: {  	_ =	shalt  }
0x4f: {  	_ =	shalt  }
0x50: {  	_ =	shalt  }
0x51: {  	_ =	shalt  }
0x52: {  	_ =	shalt  }
0x53: {  	_ =	shalt  }
0x54: {  	_ =	shalt  }
0x55: {  	_ =	shalt  }
0x56: {  	_ =	shalt  }
0x57: {  	_ =	shalt  }
0x58: {  	_ =	shalt  }
0x59: {  	_ =	shalt  }
0x5a: {  	_ =	shalt  }
0x5b: {  	_ =	shalt  }
0x5c: {  	_ =	shalt  }
0x5d: {  	_ =	shalt  }
0x5e: {  	_ =	shalt  }
0x5f: {  	_ =	shalt  }
0x60: {  	_ =	shalt  }
0x61: {  	_ =	shalt  }
0x62: {  	_ =	shalt  }
0x63: {  	_ =	shalt  }
0x64: {  	_ =	shalt  }
0x65: {  	_ =	shalt  }
0x66: {  	_ =	shalt  }
0x67: {  	_ =	shalt  }
0x68: {  	_ =	shalt  }
0x69: {  	_ =	shalt  }
0x6a: {  	_ =	shalt  }
0x6b: {  	_ =	shalt  }
0x6c: {  	_ =	shalt  }
0x6d: {  	_ =	shalt  }
0x6e: {  	_ =	shalt  }
0x6f: {  	_ =	shalt  }
0x70: {  	_ =	shalt  }
0x71: {  	_ =	shalt  }
0x72: {  	_ =	shalt  }
0x73: {  	_ =	shalt  }
0x74: {  	_ =	shalt  }
0x75: {  	_ =	shalt  }
0x76: {  	_ =	shalt  }
0x77: {  	_ =	shalt  }
0x78: {  	_ =	shalt  }
0x79: {  	_ =	shalt  }
0x7a: {  	_ =	shalt  }
0x7b: {  	_ =	shalt  }
0x7c: {  	_ =	shalt  }
0x7d: {  	_ =	shalt  }
0x7e: {  	_ =	shalt  }
0x7f: {  	_ =	shalt  }
0x80: {  	_ =	shalt  }
0x81: {  	_ =	shalt  }
0x82: {  	_ =	shalt  }
0x83: {  	_ =	shalt  }
0x84: {  	_ =	shalt  }
0x85: {  	_ =	shalt  }
0x86: {  	_ =	shalt  }
0x87: {  	_ =	shalt  }
.Lfunc_end0:
.L_simem_size_0:
called_computation_lowered:
.L_overlay_start_0:
0x88: {  	s2 =	sld [smem:$0x3FD9]  }
0x89: {  	s3 =	sld [smem:$0x3FFE];
	_ =	sdelay $0x1  }
0x8a: {  	s1 =	srdreg.scid  }
0x8b: {  	s0 =	sand.u32 $0x1, s1  }
0x8c: {  	s17 =	sshll.u32 s0, $0xA;
	s2 =	sadd.s32 s3, s2  }
0x8d: {  	s2 =	sadd.s32 s2, s17  }
0x8e: {  	[smem:$0x3FBA] =	sst s2  }
0x8f: {  	_ = 	snop  }
0x90: {  	s2 =	sld [smem:$0x3FD0];
	(tm) =	ssettm $0x1  }
0x91: {  	s18 =	sld [smem:$0x3FFB];
	_ =	sdelay $0x3  }
0x92: {  	_ =	strace s18  }
0x93: {  	s3 =	sld [smem:$0x3FFC];
	_ =	sdelay $0x3  }
0x94: {  	_ =	strace s3  }
0x95: {  	s3 =	sld [smem:$0x3FFD];
	_ =	sdelay $0x3  }
0x96: {  	_ =	strace s3  }
0x97: {  	_ =	strace $0x8FFFFFFF  }
0x98: {  	s19 =	sld [smem:$0x3FDB];
	_ =	sdelay $0x1  }
0x99: {  	s4 =	simm.s32 $_scs_section_size  }
0x9a: {  	s5 =	simm.s32 $_size__tile_overlayer_lowered;
	s6 =	simm.s32 $_tile_overlayer_lowered  }
0x9b: {  	s22 =	simm.s32 $0x1BFF;
	s21 =	sshll.u32 s6, $0x1;
	s3 =	sadd.s32 s4, s19  }
0x9c: {  	s7 =	simm.s32 $0x0;
	s20 =	sshll.u32 s5, $0x1;
	s5 =	sadd.s32 s21, s3  }
0x9d: {  	[timem:s7], [sflag:s22] =	dma.local [hbm:s5], s20  }
0x9e: {  	_ =	swait.ge [sflag:s22], s20  }
0x9f: {  	s4 =	ssub.s32 $0x0, s20;
	[sflag:s22] =	ssyncset.done $0x0  }
0xa0: {  	[sflag:s22] =	ssyncadd.s32 s4;
	_ =	sdelay $0x1  }
0xa1: {  	s23 =	simm.s32 $0x1B8B  }
0xa2: {  	_ =	swait.ge [sflag:s23], $0x1  }
0xa3: {  	[sflag:s23] =	ssyncset.done $0x0  }
0xa4: {  	s25 =	simm.s32 $0x1B8E;
	s24 =	sld [smem:$0x3FFE];
	[sflag:s23] =	ssyncadd.s32 $0xFFFFFFFF  }
0xa5: {  	s26 =	simm.s32 $execute0_lowered;
	[smem:$0x3FD2] =	sst s25  }
0xa6: {  	s5 =	sshll.u32 s26, $0x1;
	_ =	strace $0x80000046;
	[dreg:$0x1] =	wrdreg $0xFFFFFFFF  }
0xa7: {  	s28 =	simm.s32 $_size_execute0_lowered;
	s3 =	sadd.s32 s3, s5;
	[dreg:$0x0] =	wrdreg $0x0  }
0xa8: {  	s5 =	sshll.u32 s28, $0x1;
	[dreg:$0x2] =	wrdreg s3  }
0xa9: {  	[dreg:$0x3] =	wrdreg s5  }
0xaa: {  	[dreg:$0x4] =	wrdreg $0xC0  }
0xab: {  	_ =	task [dreg:s7], $0x5FFFF  }
0xac: {  	[dreg:$0x1] =	wrdreg $0xFFFFFFFF  }
0xad: {  	[dreg:$0x0] =	wrdreg $0x60  }
0xae: {  	[dreg:$0x2] =	wrdreg s2  }
0xaf: {  	[dreg:$0x3] =	wrdreg s24  }
0xb0: {  	[dreg:$0x4] =	wrdreg $0x108000  }
0xb1: {  	[dreg:$0x5] =	wrdreg $0x9  }
0xb2: {  	_ =	task.clear_ibuf [dreg:s7], $0x6FFFF;
	_ =	strace $0x90000046  }
0xb3: {  	s29 =	simm.s32 $0x9;
	_ =	strace $0x80000048  }
0xb4: {  	_ =	swait.ge [sflag:s29], $0x1  }
0xb5: {  	[sflag:s29] =	ssyncadd.s32 $0xFFFFFFFF  }
0xb6: {  	_ =	strace $0x90000048  }
0xb7: {  	_ =	sfence  }
0xb8: {  	s30 =	sld [smem:$0x0];
	_ =	sdelay $0x2  }
0xb9: {  	s31 =	sshll.u32 s1, $0xD;
	s1 =	sshrl.u32 s1, $0x2  }
0xba: {  	s3 =	sand.u32 $0x4000, s31;
	s1 =	sadd.s32 s1, s30  }
0xbb: {  	s0 =	sor.u32 s3, s0;
	s1 =	sshll.u32 s1, $0x11  }
0xbc: {  	s0 =	sor.u32 s1, s0  }
0xbd: {  	s0 =	sadd.s32 $0x8F2B, s0  }
0xbe: {  	[sflag:s0] =	ssyncadd.remote.s32 $0x1  }
0xbf: {  	_ =	sfence.sel $0xFFFF  }
0xc0: {  	[dreg:$0x0] =	wrdreg $0xFFFFFFFF;
	(pc) =	sbr.abs _section_cstart, $3  }
0xc1: {  	[dreg:$0x1] =	wrdreg $0xFFFFFFFF  }
0xc2: {  	_ =	task.clear_ibuf [dreg:s7], $0x2FFFF;
	_ =	strace $0x9FFFFFFF  }
0xc3: {  	(tm) =	ssettm $0x7FFFFFFF  }
tec
execute0_lowered:
.L_overlay_start_1:
0x0: {  	(tag) =	ssettag $0x1  }
0x1: {  	s0 =	rddreg [dreg:$0x0]  }
0x2: {  	s1 =	rddreg [dreg:$0x1]  }
0x3: {  	s2 =	rddreg [dreg:$0x2]  }
0x4: {  	s4 =	srdreg.scid;
	s11 =	stileid.u32;
	s3 =	simm.s32 $0x0  }
0x5: {  	s28 =	simm.s32 $0x500;
	s31 =	simm.s32 $0x2800;
	s30 =	simm.s32 $0x700  }
0x6: {  	s5 =	sand.u32 $0x1, s4;
	s6 =	smul.u32 $0x9E00, s11;
	[smem:$0x7FF] =	sst s3  }
0x7: {  	s4 =	sadd.s32 $0x16200, s1;
	s8 =	sadd.s32 $0xC200, s1;
	s11 =	smul.u32 $0xA00, s11  }
0x8: {  	s12 =	sadd.s32 $0x2200, s1;
	s7 =	smul.u32 $0x9E000, s5;
	_ =	strace $0x80000047  }
0x9: {  	s9 =	ssub.s32 $0x2, s5;
	p0 =	seq.s32 s5, $0x0;
	s5 =	simm.s32 $0x10  }
0xa: {  	s10 =	sshrl.u32 s9, $0x1;
	s16 =	sadd.s32 s8, s11;
	s15 =	sor.u32 $0x20, s11  }
0xb: {  	s13 =	sor.u32 $0x30, s11;
	s23 =	sadd.s32 s12, s11;
	s4 =	smov.u32 @p0 s0  }
0xc: {  	s7 =	sadd.s32 s6, s7;
	s6 =	sadd.s32 s6, s2;
	[dreg:$0xc] =	wrdreg s23  }
0xd: {  	s29 =	ssub.s32 s9, s10;
	s17 =	sadd.s32 s8, s15;
	[dreg:$0x4] =	wrdreg s6  }
0xe: {  	s10 =	sor.u32 $0x10, s11;
	s18 =	sadd.s32 s8, s13;
	[dreg:$0x6] =	wrdreg s17  }
0xf: {  	s19 =	sadd.s32 $0x40, s16;
	s20 =	sadd.s32 $0x50, s16;
	[dreg:$0x7] =	wrdreg s18  }
0x10: {  	s21 =	sadd.s32 $0x60, s16;
	s22 =	sadd.s32 $0x70, s16;
	[dreg:$0x8] =	wrdreg s19  }
0x11: {  	s25 =	sadd.s32 s12, s15;
	s26 =	sadd.s32 s12, s13;
	[dreg:$0x9] =	wrdreg s20  }
0x12: {  	s23 =	simm.s32 $0x300;
	s11 =	simm.s32 $0x600;
	[dreg:$0xa] =	wrdreg s21  }
0x13: {  	s13 =	simm.s32 $0x5;
	s7 =	sshrl.u32 s7, $0x3;
	[dreg:$0xb] =	wrdreg s22  }
0x14: {  	s14 =	sadd.s32 s8, s10;
	s24 =	sadd.s32 s12, s10;
	[dreg:$0xe] =	wrdreg s25  }
0x15: {  	[dreg:$0xf] =	wrdreg s26;
	s29 =	smax.u32 s29, $0x1;
	s6 =	simm.s32 $0x800  }
.Ltmp0:
0x16: {  	s21 =	simm.s32 $0x19;
	s22 =	simm.s32 $0x80;
	(pc) =	sbr.rel .LBB2_1-.Ltmp0, $4  }
0x17: {  	s25 =	simm.s32 $0x380;
	s26 =	simm.s32 $0x480;
	[dreg:$0x5] =	wrdreg s14  }
0x18: {  	s12 =	simm.s32 $0xC800;
	s1 =	sadd.s32 s7, s1;
	[dreg:$0xd] =	wrdreg s24  }
0x19: {  	[dreg:$0x11] =	wrdreg s29;
	s7 =	simm.s32 $0x0;
	s1 =	sadd.s32 $0x29C00, s1  }
0x1a: {  	v0 =	vimm.f32 $0.0e+00;
	s14 =	simm.s32 $0xC800;
	[dreg:$0x10] =	wrdreg s1;
	s1 =	simm.s32 $0x4800  }
.LBB2_8:
0x1b: {  	s0 =	stileid.u32;
	[bflag:$0x0] =	sbarrier.arrive $0xFFFF  }
0x1c: {  	s0 =	sshll.u32 s0, $0x6;
	s6 =	rddreg [dreg:$0x4]  }
0x1d: {  	s9 =	rddreg [dreg:$0x10];
	s0 =	sor.u32 $0x1C19, s0;
	s6 =	sshrl.u32 s6, $0x3  }
0x1e: {  	[hbm:s9], [sflag:s0] =	dma.local [spmem:s6], $0x13C0  }
0x1f: {  	_ =	swait.ge [sflag:s21], $0x13C0  }
0x20: {  	s7 =	rddreg [dreg:$0x12]  }
0x21: {  	s29 =	rddreg [dreg:$0x11];
	s7 =	sadd.s32 $0x1, s7  }
0x22: {  	p0 =	sne.s32 s7, s29  }
.Ltmp1:
0x23: {  	_ = 	snop;
	(pc) =	sbr.rel @!p0 .LBB2_9-.Ltmp1, $3  }
0x24: {  	_ =	sdelay $0x1  }
0x25: {  	s23 =	simm.s32 $0x300;
	s26 =	simm.s32 $0x480;
	[sflag:s21] =	ssyncset.done $0x0  }
0x26: {  	s28 =	simm.s32 $0x500;
	s6 =	simm.s32 $0x800;
	[sflag:s21] =	ssyncadd.s32 $0xFFFFEC40  }
.LBB2_1:
0x27: {  	[dreg:$0x12] =	wrdreg s7;
	s24 =	simm.s32 $0x100;
	s20 =	simm.s32 $0x0  }
.LBB2_2:
0x28: {  	p0 =	sne.s32 s24, $0x27700;
	[tilespmem:s20+$0x830] =	vst v0;
	s29 =	smov.u32 s24;
	s24 =	sadd.s32 $0x100, s24  }
.Ltmp2:
0x29: {  	[tilespmem:s20+$0x820] =	vst v0;
	(pc) =	sbr.rel @p0 .LBB2_2-.Ltmp2, $3  }
0x2a: {  	[tilespmem:s20+$0x800] =	vst v0  }
0x2b: {  	[tilespmem:s20+$0x810] =	vst v0;
	_ =	sdelay $0x1  }
0x2c: {  	s20 =	sshra.s32 s29, $0x2  }
0x2d: {  	[tilespmem:s20+$0x830] =	vst v0  }
0x2e: {  	[tilespmem:s20+$0x820] =	vst v0  }
0x2f: {  	[tilespmem:s20+$0x800] =	vst v0  }
0x30: {  	[tilespmem:s20+$0x810] =	vst v0;
	s0 =	rddreg [dreg:$0x4]  }
0x31: {  	[spmem:s0] =	stream.linear.scatter [tilespmem:s6], [sflag:$0x19], $0x9E00, $0x38;
	[tilespmem:$0x1A600] =	vst v63  }
0x32: {  	_ =	swait.ge [sflag:s21], $0x9E00  }
0x33: {  	[sflag:s21] =	ssyncset.done $0x0  }
0x34: {  	[sflag:s21] =	ssyncadd.s32 $0xFFFF6200  }
0x35: {  	s24 =	simm.s32 $0x0;
	[bflag:$0x0] =	sbarrier.arrive $0xFFFF  }
0x36: {  	[tilespmem:s24], [sflag:$0x1] =	stream.linear.gather [hbm4b:s16+s24], $0x80, $0x38;
	[tilespmem:$0x1A600] =	vst v63  }
0x37: {  	s7 =	rddreg [dreg:$0x5]  }
0x38: {  	[tilespmem:s22], [sflag:$0x2] =	stream.linear.gather [hbm4b:s7+s24], $0x80, $0x38;
	[tilespmem:$0x1A600] =	vst v63  }
0x39: {  	s9 =	simm.s32 $0x100;
	s8 =	rddreg [dreg:$0x6]  }
0x3a: {  	[tilespmem:s9], [sflag:$0x3] =	stream.linear.gather [hbm4b:s8+s24], $0x80, $0x38;
	[tilespmem:$0x1A600] =	vst v63  }
0x3b: {  	s18 =	simm.s32 $0x180;
	s10 =	rddreg [dreg:$0x7]  }
0x3c: {  	[tilespmem:s18], [sflag:$0x4] =	stream.linear.gather [hbm4b:s10+s24], $0x80, $0x38;
	[tilespmem:$0x1A600] =	vst v63  }
0x3d: {  	s19 =	simm.s32 $0x200;
	s15 =	rddreg [dreg:$0x8]  }
0x3e: {  	[tilespmem:s19], [sflag:$0x5] =	stream.linear.gather [hbm4b:s15+s24], $0x80, $0x38;
	[tilespmem:$0x1A600] =	vst v63  }
0x3f: {  	s17 =	rddreg [dreg:$0x9];
	s19 =	simm.s32 $0x280  }
0x40: {  	[tilespmem:s19], [sflag:$0x6] =	stream.linear.gather [hbm4b:s17+s24], $0x80, $0x38;
	[tilespmem:$0x1A600] =	vst v63  }
0x41: {  	s20 =	rddreg [dreg:$0xa]  }
0x42: {  	[tilespmem:s23], [sflag:$0x7] =	stream.linear.gather [hbm4b:s20+s24], $0x80, $0x38;
	[tilespmem:$0x1A600] =	vst v63  }
0x43: {  	s29 =	rddreg [dreg:$0xb]  }
0x44: {  	[tilespmem:s25], [sflag:$0x8] =	stream.linear.gather [hbm4b:s29+s24], $0x80, $0x38;
	[tilespmem:$0x1A600] =	vst v63  }
0x45: {  	s7 =	rddreg [dreg:$0xc];
	s23 =	simm.s32 $0x400  }
0x46: {  	[tilespmem:s23], [sflag:$0x9] =	stream.linear.gather [hbm4b:s7+s24], $0x80, $0x38;
	[tilespmem:$0x1A600] =	vst v63  }
0x47: {  	s8 =	rddreg [dreg:$0xd]  }
0x48: {  	[tilespmem:s26], [sflag:$0xA] =	stream.linear.gather [hbm4b:s8+s24], $0x80, $0x38;
	[tilespmem:$0x1A600] =	vst v63  }
0x49: {  	s10 =	rddreg [dreg:$0xe]  }
0x4a: {  	[tilespmem:s28], [sflag:$0xB] =	stream.linear.gather [hbm4b:s10+s24], $0x80, $0x38;
	[tilespmem:$0x1A600] =	vst v63  }
0x4b: {  	s15 =	rddreg [dreg:$0xf];
	s17 =	simm.s32 $0x580;
	s20 =	simm.s32 $0x1  }
0x4c: {  	[tilespmem:s17], [sflag:$0xC] =	stream.linear.gather [hbm4b:s15+s24], $0x80, $0x38;
	[tilespmem:$0x1A600] =	vst v63  }
0x4d: {  	_ =	swait.ge [sflag:s20], $0x80  }
0x4e: {  	[sflag:s20] =	ssyncset.done $0x0  }
0x4f: {  	s25 =	simm.s32 $0x2;
	[sflag:s20] =	ssyncadd.s32 $0xFFFFFF80  }
0x50: {  	[tilespmem:s6], [sflag:$0x11] =	stream.indirect.gather [hbm4b:s4+s22], $0x40, s24, s22, $0xb8;
	[tilespmem:$0x1A600] =	vst v63  }
0x51: {  	_ =	swait.ge [sflag:s25], $0x80  }
0x52: {  	[sflag:s25] =	ssyncset.done $0x0  }
0x53: {  	s26 =	simm.s32 $0x3;
	[sflag:s25] =	ssyncadd.s32 $0xFFFFFF80  }
0x54: {  	[tilespmem:s31], [sflag:$0x12] =	stream.indirect.gather [hbm4b:s4+s22], $0x40, s22, s22, $0xb8;
	[tilespmem:$0x1A600] =	vst v63  }
0x55: {  	_ =	swait.ge [sflag:s26], $0x80  }
0x56: {  	[sflag:s26] =	ssyncset.done $0x0  }
0x57: {  	[sflag:s26] =	ssyncadd.s32 $0xFFFFFF80  }
0x58: {  	[tilespmem:s1], [sflag:$0x13] =	stream.indirect.gather [hbm4b:s4+s22], $0x40, s9, s22, $0xb8;
	[tilespmem:$0x1A600] =	vst v63  }
.Ltmp3:
0x59: {  	s29 =	simm.s32 $0x6800;
	s28 =	simm.s32 $0x4;
	(pc) =	sbr.rel .LBB2_4-.Ltmp3, $4  }
0x5a: {  	s7 =	simm.s32 $0x8800;
	s8 =	simm.s32 $0x680;
	_ =	swait.ge [sflag:s28], $0x80  }
0x5b: {  	s10 =	simm.s32 $0xA800;
	s15 =	simm.s32 $0x780;
	[sflag:s28] =	ssyncset.done $0x0  }
0x5c: {  	s17 =	simm.s32 $0xE800;
	s9 =	simm.s32 $0x200;
	[sflag:s28] =	ssyncadd.s32 $0xFFFFFF80  }
0x5d: {  	[tilespmem:s29], [sflag:$0x14] =	stream.indirect.gather [hbm4b:s4+s22], $0x40, s18, s22, $0xb8;
	[tilespmem:$0x1A600] =	vst v63  }
.LBB2_6:
0x5e: {  	s0 =	simm.s32 $0xC  }
0x5f: {  	_ =	swait.ge [sflag:s0], $0x80  }
0x60: {  	[sflag:s0] =	ssyncset.done $0x0  }
0x61: {  	s9 =	simm.s32 $0x580;
	s6 =	simm.s32 $0x6800;
	[sflag:s0] =	ssyncadd.s32 $0xFFFFFF80  }
0x62: {  	[spmem:s2] =	stream.indirect.scatter.add.f32 [tilespmem:s6], [sflag:$0x19], $0x40, s9, s22, $0xb8;
	[tilespmem:$0x1A600] =	vst v63  }
0x63: {  	_ =	swait.ge [sflag:s21], $0x2000  }
0x64: {  	[sflag:s21] =	ssyncset.done $0x0  }
0x65: {  	s18 =	simm.s32 $0x15;
	[sflag:s21] =	ssyncadd.s32 $0xFFFFE000  }
0x66: {  	_ =	swait.ge [sflag:s18], $0x2000  }
0x67: {  	[sflag:s18] =	ssyncset.done $0x0  }
0x68: {  	s19 =	simm.s32 $0xD;
	[sflag:s18] =	ssyncadd.s32 $0xFFFFE000  }
0x69: {  	_ =	swait.ge [sflag:s19], $0x80  }
0x6a: {  	[sflag:s19] =	ssyncset.done $0x0  }
0x6b: {  	[sflag:s19] =	ssyncadd.s32 $0xFFFFFF80  }
0x6c: {  	[spmem:s2] =	stream.indirect.scatter.add.f32 [tilespmem:s7], [sflag:$0x19], $0x40, s11, s22, $0xb8;
	[tilespmem:$0x1A600] =	vst v63  }
0x6d: {  	_ =	swait.ge [sflag:s21], $0x2000  }
0x6e: {  	[sflag:s21] =	ssyncset.done $0x0  }
0x6f: {  	s20 =	simm.s32 $0x16;
	[sflag:s21] =	ssyncadd.s32 $0xFFFFE000  }
0x70: {  	_ =	swait.ge [sflag:s20], $0x2000  }
0x71: {  	[sflag:s20] =	ssyncset.done $0x0  }
0x72: {  	s23 =	simm.s32 $0xE;
	[sflag:s20] =	ssyncadd.s32 $0xFFFFE000  }
0x73: {  	_ =	swait.ge [sflag:s23], $0x80  }
0x74: {  	[sflag:s23] =	ssyncset.done $0x0  }
0x75: {  	[sflag:s23] =	ssyncadd.s32 $0xFFFFFF80  }
0x76: {  	[spmem:s2] =	stream.indirect.scatter.add.f32 [tilespmem:s10], [sflag:$0x19], $0x40, s8, s22, $0xb8;
	[tilespmem:$0x1A600] =	vst v63  }
0x77: {  	_ =	swait.ge [sflag:s21], $0x2000  }
0x78: {  	[sflag:s21] =	ssyncset.done $0x0  }
0x79: {  	s26 =	simm.s32 $0x17;
	[sflag:s21] =	ssyncadd.s32 $0xFFFFE000  }
0x7a: {  	_ =	swait.ge [sflag:s26], $0x2000  }
0x7b: {  	[sflag:s26] =	ssyncset.done $0x0  }
0x7c: {  	s28 =	simm.s32 $0xF;
	[sflag:s26] =	ssyncadd.s32 $0xFFFFE000  }
0x7d: {  	_ =	swait.ge [sflag:s28], $0x80  }
0x7e: {  	[sflag:s28] =	ssyncset.done $0x0  }
0x7f: {  	[sflag:s28] =	ssyncadd.s32 $0xFFFFFF80  }
0x80: {  	[spmem:s2] =	stream.indirect.scatter.add.f32 [tilespmem:s14], [sflag:$0x19], $0x40, s12, s22, $0xb8;
	[tilespmem:$0x1A600] =	vst v63  }
0x81: {  	_ =	swait.ge [sflag:s21], $0x2000  }
0x82: {  	s25 =	simm.s32 $0x380;
	s29 =	simm.s32 $0x18;
	[sflag:s21] =	ssyncset.done $0x0  }
0x83: {  	s30 =	simm.s32 $0x700;
	s6 =	simm.s32 $0x800;
	[sflag:s21] =	ssyncadd.s32 $0xFFFFE000  }
0x84: {  	s9 =	simm.s32 $0x200;
	s19 =	simm.s32 $0x280;
	_ =	swait.ge [sflag:s29], $0x2000  }
0x85: {  	s7 =	simm.s32 $0x8800;
	s8 =	simm.s32 $0x680;
	[sflag:s29] =	ssyncset.done $0x0  }
0x86: {  	s10 =	simm.s32 $0xA800;
	s12 =	simm.s32 $0xC800;
	[sflag:s29] =	ssyncadd.s32 $0xFFFFE000  }
.LBB2_7:
0x87: {  	_ =	swait.ge [sflag:s5], $0x80;
	s24 =	sadd.s32 $0x80, s24  }
0x88: {  	[sflag:s5] =	ssyncset.done $0x0;
	p0 =	sne.s32 s24, $0xA00  }
.Ltmp4:
0x89: {  	[sflag:s5] =	ssyncadd.s32 $0xFFFFFF80;
	(pc) =	sbr.rel @!p0 .LBB2_8-.Ltmp4, $4  }
0x8a: {  	[spmem:s2] =	stream.indirect.scatter.add.f32 [tilespmem:s17], [sflag:$0x19], $0x40, s15, s22, $0xb8;
	[tilespmem:$0x1A600] =	vst v63  }
0x8b: {  	_ =	swait.ge [sflag:s21], $0x2000  }
0x8c: {  	s23 =	simm.s32 $0x400;
	[sflag:s21] =	ssyncset.done $0x0  }
0x8d: {  	s15 =	simm.s32 $0x780;
	s17 =	simm.s32 $0xE800;
	[sflag:s21] =	ssyncadd.s32 $0xFFFFE000  }
.LBB2_4:
0x8e: {  	s0 =	rddreg [dreg:$0xc]  }
0x8f: {  	s20 =	sadd.s32 s24, s0  }
0x90: {  	s29 =	sadd.s32 $0x40, s20  }
0x91: {  	[tilespmem:s11], [sflag:$0xD] =	stream.linear.gather [hbm4b:s29+s3], $0x80, $0x38;
	[tilespmem:$0x1A600] =	vst v63  }
0x92: {  	_ =	swait.ge [sflag:s13], $0x80  }
0x93: {  	[sflag:s13] =	ssyncset.done $0x0  }
0x94: {  	[sflag:s13] =	ssyncadd.s32 $0xFFFFFF80  }
0x95: {  	[tilespmem:s7], [sflag:$0x15] =	stream.indirect.gather [hbm4b:s4+s22], $0x40, s9, s22, $0xb8;
	[tilespmem:$0x1A600] =	vst v63  }
0x96: {  	s9 =	simm.s32 $0x11  }
0x97: {  	p0 =	seq.s32 s24, $0x980;
	_ =	swait.ge [sflag:s9], $0x2000  }
0x98: {  	s18 =	simm.s32 $0x9;
	s29 =	sadd.s32 @!p0 s24, s16;
	[sflag:s9] =	ssyncset.done $0x0  }
0x99: {  	s0 =	sadd.s32 @!p0 $0x80, s29;
	[sflag:s9] =	ssyncadd.s32 $0xFFFFE000;
	s9 =	simm.s32 @!p0 $0x0  }
0x9a: {  	[tilespmem:s9], [sflag:$0x1] =	stream.linear.gather @!p0 [hbm4b:s0+s9], $0x80, $0x38;
	[tilespmem:$0x1A600] =	vst v63  }
0x9b: {  	_ =	swait.ge [sflag:s18], $0x80  }
0x9c: {  	[sflag:s18] =	ssyncset.done $0x0  }
0x9d: {  	[sflag:s18] =	ssyncadd.s32 $0xFFFFFF80  }
0x9e: {  	[spmem:s2] =	stream.indirect.scatter.add.f32 [tilespmem:s6], [sflag:$0x19], $0x40, s23, s22, $0xb8;
	[tilespmem:$0x1A600] =	vst v63  }
0x9f: {  	_ =	swait.ge [sflag:s21], $0x2000  }
0xa0: {  	[sflag:s21] =	ssyncset.done $0x0  }
0xa1: {  	s25 =	simm.s32 $0x6;
	s23 =	sadd.s32 $0x50, s20;
	[sflag:s21] =	ssyncadd.s32 $0xFFFFE000  }
0xa2: {  	[tilespmem:s8], [sflag:$0xE] =	stream.linear.gather [hbm4b:s23+s3], $0x80, $0x38;
	[tilespmem:$0x1A600] =	vst v63  }
0xa3: {  	_ =	swait.ge [sflag:s25], $0x80  }
0xa4: {  	[sflag:s25] =	ssyncset.done $0x0  }
0xa5: {  	s26 =	simm.s32 $0x12;
	[sflag:s25] =	ssyncadd.s32 $0xFFFFFF80  }
0xa6: {  	[tilespmem:s10], [sflag:$0x16] =	stream.indirect.gather [hbm4b:s4+s22], $0x40, s19, s22, $0xb8;
	[tilespmem:$0x1A600] =	vst v63  }
0xa7: {  	_ =	swait.ge [sflag:s26], $0x2000  }
0xa8: {  	[sflag:s26] =	ssyncset.done $0x0  }
0xa9: {  	s0 =	sadd.s32 @!p0 $0x90, s29;
	s6 =	simm.s32 @!p0 $0x80;
	[sflag:s26] =	ssyncadd.s32 $0xFFFFE000  }
0xaa: {  	[tilespmem:s6], [sflag:$0x2] =	stream.linear.gather @!p0 [hbm4b:s0+s9], $0x80, $0x38;
	[tilespmem:$0x1A600] =	vst v63  }
0xab: {  	s6 =	simm.s32 $0xA  }
0xac: {  	_ =	swait.ge [sflag:s6], $0x80  }
0xad: {  	[sflag:s6] =	ssyncset.done $0x0  }
0xae: {  	s28 =	simm.s32 $0x480;
	[sflag:s6] =	ssyncadd.s32 $0xFFFFFF80  }
0xaf: {  	[spmem:s2] =	stream.indirect.scatter.add.f32 [tilespmem:s31], [sflag:$0x19], $0x40, s28, s22, $0xb8;
	[tilespmem:$0x1A600] =	vst v63  }
0xb0: {  	_ =	swait.ge [sflag:s21], $0x2000  }
0xb1: {  	[sflag:s21] =	ssyncset.done $0x0  }
0xb2: {  	s25 =	sadd.s32 $0x60, s20;
	s6 =	simm.s32 $0x7;
	[sflag:s21] =	ssyncadd.s32 $0xFFFFE000  }
0xb3: {  	[tilespmem:s30], [sflag:$0xF] =	stream.linear.gather [hbm4b:s25+s3], $0x80, $0x38;
	[tilespmem:$0x1A600] =	vst v63  }
0xb4: {  	_ =	swait.ge [sflag:s6], $0x80  }
0xb5: {  	[sflag:s6] =	ssyncset.done $0x0  }
0xb6: {  	s25 =	simm.s32 $0x300;
	[sflag:s6] =	ssyncadd.s32 $0xFFFFFF80  }
0xb7: {  	[tilespmem:s12], [sflag:$0x17] =	stream.indirect.gather [hbm4b:s4+s22], $0x40, s25, s22, $0xb8;
	[tilespmem:$0x1A600] =	vst v63  }
0xb8: {  	s12 =	simm.s32 $0x13  }
0xb9: {  	_ =	swait.ge [sflag:s12], $0x2000  }
0xba: {  	[sflag:s12] =	ssyncset.done $0x0  }
0xbb: {  	s0 =	sadd.s32 @!p0 $0xA0, s29;
	s6 =	simm.s32 @!p0 $0x100;
	[sflag:s12] =	ssyncadd.s32 $0xFFFFE000  }
0xbc: {  	[tilespmem:s6], [sflag:$0x3] =	stream.linear.gather @!p0 [hbm4b:s0+s9], $0x80, $0x38;
	[tilespmem:$0x1A600] =	vst v63  }
0xbd: {  	s6 =	simm.s32 $0xB  }
0xbe: {  	_ =	swait.ge [sflag:s6], $0x80  }
0xbf: {  	[sflag:s6] =	ssyncset.done $0x0  }
0xc0: {  	s30 =	simm.s32 $0x500;
	[sflag:s6] =	ssyncadd.s32 $0xFFFFFF80  }
0xc1: {  	[spmem:s2] =	stream.indirect.scatter.add.f32 [tilespmem:s1], [sflag:$0x19], $0x40, s30, s22, $0xb8;
	[tilespmem:$0x1A600] =	vst v63  }
0xc2: {  	_ =	swait.ge [sflag:s21], $0x2000  }
0xc3: {  	[sflag:s21] =	ssyncset.done $0x0  }
0xc4: {  	s9 =	sadd.s32 $0x70, s20;
	[sflag:s21] =	ssyncadd.s32 $0xFFFFE000  }
0xc5: {  	[tilespmem:s15], [sflag:$0x10] =	stream.linear.gather [hbm4b:s9+s3], $0x80, $0x38;
	[tilespmem:$0x1A600] =	vst v63  }
0xc6: {  	s7 =	simm.s32 $0x8800;
	s15 =	simm.s32 $0x8  }
0xc7: {  	s18 =	simm.s32 $0x800;
	s23 =	simm.s32 $0x280;
	_ =	swait.ge [sflag:s15], $0x80  }
0xc8: {  	s8 =	simm.s32 $0x680;
	s29 =	simm.s32 $0x14;
	[sflag:s15] =	ssyncset.done $0x0  }
.Ltmp5:
0xc9: {  	s9 =	simm.s32 $0x380;
	[sflag:s15] =	ssyncadd.s32 $0xFFFFFF80;
	(pc) =	sbr.rel @p0 .LBB2_6-.Ltmp5, $4  }
0xca: {  	[tilespmem:s17], [sflag:$0x18] =	stream.indirect.gather [hbm4b:s4+s22], $0x40, s9, s22, $0xb8;
	[tilespmem:$0x1A600] =	vst v63  }
0xcb: {  	s19 =	simm.s32 $0x200;
	s10 =	simm.s32 $0xA800;
	_ =	swait.ge [sflag:s29], $0x2000  }
0xcc: {  	s26 =	simm.s32 $0x400;
	s12 =	simm.s32 $0x700;
	[sflag:s29] =	ssyncset.done $0x0  }
0xcd: {  	s15 =	simm.s32 $0x780;
	s17 =	simm.s32 $0xE800;
	[sflag:s29] =	ssyncadd.s32 $0xFFFFE000  }
0xce: {  	s29 =	sadd.s32 s24, s16  }
0xcf: {  	s6 =	simm.s32 $0x180;
	s13 =	simm.s32 $0xC;
	s0 =	sadd.s32 $0xB0, s29  }
0xd0: {  	[tilespmem:s6], [sflag:$0x4] =	stream.linear.gather [hbm4b:s0+s3], $0x80, $0x38;
	[tilespmem:$0x1A600] =	vst v63  }
0xd1: {  	_ =	swait.ge [sflag:s13], $0x80  }
0xd2: {  	[sflag:s13] =	ssyncset.done $0x0  }
0xd3: {  	s31 =	simm.s32 $0x580;
	s11 =	simm.s32 $0x6800;
	[sflag:s13] =	ssyncadd.s32 $0xFFFFFF80  }
0xd4: {  	[spmem:s2] =	stream.indirect.scatter.add.f32 [tilespmem:s11], [sflag:$0x19], $0x40, s31, s22, $0xb8;
	[tilespmem:$0x1A600] =	vst v63  }
0xd5: {  	_ =	swait.ge [sflag:s21], $0x2000  }
0xd6: {  	[sflag:s21] =	ssyncset.done $0x0  }
0xd7: {  	s15 =	sadd.s32 $0x80, s20;
	s17 =	simm.s32 $0x1;
	[sflag:s21] =	ssyncadd.s32 $0xFFFFE000  }
0xd8: {  	[tilespmem:s26], [sflag:$0x9] =	stream.linear.gather [hbm4b:s15+s3], $0x80, $0x38;
	[tilespmem:$0x1A600] =	vst v63  }
0xd9: {  	_ =	swait.ge [sflag:s17], $0x80  }
0xda: {  	[sflag:s17] =	ssyncset.done $0x0  }
0xdb: {  	s26 =	simm.s32 $0x15;
	[sflag:s17] =	ssyncadd.s32 $0xFFFFFF80  }
0xdc: {  	[tilespmem:s18], [sflag:$0x11] =	stream.indirect.gather [hbm4b:s4+s22], $0x40, s3, s22, $0xb8;
	[tilespmem:$0x1A600] =	vst v63  }
0xdd: {  	_ =	swait.ge [sflag:s26], $0x2000  }
0xde: {  	[sflag:s26] =	ssyncset.done $0x0  }
0xdf: {  	s15 =	sadd.s32 $0xC0, s29;
	s17 =	simm.s32 $0xD;
	[sflag:s26] =	ssyncadd.s32 $0xFFFFE000  }
0xe0: {  	[tilespmem:s19], [sflag:$0x5] =	stream.linear.gather [hbm4b:s15+s3], $0x80, $0x38;
	[tilespmem:$0x1A600] =	vst v63  }
0xe1: {  	_ =	swait.ge [sflag:s17], $0x80  }
0xe2: {  	[sflag:s17] =	ssyncset.done $0x0  }
0xe3: {  	s13 =	simm.s32 $0x600;
	[sflag:s17] =	ssyncadd.s32 $0xFFFFFF80  }
0xe4: {  	[spmem:s2] =	stream.indirect.scatter.add.f32 [tilespmem:s7], [sflag:$0x19], $0x40, s13, s22, $0xb8;
	[tilespmem:$0x1A600] =	vst v63  }
0xe5: {  	_ =	swait.ge [sflag:s21], $0x2000  }
0xe6: {  	[sflag:s21] =	ssyncset.done $0x0  }
0xe7: {  	s18 =	sadd.s32 $0x90, s20;
	s19 =	simm.s32 $0x2;
	[sflag:s21] =	ssyncadd.s32 $0xFFFFE000  }
0xe8: {  	[tilespmem:s28], [sflag:$0xA] =	stream.linear.gather [hbm4b:s18+s3], $0x80, $0x38;
	[tilespmem:$0x1A600] =	vst v63  }
0xe9: {  	_ =	swait.ge [sflag:s19], $0x80  }
0xea: {  	[sflag:s19] =	ssyncset.done $0x0  }
0xeb: {  	s1 =	simm.s32 $0x2800;
	s26 =	simm.s32 $0x16;
	[sflag:s19] =	ssyncadd.s32 $0xFFFFFF80  }
0xec: {  	[tilespmem:s1], [sflag:$0x12] =	stream.indirect.gather [hbm4b:s4+s22], $0x40, s22, s22, $0xb8;
	[tilespmem:$0x1A600] =	vst v63  }
0xed: {  	_ =	swait.ge [sflag:s26], $0x2000  }
0xee: {  	[sflag:s26] =	ssyncset.done $0x0  }
0xef: {  	s7 =	simm.s32 $0xE;
	s28 =	sadd.s32 $0xD0, s29;
	[sflag:s26] =	ssyncadd.s32 $0xFFFFE000  }
0xf0: {  	[tilespmem:s23], [sflag:$0x6] =	stream.linear.gather [hbm4b:s28+s3], $0x80, $0x38;
	[tilespmem:$0x1A600] =	vst v63  }
0xf1: {  	_ =	swait.ge [sflag:s7], $0x80  }
0xf2: {  	[sflag:s7] =	ssyncset.done $0x0  }
0xf3: {  	[sflag:s7] =	ssyncadd.s32 $0xFFFFFF80  }
0xf4: {  	[spmem:s2] =	stream.indirect.scatter.add.f32 [tilespmem:s10], [sflag:$0x19], $0x40, s8, s22, $0xb8;
	[tilespmem:$0x1A600] =	vst v63  }
0xf5: {  	_ =	swait.ge [sflag:s21], $0x2000  }
0xf6: {  	[sflag:s21] =	ssyncset.done $0x0  }
0xf7: {  	s15 =	simm.s32 $0x3;
	s10 =	sadd.s32 $0xA0, s20;
	[sflag:s21] =	ssyncadd.s32 $0xFFFFE000  }
0xf8: {  	[tilespmem:s30], [sflag:$0xB] =	stream.linear.gather [hbm4b:s10+s3], $0x80, $0x38;
	[tilespmem:$0x1A600] =	vst v63  }
0xf9: {  	_ =	swait.ge [sflag:s15], $0x80  }
0xfa: {  	s17 =	simm.s32 $0x100;
	[sflag:s15] =	ssyncset.done $0x0  }
0xfb: {  	s18 =	simm.s32 $0x17;
	s1 =	simm.s32 $0x4800;
	[sflag:s15] =	ssyncadd.s32 $0xFFFFFF80  }
0xfc: {  	[tilespmem:s1], [sflag:$0x13] =	stream.indirect.gather [hbm4b:s4+s22], $0x40, s17, s22, $0xb8;
	[tilespmem:$0x1A600] =	vst v63  }
0xfd: {  	_ =	swait.ge [sflag:s18], $0x2000  }
0xfe: {  	[sflag:s18] =	ssyncset.done $0x0  }
0xff: {  	s19 =	sadd.s32 $0xE0, s29;
	s23 =	simm.s32 $0xF;
	[sflag:s18] =	ssyncadd.s32 $0xFFFFE000  }
0x100: {  	[tilespmem:s25], [sflag:$0x7] =	stream.linear.gather [hbm4b:s19+s3], $0x80, $0x38;
	[tilespmem:$0x1A600] =	vst v63  }
0x101: {  	_ =	swait.ge [sflag:s23], $0x80  }
0x102: {  	[sflag:s23] =	ssyncset.done $0x0  }
0x103: {  	[sflag:s23] =	ssyncadd.s32 $0xFFFFFF80  }
0x104: {  	[spmem:s2] =	stream.indirect.scatter.add.f32 [tilespmem:s14], [sflag:$0x19], $0x40, s12, s22, $0xb8;
	[tilespmem:$0x1A600] =	vst v63  }
0x105: {  	_ =	swait.ge [sflag:s21], $0x2000  }
0x106: {  	s13 =	simm.s32 $0x5;
	s29 =	sadd.s32 $0xF0, s29;
	[sflag:s21] =	ssyncset.done $0x0  }
0x107: {  	s26 =	simm.s32 $0x4;
	s25 =	sadd.s32 $0xB0, s20;
	[sflag:s21] =	ssyncadd.s32 $0xFFFFE000  }
0x108: {  	[tilespmem:s31], [sflag:$0xC] =	stream.linear.gather [hbm4b:s25+s3], $0x80, $0x38;
	[tilespmem:$0x1A600] =	vst v63  }
0x109: {  	s28 =	simm.s32 $0x18;
	s7 =	simm.s32 $0x8800;
	_ =	swait.ge [sflag:s26], $0x80  }
0x10a: {  	s8 =	simm.s32 $0x680;
	s10 =	simm.s32 $0xA800;
	[sflag:s26] =	ssyncset.done $0x0  }
0x10b: {  	s30 =	simm.s32 $0x700;
	s15 =	simm.s32 $0x780;
	[sflag:s26] =	ssyncadd.s32 $0xFFFFFF80  }
0x10c: {  	[tilespmem:s11], [sflag:$0x14] =	stream.indirect.gather [hbm4b:s4+s22], $0x40, s6, s22, $0xb8;
	[tilespmem:$0x1A600] =	vst v63  }
.Ltmp6:
0x10d: {  	s17 =	simm.s32 $0xE800;
	_ =	swait.ge [sflag:s28], $0x2000;
	(pc) =	sbr.rel .LBB2_7-.Ltmp6, $4  }
0x10e: {  	s19 =	simm.s32 $0x280;
	s12 =	simm.s32 $0xC800;
	[sflag:s28] =	ssyncset.done $0x0  }
0x10f: {  	s31 =	simm.s32 $0x2800;
	s25 =	simm.s32 $0x380;
	[sflag:s28] =	ssyncadd.s32 $0xFFFFE000  }
0x110: {  	[tilespmem:s9], [sflag:$0x8] =	stream.linear.gather [hbm4b:s29+s3], $0x80, $0x38;
	[tilespmem:$0x1A600] =	vst v63  }
0x111: {  	s11 =	simm.s32 $0x600;
	s6 =	simm.s32 $0x800;
	s9 =	simm.s32 $0x200  }
.LBB2_9:
0x112: {  	_ =	sfence.sel $0x180000  }
0x113: {  	[bflag:$0x0] =	sbarrier.arrive $0xFFFF  }
0x114: {  	_ =	strace $0x90000047  }
0x115: {  	s0 =	stileid.u32;
	[bflag:$0x2] =	sbarrier.arrive $0xFFFF  }
0x116: {  	p0 =	sne.s32 s0, $0x0;
	s0 =	rddreg [dreg:$0x3]  }
0x117: {  	s0 =	sadd.s32 @!p0 $0x100000, s0  }
0x118: {  	[sflag:s0] =	ssyncadd.tile.s32 @!p0 $0x1;
	_ =	shalt  }
.Lfunc_end2:
_tile_overlayer_lowered:
.L_overlay_start_2:
0x119: {  	(tag) =	ssettag $0x2  }
0x11a: {  	s0 =	rddreg [dreg:$0x0];
	s2 =	stileid.u32  }
0x11b: {  	s1 =	rddreg [dreg:$0x1];
	p0 =	sne.s32 s2, $0x0  }
0x11c: {  	s3 =	rddreg [dreg:$0x2];
	[bflag:$0x3] =	sbarrier.arrive $0xFFFF;
	s2 =	simm.s32 @!p0 $0x1C19  }
0x11d: {  	[timem:s3], [sflag:s2] =	dma.local @!p0 [hbm:s0], s1  }
0x11e: {  	s0 =	simm.s32 @!p0 $0x19  }
0x11f: {  	_ =	swait.ge @!p0 [sflag:s0], s1  }
0x120: {  	s1 =	ssub.s32 @!p0 $0x0, s1;
	[sflag:s0] =	ssyncset.done @!p0 $0x0  }
0x121: {  	[sflag:s0] =	ssyncadd.s32 @!p0 s1  }
0x122: {  	[bflag:$0x3] =	sbarrier.arrive $0xFFFF  }
0x123: {  	_ =	shalt  }

</sc_bundles>
